<compile_context>
chip_gen: v7x
topology: tpu7x:2x2x1
jax: 0.10.2.dev20260603
libtpu: 0.0.44.dev20260713+nightly
codegen_flags: <defaults>
</compile_context>

<pallas_src>
import functools

import jax
import jax.numpy as jnp
from jax import lax
from jax.experimental import pallas as pl
from jax.experimental.pallas import tpu as pltpu
from jax.experimental.pallas import tpu_sc as plsc

N = 10000
E = 320000
DIN = 128
DH = 256
DOUT = 128

NC = 2
NS = 16
CHUNK = 128

CPT1 = 160
CPT2 = 80
NROWS2D = NS * CPT1
E_PAD = NROWS2D * CHUNK

N_PAD = 10240
ROWS_TILE = N_PAD // NS
ROWS_IO = 128
IO_CHUNKS = ROWS_TILE // ROWS_IO
TRASH = N

HCH = 64

_mesh = plsc.VectorSubcoreMesh(core_axis_name="c", subcore_axis_name="s")


def _make_conv_scatter(dh, feature_split):
    cpt = CPT1 if feature_split else CPT2

    @functools.partial(
        pl.kernel,
        mesh=_mesh,
        out_type=jax.ShapeDtypeStruct((2, N_PAD, dh), jnp.float32),
        scratch_types=[
            pltpu.VMEM((CHUNK,), jnp.int32),
            pltpu.VMEM((CHUNK,), jnp.int32),
            pltpu.VMEM((CHUNK, dh), jnp.float32),
            pltpu.VMEM((ROWS_IO, dh), jnp.float32),
            pltpu.VMEM_SHARED((N_PAD, dh), jnp.float32),
            pltpu.SemaphoreType.DMA,
        ],
    )
    def conv_kernel(in_hbm, src_hbm, dst_hbm, out_hbm,
                    sidx_v, didx_v, rows_v, bounce_v, acc_sh, sem):
        c = lax.axis_index("c")
        s = lax.axis_index("s")
        if feature_split:
            gat_hbm = in_hbm.at[c]
            cbase = s * CPT1
        else:
            gat_hbm = in_hbm.at[0]
            cbase = (s * NC + c) * CPT2

        for i in range(IO_CHUNKS):
            rb = s * ROWS_TILE + i * ROWS_IO
            pltpu.sync_copy(in_hbm.at[c, pl.ds(rb, ROWS_IO)], bounce_v)
            pltpu.sync_copy(bounce_v, acc_sh.at[pl.ds(rb, ROWS_IO)])
        plsc.subcore_barrier()

        ebase = cbase * CHUNK

        def body(j, carry):
            off = ebase + j * CHUNK
            pltpu.sync_copy(src_hbm.at[pl.ds(off, CHUNK)], sidx_v)
            pltpu.sync_copy(dst_hbm.at[pl.ds(off, CHUNK)], didx_v)
            pltpu.async_copy(gat_hbm.at[sidx_v], rows_v, sem).wait()
            pltpu.sync_copy(rows_v, acc_sh.at[didx_v], add=True)
            return carry

        lax.fori_loop(0, cpt, body, 0)
        plsc.subcore_barrier()
        for i in range(IO_CHUNKS):
            rb = s * ROWS_TILE + i * ROWS_IO
            pltpu.sync_copy(acc_sh.at[pl.ds(rb, ROWS_IO)], bounce_v)
            pltpu.sync_copy(bounce_v, out_hbm.at[c, pl.ds(rb, ROWS_IO)])

    return conv_kernel


_conv_scatter_1 = _make_conv_scatter(DH // 2, True)
_conv_scatter_2 = _make_conv_scatter(DOUT, False)


N_HCH = CPT2 * 2


@functools.partial(
    pl.kernel,
    mesh=_mesh,
    out_type=jax.ShapeDtypeStruct((E_PAD, 16), jnp.float32),
    scratch_types=[
        pltpu.VMEM((CPT2, CHUNK), jnp.int32),
        pltpu.VMEM((CPT2, CHUNK), jnp.int32),
        pltpu.VMEM((HCH, 2 * DOUT), jnp.float32),
        pltpu.VMEM((HCH, 2 * DOUT), jnp.float32),
        pltpu.VMEM((HCH, 2 * DOUT), jnp.float32),
        pltpu.VMEM((HCH, 2 * DOUT), jnp.float32),
        pltpu.VMEM((16, 16), jnp.float32),
        pltpu.VMEM((HCH, 16), jnp.float32),
        pltpu.VMEM((HCH, 16), jnp.float32),
        pltpu.SemaphoreType.DMA,
        pltpu.SemaphoreType.DMA,
        pltpu.SemaphoreType.DMA,
        pltpu.SemaphoreType.DMA,
        pltpu.SemaphoreType.DMA,
        pltpu.SemaphoreType.DMA,
    ],
)
def _dec_kernel(a_hbm, b_hbm, src2d_hbm, dst2d_hbm, w_hbm, p_hbm,
                sidx_v, didx_v, a0_v, a1_v, b0_v, b1_v, w_v, p0_v, p1_v,
                asem0, asem1, bsem0, bsem1, psem0, psem1):
    c = lax.axis_index("c")
    s = lax.axis_index("s")
    wid = s * NC + c
    cbase = wid * CPT2
    ebase = wid * (CPT2 * CHUNK)

    av = (a0_v, a1_v)
    bv = (b0_v, b1_v)
    pv = (p0_v, p1_v)
    asems = (asem0, asem1)
    bsems = (bsem0, bsem1)
    psems = (psem0, psem1)

    pltpu.sync_copy(w_hbm, w_v)
    wregs = [w_v[i, :] for i in range(16)]
    zero = jnp.zeros((16,), jnp.float32)

    pltpu.sync_copy(src2d_hbm.at[pl.ds(cbase, CPT2)], sidx_v)
    pltpu.sync_copy(dst2d_hbm.at[pl.ds(cbase, CPT2)], didx_v)

    def sidx_of(j):
        return sidx_v.at[j // 2, pl.ds((j % 2) * HCH, HCH)]

    def didx_of(j):
        return didx_v.at[j // 2, pl.ds((j % 2) * HCH, HCH)]

    for k in range(2):
        pltpu.async_copy(a_hbm.at[sidx_of(k)], av[k], asems[k])
        pltpu.async_copy(b_hbm.at[didx_of(k)], bv[k], bsems[k])

    def body(i, carry):
        for k in range(2):
            j = i * 2 + k
            pltpu.make_async_copy(a_hbm.at[sidx_of(j)], av[k], asems[k]).wait()
            pltpu.make_async_copy(b_hbm.at[didx_of(j)], bv[k], bsems[k]).wait()

            @pl.when(j >= 2)
            def _():
                pltpu.make_async_copy(
                    pv[k], p_hbm.at[pl.ds(ebase + j * HCH, HCH)],
                    psems[k]).wait()

            def row(r, rc):
                acc = [zero, zero, zero, zero]
                for jj in range(16):
                    t = jnp.maximum(
                        av[k][r, pl.ds(jj * 16, 16)]
                        + bv[k][r, pl.ds(jj * 16, 16)], 0.0)
                    acc[jj % 4] = t * wregs[jj] + acc[jj % 4]
                pv[k][r, :] = (acc[0] + acc[1]) + (acc[2] + acc[3])
                return rc

            lax.fori_loop(0, HCH, row, 0)
            pltpu.async_copy(pv[k], p_hbm.at[pl.ds(ebase + j * HCH, HCH)],
                             psems[k])
            jn = j + 2

            @pl.when(jn < N_HCH)
            def _():
                pltpu.async_copy(a_hbm.at[sidx_of(jn)], av[k], asems[k])
                pltpu.async_copy(b_hbm.at[didx_of(jn)], bv[k], bsems[k])
        return carry

    lax.fori_loop(0, N_HCH // 2, body, 0)
    for k in range(2):
        pltpu.make_async_copy(
            pv[k], p_hbm.at[pl.ds(ebase + (N_HCH - 2 + k) * HCH, HCH)],
            psems[k]).wait()


BM = 2048
BE = 2000
NHI = N_PAD // 128


def _deg_body(dst_ref, o_ref):
    i = pl.program_id(0)

    @pl.when(i == 0)
    def _():
        o_ref[...] = jnp.full((NHI, 128), 1.0, jnp.float32)

    d = dst_ref[...]
    hi = lax.broadcasted_iota(jnp.int32, (BE, NHI), 1)
    lo = lax.broadcasted_iota(jnp.int32, (BE, 128), 1)
    u = (d // 128 == hi).astype(jnp.float32)
    v = (d % 128 == lo).astype(jnp.float32)
    o_ref[...] += lax.dot_general(u, v, (((0,), (0,)), ((), ())),
                                  preferred_element_type=jnp.float32)


def _mm1_body(x_ref, w_ref, deg_ref, o_ref):
    dis = lax.rsqrt(deg_ref[...])
    h = jnp.dot(x_ref[...], w_ref[...], preferred_element_type=jnp.float32)
    o_ref[0] = dis * h[:, : DH // 2]
    o_ref[1] = dis * h[:, DH // 2:]


def _mm2_body(s1_ref, deg_ref, b1_ref, w2_ref, o_ref):
    dis = lax.rsqrt(deg_ref[...])
    b1 = b1_ref[...]
    w2 = w2_ref[...]
    zL = jnp.maximum(dis * s1_ref[0] + b1[:, : DH // 2], 0.0)
    zR = jnp.maximum(dis * s1_ref[1] + b1[:, DH // 2:], 0.0)
    o_ref[0] = dis * (
        jnp.dot(zL, w2[: DH // 2], preferred_element_type=jnp.float32)
        + jnp.dot(zR, w2[DH // 2:], preferred_element_type=jnp.float32))
    o_ref[1] = jnp.zeros((BM, DOUT), jnp.float32)


def _mm3_body(s2_ref, deg_ref, b2_ref, wc_ref, bc_ref,
              oA_ref, oB_ref):
    dis = lax.rsqrt(deg_ref[...])
    z = dis * (s2_ref[0] + s2_ref[1]) + b2_ref[...]
    ab = jnp.dot(z, wc_ref[...], preferred_element_type=jnp.float32) \
        + bc_ref[...]
    oA_ref[...] = ab[:, :DH]
    oB_ref[...] = ab[:, DH:]


BR = 3200


def _red_body(p_ref, b_ref, o_ref):
    o_ref[...] = jnp.sum(p_ref[...], axis=1, keepdims=True) + b_ref[...]


def kernel(x, edge_index, W1, b1, W2, b2, lpW1, lpb1, lpW2, lpb2):
    src = edge_index[0]
    dst = edge_index[1]

    pad = E_PAD - E
    src1 = jnp.concatenate([src, jnp.zeros((pad,), jnp.int32)])
    dst1 = jnp.concatenate([dst, jnp.full((pad,), TRASH, jnp.int32)])
    src2d = src1.reshape(NROWS2D, CHUNK)
    dst2d = dst1.reshape(NROWS2D, CHUNK)
    xp = jnp.pad(x, ((0, N_PAD - N), (0, 0)))

    deg_mat = pl.pallas_call(
        _deg_body,
        grid=(E // BE,),
        in_specs=[pl.BlockSpec((BE, 1), lambda i: (i, 0))],
        out_specs=pl.BlockSpec((NHI, 128), lambda i: (0, 0)),
        out_shape=jax.ShapeDtypeStruct((NHI, 128), jnp.float32),
    )(dst.reshape(E, 1))
    deg_col = deg_mat.reshape(N_PAD, 1)

    h1p = pl.pallas_call(
        _mm1_body,
        grid=(N_PAD // BM,),
        in_specs=[
            pl.BlockSpec((BM, DIN), lambda i: (i, 0)),
            pl.BlockSpec((DIN, DH), lambda i: (0, 0)),
            pl.BlockSpec((BM, 1), lambda i: (i, 0)),
        ],
        out_specs=pl.BlockSpec((2, BM, DH // 2), lambda i: (0, i, 0)),
        out_shape=jax.ShapeDtypeStruct((2, N_PAD, DH // 2), jnp.float32),
    )(xp, W1, deg_col)

    s1 = _conv_scatter_1(h1p, src1, dst1)

    h2p = pl.pallas_call(
        _mm2_body,
        grid=(N_PAD // BM,),
        in_specs=[
            pl.BlockSpec((2, BM, DH // 2), lambda i: (0, i, 0)),
            pl.BlockSpec((BM, 1), lambda i: (i, 0)),
            pl.BlockSpec((1, DH), lambda i: (0, 0)),
            pl.BlockSpec((DH, DOUT), lambda i: (0, 0)),
        ],
        out_specs=pl.BlockSpec((2, BM, DOUT), lambda i: (0, i, 0)),
        out_shape=jax.ShapeDtypeStruct((2, N_PAD, DOUT), jnp.float32),
    )(s1, deg_col, b1.reshape(1, DH), W2)

    s2 = _conv_scatter_2(h2p, src1, dst1)

    wcat = jnp.concatenate([lpW1[:DOUT], lpW1[DOUT:]], axis=1)
    bcat = jnp.concatenate([lpb1, jnp.zeros((DH,), jnp.float32)]).reshape(1, -1)

    A, B = pl.pallas_call(
        _mm3_body,
        grid=(N_PAD // BM,),
        in_specs=[
            pl.BlockSpec((2, BM, DOUT), lambda i: (0, i, 0)),
            pl.BlockSpec((BM, 1), lambda i: (i, 0)),
            pl.BlockSpec((1, DOUT), lambda i: (0, 0)),
            pl.BlockSpec((DOUT, 2 * DH), lambda i: (0, 0)),
            pl.BlockSpec((1, 2 * DH), lambda i: (0, 0)),
        ],
        out_specs=[pl.BlockSpec((BM, DH), lambda i: (i, 0))] * 2,
        out_shape=[jax.ShapeDtypeStruct((N_PAD, DH), jnp.float32)] * 2,
    )(s2, deg_col, b2.reshape(1, DOUT), wcat, bcat)

    w16 = lpW2.reshape(16, 16)

    P = _dec_kernel(A, B, src2d, dst2d, w16)

    out = pl.pallas_call(
        _red_body,
        grid=(E // BR,),
        in_specs=[
            pl.BlockSpec((BR, 16), lambda i: (i, 0)),
            pl.BlockSpec((1, 1), lambda i: (0, 0)),
        ],
        out_specs=pl.BlockSpec((BR, 1), lambda i: (i, 0)),
        out_shape=jax.ShapeDtypeStruct((E, 1), jnp.float32),
    )(P, lpb2.reshape(1, 1))

    return out

# --- scband reference (transcript-rebuilt; emitter-appended) ---
"""Pipeline reference for scband-gnnlink-predictor-57698590655224 (READ-ONLY COPY).

The authoritative reference and input builder live on the scoring server;
editing this copy changes nothing except your own understanding.
"""

import jax, jax.numpy as jnp
import numpy as np

N = 10000
E = 320000
DIN = 128
DH = 256
DOUT = 128


def setup_inputs(seed: int = 0) -> dict:
    key = jax.random.key(seed)
    ks = jax.random.split(key, 12)
    x = jax.random.normal(ks[0], (N, DIN), dtype=jnp.float32)
    edge_index = jax.random.randint(ks[1], (2, E), 0, N, dtype=jnp.int32)
    W1 = jax.random.normal(ks[2], (DIN, DH), dtype=jnp.float32) * (1.0 / np.sqrt(DIN))
    b1 = jnp.zeros((DH,), dtype=jnp.float32)
    W2 = jax.random.normal(ks[3], (DH, DOUT), dtype=jnp.float32) * (1.0 / np.sqrt(DH))
    b2 = jnp.zeros((DOUT,), dtype=jnp.float32)
    lpW1 = jax.random.normal(ks[4], (2 * DOUT, DH), dtype=jnp.float32) * (1.0 / np.sqrt(2 * DOUT))
    lpb1 = jnp.zeros((DH,), dtype=jnp.float32)
    lpW2 = jax.random.normal(ks[5], (DH, 1), dtype=jnp.float32) * (1.0 / np.sqrt(DH))
    lpb2 = jnp.zeros((1,), dtype=jnp.float32)
    return {"x": x, "edge_index": edge_index, "W1": W1, "b1": b1, "W2": W2, "b2": b2,
            "lpW1": lpW1, "lpb1": lpb1, "lpW2": lpW2, "lpb2": lpb2}


def _gcn_conv(x, edge_index, W, b):
    # PyG GCNConv: linear transform, add self-loops, symmetric normalization, scatter-add
    n = x.shape[0]
    h = x @ W
    src, dst = edge_index[0], edge_index[1]
    loop = jnp.arange(n, dtype=src.dtype)
    src = jnp.concatenate([src, loop])
    dst = jnp.concatenate([dst, loop])
    deg = jnp.zeros((n,), dtype=h.dtype).at[dst].add(1.0)
    deg_inv_sqrt = jnp.where(deg > 0, deg ** -0.5, 0.0)
    norm = deg_inv_sqrt[src] * deg_inv_sqrt[dst]
    msg = norm[:, None] * h[src]
    out = jnp.zeros_like(h).at[dst].add(msg)
    return out + b


def reference(x, edge_index, W1, b1, W2, b2, lpW1, lpb1, lpW2, lpb2):
    # encode (eval mode: dropout is identity)
    z = _gcn_conv(x, edge_index, W1, b1)
    z = jax.nn.relu(z)
    z = _gcn_conv(z, edge_index, W2, b2)
    # decode on edge_index (predict_edges=None path)
    src, dst = edge_index[0], edge_index[1]
    h = jnp.concatenate([z[src], z[dst]], axis=1)
    h = jax.nn.relu(h @ lpW1 + lpb1)
    out = h @ lpW2 + lpb2
    return out

if __name__ == "__main__":
    import jax
    _d = setup_inputs()
    print(jax.jit(kernel)(*tuple(_d.values())))

</pallas_src>

<mosaic_0001>
#map = affine_map<(d0, d1) -> (0, 0, 0)>
#map1 = affine_map<(d0, d1) -> (0)>
module attributes {stable_mosaic.version = 14 : i64} {
  func.func @conv_kernel(%arg0: i32, %arg1: i32, %arg2: memref<2x10240x128xf32, #tpu.memory_space<hbm>>, %arg3: memref<327680xi32, #tpu.memory_space<hbm>>, %arg4: memref<327680xi32, #tpu.memory_space<hbm>>, %arg5: memref<2x10240x128xf32, #tpu.memory_space<hbm>>, %arg6: memref<128xi32, #tpu.memory_space<vmem>>, %arg7: memref<128xi32, #tpu.memory_space<vmem>>, %arg8: memref<128x128xf32, #tpu.memory_space<vmem>>, %arg9: memref<128x128xf32, #tpu.memory_space<vmem>>, %arg10: memref<10240x128xf32, #tpu.memory_space<vmem_shared>>, %arg11: memref<!tpu.dma_semaphore, #tpu.memory_space<semaphore_mem>>) attributes {dimension_semantics = [#tpu.dimension_semantics<core_parallel>, #tpu.dimension_semantics<subcore_parallel>], iteration_bounds = array<i64: 2, 16>, scalar_prefetch = 0 : i64, scratch_operands = 6 : i64, tpu.core_type = #tpu.core_type<sc_vector_subcore>, window_params = [{transform_indices = #map}, {transform_indices = #map1}, {transform_indices = #map1}, {transform_indices = #map}]} {
    %mul3A = arith.constant 2 : i32
    %mul3A_0 = arith.muli %arg1, %mul3A : i32
    %add3A = arith.addi %mul3A_0, %arg0 : i32
    %mul3A_1 = arith.constant 80 : i32
    %mul3A_2 = arith.muli %add3A, %mul3A_1 : i32
    %mul3A_3 = arith.constant 640 : i32
    %mul3A_4 = arith.muli %arg1, %mul3A_3 : i32
    %add3A_5 = arith.constant 0 : i32
    %add3A_6 = arith.addi %mul3A_4, %add3A_5 : i32
    "tpu.region"() ({
      %run_scoped3A = tpu.sem_alloc : memref<!tpu.dma_semaphore, #tpu.memory_space<semaphore_mem>>
      %dma_start3A = arith.constant 0 : i32
      %dma_start3A_52 = tpu.memref_slice %arg2[%arg0, %add3A_6, %dma_start3A] : memref<2x10240x128xf32, #tpu.memory_space<hbm>> -> memref<1x128x128xf32, #tpu.memory_space<hbm>>
      %dma_start3A_53 = tpu.memref_squeeze %dma_start3A_52 : memref<1x128x128xf32, #tpu.memory_space<hbm>> -> memref<128x128xf32, #tpu.memory_space<hbm>>
      %dma_start3A_54 = arith.constant 0 : i32
      %dma_start3A_55 = tpu.memref_slice %arg2[%arg0, %add3A_6, %dma_start3A_54] : memref<2x10240x128xf32, #tpu.memory_space<hbm>> -> memref<1x128x128xf32, #tpu.memory_space<hbm>>
      %dma_start3A_56 = tpu.memref_squeeze %dma_start3A_55 : memref<1x128x128xf32, #tpu.memory_space<hbm>> -> memref<128x128xf32, #tpu.memory_space<hbm>>
      tpu.enqueue_dma source(%dma_start3A_56 : memref<128x128xf32, #tpu.memory_space<hbm>>) target(%arg9 : memref<128x128xf32, #tpu.memory_space<vmem>>) target_semaphore(%run_scoped3A : memref<!tpu.dma_semaphore, #tpu.memory_space<semaphore_mem>>)
      %dma_wait3A = arith.constant 0 : i32
      %dma_wait3A_57 = tpu.memref_slice %arg2[%arg0, %add3A_6, %dma_wait3A] : memref<2x10240x128xf32, #tpu.memory_space<hbm>> -> memref<1x128x128xf32, #tpu.memory_space<hbm>>
      %dma_wait3A_58 = tpu.memref_squeeze %dma_wait3A_57 : memref<1x128x128xf32, #tpu.memory_space<hbm>> -> memref<128x128xf32, #tpu.memory_space<hbm>>
      %dma_wait3A_59 = arith.constant 0 : i32
      %dma_wait3A_60 = tpu.memref_slice %arg2[%arg0, %add3A_6, %dma_wait3A_59] : memref<2x10240x128xf32, #tpu.memory_space<hbm>> -> memref<1x128x128xf32, #tpu.memory_space<hbm>>
      %dma_wait3A_61 = tpu.memref_squeeze %dma_wait3A_60 : memref<1x128x128xf32, #tpu.memory_space<hbm>> -> memref<128x128xf32, #tpu.memory_space<hbm>>
      tpu.wait_dma2 semaphore(%run_scoped3A : memref<!tpu.dma_semaphore, #tpu.memory_space<semaphore_mem>>) src(%dma_wait3A_61 : memref<128x128xf32, #tpu.memory_space<hbm>>) dst(%arg9 : memref<128x128xf32, #tpu.memory_space<vmem>>)
      tpu.yield
    }) : () -> ()
    "tpu.region"() ({
      %run_scoped3A = tpu.sem_alloc : memref<!tpu.dma_semaphore, #tpu.memory_space<semaphore_mem>>
      %dma_start3A = arith.constant 0 : i32
      %dma_start3A_52 = tpu.memref_slice %arg10[%add3A_6, %dma_start3A] : memref<10240x128xf32, #tpu.memory_space<vmem_shared>> -> memref<128x128xf32, #tpu.memory_space<vmem_shared>>
      %dma_start3A_53 = arith.constant 0 : i32
      %dma_start3A_54 = tpu.memref_slice %arg10[%add3A_6, %dma_start3A_53] : memref<10240x128xf32, #tpu.memory_space<vmem_shared>> -> memref<128x128xf32, #tpu.memory_space<vmem_shared>>
      tpu.enqueue_dma source(%arg9 : memref<128x128xf32, #tpu.memory_space<vmem>>) target(%dma_start3A_54 : memref<128x128xf32, #tpu.memory_space<vmem_shared>>) target_semaphore(%run_scoped3A : memref<!tpu.dma_semaphore, #tpu.memory_space<semaphore_mem>>)
      %dma_wait3A = arith.constant 0 : i32
      %dma_wait3A_55 = tpu.memref_slice %arg10[%add3A_6, %dma_wait3A] : memref<10240x128xf32, #tpu.memory_space<vmem_shared>> -> memref<128x128xf32, #tpu.memory_space<vmem_shared>>
      %dma_wait3A_56 = arith.constant 0 : i32
      %dma_wait3A_57 = tpu.memref_slice %arg10[%add3A_6, %dma_wait3A_56] : memref<10240x128xf32, #tpu.memory_space<vmem_shared>> -> memref<128x128xf32, #tpu.memory_space<vmem_shared>>
      tpu.wait_dma2 semaphore(%run_scoped3A : memref<!tpu.dma_semaphore, #tpu.memory_space<semaphore_mem>>) src(%arg9 : memref<128x128xf32, #tpu.memory_space<vmem>>) dst(%dma_wait3A_57 : memref<128x128xf32, #tpu.memory_space<vmem_shared>>)
      tpu.yield
    }) : () -> ()
    %mul3A_7 = arith.constant 640 : i32
    %mul3A_8 = arith.muli %arg1, %mul3A_7 : i32
    %add3A_9 = arith.constant 128 : i32
    %add3A_10 = arith.addi %mul3A_8, %add3A_9 : i32
    "tpu.region"() ({
      %run_scoped3A = tpu.sem_alloc : memref<!tpu.dma_semaphore, #tpu.memory_space<semaphore_mem>>
      %dma_start3A = arith.constant 0 : i32
      %dma_start3A_52 = tpu.memref_slice %arg2[%arg0, %add3A_10, %dma_start3A] : memref<2x10240x128xf32, #tpu.memory_space<hbm>> -> memref<1x128x128xf32, #tpu.memory_space<hbm>>
      %dma_start3A_53 = tpu.memref_squeeze %dma_start3A_52 : memref<1x128x128xf32, #tpu.memory_space<hbm>> -> memref<128x128xf32, #tpu.memory_space<hbm>>
      %dma_start3A_54 = arith.constant 0 : i32
      %dma_start3A_55 = tpu.memref_slice %arg2[%arg0, %add3A_10, %dma_start3A_54] : memref<2x10240x128xf32, #tpu.memory_space<hbm>> -> memref<1x128x128xf32, #tpu.memory_space<hbm>>
      %dma_start3A_56 = tpu.memref_squeeze %dma_start3A_55 : memref<1x128x128xf32, #tpu.memory_space<hbm>> -> memref<128x128xf32, #tpu.memory_space<hbm>>
      tpu.enqueue_dma source(%dma_start3A_56 : memref<128x128xf32, #tpu.memory_space<hbm>>) target(%arg9 : memref<128x128xf32, #tpu.memory_space<vmem>>) target_semaphore(%run_scoped3A : memref<!tpu.dma_semaphore, #tpu.memory_space<semaphore_mem>>)
      %dma_wait3A = arith.constant 0 : i32
      %dma_wait3A_57 = tpu.memref_slice %arg2[%arg0, %add3A_10, %dma_wait3A] : memref<2x10240x128xf32, #tpu.memory_space<hbm>> -> memref<1x128x128xf32, #tpu.memory_space<hbm>>
      %dma_wait3A_58 = tpu.memref_squeeze %dma_wait3A_57 : memref<1x128x128xf32, #tpu.memory_space<hbm>> -> memref<128x128xf32, #tpu.memory_space<hbm>>
      %dma_wait3A_59 = arith.constant 0 : i32
      %dma_wait3A_60 = tpu.memref_slice %arg2[%arg0, %add3A_10, %dma_wait3A_59] : memref<2x10240x128xf32, #tpu.memory_space<hbm>> -> memref<1x128x128xf32, #tpu.memory_space<hbm>>
      %dma_wait3A_61 = tpu.memref_squeeze %dma_wait3A_60 : memref<1x128x128xf32, #tpu.memory_space<hbm>> -> memref<128x128xf32, #tpu.memory_space<hbm>>
      tpu.wait_dma2 semaphore(%run_scoped3A : memref<!tpu.dma_semaphore, #tpu.memory_space<semaphore_mem>>) src(%dma_wait3A_61 : memref<128x128xf32, #tpu.memory_space<hbm>>) dst(%arg9 : memref<128x128xf32, #tpu.memory_space<vmem>>)
      tpu.yield
    }) : () -> ()
    "tpu.region"() ({
      %run_scoped3A = tpu.sem_alloc : memref<!tpu.dma_semaphore, #tpu.memory_space<semaphore_mem>>
      %dma_start3A = arith.constant 0 : i32
      %dma_start3A_52 = tpu.memref_slice %arg10[%add3A_10, %dma_start3A] : memref<10240x128xf32, #tpu.memory_space<vmem_shared>> -> memref<128x128xf32, #tpu.memory_space<vmem_shared>>
      %dma_start3A_53 = arith.constant 0 : i32
      %dma_start3A_54 = tpu.memref_slice %arg10[%add3A_10, %dma_start3A_53] : memref<10240x128xf32, #tpu.memory_space<vmem_shared>> -> memref<128x128xf32, #tpu.memory_space<vmem_shared>>
      tpu.enqueue_dma source(%arg9 : memref<128x128xf32, #tpu.memory_space<vmem>>) target(%dma_start3A_54 : memref<128x128xf32, #tpu.memory_space<vmem_shared>>) target_semaphore(%run_scoped3A : memref<!tpu.dma_semaphore, #tpu.memory_space<semaphore_mem>>)
      %dma_wait3A = arith.constant 0 : i32
      %dma_wait3A_55 = tpu.memref_slice %arg10[%add3A_10, %dma_wait3A] : memref<10240x128xf32, #tpu.memory_space<vmem_shared>> -> memref<128x128xf32, #tpu.memory_space<vmem_shared>>
      %dma_wait3A_56 = arith.constant 0 : i32
      %dma_wait3A_57 = tpu.memref_slice %arg10[%add3A_10, %dma_wait3A_56] : memref<10240x128xf32, #tpu.memory_space<vmem_shared>> -> memref<128x128xf32, #tpu.memory_space<vmem_shared>>
      tpu.wait_dma2 semaphore(%run_scoped3A : memref<!tpu.dma_semaphore, #tpu.memory_space<semaphore_mem>>) src(%arg9 : memref<128x128xf32, #tpu.memory_space<vmem>>) dst(%dma_wait3A_57 : memref<128x128xf32, #tpu.memory_space<vmem_shared>>)
      tpu.yield
    }) : () -> ()
    %mul3A_11 = arith.constant 640 : i32
    %mul3A_12 = arith.muli %arg1, %mul3A_11 : i32
    %add3A_13 = arith.constant 256 : i32
    %add3A_14 = arith.addi %mul3A_12, %add3A_13 : i32
    "tpu.region"() ({
      %run_scoped3A = tpu.sem_alloc : memref<!tpu.dma_semaphore, #tpu.memory_space<semaphore_mem>>
      %dma_start3A = arith.constant 0 : i32
      %dma_start3A_52 = tpu.memref_slice %arg2[%arg0, %add3A_14, %dma_start3A] : memref<2x10240x128xf32, #tpu.memory_space<hbm>> -> memref<1x128x128xf32, #tpu.memory_space<hbm>>
      %dma_start3A_53 = tpu.memref_squeeze %dma_start3A_52 : memref<1x128x128xf32, #tpu.memory_space<hbm>> -> memref<128x128xf32, #tpu.memory_space<hbm>>
      %dma_start3A_54 = arith.constant 0 : i32
      %dma_start3A_55 = tpu.memref_slice %arg2[%arg0, %add3A_14, %dma_start3A_54] : memref<2x10240x128xf32, #tpu.memory_space<hbm>> -> memref<1x128x128xf32, #tpu.memory_space<hbm>>
      %dma_start3A_56 = tpu.memref_squeeze %dma_start3A_55 : memref<1x128x128xf32, #tpu.memory_space<hbm>> -> memref<128x128xf32, #tpu.memory_space<hbm>>
      tpu.enqueue_dma source(%dma_start3A_56 : memref<128x128xf32, #tpu.memory_space<hbm>>) target(%arg9 : memref<128x128xf32, #tpu.memory_space<vmem>>) target_semaphore(%run_scoped3A : memref<!tpu.dma_semaphore, #tpu.memory_space<semaphore_mem>>)
      %dma_wait3A = arith.constant 0 : i32
      %dma_wait3A_57 = tpu.memref_slice %arg2[%arg0, %add3A_14, %dma_wait3A] : memref<2x10240x128xf32, #tpu.memory_space<hbm>> -> memref<1x128x128xf32, #tpu.memory_space<hbm>>
      %dma_wait3A_58 = tpu.memref_squeeze %dma_wait3A_57 : memref<1x128x128xf32, #tpu.memory_space<hbm>> -> memref<128x128xf32, #tpu.memory_space<hbm>>
      %dma_wait3A_59 = arith.constant 0 : i32
      %dma_wait3A_60 = tpu.memref_slice %arg2[%arg0, %add3A_14, %dma_wait3A_59] : memref<2x10240x128xf32, #tpu.memory_space<hbm>> -> memref<1x128x128xf32, #tpu.memory_space<hbm>>
      %dma_wait3A_61 = tpu.memref_squeeze %dma_wait3A_60 : memref<1x128x128xf32, #tpu.memory_space<hbm>> -> memref<128x128xf32, #tpu.memory_space<hbm>>
      tpu.wait_dma2 semaphore(%run_scoped3A : memref<!tpu.dma_semaphore, #tpu.memory_space<semaphore_mem>>) src(%dma_wait3A_61 : memref<128x128xf32, #tpu.memory_space<hbm>>) dst(%arg9 : memref<128x128xf32, #tpu.memory_space<vmem>>)
      tpu.yield
    }) : () -> ()
    "tpu.region"() ({
      %run_scoped3A = tpu.sem_alloc : memref<!tpu.dma_semaphore, #tpu.memory_space<semaphore_mem>>
      %dma_start3A = arith.constant 0 : i32
      %dma_start3A_52 = tpu.memref_slice %arg10[%add3A_14, %dma_start3A] : memref<10240x128xf32, #tpu.memory_space<vmem_shared>> -> memref<128x128xf32, #tpu.memory_space<vmem_shared>>
      %dma_start3A_53 = arith.constant 0 : i32
      %dma_start3A_54 = tpu.memref_slice %arg10[%add3A_14, %dma_start3A_53] : memref<10240x128xf32, #tpu.memory_space<vmem_shared>> -> memref<128x128xf32, #tpu.memory_space<vmem_shared>>
      tpu.enqueue_dma source(%arg9 : memref<128x128xf32, #tpu.memory_space<vmem>>) target(%dma_start3A_54 : memref<128x128xf32, #tpu.memory_space<vmem_shared>>) target_semaphore(%run_scoped3A : memref<!tpu.dma_semaphore, #tpu.memory_space<semaphore_mem>>)
      %dma_wait3A = arith.constant 0 : i32
      %dma_wait3A_55 = tpu.memref_slice %arg10[%add3A_14, %dma_wait3A] : memref<10240x128xf32, #tpu.memory_space<vmem_shared>> -> memref<128x128xf32, #tpu.memory_space<vmem_shared>>
      %dma_wait3A_56 = arith.constant 0 : i32
      %dma_wait3A_57 = tpu.memref_slice %arg10[%add3A_14, %dma_wait3A_56] : memref<10240x128xf32, #tpu.memory_space<vmem_shared>> -> memref<128x128xf32, #tpu.memory_space<vmem_shared>>
      tpu.wait_dma2 semaphore(%run_scoped3A : memref<!tpu.dma_semaphore, #tpu.memory_space<semaphore_mem>>) src(%arg9 : memref<128x128xf32, #tpu.memory_space<vmem>>) dst(%dma_wait3A_57 : memref<128x128xf32, #tpu.memory_space<vmem_shared>>)
      tpu.yield
    }) : () -> ()
    %mul3A_15 = arith.constant 640 : i32
    %mul3A_16 = arith.muli %arg1, %mul3A_15 : i32
    %add3A_17 = arith.constant 384 : i32
    %add3A_18 = arith.addi %mul3A_16, %add3A_17 : i32
    "tpu.region"() ({
      %run_scoped3A = tpu.sem_alloc : memref<!tpu.dma_semaphore, #tpu.memory_space<semaphore_mem>>
      %dma_start3A = arith.constant 0 : i32
      %dma_start3A_52 = tpu.memref_slice %arg2[%arg0, %add3A_18, %dma_start3A] : memref<2x10240x128xf32, #tpu.memory_space<hbm>> -> memref<1x128x128xf32, #tpu.memory_space<hbm>>
      %dma_start3A_53 = tpu.memref_squeeze %dma_start3A_52 : memref<1x128x128xf32, #tpu.memory_space<hbm>> -> memref<128x128xf32, #tpu.memory_space<hbm>>
      %dma_start3A_54 = arith.constant 0 : i32
      %dma_start3A_55 = tpu.memref_slice %arg2[%arg0, %add3A_18, %dma_start3A_54] : memref<2x10240x128xf32, #tpu.memory_space<hbm>> -> memref<1x128x128xf32, #tpu.memory_space<hbm>>
      %dma_start3A_56 = tpu.memref_squeeze %dma_start3A_55 : memref<1x128x128xf32, #tpu.memory_space<hbm>> -> memref<128x128xf32, #tpu.memory_space<hbm>>
      tpu.enqueue_dma source(%dma_start3A_56 : memref<128x128xf32, #tpu.memory_space<hbm>>) target(%arg9 : memref<128x128xf32, #tpu.memory_space<vmem>>) target_semaphore(%run_scoped3A : memref<!tpu.dma_semaphore, #tpu.memory_space<semaphore_mem>>)
      %dma_wait3A = arith.constant 0 : i32
      %dma_wait3A_57 = tpu.memref_slice %arg2[%arg0, %add3A_18, %dma_wait3A] : memref<2x10240x128xf32, #tpu.memory_space<hbm>> -> memref<1x128x128xf32, #tpu.memory_space<hbm>>
      %dma_wait3A_58 = tpu.memref_squeeze %dma_wait3A_57 : memref<1x128x128xf32, #tpu.memory_space<hbm>> -> memref<128x128xf32, #tpu.memory_space<hbm>>
      %dma_wait3A_59 = arith.constant 0 : i32
      %dma_wait3A_60 = tpu.memref_slice %arg2[%arg0, %add3A_18, %dma_wait3A_59] : memref<2x10240x128xf32, #tpu.memory_space<hbm>> -> memref<1x128x128xf32, #tpu.memory_space<hbm>>
      %dma_wait3A_61 = tpu.memref_squeeze %dma_wait3A_60 : memref<1x128x128xf32, #tpu.memory_space<hbm>> -> memref<128x128xf32, #tpu.memory_space<hbm>>
      tpu.wait_dma2 semaphore(%run_scoped3A : memref<!tpu.dma_semaphore, #tpu.memory_space<semaphore_mem>>) src(%dma_wait3A_61 : memref<128x128xf32, #tpu.memory_space<hbm>>) dst(%arg9 : memref<128x128xf32, #tpu.memory_space<vmem>>)
      tpu.yield
    }) : () -> ()
    "tpu.region"() ({
      %run_scoped3A = tpu.sem_alloc : memref<!tpu.dma_semaphore, #tpu.memory_space<semaphore_mem>>
      %dma_start3A = arith.constant 0 : i32
      %dma_start3A_52 = tpu.memref_slice %arg10[%add3A_18, %dma_start3A] : memref<10240x128xf32, #tpu.memory_space<vmem_shared>> -> memref<128x128xf32, #tpu.memory_space<vmem_shared>>
      %dma_start3A_53 = arith.constant 0 : i32
      %dma_start3A_54 = tpu.memref_slice %arg10[%add3A_18, %dma_start3A_53] : memref<10240x128xf32, #tpu.memory_space<vmem_shared>> -> memref<128x128xf32, #tpu.memory_space<vmem_shared>>
      tpu.enqueue_dma source(%arg9 : memref<128x128xf32, #tpu.memory_space<vmem>>) target(%dma_start3A_54 : memref<128x128xf32, #tpu.memory_space<vmem_shared>>) target_semaphore(%run_scoped3A : memref<!tpu.dma_semaphore, #tpu.memory_space<semaphore_mem>>)
      %dma_wait3A = arith.constant 0 : i32
      %dma_wait3A_55 = tpu.memref_slice %arg10[%add3A_18, %dma_wait3A] : memref<10240x128xf32, #tpu.memory_space<vmem_shared>> -> memref<128x128xf32, #tpu.memory_space<vmem_shared>>
      %dma_wait3A_56 = arith.constant 0 : i32
      %dma_wait3A_57 = tpu.memref_slice %arg10[%add3A_18, %dma_wait3A_56] : memref<10240x128xf32, #tpu.memory_space<vmem_shared>> -> memref<128x128xf32, #tpu.memory_space<vmem_shared>>
      tpu.wait_dma2 semaphore(%run_scoped3A : memref<!tpu.dma_semaphore, #tpu.memory_space<semaphore_mem>>) src(%arg9 : memref<128x128xf32, #tpu.memory_space<vmem>>) dst(%dma_wait3A_57 : memref<128x128xf32, #tpu.memory_space<vmem_shared>>)
      tpu.yield
    }) : () -> ()
    %mul3A_19 = arith.constant 640 : i32
    %mul3A_20 = arith.muli %arg1, %mul3A_19 : i32
    %add3A_21 = arith.constant 512 : i32
    %add3A_22 = arith.addi %mul3A_20, %add3A_21 : i32
    "tpu.region"() ({
      %run_scoped3A = tpu.sem_alloc : memref<!tpu.dma_semaphore, #tpu.memory_space<semaphore_mem>>
      %dma_start3A = arith.constant 0 : i32
      %dma_start3A_52 = tpu.memref_slice %arg2[%arg0, %add3A_22, %dma_start3A] : memref<2x10240x128xf32, #tpu.memory_space<hbm>> -> memref<1x128x128xf32, #tpu.memory_space<hbm>>
      %dma_start3A_53 = tpu.memref_squeeze %dma_start3A_52 : memref<1x128x128xf32, #tpu.memory_space<hbm>> -> memref<128x128xf32, #tpu.memory_space<hbm>>
      %dma_start3A_54 = arith.constant 0 : i32
      %dma_start3A_55 = tpu.memref_slice %arg2[%arg0, %add3A_22, %dma_start3A_54] : memref<2x10240x128xf32, #tpu.memory_space<hbm>> -> memref<1x128x128xf32, #tpu.memory_space<hbm>>
      %dma_start3A_56 = tpu.memref_squeeze %dma_start3A_55 : memref<1x128x128xf32, #tpu.memory_space<hbm>> -> memref<128x128xf32, #tpu.memory_space<hbm>>
      tpu.enqueue_dma source(%dma_start3A_56 : memref<128x128xf32, #tpu.memory_space<hbm>>) target(%arg9 : memref<128x128xf32, #tpu.memory_space<vmem>>) target_semaphore(%run_scoped3A : memref<!tpu.dma_semaphore, #tpu.memory_space<semaphore_mem>>)
      %dma_wait3A = arith.constant 0 : i32
      %dma_wait3A_57 = tpu.memref_slice %arg2[%arg0, %add3A_22, %dma_wait3A] : memref<2x10240x128xf32, #tpu.memory_space<hbm>> -> memref<1x128x128xf32, #tpu.memory_space<hbm>>
      %dma_wait3A_58 = tpu.memref_squeeze %dma_wait3A_57 : memref<1x128x128xf32, #tpu.memory_space<hbm>> -> memref<128x128xf32, #tpu.memory_space<hbm>>
      %dma_wait3A_59 = arith.constant 0 : i32
      %dma_wait3A_60 = tpu.memref_slice %arg2[%arg0, %add3A_22, %dma_wait3A_59] : memref<2x10240x128xf32, #tpu.memory_space<hbm>> -> memref<1x128x128xf32, #tpu.memory_space<hbm>>
      %dma_wait3A_61 = tpu.memref_squeeze %dma_wait3A_60 : memref<1x128x128xf32, #tpu.memory_space<hbm>> -> memref<128x128xf32, #tpu.memory_space<hbm>>
      tpu.wait_dma2 semaphore(%run_scoped3A : memref<!tpu.dma_semaphore, #tpu.memory_space<semaphore_mem>>) src(%dma_wait3A_61 : memref<128x128xf32, #tpu.memory_space<hbm>>) dst(%arg9 : memref<128x128xf32, #tpu.memory_space<vmem>>)
      tpu.yield
    }) : () -> ()
    "tpu.region"() ({
      %run_scoped3A = tpu.sem_alloc : memref<!tpu.dma_semaphore, #tpu.memory_space<semaphore_mem>>
      %dma_start3A = arith.constant 0 : i32
      %dma_start3A_52 = tpu.memref_slice %arg10[%add3A_22, %dma_start3A] : memref<10240x128xf32, #tpu.memory_space<vmem_shared>> -> memref<128x128xf32, #tpu.memory_space<vmem_shared>>
      %dma_start3A_53 = arith.constant 0 : i32
      %dma_start3A_54 = tpu.memref_slice %arg10[%add3A_22, %dma_start3A_53] : memref<10240x128xf32, #tpu.memory_space<vmem_shared>> -> memref<128x128xf32, #tpu.memory_space<vmem_shared>>
      tpu.enqueue_dma source(%arg9 : memref<128x128xf32, #tpu.memory_space<vmem>>) target(%dma_start3A_54 : memref<128x128xf32, #tpu.memory_space<vmem_shared>>) target_semaphore(%run_scoped3A : memref<!tpu.dma_semaphore, #tpu.memory_space<semaphore_mem>>)
      %dma_wait3A = arith.constant 0 : i32
      %dma_wait3A_55 = tpu.memref_slice %arg10[%add3A_22, %dma_wait3A] : memref<10240x128xf32, #tpu.memory_space<vmem_shared>> -> memref<128x128xf32, #tpu.memory_space<vmem_shared>>
      %dma_wait3A_56 = arith.constant 0 : i32
      %dma_wait3A_57 = tpu.memref_slice %arg10[%add3A_22, %dma_wait3A_56] : memref<10240x128xf32, #tpu.memory_space<vmem_shared>> -> memref<128x128xf32, #tpu.memory_space<vmem_shared>>
      tpu.wait_dma2 semaphore(%run_scoped3A : memref<!tpu.dma_semaphore, #tpu.memory_space<semaphore_mem>>) src(%arg9 : memref<128x128xf32, #tpu.memory_space<vmem>>) dst(%dma_wait3A_57 : memref<128x128xf32, #tpu.memory_space<vmem_shared>>)
      tpu.yield
    }) : () -> ()
    %barrier3A = arith.constant 0 : index
    tpu.barrier barrier_id(%barrier3A)
    %mul3A_23 = arith.constant 128 : i32
    %mul3A_24 = arith.muli %mul3A_2, %mul3A_23 : i32
    %scan3A = arith.constant 0 : i32
    %scan3A_25 = arith.constant 0 : i32
    %scan3A_26 = arith.constant 0 : i32
    %scan3A_27 = arith.constant 80 : i32
    %scan3A_28 = arith.addi %scan3A_26, %scan3A_27 : i32
    %scan3A_29 = arith.constant 1 : i32
    scf.for %scan3A_52 = %scan3A_26 to %scan3A_28 step %scan3A_29  : i32 {
      %mul3A_53 = arith.constant 128 : i32
      %mul3A_54 = arith.muli %scan3A_52, %mul3A_53 : i32
      %add3A_55 = arith.addi %mul3A_24, %mul3A_54 : i32
      "tpu.region"() ({
        %run_scoped3A = tpu.sem_alloc : memref<!tpu.dma_semaphore, #tpu.memory_space<semaphore_mem>>
        %dma_start3A_68 = tpu.memref_slice %arg3[%add3A_55] : memref<327680xi32, #tpu.memory_space<hbm>> -> memref<128xi32, #tpu.memory_space<hbm>>
        %dma_start3A_69 = tpu.memref_slice %arg3[%add3A_55] : memref<327680xi32, #tpu.memory_space<hbm>> -> memref<128xi32, #tpu.memory_space<hbm>>
        tpu.enqueue_dma source(%dma_start3A_69 : memref<128xi32, #tpu.memory_space<hbm>>) target(%arg6 : memref<128xi32, #tpu.memory_space<vmem>>) target_semaphore(%run_scoped3A : memref<!tpu.dma_semaphore, #tpu.memory_space<semaphore_mem>>)
        %dma_wait3A_70 = tpu.memref_slice %arg3[%add3A_55] : memref<327680xi32, #tpu.memory_space<hbm>> -> memref<128xi32, #tpu.memory_space<hbm>>
        %dma_wait3A_71 = tpu.memref_slice %arg3[%add3A_55] : memref<327680xi32, #tpu.memory_space<hbm>> -> memref<128xi32, #tpu.memory_space<hbm>>
        tpu.wait_dma2 semaphore(%run_scoped3A : memref<!tpu.dma_semaphore, #tpu.memory_space<semaphore_mem>>) src(%dma_wait3A_71 : memref<128xi32, #tpu.memory_space<hbm>>) dst(%arg6 : memref<128xi32, #tpu.memory_space<vmem>>)
        tpu.yield
      }) : () -> ()
      "tpu.region"() ({
        %run_scoped3A = tpu.sem_alloc : memref<!tpu.dma_semaphore, #tpu.memory_space<semaphore_mem>>
        %dma_start3A_68 = tpu.memref_slice %arg4[%add3A_55] : memref<327680xi32, #tpu.memory_space<hbm>> -> memref<128xi32, #tpu.memory_space<hbm>>
        %dma_start3A_69 = tpu.memref_slice %arg4[%add3A_55] : memref<327680xi32, #tpu.memory_space<hbm>> -> memref<128xi32, #tpu.memory_space<hbm>>
        tpu.enqueue_dma source(%dma_start3A_69 : memref<128xi32, #tpu.memory_space<hbm>>) target(%arg7 : memref<128xi32, #tpu.memory_space<vmem>>) target_semaphore(%run_scoped3A : memref<!tpu.dma_semaphore, #tpu.memory_space<semaphore_mem>>)
        %dma_wait3A_70 = tpu.memref_slice %arg4[%add3A_55] : memref<327680xi32, #tpu.memory_space<hbm>> -> memref<128xi32, #tpu.memory_space<hbm>>
        %dma_wait3A_71 = tpu.memref_slice %arg4[%add3A_55] : memref<327680xi32, #tpu.memory_space<hbm>> -> memref<128xi32, #tpu.memory_space<hbm>>
        tpu.wait_dma2 semaphore(%run_scoped3A : memref<!tpu.dma_semaphore, #tpu.memory_space<semaphore_mem>>) src(%dma_wait3A_71 : memref<128xi32, #tpu.memory_space<hbm>>) dst(%arg7 : memref<128xi32, #tpu.memory_space<vmem>>)
        tpu.yield
      }) : () -> ()
      %dma_start3A = arith.constant 0 : i32
      %dma_start3A_56 = arith.constant 0 : i32
      %dma_start3A_57 = tpu.memref_slice %arg2[%scan3A_25, %dma_start3A, %dma_start3A_56] : memref<2x10240x128xf32, #tpu.memory_space<hbm>> -> memref<1x10240x128xf32, #tpu.memory_space<hbm>>
      %dma_start3A_58 = tpu.memref_squeeze %dma_start3A_57 : memref<1x10240x128xf32, #tpu.memory_space<hbm>> -> memref<10240x128xf32, #tpu.memory_space<hbm>>
      %dma_start3A_59 = arith.constant 0 : i32
      %dma_start3A_60 = arith.constant 0 : i32
      %dma_start3A_61 = tpu.memref_slice %dma_start3A_58[%dma_start3A_59, %dma_start3A_60] : memref<10240x128xf32, #tpu.memory_space<hbm>> -> memref<10240x128xf32, #tpu.memory_space<hbm>>
      tpu.enqueue_indirect_dma source(%dma_start3A_61 : memref<10240x128xf32, #tpu.memory_space<hbm>>) target(%arg8 : memref<128x128xf32, #tpu.memory_space<vmem>>) offsets(%arg6 : memref<128xi32, #tpu.memory_space<vmem>>) semaphore(%arg11 : memref<!tpu.dma_semaphore, #tpu.memory_space<semaphore_mem>>)
      %dma_wait3A = arith.constant 0 : i32
      %dma_wait3A_62 = arith.constant 0 : i32
      %dma_wait3A_63 = tpu.memref_slice %arg2[%scan3A_25, %dma_wait3A, %dma_wait3A_62] : memref<2x10240x128xf32, #tpu.memory_space<hbm>> -> memref<1x10240x128xf32, #tpu.memory_space<hbm>>
      %dma_wait3A_64 = tpu.memref_squeeze %dma_wait3A_63 : memref<1x10240x128xf32, #tpu.memory_space<hbm>> -> memref<10240x128xf32, #tpu.memory_space<hbm>>
      %dma_wait3A_65 = arith.constant 0 : i32
      %dma_wait3A_66 = arith.constant 0 : i32
      %dma_wait3A_67 = tpu.memref_slice %dma_wait3A_64[%dma_wait3A_65, %dma_wait3A_66] : memref<10240x128xf32, #tpu.memory_space<hbm>> -> memref<10240x128xf32, #tpu.memory_space<hbm>>
      tpu.wait_indirect_dma semaphore(%arg11 : memref<!tpu.dma_semaphore, #tpu.memory_space<semaphore_mem>>) src(%dma_wait3A_67 : memref<10240x128xf32, #tpu.memory_space<hbm>>) dst(%arg8 : memref<128x128xf32, #tpu.memory_space<vmem>>)
      "tpu.region"() ({
        %run_scoped3A = tpu.sem_alloc : memref<!tpu.dma_semaphore, #tpu.memory_space<semaphore_mem>>
        %dma_start3A_68 = arith.constant 0 : i32
        %dma_start3A_69 = arith.constant 0 : i32
        %dma_start3A_70 = tpu.memref_slice %arg10[%dma_start3A_68, %dma_start3A_69] : memref<10240x128xf32, #tpu.memory_space<vmem_shared>> -> memref<10240x128xf32, #tpu.memory_space<vmem_shared>>
        tpu.enqueue_indirect_dma source(%arg8 : memref<128x128xf32, #tpu.memory_space<vmem>>) target(%dma_start3A_70 : memref<10240x128xf32, #tpu.memory_space<vmem_shared>>) offsets(%arg7 : memref<128xi32, #tpu.memory_space<vmem>>) semaphore(%run_scoped3A : memref<!tpu.dma_semaphore, #tpu.memory_space<semaphore_mem>>) {add = true}
        %dma_wait3A_71 = arith.constant 0 : i32
        %dma_wait3A_72 = arith.constant 0 : i32
        %dma_wait3A_73 = tpu.memref_slice %arg10[%dma_wait3A_71, %dma_wait3A_72] : memref<10240x128xf32, #tpu.memory_space<vmem_shared>> -> memref<10240x128xf32, #tpu.memory_space<vmem_shared>>
        tpu.wait_indirect_dma semaphore(%run_scoped3A : memref<!tpu.dma_semaphore, #tpu.memory_space<semaphore_mem>>) src(%arg8 : memref<128x128xf32, #tpu.memory_space<vmem>>) dst(%dma_wait3A_73 : memref<10240x128xf32, #tpu.memory_space<vmem_shared>>)
        tpu.yield
      }) : () -> ()
    }
    %scan3A_30 = arith.constant 80 : i32
    %barrier3A_31 = arith.constant 0 : index
    tpu.barrier barrier_id(%barrier3A_31)
    %mul3A_32 = arith.constant 640 : i32
    %mul3A_33 = arith.muli %arg1, %mul3A_32 : i32
    %add3A_34 = arith.constant 0 : i32
    %add3A_35 = arith.addi %mul3A_33, %add3A_34 : i32
    "tpu.region"() ({
      %run_scoped3A = tpu.sem_alloc : memref<!tpu.dma_semaphore, #tpu.memory_space<semaphore_mem>>
      %dma_start3A = arith.constant 0 : i32
      %dma_start3A_52 = tpu.memref_slice %arg10[%add3A_35, %dma_start3A] : memref<10240x128xf32, #tpu.memory_space<vmem_shared>> -> memref<128x128xf32, #tpu.memory_space<vmem_shared>>
      %dma_start3A_53 = arith.constant 0 : i32
      %dma_start3A_54 = tpu.memref_slice %arg10[%add3A_35, %dma_start3A_53] : memref<10240x128xf32, #tpu.memory_space<vmem_shared>> -> memref<128x128xf32, #tpu.memory_space<vmem_shared>>
      tpu.enqueue_dma source(%dma_start3A_54 : memref<128x128xf32, #tpu.memory_space<vmem_shared>>) target(%arg9 : memref<128x128xf32, #tpu.memory_space<vmem>>) target_semaphore(%run_scoped3A : memref<!tpu.dma_semaphore, #tpu.memory_space<semaphore_mem>>)
      %dma_wait3A = arith.constant 0 : i32
      %dma_wait3A_55 = tpu.memref_slice %arg10[%add3A_35, %dma_wait3A] : memref<10240x128xf32, #tpu.memory_space<vmem_shared>> -> memref<128x128xf32, #tpu.memory_space<vmem_shared>>
      %dma_wait3A_56 = arith.constant 0 : i32
      %dma_wait3A_57 = tpu.memref_slice %arg10[%add3A_35, %dma_wait3A_56] : memref<10240x128xf32, #tpu.memory_space<vmem_shared>> -> memref<128x128xf32, #tpu.memory_space<vmem_shared>>
      tpu.wait_dma2 semaphore(%run_scoped3A : memref<!tpu.dma_semaphore, #tpu.memory_space<semaphore_mem>>) src(%dma_wait3A_57 : memref<128x128xf32, #tpu.memory_space<vmem_shared>>) dst(%arg9 : memref<128x128xf32, #tpu.memory_space<vmem>>)
      tpu.yield
    }) : () -> ()
    "tpu.region"() ({
      %run_scoped3A = tpu.sem_alloc : memref<!tpu.dma_semaphore, #tpu.memory_space<semaphore_mem>>
      %dma_start3A = arith.constant 0 : i32
      %dma_start3A_52 = tpu.memref_slice %arg5[%arg0, %add3A_35, %dma_start3A] : memref<2x10240x128xf32, #tpu.memory_space<hbm>> -> memref<1x128x128xf32, #tpu.memory_space<hbm>>
      %dma_start3A_53 = tpu.memref_squeeze %dma_start3A_52 : memref<1x128x128xf32, #tpu.memory_space<hbm>> -> memref<128x128xf32, #tpu.memory_space<hbm>>
      %dma_start3A_54 = arith.constant 0 : i32
      %dma_start3A_55 = tpu.memref_slice %arg5[%arg0, %add3A_35, %dma_start3A_54] : memref<2x10240x128xf32, #tpu.memory_space<hbm>> -> memref<1x128x128xf32, #tpu.memory_space<hbm>>
      %dma_start3A_56 = tpu.memref_squeeze %dma_start3A_55 : memref<1x128x128xf32, #tpu.memory_space<hbm>> -> memref<128x128xf32, #tpu.memory_space<hbm>>
      tpu.enqueue_dma source(%arg9 : memref<128x128xf32, #tpu.memory_space<vmem>>) target(%dma_start3A_56 : memref<128x128xf32, #tpu.memory_space<hbm>>) target_semaphore(%run_scoped3A : memref<!tpu.dma_semaphore, #tpu.memory_space<semaphore_mem>>)
      %dma_wait3A = arith.constant 0 : i32
      %dma_wait3A_57 = tpu.memref_slice %arg5[%arg0, %add3A_35, %dma_wait3A] : memref<2x10240x128xf32, #tpu.memory_space<hbm>> -> memref<1x128x128xf32, #tpu.memory_space<hbm>>
      %dma_wait3A_58 = tpu.memref_squeeze %dma_wait3A_57 : memref<1x128x128xf32, #tpu.memory_space<hbm>> -> memref<128x128xf32, #tpu.memory_space<hbm>>
      %dma_wait3A_59 = arith.constant 0 : i32
      %dma_wait3A_60 = tpu.memref_slice %arg5[%arg0, %add3A_35, %dma_wait3A_59] : memref<2x10240x128xf32, #tpu.memory_space<hbm>> -> memref<1x128x128xf32, #tpu.memory_space<hbm>>
      %dma_wait3A_61 = tpu.memref_squeeze %dma_wait3A_60 : memref<1x128x128xf32, #tpu.memory_space<hbm>> -> memref<128x128xf32, #tpu.memory_space<hbm>>
      tpu.wait_dma2 semaphore(%run_scoped3A : memref<!tpu.dma_semaphore, #tpu.memory_space<semaphore_mem>>) src(%arg9 : memref<128x128xf32, #tpu.memory_space<vmem>>) dst(%dma_wait3A_61 : memref<128x128xf32, #tpu.memory_space<hbm>>)
      tpu.yield
    }) : () -> ()
    %mul3A_36 = arith.constant 640 : i32
    %mul3A_37 = arith.muli %arg1, %mul3A_36 : i32
    %add3A_38 = arith.constant 128 : i32
    %add3A_39 = arith.addi %mul3A_37, %add3A_38 : i32
    "tpu.region"() ({
      %run_scoped3A = tpu.sem_alloc : memref<!tpu.dma_semaphore, #tpu.memory_space<semaphore_mem>>
      %dma_start3A = arith.constant 0 : i32
      %dma_start3A_52 = tpu.memref_slice %arg10[%add3A_39, %dma_start3A] : memref<10240x128xf32, #tpu.memory_space<vmem_shared>> -> memref<128x128xf32, #tpu.memory_space<vmem_shared>>
      %dma_start3A_53 = arith.constant 0 : i32
      %dma_start3A_54 = tpu.memref_slice %arg10[%add3A_39, %dma_start3A_53] : memref<10240x128xf32, #tpu.memory_space<vmem_shared>> -> memref<128x128xf32, #tpu.memory_space<vmem_shared>>
      tpu.enqueue_dma source(%dma_start3A_54 : memref<128x128xf32, #tpu.memory_space<vmem_shared>>) target(%arg9 : memref<128x128xf32, #tpu.memory_space<vmem>>) target_semaphore(%run_scoped3A : memref<!tpu.dma_semaphore, #tpu.memory_space<semaphore_mem>>)
      %dma_wait3A = arith.constant 0 : i32
      %dma_wait3A_55 = tpu.memref_slice %arg10[%add3A_39, %dma_wait3A] : memref<10240x128xf32, #tpu.memory_space<vmem_shared>> -> memref<128x128xf32, #tpu.memory_space<vmem_shared>>
      %dma_wait3A_56 = arith.constant 0 : i32
      %dma_wait3A_57 = tpu.memref_slice %arg10[%add3A_39, %dma_wait3A_56] : memref<10240x128xf32, #tpu.memory_space<vmem_shared>> -> memref<128x128xf32, #tpu.memory_space<vmem_shared>>
      tpu.wait_dma2 semaphore(%run_scoped3A : memref<!tpu.dma_semaphore, #tpu.memory_space<semaphore_mem>>) src(%dma_wait3A_57 : memref<128x128xf32, #tpu.memory_space<vmem_shared>>) dst(%arg9 : memref<128x128xf32, #tpu.memory_space<vmem>>)
      tpu.yield
    }) : () -> ()
    "tpu.region"() ({
      %run_scoped3A = tpu.sem_alloc : memref<!tpu.dma_semaphore, #tpu.memory_space<semaphore_mem>>
      %dma_start3A = arith.constant 0 : i32
      %dma_start3A_52 = tpu.memref_slice %arg5[%arg0, %add3A_39, %dma_start3A] : memref<2x10240x128xf32, #tpu.memory_space<hbm>> -> memref<1x128x128xf32, #tpu.memory_space<hbm>>
      %dma_start3A_53 = tpu.memref_squeeze %dma_start3A_52 : memref<1x128x128xf32, #tpu.memory_space<hbm>> -> memref<128x128xf32, #tpu.memory_space<hbm>>
      %dma_start3A_54 = arith.constant 0 : i32
      %dma_start3A_55 = tpu.memref_slice %arg5[%arg0, %add3A_39, %dma_start3A_54] : memref<2x10240x128xf32, #tpu.memory_space<hbm>> -> memref<1x128x128xf32, #tpu.memory_space<hbm>>
      %dma_start3A_56 = tpu.memref_squeeze %dma_start3A_55 : memref<1x128x128xf32, #tpu.memory_space<hbm>> -> memref<128x128xf32, #tpu.memory_space<hbm>>
      tpu.enqueue_dma source(%arg9 : memref<128x128xf32, #tpu.memory_space<vmem>>) target(%dma_start3A_56 : memref<128x128xf32, #tpu.memory_space<hbm>>) target_semaphore(%run_scoped3A : memref<!tpu.dma_semaphore, #tpu.memory_space<semaphore_mem>>)
      %dma_wait3A = arith.constant 0 : i32
      %dma_wait3A_57 = tpu.memref_slice %arg5[%arg0, %add3A_39, %dma_wait3A] : memref<2x10240x128xf32, #tpu.memory_space<hbm>> -> memref<1x128x128xf32, #tpu.memory_space<hbm>>
      %dma_wait3A_58 = tpu.memref_squeeze %dma_wait3A_57 : memref<1x128x128xf32, #tpu.memory_space<hbm>> -> memref<128x128xf32, #tpu.memory_space<hbm>>
      %dma_wait3A_59 = arith.constant 0 : i32
      %dma_wait3A_60 = tpu.memref_slice %arg5[%arg0, %add3A_39, %dma_wait3A_59] : memref<2x10240x128xf32, #tpu.memory_space<hbm>> -> memref<1x128x128xf32, #tpu.memory_space<hbm>>
      %dma_wait3A_61 = tpu.memref_squeeze %dma_wait3A_60 : memref<1x128x128xf32, #tpu.memory_space<hbm>> -> memref<128x128xf32, #tpu.memory_space<hbm>>
      tpu.wait_dma2 semaphore(%run_scoped3A : memref<!tpu.dma_semaphore, #tpu.memory_space<semaphore_mem>>) src(%arg9 : memref<128x128xf32, #tpu.memory_space<vmem>>) dst(%dma_wait3A_61 : memref<128x128xf32, #tpu.memory_space<hbm>>)
      tpu.yield
    }) : () -> ()
    %mul3A_40 = arith.constant 640 : i32
    %mul3A_41 = arith.muli %arg1, %mul3A_40 : i32
    %add3A_42 = arith.constant 256 : i32
    %add3A_43 = arith.addi %mul3A_41, %add3A_42 : i32
    "tpu.region"() ({
      %run_scoped3A = tpu.sem_alloc : memref<!tpu.dma_semaphore, #tpu.memory_space<semaphore_mem>>
      %dma_start3A = arith.constant 0 : i32
      %dma_start3A_52 = tpu.memref_slice %arg10[%add3A_43, %dma_start3A] : memref<10240x128xf32, #tpu.memory_space<vmem_shared>> -> memref<128x128xf32, #tpu.memory_space<vmem_shared>>
      %dma_start3A_53 = arith.constant 0 : i32
      %dma_start3A_54 = tpu.memref_slice %arg10[%add3A_43, %dma_start3A_53] : memref<10240x128xf32, #tpu.memory_space<vmem_shared>> -> memref<128x128xf32, #tpu.memory_space<vmem_shared>>
      tpu.enqueue_dma source(%dma_start3A_54 : memref<128x128xf32, #tpu.memory_space<vmem_shared>>) target(%arg9 : memref<128x128xf32, #tpu.memory_space<vmem>>) target_semaphore(%run_scoped3A : memref<!tpu.dma_semaphore, #tpu.memory_space<semaphore_mem>>)
      %dma_wait3A = arith.constant 0 : i32
      %dma_wait3A_55 = tpu.memref_slice %arg10[%add3A_43, %dma_wait3A] : memref<10240x128xf32, #tpu.memory_space<vmem_shared>> -> memref<128x128xf32, #tpu.memory_space<vmem_shared>>
      %dma_wait3A_56 = arith.constant 0 : i32
      %dma_wait3A_57 = tpu.memref_slice %arg10[%add3A_43, %dma_wait3A_56] : memref<10240x128xf32, #tpu.memory_space<vmem_shared>> -> memref<128x128xf32, #tpu.memory_space<vmem_shared>>
      tpu.wait_dma2 semaphore(%run_scoped3A : memref<!tpu.dma_semaphore, #tpu.memory_space<semaphore_mem>>) src(%dma_wait3A_57 : memref<128x128xf32, #tpu.memory_space<vmem_shared>>) dst(%arg9 : memref<128x128xf32, #tpu.memory_space<vmem>>)
      tpu.yield
    }) : () -> ()
    "tpu.region"() ({
      %run_scoped3A = tpu.sem_alloc : memref<!tpu.dma_semaphore, #tpu.memory_space<semaphore_mem>>
      %dma_start3A = arith.constant 0 : i32
      %dma_start3A_52 = tpu.memref_slice %arg5[%arg0, %add3A_43, %dma_start3A] : memref<2x10240x128xf32, #tpu.memory_space<hbm>> -> memref<1x128x128xf32, #tpu.memory_space<hbm>>
      %dma_start3A_53 = tpu.memref_squeeze %dma_start3A_52 : memref<1x128x128xf32, #tpu.memory_space<hbm>> -> memref<128x128xf32, #tpu.memory_space<hbm>>
      %dma_start3A_54 = arith.constant 0 : i32
      %dma_start3A_55 = tpu.memref_slice %arg5[%arg0, %add3A_43, %dma_start3A_54] : memref<2x10240x128xf32, #tpu.memory_space<hbm>> -> memref<1x128x128xf32, #tpu.memory_space<hbm>>
      %dma_start3A_56 = tpu.memref_squeeze %dma_start3A_55 : memref<1x128x128xf32, #tpu.memory_space<hbm>> -> memref<128x128xf32, #tpu.memory_space<hbm>>
      tpu.enqueue_dma source(%arg9 : memref<128x128xf32, #tpu.memory_space<vmem>>) target(%dma_start3A_56 : memref<128x128xf32, #tpu.memory_space<hbm>>) target_semaphore(%run_scoped3A : memref<!tpu.dma_semaphore, #tpu.memory_space<semaphore_mem>>)
      %dma_wait3A = arith.constant 0 : i32
      %dma_wait3A_57 = tpu.memref_slice %arg5[%arg0, %add3A_43, %dma_wait3A] : memref<2x10240x128xf32, #tpu.memory_space<hbm>> -> memref<1x128x128xf32, #tpu.memory_space<hbm>>
      %dma_wait3A_58 = tpu.memref_squeeze %dma_wait3A_57 : memref<1x128x128xf32, #tpu.memory_space<hbm>> -> memref<128x128xf32, #tpu.memory_space<hbm>>
      %dma_wait3A_59 = arith.constant 0 : i32
      %dma_wait3A_60 = tpu.memref_slice %arg5[%arg0, %add3A_43, %dma_wait3A_59] : memref<2x10240x128xf32, #tpu.memory_space<hbm>> -> memref<1x128x128xf32, #tpu.memory_space<hbm>>
      %dma_wait3A_61 = tpu.memref_squeeze %dma_wait3A_60 : memref<1x128x128xf32, #tpu.memory_space<hbm>> -> memref<128x128xf32, #tpu.memory_space<hbm>>
      tpu.wait_dma2 semaphore(%run_scoped3A : memref<!tpu.dma_semaphore, #tpu.memory_space<semaphore_mem>>) src(%arg9 : memref<128x128xf32, #tpu.memory_space<vmem>>) dst(%dma_wait3A_61 : memref<128x128xf32, #tpu.memory_space<hbm>>)
      tpu.yield
    }) : () -> ()
    %mul3A_44 = arith.constant 640 : i32
    %mul3A_45 = arith.muli %arg1, %mul3A_44 : i32
    %add3A_46 = arith.constant 384 : i32
    %add3A_47 = arith.addi %mul3A_45, %add3A_46 : i32
    "tpu.region"() ({
      %run_scoped3A = tpu.sem_alloc : memref<!tpu.dma_semaphore, #tpu.memory_space<semaphore_mem>>
      %dma_start3A = arith.constant 0 : i32
      %dma_start3A_52 = tpu.memref_slice %arg10[%add3A_47, %dma_start3A] : memref<10240x128xf32, #tpu.memory_space<vmem_shared>> -> memref<128x128xf32, #tpu.memory_space<vmem_shared>>
      %dma_start3A_53 = arith.constant 0 : i32
      %dma_start3A_54 = tpu.memref_slice %arg10[%add3A_47, %dma_start3A_53] : memref<10240x128xf32, #tpu.memory_space<vmem_shared>> -> memref<128x128xf32, #tpu.memory_space<vmem_shared>>
      tpu.enqueue_dma source(%dma_start3A_54 : memref<128x128xf32, #tpu.memory_space<vmem_shared>>) target(%arg9 : memref<128x128xf32, #tpu.memory_space<vmem>>) target_semaphore(%run_scoped3A : memref<!tpu.dma_semaphore, #tpu.memory_space<semaphore_mem>>)
      %dma_wait3A = arith.constant 0 : i32
      %dma_wait3A_55 = tpu.memref_slice %arg10[%add3A_47, %dma_wait3A] : memref<10240x128xf32, #tpu.memory_space<vmem_shared>> -> memref<128x128xf32, #tpu.memory_space<vmem_shared>>
      %dma_wait3A_56 = arith.constant 0 : i32
      %dma_wait3A_57 = tpu.memref_slice %arg10[%add3A_47, %dma_wait3A_56] : memref<10240x128xf32, #tpu.memory_space<vmem_shared>> -> memref<128x128xf32, #tpu.memory_space<vmem_shared>>
      tpu.wait_dma2 semaphore(%run_scoped3A : memref<!tpu.dma_semaphore, #tpu.memory_space<semaphore_mem>>) src(%dma_wait3A_57 : memref<128x128xf32, #tpu.memory_space<vmem_shared>>) dst(%arg9 : memref<128x128xf32, #tpu.memory_space<vmem>>)
      tpu.yield
    }) : () -> ()
    "tpu.region"() ({
      %run_scoped3A = tpu.sem_alloc : memref<!tpu.dma_semaphore, #tpu.memory_space<semaphore_mem>>
      %dma_start3A = arith.constant 0 : i32
      %dma_start3A_52 = tpu.memref_slice %arg5[%arg0, %add3A_47, %dma_start3A] : memref<2x10240x128xf32, #tpu.memory_space<hbm>> -> memref<1x128x128xf32, #tpu.memory_space<hbm>>
      %dma_start3A_53 = tpu.memref_squeeze %dma_start3A_52 : memref<1x128x128xf32, #tpu.memory_space<hbm>> -> memref<128x128xf32, #tpu.memory_space<hbm>>
      %dma_start3A_54 = arith.constant 0 : i32
      %dma_start3A_55 = tpu.memref_slice %arg5[%arg0, %add3A_47, %dma_start3A_54] : memref<2x10240x128xf32, #tpu.memory_space<hbm>> -> memref<1x128x128xf32, #tpu.memory_space<hbm>>
      %dma_start3A_56 = tpu.memref_squeeze %dma_start3A_55 : memref<1x128x128xf32, #tpu.memory_space<hbm>> -> memref<128x128xf32, #tpu.memory_space<hbm>>
      tpu.enqueue_dma source(%arg9 : memref<128x128xf32, #tpu.memory_space<vmem>>) target(%dma_start3A_56 : memref<128x128xf32, #tpu.memory_space<hbm>>) target_semaphore(%run_scoped3A : memref<!tpu.dma_semaphore, #tpu.memory_space<semaphore_mem>>)
      %dma_wait3A = arith.constant 0 : i32
      %dma_wait3A_57 = tpu.memref_slice %arg5[%arg0, %add3A_47, %dma_wait3A] : memref<2x10240x128xf32, #tpu.memory_space<hbm>> -> memref<1x128x128xf32, #tpu.memory_space<hbm>>
      %dma_wait3A_58 = tpu.memref_squeeze %dma_wait3A_57 : memref<1x128x128xf32, #tpu.memory_space<hbm>> -> memref<128x128xf32, #tpu.memory_space<hbm>>
      %dma_wait3A_59 = arith.constant 0 : i32
      %dma_wait3A_60 = tpu.memref_slice %arg5[%arg0, %add3A_47, %dma_wait3A_59] : memref<2x10240x128xf32, #tpu.memory_space<hbm>> -> memref<1x128x128xf32, #tpu.memory_space<hbm>>
      %dma_wait3A_61 = tpu.memref_squeeze %dma_wait3A_60 : memref<1x128x128xf32, #tpu.memory_space<hbm>> -> memref<128x128xf32, #tpu.memory_space<hbm>>
      tpu.wait_dma2 semaphore(%run_scoped3A : memref<!tpu.dma_semaphore, #tpu.memory_space<semaphore_mem>>) src(%arg9 : memref<128x128xf32, #tpu.memory_space<vmem>>) dst(%dma_wait3A_61 : memref<128x128xf32, #tpu.memory_space<hbm>>)
      tpu.yield
    }) : () -> ()
    %mul3A_48 = arith.constant 640 : i32
    %mul3A_49 = arith.muli %arg1, %mul3A_48 : i32
    %add3A_50 = arith.constant 512 : i32
    %add3A_51 = arith.addi %mul3A_49, %add3A_50 : i32
    "tpu.region"() ({
      %run_scoped3A = tpu.sem_alloc : memref<!tpu.dma_semaphore, #tpu.memory_space<semaphore_mem>>
      %dma_start3A = arith.constant 0 : i32
      %dma_start3A_52 = tpu.memref_slice %arg10[%add3A_51, %dma_start3A] : memref<10240x128xf32, #tpu.memory_space<vmem_shared>> -> memref<128x128xf32, #tpu.memory_space<vmem_shared>>
      %dma_start3A_53 = arith.constant 0 : i32
      %dma_start3A_54 = tpu.memref_slice %arg10[%add3A_51, %dma_start3A_53] : memref<10240x128xf32, #tpu.memory_space<vmem_shared>> -> memref<128x128xf32, #tpu.memory_space<vmem_shared>>
      tpu.enqueue_dma source(%dma_start3A_54 : memref<128x128xf32, #tpu.memory_space<vmem_shared>>) target(%arg9 : memref<128x128xf32, #tpu.memory_space<vmem>>) target_semaphore(%run_scoped3A : memref<!tpu.dma_semaphore, #tpu.memory_space<semaphore_mem>>)
      %dma_wait3A = arith.constant 0 : i32
      %dma_wait3A_55 = tpu.memref_slice %arg10[%add3A_51, %dma_wait3A] : memref<10240x128xf32, #tpu.memory_space<vmem_shared>> -> memref<128x128xf32, #tpu.memory_space<vmem_shared>>
      %dma_wait3A_56 = arith.constant 0 : i32
      %dma_wait3A_57 = tpu.memref_slice %arg10[%add3A_51, %dma_wait3A_56] : memref<10240x128xf32, #tpu.memory_space<vmem_shared>> -> memref<128x128xf32, #tpu.memory_space<vmem_shared>>
      tpu.wait_dma2 semaphore(%run_scoped3A : memref<!tpu.dma_semaphore, #tpu.memory_space<semaphore_mem>>) src(%dma_wait3A_57 : memref<128x128xf32, #tpu.memory_space<vmem_shared>>) dst(%arg9 : memref<128x128xf32, #tpu.memory_space<vmem>>)
      tpu.yield
    }) : () -> ()
    "tpu.region"() ({
      %run_scoped3A = tpu.sem_alloc : memref<!tpu.dma_semaphore, #tpu.memory_space<semaphore_mem>>
      %dma_start3A = arith.constant 0 : i32
      %dma_start3A_52 = tpu.memref_slice %arg5[%arg0, %add3A_51, %dma_start3A] : memref<2x10240x128xf32, #tpu.memory_space<hbm>> -> memref<1x128x128xf32, #tpu.memory_space<hbm>>
      %dma_start3A_53 = tpu.memref_squeeze %dma_start3A_52 : memref<1x128x128xf32, #tpu.memory_space<hbm>> -> memref<128x128xf32, #tpu.memory_space<hbm>>
      %dma_start3A_54 = arith.constant 0 : i32
      %dma_start3A_55 = tpu.memref_slice %arg5[%arg0, %add3A_51, %dma_start3A_54] : memref<2x10240x128xf32, #tpu.memory_space<hbm>> -> memref<1x128x128xf32, #tpu.memory_space<hbm>>
      %dma_start3A_56 = tpu.memref_squeeze %dma_start3A_55 : memref<1x128x128xf32, #tpu.memory_space<hbm>> -> memref<128x128xf32, #tpu.memory_space<hbm>>
      tpu.enqueue_dma source(%arg9 : memref<128x128xf32, #tpu.memory_space<vmem>>) target(%dma_start3A_56 : memref<128x128xf32, #tpu.memory_space<hbm>>) target_semaphore(%run_scoped3A : memref<!tpu.dma_semaphore, #tpu.memory_space<semaphore_mem>>)
      %dma_wait3A = arith.constant 0 : i32
      %dma_wait3A_57 = tpu.memref_slice %arg5[%arg0, %add3A_51, %dma_wait3A] : memref<2x10240x128xf32, #tpu.memory_space<hbm>> -> memref<1x128x128xf32, #tpu.memory_space<hbm>>
      %dma_wait3A_58 = tpu.memref_squeeze %dma_wait3A_57 : memref<1x128x128xf32, #tpu.memory_space<hbm>> -> memref<128x128xf32, #tpu.memory_space<hbm>>
      %dma_wait3A_59 = arith.constant 0 : i32
      %dma_wait3A_60 = tpu.memref_slice %arg5[%arg0, %add3A_51, %dma_wait3A_59] : memref<2x10240x128xf32, #tpu.memory_space<hbm>> -> memref<1x128x128xf32, #tpu.memory_space<hbm>>
      %dma_wait3A_61 = tpu.memref_squeeze %dma_wait3A_60 : memref<1x128x128xf32, #tpu.memory_space<hbm>> -> memref<128x128xf32, #tpu.memory_space<hbm>>
      tpu.wait_dma2 semaphore(%run_scoped3A : memref<!tpu.dma_semaphore, #tpu.memory_space<semaphore_mem>>) src(%arg9 : memref<128x128xf32, #tpu.memory_space<vmem>>) dst(%dma_wait3A_61 : memref<128x128xf32, #tpu.memory_space<hbm>>)
      tpu.yield
    }) : () -> ()
    return
  }
}

#map = affine_map<(d0, d1) -> (0, 0, 0)>
#map1 = affine_map<(d0, d1) -> (0)>
module attributes {stable_mosaic.version = 14 : i64} {
  func.func @conv_kernel(%arg0: i32, %arg1: i32, %arg2: memref<2x10240x128xf32, #tpu.memory_space<hbm>>, %arg3: memref<327680xi32, #tpu.memory_space<hbm>>, %arg4: memref<327680xi32, #tpu.memory_space<hbm>>, %arg5: memref<2x10240x128xf32, #tpu.memory_space<hbm>>, %arg6: memref<128xi32, #tpu.memory_space<vmem>>, %arg7: memref<128xi32, #tpu.memory_space<vmem>>, %arg8: memref<128x128xf32, #tpu.memory_space<vmem>>, %arg9: memref<128x128xf32, #tpu.memory_space<vmem>>, %arg10: memref<10240x128xf32, #tpu.memory_space<vmem_shared>>, %arg11: memref<!tpu.dma_semaphore, #tpu.memory_space<semaphore_mem>>) attributes {dimension_semantics = [#tpu.dimension_semantics<core_parallel>, #tpu.dimension_semantics<subcore_parallel>], iteration_bounds = array<i64: 2, 16>, scalar_prefetch = 0 : i64, scratch_operands = 6 : i64, tpu.core_type = #tpu.core_type<sc_vector_subcore>, window_params = [{transform_indices = #map}, {transform_indices = #map1}, {transform_indices = #map1}, {transform_indices = #map}]} {
    %mul3A = arith.constant 160 : i32
    %mul3A_0 = arith.muli %arg1, %mul3A : i32
    %mul3A_1 = arith.constant 640 : i32
    %mul3A_2 = arith.muli %arg1, %mul3A_1 : i32
    %add3A = arith.constant 0 : i32
    %add3A_3 = arith.addi %mul3A_2, %add3A : i32
    "tpu.region"() ({
      %run_scoped3A = tpu.sem_alloc : memref<!tpu.dma_semaphore, #tpu.memory_space<semaphore_mem>>
      %dma_start3A = arith.constant 0 : i32
      %dma_start3A_48 = tpu.memref_slice %arg2[%arg0, %add3A_3, %dma_start3A] : memref<2x10240x128xf32, #tpu.memory_space<hbm>> -> memref<1x128x128xf32, #tpu.memory_space<hbm>>
      %dma_start3A_49 = tpu.memref_squeeze %dma_start3A_48 : memref<1x128x128xf32, #tpu.memory_space<hbm>> -> memref<128x128xf32, #tpu.memory_space<hbm>>
      %dma_start3A_50 = arith.constant 0 : i32
      %dma_start3A_51 = tpu.memref_slice %arg2[%arg0, %add3A_3, %dma_start3A_50] : memref<2x10240x128xf32, #tpu.memory_space<hbm>> -> memref<1x128x128xf32, #tpu.memory_space<hbm>>
      %dma_start3A_52 = tpu.memref_squeeze %dma_start3A_51 : memref<1x128x128xf32, #tpu.memory_space<hbm>> -> memref<128x128xf32, #tpu.memory_space<hbm>>
      tpu.enqueue_dma source(%dma_start3A_52 : memref<128x128xf32, #tpu.memory_space<hbm>>) target(%arg9 : memref<128x128xf32, #tpu.memory_space<vmem>>) target_semaphore(%run_scoped3A : memref<!tpu.dma_semaphore, #tpu.memory_space<semaphore_mem>>)
      %dma_wait3A = arith.constant 0 : i32
      %dma_wait3A_53 = tpu.memref_slice %arg2[%arg0, %add3A_3, %dma_wait3A] : memref<2x10240x128xf32, #tpu.memory_space<hbm>> -> memref<1x128x128xf32, #tpu.memory_space<hbm>>
      %dma_wait3A_54 = tpu.memref_squeeze %dma_wait3A_53 : memref<1x128x128xf32, #tpu.memory_space<hbm>> -> memref<128x128xf32, #tpu.memory_space<hbm>>
      %dma_wait3A_55 = arith.constant 0 : i32
      %dma_wait3A_56 = tpu.memref_slice %arg2[%arg0, %add3A_3, %dma_wait3A_55] : memref<2x10240x128xf32, #tpu.memory_space<hbm>> -> memref<1x128x128xf32, #tpu.memory_space<hbm>>
      %dma_wait3A_57 = tpu.memref_squeeze %dma_wait3A_56 : memref<1x128x128xf32, #tpu.memory_space<hbm>> -> memref<128x128xf32, #tpu.memory_space<hbm>>
      tpu.wait_dma2 semaphore(%run_scoped3A : memref<!tpu.dma_semaphore, #tpu.memory_space<semaphore_mem>>) src(%dma_wait3A_57 : memref<128x128xf32, #tpu.memory_space<hbm>>) dst(%arg9 : memref<128x128xf32, #tpu.memory_space<vmem>>)
      tpu.yield
    }) : () -> ()
    "tpu.region"() ({
      %run_scoped3A = tpu.sem_alloc : memref<!tpu.dma_semaphore, #tpu.memory_space<semaphore_mem>>
      %dma_start3A = arith.constant 0 : i32
      %dma_start3A_48 = tpu.memref_slice %arg10[%add3A_3, %dma_start3A] : memref<10240x128xf32, #tpu.memory_space<vmem_shared>> -> memref<128x128xf32, #tpu.memory_space<vmem_shared>>
      %dma_start3A_49 = arith.constant 0 : i32
      %dma_start3A_50 = tpu.memref_slice %arg10[%add3A_3, %dma_start3A_49] : memref<10240x128xf32, #tpu.memory_space<vmem_shared>> -> memref<128x128xf32, #tpu.memory_space<vmem_shared>>
      tpu.enqueue_dma source(%arg9 : memref<128x128xf32, #tpu.memory_space<vmem>>) target(%dma_start3A_50 : memref<128x128xf32, #tpu.memory_space<vmem_shared>>) target_semaphore(%run_scoped3A : memref<!tpu.dma_semaphore, #tpu.memory_space<semaphore_mem>>)
      %dma_wait3A = arith.constant 0 : i32
      %dma_wait3A_51 = tpu.memref_slice %arg10[%add3A_3, %dma_wait3A] : memref<10240x128xf32, #tpu.memory_space<vmem_shared>> -> memref<128x128xf32, #tpu.memory_space<vmem_shared>>
      %dma_wait3A_52 = arith.constant 0 : i32
      %dma_wait3A_53 = tpu.memref_slice %arg10[%add3A_3, %dma_wait3A_52] : memref<10240x128xf32, #tpu.memory_space<vmem_shared>> -> memref<128x128xf32, #tpu.memory_space<vmem_shared>>
      tpu.wait_dma2 semaphore(%run_scoped3A : memref<!tpu.dma_semaphore, #tpu.memory_space<semaphore_mem>>) src(%arg9 : memref<128x128xf32, #tpu.memory_space<vmem>>) dst(%dma_wait3A_53 : memref<128x128xf32, #tpu.memory_space<vmem_shared>>)
      tpu.yield
    }) : () -> ()
    %mul3A_4 = arith.constant 640 : i32
    %mul3A_5 = arith.muli %arg1, %mul3A_4 : i32
    %add3A_6 = arith.constant 128 : i32
    %add3A_7 = arith.addi %mul3A_5, %add3A_6 : i32
    "tpu.region"() ({
      %run_scoped3A = tpu.sem_alloc : memref<!tpu.dma_semaphore, #tpu.memory_space<semaphore_mem>>
      %dma_start3A = arith.constant 0 : i32
      %dma_start3A_48 = tpu.memref_slice %arg2[%arg0, %add3A_7, %dma_start3A] : memref<2x10240x128xf32, #tpu.memory_space<hbm>> -> memref<1x128x128xf32, #tpu.memory_space<hbm>>
      %dma_start3A_49 = tpu.memref_squeeze %dma_start3A_48 : memref<1x128x128xf32, #tpu.memory_space<hbm>> -> memref<128x128xf32, #tpu.memory_space<hbm>>
      %dma_start3A_50 = arith.constant 0 : i32
      %dma_start3A_51 = tpu.memref_slice %arg2[%arg0, %add3A_7, %dma_start3A_50] : memref<2x10240x128xf32, #tpu.memory_space<hbm>> -> memref<1x128x128xf32, #tpu.memory_space<hbm>>
      %dma_start3A_52 = tpu.memref_squeeze %dma_start3A_51 : memref<1x128x128xf32, #tpu.memory_space<hbm>> -> memref<128x128xf32, #tpu.memory_space<hbm>>
      tpu.enqueue_dma source(%dma_start3A_52 : memref<128x128xf32, #tpu.memory_space<hbm>>) target(%arg9 : memref<128x128xf32, #tpu.memory_space<vmem>>) target_semaphore(%run_scoped3A : memref<!tpu.dma_semaphore, #tpu.memory_space<semaphore_mem>>)
      %dma_wait3A = arith.constant 0 : i32
      %dma_wait3A_53 = tpu.memref_slice %arg2[%arg0, %add3A_7, %dma_wait3A] : memref<2x10240x128xf32, #tpu.memory_space<hbm>> -> memref<1x128x128xf32, #tpu.memory_space<hbm>>
      %dma_wait3A_54 = tpu.memref_squeeze %dma_wait3A_53 : memref<1x128x128xf32, #tpu.memory_space<hbm>> -> memref<128x128xf32, #tpu.memory_space<hbm>>
      %dma_wait3A_55 = arith.constant 0 : i32
      %dma_wait3A_56 = tpu.memref_slice %arg2[%arg0, %add3A_7, %dma_wait3A_55] : memref<2x10240x128xf32, #tpu.memory_space<hbm>> -> memref<1x128x128xf32, #tpu.memory_space<hbm>>
      %dma_wait3A_57 = tpu.memref_squeeze %dma_wait3A_56 : memref<1x128x128xf32, #tpu.memory_space<hbm>> -> memref<128x128xf32, #tpu.memory_space<hbm>>
      tpu.wait_dma2 semaphore(%run_scoped3A : memref<!tpu.dma_semaphore, #tpu.memory_space<semaphore_mem>>) src(%dma_wait3A_57 : memref<128x128xf32, #tpu.memory_space<hbm>>) dst(%arg9 : memref<128x128xf32, #tpu.memory_space<vmem>>)
      tpu.yield
    }) : () -> ()
    "tpu.region"() ({
      %run_scoped3A = tpu.sem_alloc : memref<!tpu.dma_semaphore, #tpu.memory_space<semaphore_mem>>
      %dma_start3A = arith.constant 0 : i32
      %dma_start3A_48 = tpu.memref_slice %arg10[%add3A_7, %dma_start3A] : memref<10240x128xf32, #tpu.memory_space<vmem_shared>> -> memref<128x128xf32, #tpu.memory_space<vmem_shared>>
      %dma_start3A_49 = arith.constant 0 : i32
      %dma_start3A_50 = tpu.memref_slice %arg10[%add3A_7, %dma_start3A_49] : memref<10240x128xf32, #tpu.memory_space<vmem_shared>> -> memref<128x128xf32, #tpu.memory_space<vmem_shared>>
      tpu.enqueue_dma source(%arg9 : memref<128x128xf32, #tpu.memory_space<vmem>>) target(%dma_start3A_50 : memref<128x128xf32, #tpu.memory_space<vmem_shared>>) target_semaphore(%run_scoped3A : memref<!tpu.dma_semaphore, #tpu.memory_space<semaphore_mem>>)
      %dma_wait3A = arith.constant 0 : i32
      %dma_wait3A_51 = tpu.memref_slice %arg10[%add3A_7, %dma_wait3A] : memref<10240x128xf32, #tpu.memory_space<vmem_shared>> -> memref<128x128xf32, #tpu.memory_space<vmem_shared>>
      %dma_wait3A_52 = arith.constant 0 : i32
      %dma_wait3A_53 = tpu.memref_slice %arg10[%add3A_7, %dma_wait3A_52] : memref<10240x128xf32, #tpu.memory_space<vmem_shared>> -> memref<128x128xf32, #tpu.memory_space<vmem_shared>>
      tpu.wait_dma2 semaphore(%run_scoped3A : memref<!tpu.dma_semaphore, #tpu.memory_space<semaphore_mem>>) src(%arg9 : memref<128x128xf32, #tpu.memory_space<vmem>>) dst(%dma_wait3A_53 : memref<128x128xf32, #tpu.memory_space<vmem_shared>>)
      tpu.yield
    }) : () -> ()
    %mul3A_8 = arith.constant 640 : i32
    %mul3A_9 = arith.muli %arg1, %mul3A_8 : i32
    %add3A_10 = arith.constant 256 : i32
    %add3A_11 = arith.addi %mul3A_9, %add3A_10 : i32
    "tpu.region"() ({
      %run_scoped3A = tpu.sem_alloc : memref<!tpu.dma_semaphore, #tpu.memory_space<semaphore_mem>>
      %dma_start3A = arith.constant 0 : i32
      %dma_start3A_48 = tpu.memref_slice %arg2[%arg0, %add3A_11, %dma_start3A] : memref<2x10240x128xf32, #tpu.memory_space<hbm>> -> memref<1x128x128xf32, #tpu.memory_space<hbm>>
      %dma_start3A_49 = tpu.memref_squeeze %dma_start3A_48 : memref<1x128x128xf32, #tpu.memory_space<hbm>> -> memref<128x128xf32, #tpu.memory_space<hbm>>
      %dma_start3A_50 = arith.constant 0 : i32
      %dma_start3A_51 = tpu.memref_slice %arg2[%arg0, %add3A_11, %dma_start3A_50] : memref<2x10240x128xf32, #tpu.memory_space<hbm>> -> memref<1x128x128xf32, #tpu.memory_space<hbm>>
      %dma_start3A_52 = tpu.memref_squeeze %dma_start3A_51 : memref<1x128x128xf32, #tpu.memory_space<hbm>> -> memref<128x128xf32, #tpu.memory_space<hbm>>
      tpu.enqueue_dma source(%dma_start3A_52 : memref<128x128xf32, #tpu.memory_space<hbm>>) target(%arg9 : memref<128x128xf32, #tpu.memory_space<vmem>>) target_semaphore(%run_scoped3A : memref<!tpu.dma_semaphore, #tpu.memory_space<semaphore_mem>>)
      %dma_wait3A = arith.constant 0 : i32
      %dma_wait3A_53 = tpu.memref_slice %arg2[%arg0, %add3A_11, %dma_wait3A] : memref<2x10240x128xf32, #tpu.memory_space<hbm>> -> memref<1x128x128xf32, #tpu.memory_space<hbm>>
      %dma_wait3A_54 = tpu.memref_squeeze %dma_wait3A_53 : memref<1x128x128xf32, #tpu.memory_space<hbm>> -> memref<128x128xf32, #tpu.memory_space<hbm>>
      %dma_wait3A_55 = arith.constant 0 : i32
      %dma_wait3A_56 = tpu.memref_slice %arg2[%arg0, %add3A_11, %dma_wait3A_55] : memref<2x10240x128xf32, #tpu.memory_space<hbm>> -> memref<1x128x128xf32, #tpu.memory_space<hbm>>
      %dma_wait3A_57 = tpu.memref_squeeze %dma_wait3A_56 : memref<1x128x128xf32, #tpu.memory_space<hbm>> -> memref<128x128xf32, #tpu.memory_space<hbm>>
      tpu.wait_dma2 semaphore(%run_scoped3A : memref<!tpu.dma_semaphore, #tpu.memory_space<semaphore_mem>>) src(%dma_wait3A_57 : memref<128x128xf32, #tpu.memory_space<hbm>>) dst(%arg9 : memref<128x128xf32, #tpu.memory_space<vmem>>)
      tpu.yield
    }) : () -> ()
    "tpu.region"() ({
      %run_scoped3A = tpu.sem_alloc : memref<!tpu.dma_semaphore, #tpu.memory_space<semaphore_mem>>
      %dma_start3A = arith.constant 0 : i32
      %dma_start3A_48 = tpu.memref_slice %arg10[%add3A_11, %dma_start3A] : memref<10240x128xf32, #tpu.memory_space<vmem_shared>> -> memref<128x128xf32, #tpu.memory_space<vmem_shared>>
      %dma_start3A_49 = arith.constant 0 : i32
      %dma_start3A_50 = tpu.memref_slice %arg10[%add3A_11, %dma_start3A_49] : memref<10240x128xf32, #tpu.memory_space<vmem_shared>> -> memref<128x128xf32, #tpu.memory_space<vmem_shared>>
      tpu.enqueue_dma source(%arg9 : memref<128x128xf32, #tpu.memory_space<vmem>>) target(%dma_start3A_50 : memref<128x128xf32, #tpu.memory_space<vmem_shared>>) target_semaphore(%run_scoped3A : memref<!tpu.dma_semaphore, #tpu.memory_space<semaphore_mem>>)
      %dma_wait3A = arith.constant 0 : i32
      %dma_wait3A_51 = tpu.memref_slice %arg10[%add3A_11, %dma_wait3A] : memref<10240x128xf32, #tpu.memory_space<vmem_shared>> -> memref<128x128xf32, #tpu.memory_space<vmem_shared>>
      %dma_wait3A_52 = arith.constant 0 : i32
      %dma_wait3A_53 = tpu.memref_slice %arg10[%add3A_11, %dma_wait3A_52] : memref<10240x128xf32, #tpu.memory_space<vmem_shared>> -> memref<128x128xf32, #tpu.memory_space<vmem_shared>>
      tpu.wait_dma2 semaphore(%run_scoped3A : memref<!tpu.dma_semaphore, #tpu.memory_space<semaphore_mem>>) src(%arg9 : memref<128x128xf32, #tpu.memory_space<vmem>>) dst(%dma_wait3A_53 : memref<128x128xf32, #tpu.memory_space<vmem_shared>>)
      tpu.yield
    }) : () -> ()
    %mul3A_12 = arith.constant 640 : i32
    %mul3A_13 = arith.muli %arg1, %mul3A_12 : i32
    %add3A_14 = arith.constant 384 : i32
    %add3A_15 = arith.addi %mul3A_13, %add3A_14 : i32
    "tpu.region"() ({
      %run_scoped3A = tpu.sem_alloc : memref<!tpu.dma_semaphore, #tpu.memory_space<semaphore_mem>>
      %dma_start3A = arith.constant 0 : i32
      %dma_start3A_48 = tpu.memref_slice %arg2[%arg0, %add3A_15, %dma_start3A] : memref<2x10240x128xf32, #tpu.memory_space<hbm>> -> memref<1x128x128xf32, #tpu.memory_space<hbm>>
      %dma_start3A_49 = tpu.memref_squeeze %dma_start3A_48 : memref<1x128x128xf32, #tpu.memory_space<hbm>> -> memref<128x128xf32, #tpu.memory_space<hbm>>
      %dma_start3A_50 = arith.constant 0 : i32
      %dma_start3A_51 = tpu.memref_slice %arg2[%arg0, %add3A_15, %dma_start3A_50] : memref<2x10240x128xf32, #tpu.memory_space<hbm>> -> memref<1x128x128xf32, #tpu.memory_space<hbm>>
      %dma_start3A_52 = tpu.memref_squeeze %dma_start3A_51 : memref<1x128x128xf32, #tpu.memory_space<hbm>> -> memref<128x128xf32, #tpu.memory_space<hbm>>
      tpu.enqueue_dma source(%dma_start3A_52 : memref<128x128xf32, #tpu.memory_space<hbm>>) target(%arg9 : memref<128x128xf32, #tpu.memory_space<vmem>>) target_semaphore(%run_scoped3A : memref<!tpu.dma_semaphore, #tpu.memory_space<semaphore_mem>>)
      %dma_wait3A = arith.constant 0 : i32
      %dma_wait3A_53 = tpu.memref_slice %arg2[%arg0, %add3A_15, %dma_wait3A] : memref<2x10240x128xf32, #tpu.memory_space<hbm>> -> memref<1x128x128xf32, #tpu.memory_space<hbm>>
      %dma_wait3A_54 = tpu.memref_squeeze %dma_wait3A_53 : memref<1x128x128xf32, #tpu.memory_space<hbm>> -> memref<128x128xf32, #tpu.memory_space<hbm>>
      %dma_wait3A_55 = arith.constant 0 : i32
      %dma_wait3A_56 = tpu.memref_slice %arg2[%arg0, %add3A_15, %dma_wait3A_55] : memref<2x10240x128xf32, #tpu.memory_space<hbm>> -> memref<1x128x128xf32, #tpu.memory_space<hbm>>
      %dma_wait3A_57 = tpu.memref_squeeze %dma_wait3A_56 : memref<1x128x128xf32, #tpu.memory_space<hbm>> -> memref<128x128xf32, #tpu.memory_space<hbm>>
      tpu.wait_dma2 semaphore(%run_scoped3A : memref<!tpu.dma_semaphore, #tpu.memory_space<semaphore_mem>>) src(%dma_wait3A_57 : memref<128x128xf32, #tpu.memory_space<hbm>>) dst(%arg9 : memref<128x128xf32, #tpu.memory_space<vmem>>)
      tpu.yield
    }) : () -> ()
    "tpu.region"() ({
      %run_scoped3A = tpu.sem_alloc : memref<!tpu.dma_semaphore, #tpu.memory_space<semaphore_mem>>
      %dma_start3A = arith.constant 0 : i32
      %dma_start3A_48 = tpu.memref_slice %arg10[%add3A_15, %dma_start3A] : memref<10240x128xf32, #tpu.memory_space<vmem_shared>> -> memref<128x128xf32, #tpu.memory_space<vmem_shared>>
      %dma_start3A_49 = arith.constant 0 : i32
      %dma_start3A_50 = tpu.memref_slice %arg10[%add3A_15, %dma_start3A_49] : memref<10240x128xf32, #tpu.memory_space<vmem_shared>> -> memref<128x128xf32, #tpu.memory_space<vmem_shared>>
      tpu.enqueue_dma source(%arg9 : memref<128x128xf32, #tpu.memory_space<vmem>>) target(%dma_start3A_50 : memref<128x128xf32, #tpu.memory_space<vmem_shared>>) target_semaphore(%run_scoped3A : memref<!tpu.dma_semaphore, #tpu.memory_space<semaphore_mem>>)
      %dma_wait3A = arith.constant 0 : i32
      %dma_wait3A_51 = tpu.memref_slice %arg10[%add3A_15, %dma_wait3A] : memref<10240x128xf32, #tpu.memory_space<vmem_shared>> -> memref<128x128xf32, #tpu.memory_space<vmem_shared>>
      %dma_wait3A_52 = arith.constant 0 : i32
      %dma_wait3A_53 = tpu.memref_slice %arg10[%add3A_15, %dma_wait3A_52] : memref<10240x128xf32, #tpu.memory_space<vmem_shared>> -> memref<128x128xf32, #tpu.memory_space<vmem_shared>>
      tpu.wait_dma2 semaphore(%run_scoped3A : memref<!tpu.dma_semaphore, #tpu.memory_space<semaphore_mem>>) src(%arg9 : memref<128x128xf32, #tpu.memory_space<vmem>>) dst(%dma_wait3A_53 : memref<128x128xf32, #tpu.memory_space<vmem_shared>>)
      tpu.yield
    }) : () -> ()
    %mul3A_16 = arith.constant 640 : i32
    %mul3A_17 = arith.muli %arg1, %mul3A_16 : i32
    %add3A_18 = arith.constant 512 : i32
    %add3A_19 = arith.addi %mul3A_17, %add3A_18 : i32
    "tpu.region"() ({
      %run_scoped3A = tpu.sem_alloc : memref<!tpu.dma_semaphore, #tpu.memory_space<semaphore_mem>>
      %dma_start3A = arith.constant 0 : i32
      %dma_start3A_48 = tpu.memref_slice %arg2[%arg0, %add3A_19, %dma_start3A] : memref<2x10240x128xf32, #tpu.memory_space<hbm>> -> memref<1x128x128xf32, #tpu.memory_space<hbm>>
      %dma_start3A_49 = tpu.memref_squeeze %dma_start3A_48 : memref<1x128x128xf32, #tpu.memory_space<hbm>> -> memref<128x128xf32, #tpu.memory_space<hbm>>
      %dma_start3A_50 = arith.constant 0 : i32
      %dma_start3A_51 = tpu.memref_slice %arg2[%arg0, %add3A_19, %dma_start3A_50] : memref<2x10240x128xf32, #tpu.memory_space<hbm>> -> memref<1x128x128xf32, #tpu.memory_space<hbm>>
      %dma_start3A_52 = tpu.memref_squeeze %dma_start3A_51 : memref<1x128x128xf32, #tpu.memory_space<hbm>> -> memref<128x128xf32, #tpu.memory_space<hbm>>
      tpu.enqueue_dma source(%dma_start3A_52 : memref<128x128xf32, #tpu.memory_space<hbm>>) target(%arg9 : memref<128x128xf32, #tpu.memory_space<vmem>>) target_semaphore(%run_scoped3A : memref<!tpu.dma_semaphore, #tpu.memory_space<semaphore_mem>>)
      %dma_wait3A = arith.constant 0 : i32
      %dma_wait3A_53 = tpu.memref_slice %arg2[%arg0, %add3A_19, %dma_wait3A] : memref<2x10240x128xf32, #tpu.memory_space<hbm>> -> memref<1x128x128xf32, #tpu.memory_space<hbm>>
      %dma_wait3A_54 = tpu.memref_squeeze %dma_wait3A_53 : memref<1x128x128xf32, #tpu.memory_space<hbm>> -> memref<128x128xf32, #tpu.memory_space<hbm>>
      %dma_wait3A_55 = arith.constant 0 : i32
      %dma_wait3A_56 = tpu.memref_slice %arg2[%arg0, %add3A_19, %dma_wait3A_55] : memref<2x10240x128xf32, #tpu.memory_space<hbm>> -> memref<1x128x128xf32, #tpu.memory_space<hbm>>
      %dma_wait3A_57 = tpu.memref_squeeze %dma_wait3A_56 : memref<1x128x128xf32, #tpu.memory_space<hbm>> -> memref<128x128xf32, #tpu.memory_space<hbm>>
      tpu.wait_dma2 semaphore(%run_scoped3A : memref<!tpu.dma_semaphore, #tpu.memory_space<semaphore_mem>>) src(%dma_wait3A_57 : memref<128x128xf32, #tpu.memory_space<hbm>>) dst(%arg9 : memref<128x128xf32, #tpu.memory_space<vmem>>)
      tpu.yield
    }) : () -> ()
    "tpu.region"() ({
      %run_scoped3A = tpu.sem_alloc : memref<!tpu.dma_semaphore, #tpu.memory_space<semaphore_mem>>
      %dma_start3A = arith.constant 0 : i32
      %dma_start3A_48 = tpu.memref_slice %arg10[%add3A_19, %dma_start3A] : memref<10240x128xf32, #tpu.memory_space<vmem_shared>> -> memref<128x128xf32, #tpu.memory_space<vmem_shared>>
      %dma_start3A_49 = arith.constant 0 : i32
      %dma_start3A_50 = tpu.memref_slice %arg10[%add3A_19, %dma_start3A_49] : memref<10240x128xf32, #tpu.memory_space<vmem_shared>> -> memref<128x128xf32, #tpu.memory_space<vmem_shared>>
      tpu.enqueue_dma source(%arg9 : memref<128x128xf32, #tpu.memory_space<vmem>>) target(%dma_start3A_50 : memref<128x128xf32, #tpu.memory_space<vmem_shared>>) target_semaphore(%run_scoped3A : memref<!tpu.dma_semaphore, #tpu.memory_space<semaphore_mem>>)
      %dma_wait3A = arith.constant 0 : i32
      %dma_wait3A_51 = tpu.memref_slice %arg10[%add3A_19, %dma_wait3A] : memref<10240x128xf32, #tpu.memory_space<vmem_shared>> -> memref<128x128xf32, #tpu.memory_space<vmem_shared>>
      %dma_wait3A_52 = arith.constant 0 : i32
      %dma_wait3A_53 = tpu.memref_slice %arg10[%add3A_19, %dma_wait3A_52] : memref<10240x128xf32, #tpu.memory_space<vmem_shared>> -> memref<128x128xf32, #tpu.memory_space<vmem_shared>>
      tpu.wait_dma2 semaphore(%run_scoped3A : memref<!tpu.dma_semaphore, #tpu.memory_space<semaphore_mem>>) src(%arg9 : memref<128x128xf32, #tpu.memory_space<vmem>>) dst(%dma_wait3A_53 : memref<128x128xf32, #tpu.memory_space<vmem_shared>>)
      tpu.yield
    }) : () -> ()
    %barrier3A = arith.constant 0 : index
    tpu.barrier barrier_id(%barrier3A)
    %mul3A_20 = arith.constant 128 : i32
    %mul3A_21 = arith.muli %mul3A_0, %mul3A_20 : i32
    %scan3A = arith.constant 0 : i32
    %scan3A_22 = arith.constant 0 : i32
    %scan3A_23 = arith.constant 160 : i32
    %scan3A_24 = arith.addi %scan3A_22, %scan3A_23 : i32
    %scan3A_25 = arith.constant 1 : i32
    scf.for %scan3A_48 = %scan3A_22 to %scan3A_24 step %scan3A_25  : i32 {
      %mul3A_49 = arith.constant 128 : i32
      %mul3A_50 = arith.muli %scan3A_48, %mul3A_49 : i32
      %add3A_51 = arith.addi %mul3A_21, %mul3A_50 : i32
      "tpu.region"() ({
        %run_scoped3A = tpu.sem_alloc : memref<!tpu.dma_semaphore, #tpu.memory_space<semaphore_mem>>
        %dma_start3A_64 = tpu.memref_slice %arg3[%add3A_51] : memref<327680xi32, #tpu.memory_space<hbm>> -> memref<128xi32, #tpu.memory_space<hbm>>
        %dma_start3A_65 = tpu.memref_slice %arg3[%add3A_51] : memref<327680xi32, #tpu.memory_space<hbm>> -> memref<128xi32, #tpu.memory_space<hbm>>
        tpu.enqueue_dma source(%dma_start3A_65 : memref<128xi32, #tpu.memory_space<hbm>>) target(%arg6 : memref<128xi32, #tpu.memory_space<vmem>>) target_semaphore(%run_scoped3A : memref<!tpu.dma_semaphore, #tpu.memory_space<semaphore_mem>>)
        %dma_wait3A_66 = tpu.memref_slice %arg3[%add3A_51] : memref<327680xi32, #tpu.memory_space<hbm>> -> memref<128xi32, #tpu.memory_space<hbm>>
        %dma_wait3A_67 = tpu.memref_slice %arg3[%add3A_51] : memref<327680xi32, #tpu.memory_space<hbm>> -> memref<128xi32, #tpu.memory_space<hbm>>
        tpu.wait_dma2 semaphore(%run_scoped3A : memref<!tpu.dma_semaphore, #tpu.memory_space<semaphore_mem>>) src(%dma_wait3A_67 : memref<128xi32, #tpu.memory_space<hbm>>) dst(%arg6 : memref<128xi32, #tpu.memory_space<vmem>>)
        tpu.yield
      }) : () -> ()
      "tpu.region"() ({
        %run_scoped3A = tpu.sem_alloc : memref<!tpu.dma_semaphore, #tpu.memory_space<semaphore_mem>>
        %dma_start3A_64 = tpu.memref_slice %arg4[%add3A_51] : memref<327680xi32, #tpu.memory_space<hbm>> -> memref<128xi32, #tpu.memory_space<hbm>>
        %dma_start3A_65 = tpu.memref_slice %arg4[%add3A_51] : memref<327680xi32, #tpu.memory_space<hbm>> -> memref<128xi32, #tpu.memory_space<hbm>>
        tpu.enqueue_dma source(%dma_start3A_65 : memref<128xi32, #tpu.memory_space<hbm>>) target(%arg7 : memref<128xi32, #tpu.memory_space<vmem>>) target_semaphore(%run_scoped3A : memref<!tpu.dma_semaphore, #tpu.memory_space<semaphore_mem>>)
        %dma_wait3A_66 = tpu.memref_slice %arg4[%add3A_51] : memref<327680xi32, #tpu.memory_space<hbm>> -> memref<128xi32, #tpu.memory_space<hbm>>
        %dma_wait3A_67 = tpu.memref_slice %arg4[%add3A_51] : memref<327680xi32, #tpu.memory_space<hbm>> -> memref<128xi32, #tpu.memory_space<hbm>>
        tpu.wait_dma2 semaphore(%run_scoped3A : memref<!tpu.dma_semaphore, #tpu.memory_space<semaphore_mem>>) src(%dma_wait3A_67 : memref<128xi32, #tpu.memory_space<hbm>>) dst(%arg7 : memref<128xi32, #tpu.memory_space<vmem>>)
        tpu.yield
      }) : () -> ()
      %dma_start3A = arith.constant 0 : i32
      %dma_start3A_52 = arith.constant 0 : i32
      %dma_start3A_53 = tpu.memref_slice %arg2[%arg0, %dma_start3A, %dma_start3A_52] : memref<2x10240x128xf32, #tpu.memory_space<hbm>> -> memref<1x10240x128xf32, #tpu.memory_space<hbm>>
      %dma_start3A_54 = tpu.memref_squeeze %dma_start3A_53 : memref<1x10240x128xf32, #tpu.memory_space<hbm>> -> memref<10240x128xf32, #tpu.memory_space<hbm>>
      %dma_start3A_55 = arith.constant 0 : i32
      %dma_start3A_56 = arith.constant 0 : i32
      %dma_start3A_57 = tpu.memref_slice %dma_start3A_54[%dma_start3A_55, %dma_start3A_56] : memref<10240x128xf32, #tpu.memory_space<hbm>> -> memref<10240x128xf32, #tpu.memory_space<hbm>>
      tpu.enqueue_indirect_dma source(%dma_start3A_57 : memref<10240x128xf32, #tpu.memory_space<hbm>>) target(%arg8 : memref<128x128xf32, #tpu.memory_space<vmem>>) offsets(%arg6 : memref<128xi32, #tpu.memory_space<vmem>>) semaphore(%arg11 : memref<!tpu.dma_semaphore, #tpu.memory_space<semaphore_mem>>)
      %dma_wait3A = arith.constant 0 : i32
      %dma_wait3A_58 = arith.constant 0 : i32
      %dma_wait3A_59 = tpu.memref_slice %arg2[%arg0, %dma_wait3A, %dma_wait3A_58] : memref<2x10240x128xf32, #tpu.memory_space<hbm>> -> memref<1x10240x128xf32, #tpu.memory_space<hbm>>
      %dma_wait3A_60 = tpu.memref_squeeze %dma_wait3A_59 : memref<1x10240x128xf32, #tpu.memory_space<hbm>> -> memref<10240x128xf32, #tpu.memory_space<hbm>>
      %dma_wait3A_61 = arith.constant 0 : i32
      %dma_wait3A_62 = arith.constant 0 : i32
      %dma_wait3A_63 = tpu.memref_slice %dma_wait3A_60[%dma_wait3A_61, %dma_wait3A_62] : memref<10240x128xf32, #tpu.memory_space<hbm>> -> memref<10240x128xf32, #tpu.memory_space<hbm>>
      tpu.wait_indirect_dma semaphore(%arg11 : memref<!tpu.dma_semaphore, #tpu.memory_space<semaphore_mem>>) src(%dma_wait3A_63 : memref<10240x128xf32, #tpu.memory_space<hbm>>) dst(%arg8 : memref<128x128xf32, #tpu.memory_space<vmem>>)
      "tpu.region"() ({
        %run_scoped3A = tpu.sem_alloc : memref<!tpu.dma_semaphore, #tpu.memory_space<semaphore_mem>>
        %dma_start3A_64 = arith.constant 0 : i32
        %dma_start3A_65 = arith.constant 0 : i32
        %dma_start3A_66 = tpu.memref_slice %arg10[%dma_start3A_64, %dma_start3A_65] : memref<10240x128xf32, #tpu.memory_space<vmem_shared>> -> memref<10240x128xf32, #tpu.memory_space<vmem_shared>>
        tpu.enqueue_indirect_dma source(%arg8 : memref<128x128xf32, #tpu.memory_space<vmem>>) target(%dma_start3A_66 : memref<10240x128xf32, #tpu.memory_space<vmem_shared>>) offsets(%arg7 : memref<128xi32, #tpu.memory_space<vmem>>) semaphore(%run_scoped3A : memref<!tpu.dma_semaphore, #tpu.memory_space<semaphore_mem>>) {add = true}
        %dma_wait3A_67 = arith.constant 0 : i32
        %dma_wait3A_68 = arith.constant 0 : i32
        %dma_wait3A_69 = tpu.memref_slice %arg10[%dma_wait3A_67, %dma_wait3A_68] : memref<10240x128xf32, #tpu.memory_space<vmem_shared>> -> memref<10240x128xf32, #tpu.memory_space<vmem_shared>>
        tpu.wait_indirect_dma semaphore(%run_scoped3A : memref<!tpu.dma_semaphore, #tpu.memory_space<semaphore_mem>>) src(%arg8 : memref<128x128xf32, #tpu.memory_space<vmem>>) dst(%dma_wait3A_69 : memref<10240x128xf32, #tpu.memory_space<vmem_shared>>)
        tpu.yield
      }) : () -> ()
    }
    %scan3A_26 = arith.constant 160 : i32
    %barrier3A_27 = arith.constant 0 : index
    tpu.barrier barrier_id(%barrier3A_27)
    %mul3A_28 = arith.constant 640 : i32
    %mul3A_29 = arith.muli %arg1, %mul3A_28 : i32
    %add3A_30 = arith.constant 0 : i32
    %add3A_31 = arith.addi %mul3A_29, %add3A_30 : i32
    "tpu.region"() ({
      %run_scoped3A = tpu.sem_alloc : memref<!tpu.dma_semaphore, #tpu.memory_space<semaphore_mem>>
      %dma_start3A = arith.constant 0 : i32
      %dma_start3A_48 = tpu.memref_slice %arg10[%add3A_31, %dma_start3A] : memref<10240x128xf32, #tpu.memory_space<vmem_shared>> -> memref<128x128xf32, #tpu.memory_space<vmem_shared>>
      %dma_start3A_49 = arith.constant 0 : i32
      %dma_start3A_50 = tpu.memref_slice %arg10[%add3A_31, %dma_start3A_49] : memref<10240x128xf32, #tpu.memory_space<vmem_shared>> -> memref<128x128xf32, #tpu.memory_space<vmem_shared>>
      tpu.enqueue_dma source(%dma_start3A_50 : memref<128x128xf32, #tpu.memory_space<vmem_shared>>) target(%arg9 : memref<128x128xf32, #tpu.memory_space<vmem>>) target_semaphore(%run_scoped3A : memref<!tpu.dma_semaphore, #tpu.memory_space<semaphore_mem>>)
      %dma_wait3A = arith.constant 0 : i32
      %dma_wait3A_51 = tpu.memref_slice %arg10[%add3A_31, %dma_wait3A] : memref<10240x128xf32, #tpu.memory_space<vmem_shared>> -> memref<128x128xf32, #tpu.memory_space<vmem_shared>>
      %dma_wait3A_52 = arith.constant 0 : i32
      %dma_wait3A_53 = tpu.memref_slice %arg10[%add3A_31, %dma_wait3A_52] : memref<10240x128xf32, #tpu.memory_space<vmem_shared>> -> memref<128x128xf32, #tpu.memory_space<vmem_shared>>
      tpu.wait_dma2 semaphore(%run_scoped3A : memref<!tpu.dma_semaphore, #tpu.memory_space<semaphore_mem>>) src(%dma_wait3A_53 : memref<128x128xf32, #tpu.memory_space<vmem_shared>>) dst(%arg9 : memref<128x128xf32, #tpu.memory_space<vmem>>)
      tpu.yield
    }) : () -> ()
    "tpu.region"() ({
      %run_scoped3A = tpu.sem_alloc : memref<!tpu.dma_semaphore, #tpu.memory_space<semaphore_mem>>
      %dma_start3A = arith.constant 0 : i32
      %dma_start3A_48 = tpu.memref_slice %arg5[%arg0, %add3A_31, %dma_start3A] : memref<2x10240x128xf32, #tpu.memory_space<hbm>> -> memref<1x128x128xf32, #tpu.memory_space<hbm>>
      %dma_start3A_49 = tpu.memref_squeeze %dma_start3A_48 : memref<1x128x128xf32, #tpu.memory_space<hbm>> -> memref<128x128xf32, #tpu.memory_space<hbm>>
      %dma_start3A_50 = arith.constant 0 : i32
      %dma_start3A_51 = tpu.memref_slice %arg5[%arg0, %add3A_31, %dma_start3A_50] : memref<2x10240x128xf32, #tpu.memory_space<hbm>> -> memref<1x128x128xf32, #tpu.memory_space<hbm>>
      %dma_start3A_52 = tpu.memref_squeeze %dma_start3A_51 : memref<1x128x128xf32, #tpu.memory_space<hbm>> -> memref<128x128xf32, #tpu.memory_space<hbm>>
      tpu.enqueue_dma source(%arg9 : memref<128x128xf32, #tpu.memory_space<vmem>>) target(%dma_start3A_52 : memref<128x128xf32, #tpu.memory_space<hbm>>) target_semaphore(%run_scoped3A : memref<!tpu.dma_semaphore, #tpu.memory_space<semaphore_mem>>)
      %dma_wait3A = arith.constant 0 : i32
      %dma_wait3A_53 = tpu.memref_slice %arg5[%arg0, %add3A_31, %dma_wait3A] : memref<2x10240x128xf32, #tpu.memory_space<hbm>> -> memref<1x128x128xf32, #tpu.memory_space<hbm>>
      %dma_wait3A_54 = tpu.memref_squeeze %dma_wait3A_53 : memref<1x128x128xf32, #tpu.memory_space<hbm>> -> memref<128x128xf32, #tpu.memory_space<hbm>>
      %dma_wait3A_55 = arith.constant 0 : i32
      %dma_wait3A_56 = tpu.memref_slice %arg5[%arg0, %add3A_31, %dma_wait3A_55] : memref<2x10240x128xf32, #tpu.memory_space<hbm>> -> memref<1x128x128xf32, #tpu.memory_space<hbm>>
      %dma_wait3A_57 = tpu.memref_squeeze %dma_wait3A_56 : memref<1x128x128xf32, #tpu.memory_space<hbm>> -> memref<128x128xf32, #tpu.memory_space<hbm>>
      tpu.wait_dma2 semaphore(%run_scoped3A : memref<!tpu.dma_semaphore, #tpu.memory_space<semaphore_mem>>) src(%arg9 : memref<128x128xf32, #tpu.memory_space<vmem>>) dst(%dma_wait3A_57 : memref<128x128xf32, #tpu.memory_space<hbm>>)
      tpu.yield
    }) : () -> ()
    %mul3A_32 = arith.constant 640 : i32
    %mul3A_33 = arith.muli %arg1, %mul3A_32 : i32
    %add3A_34 = arith.constant 128 : i32
    %add3A_35 = arith.addi %mul3A_33, %add3A_34 : i32
    "tpu.region"() ({
      %run_scoped3A = tpu.sem_alloc : memref<!tpu.dma_semaphore, #tpu.memory_space<semaphore_mem>>
      %dma_start3A = arith.constant 0 : i32
      %dma_start3A_48 = tpu.memref_slice %arg10[%add3A_35, %dma_start3A] : memref<10240x128xf32, #tpu.memory_space<vmem_shared>> -> memref<128x128xf32, #tpu.memory_space<vmem_shared>>
      %dma_start3A_49 = arith.constant 0 : i32
      %dma_start3A_50 = tpu.memref_slice %arg10[%add3A_35, %dma_start3A_49] : memref<10240x128xf32, #tpu.memory_space<vmem_shared>> -> memref<128x128xf32, #tpu.memory_space<vmem_shared>>
      tpu.enqueue_dma source(%dma_start3A_50 : memref<128x128xf32, #tpu.memory_space<vmem_shared>>) target(%arg9 : memref<128x128xf32, #tpu.memory_space<vmem>>) target_semaphore(%run_scoped3A : memref<!tpu.dma_semaphore, #tpu.memory_space<semaphore_mem>>)
      %dma_wait3A = arith.constant 0 : i32
      %dma_wait3A_51 = tpu.memref_slice %arg10[%add3A_35, %dma_wait3A] : memref<10240x128xf32, #tpu.memory_space<vmem_shared>> -> memref<128x128xf32, #tpu.memory_space<vmem_shared>>
      %dma_wait3A_52 = arith.constant 0 : i32
      %dma_wait3A_53 = tpu.memref_slice %arg10[%add3A_35, %dma_wait3A_52] : memref<10240x128xf32, #tpu.memory_space<vmem_shared>> -> memref<128x128xf32, #tpu.memory_space<vmem_shared>>
      tpu.wait_dma2 semaphore(%run_scoped3A : memref<!tpu.dma_semaphore, #tpu.memory_space<semaphore_mem>>) src(%dma_wait3A_53 : memref<128x128xf32, #tpu.memory_space<vmem_shared>>) dst(%arg9 : memref<128x128xf32, #tpu.memory_space<vmem>>)
      tpu.yield
    }) : () -> ()
    "tpu.region"() ({
      %run_scoped3A = tpu.sem_alloc : memref<!tpu.dma_semaphore, #tpu.memory_space<semaphore_mem>>
      %dma_start3A = arith.constant 0 : i32
      %dma_start3A_48 = tpu.memref_slice %arg5[%arg0, %add3A_35, %dma_start3A] : memref<2x10240x128xf32, #tpu.memory_space<hbm>> -> memref<1x128x128xf32, #tpu.memory_space<hbm>>
      %dma_start3A_49 = tpu.memref_squeeze %dma_start3A_48 : memref<1x128x128xf32, #tpu.memory_space<hbm>> -> memref<128x128xf32, #tpu.memory_space<hbm>>
      %dma_start3A_50 = arith.constant 0 : i32
      %dma_start3A_51 = tpu.memref_slice %arg5[%arg0, %add3A_35, %dma_start3A_50] : memref<2x10240x128xf32, #tpu.memory_space<hbm>> -> memref<1x128x128xf32, #tpu.memory_space<hbm>>
      %dma_start3A_52 = tpu.memref_squeeze %dma_start3A_51 : memref<1x128x128xf32, #tpu.memory_space<hbm>> -> memref<128x128xf32, #tpu.memory_space<hbm>>
      tpu.enqueue_dma source(%arg9 : memref<128x128xf32, #tpu.memory_space<vmem>>) target(%dma_start3A_52 : memref<128x128xf32, #tpu.memory_space<hbm>>) target_semaphore(%run_scoped3A : memref<!tpu.dma_semaphore, #tpu.memory_space<semaphore_mem>>)
      %dma_wait3A = arith.constant 0 : i32
      %dma_wait3A_53 = tpu.memref_slice %arg5[%arg0, %add3A_35, %dma_wait3A] : memref<2x10240x128xf32, #tpu.memory_space<hbm>> -> memref<1x128x128xf32, #tpu.memory_space<hbm>>
      %dma_wait3A_54 = tpu.memref_squeeze %dma_wait3A_53 : memref<1x128x128xf32, #tpu.memory_space<hbm>> -> memref<128x128xf32, #tpu.memory_space<hbm>>
      %dma_wait3A_55 = arith.constant 0 : i32
      %dma_wait3A_56 = tpu.memref_slice %arg5[%arg0, %add3A_35, %dma_wait3A_55] : memref<2x10240x128xf32, #tpu.memory_space<hbm>> -> memref<1x128x128xf32, #tpu.memory_space<hbm>>
      %dma_wait3A_57 = tpu.memref_squeeze %dma_wait3A_56 : memref<1x128x128xf32, #tpu.memory_space<hbm>> -> memref<128x128xf32, #tpu.memory_space<hbm>>
      tpu.wait_dma2 semaphore(%run_scoped3A : memref<!tpu.dma_semaphore, #tpu.memory_space<semaphore_mem>>) src(%arg9 : memref<128x128xf32, #tpu.memory_space<vmem>>) dst(%dma_wait3A_57 : memref<128x128xf32, #tpu.memory_space<hbm>>)
      tpu.yield
    }) : () -> ()
    %mul3A_36 = arith.constant 640 : i32
    %mul3A_37 = arith.muli %arg1, %mul3A_36 : i32
    %add3A_38 = arith.constant 256 : i32
    %add3A_39 = arith.addi %mul3A_37, %add3A_38 : i32
    "tpu.region"() ({
      %run_scoped3A = tpu.sem_alloc : memref<!tpu.dma_semaphore, #tpu.memory_space<semaphore_mem>>
      %dma_start3A = arith.constant 0 : i32
      %dma_start3A_48 = tpu.memref_slice %arg10[%add3A_39, %dma_start3A] : memref<10240x128xf32, #tpu.memory_space<vmem_shared>> -> memref<128x128xf32, #tpu.memory_space<vmem_shared>>
      %dma_start3A_49 = arith.constant 0 : i32
      %dma_start3A_50 = tpu.memref_slice %arg10[%add3A_39, %dma_start3A_49] : memref<10240x128xf32, #tpu.memory_space<vmem_shared>> -> memref<128x128xf32, #tpu.memory_space<vmem_shared>>
      tpu.enqueue_dma source(%dma_start3A_50 : memref<128x128xf32, #tpu.memory_space<vmem_shared>>) target(%arg9 : memref<128x128xf32, #tpu.memory_space<vmem>>) target_semaphore(%run_scoped3A : memref<!tpu.dma_semaphore, #tpu.memory_space<semaphore_mem>>)
      %dma_wait3A = arith.constant 0 : i32
      %dma_wait3A_51 = tpu.memref_slice %arg10[%add3A_39, %dma_wait3A] : memref<10240x128xf32, #tpu.memory_space<vmem_shared>> -> memref<128x128xf32, #tpu.memory_space<vmem_shared>>
      %dma_wait3A_52 = arith.constant 0 : i32
      %dma_wait3A_53 = tpu.memref_slice %arg10[%add3A_39, %dma_wait3A_52] : memref<10240x128xf32, #tpu.memory_space<vmem_shared>> -> memref<128x128xf32, #tpu.memory_space<vmem_shared>>
      tpu.wait_dma2 semaphore(%run_scoped3A : memref<!tpu.dma_semaphore, #tpu.memory_space<semaphore_mem>>) src(%dma_wait3A_53 : memref<128x128xf32, #tpu.memory_space<vmem_shared>>) dst(%arg9 : memref<128x128xf32, #tpu.memory_space<vmem>>)
      tpu.yield
    }) : () -> ()
    "tpu.region"() ({
      %run_scoped3A = tpu.sem_alloc : memref<!tpu.dma_semaphore, #tpu.memory_space<semaphore_mem>>
      %dma_start3A = arith.constant 0 : i32
      %dma_start3A_48 = tpu.memref_slice %arg5[%arg0, %add3A_39, %dma_start3A] : memref<2x10240x128xf32, #tpu.memory_space<hbm>> -> memref<1x128x128xf32, #tpu.memory_space<hbm>>
      %dma_start3A_49 = tpu.memref_squeeze %dma_start3A_48 : memref<1x128x128xf32, #tpu.memory_space<hbm>> -> memref<128x128xf32, #tpu.memory_space<hbm>>
      %dma_start3A_50 = arith.constant 0 : i32
      %dma_start3A_51 = tpu.memref_slice %arg5[%arg0, %add3A_39, %dma_start3A_50] : memref<2x10240x128xf32, #tpu.memory_space<hbm>> -> memref<1x128x128xf32, #tpu.memory_space<hbm>>
      %dma_start3A_52 = tpu.memref_squeeze %dma_start3A_51 : memref<1x128x128xf32, #tpu.memory_space<hbm>> -> memref<128x128xf32, #tpu.memory_space<hbm>>
      tpu.enqueue_dma source(%arg9 : memref<128x128xf32, #tpu.memory_space<vmem>>) target(%dma_start3A_52 : memref<128x128xf32, #tpu.memory_space<hbm>>) target_semaphore(%run_scoped3A : memref<!tpu.dma_semaphore, #tpu.memory_space<semaphore_mem>>)
      %dma_wait3A = arith.constant 0 : i32
      %dma_wait3A_53 = tpu.memref_slice %arg5[%arg0, %add3A_39, %dma_wait3A] : memref<2x10240x128xf32, #tpu.memory_space<hbm>> -> memref<1x128x128xf32, #tpu.memory_space<hbm>>
      %dma_wait3A_54 = tpu.memref_squeeze %dma_wait3A_53 : memref<1x128x128xf32, #tpu.memory_space<hbm>> -> memref<128x128xf32, #tpu.memory_space<hbm>>
      %dma_wait3A_55 = arith.constant 0 : i32
      %dma_wait3A_56 = tpu.memref_slice %arg5[%arg0, %add3A_39, %dma_wait3A_55] : memref<2x10240x128xf32, #tpu.memory_space<hbm>> -> memref<1x128x128xf32, #tpu.memory_space<hbm>>
      %dma_wait3A_57 = tpu.memref_squeeze %dma_wait3A_56 : memref<1x128x128xf32, #tpu.memory_space<hbm>> -> memref<128x128xf32, #tpu.memory_space<hbm>>
      tpu.wait_dma2 semaphore(%run_scoped3A : memref<!tpu.dma_semaphore, #tpu.memory_space<semaphore_mem>>) src(%arg9 : memref<128x128xf32, #tpu.memory_space<vmem>>) dst(%dma_wait3A_57 : memref<128x128xf32, #tpu.memory_space<hbm>>)
      tpu.yield
    }) : () -> ()
    %mul3A_40 = arith.constant 640 : i32
    %mul3A_41 = arith.muli %arg1, %mul3A_40 : i32
    %add3A_42 = arith.constant 384 : i32
    %add3A_43 = arith.addi %mul3A_41, %add3A_42 : i32
    "tpu.region"() ({
      %run_scoped3A = tpu.sem_alloc : memref<!tpu.dma_semaphore, #tpu.memory_space<semaphore_mem>>
      %dma_start3A = arith.constant 0 : i32
      %dma_start3A_48 = tpu.memref_slice %arg10[%add3A_43, %dma_start3A] : memref<10240x128xf32, #tpu.memory_space<vmem_shared>> -> memref<128x128xf32, #tpu.memory_space<vmem_shared>>
      %dma_start3A_49 = arith.constant 0 : i32
      %dma_start3A_50 = tpu.memref_slice %arg10[%add3A_43, %dma_start3A_49] : memref<10240x128xf32, #tpu.memory_space<vmem_shared>> -> memref<128x128xf32, #tpu.memory_space<vmem_shared>>
      tpu.enqueue_dma source(%dma_start3A_50 : memref<128x128xf32, #tpu.memory_space<vmem_shared>>) target(%arg9 : memref<128x128xf32, #tpu.memory_space<vmem>>) target_semaphore(%run_scoped3A : memref<!tpu.dma_semaphore, #tpu.memory_space<semaphore_mem>>)
      %dma_wait3A = arith.constant 0 : i32
      %dma_wait3A_51 = tpu.memref_slice %arg10[%add3A_43, %dma_wait3A] : memref<10240x128xf32, #tpu.memory_space<vmem_shared>> -> memref<128x128xf32, #tpu.memory_space<vmem_shared>>
      %dma_wait3A_52 = arith.constant 0 : i32
      %dma_wait3A_53 = tpu.memref_slice %arg10[%add3A_43, %dma_wait3A_52] : memref<10240x128xf32, #tpu.memory_space<vmem_shared>> -> memref<128x128xf32, #tpu.memory_space<vmem_shared>>
      tpu.wait_dma2 semaphore(%run_scoped3A : memref<!tpu.dma_semaphore, #tpu.memory_space<semaphore_mem>>) src(%dma_wait3A_53 : memref<128x128xf32, #tpu.memory_space<vmem_shared>>) dst(%arg9 : memref<128x128xf32, #tpu.memory_space<vmem>>)
      tpu.yield
    }) : () -> ()
    "tpu.region"() ({
      %run_scoped3A = tpu.sem_alloc : memref<!tpu.dma_semaphore, #tpu.memory_space<semaphore_mem>>
      %dma_start3A = arith.constant 0 : i32
      %dma_start3A_48 = tpu.memref_slice %arg5[%arg0, %add3A_43, %dma_start3A] : memref<2x10240x128xf32, #tpu.memory_space<hbm>> -> memref<1x128x128xf32, #tpu.memory_space<hbm>>
      %dma_start3A_49 = tpu.memref_squeeze %dma_start3A_48 : memref<1x128x128xf32, #tpu.memory_space<hbm>> -> memref<128x128xf32, #tpu.memory_space<hbm>>
      %dma_start3A_50 = arith.constant 0 : i32
      %dma_start3A_51 = tpu.memref_slice %arg5[%arg0, %add3A_43, %dma_start3A_50] : memref<2x10240x128xf32, #tpu.memory_space<hbm>> -> memref<1x128x128xf32, #tpu.memory_space<hbm>>
      %dma_start3A_52 = tpu.memref_squeeze %dma_start3A_51 : memref<1x128x128xf32, #tpu.memory_space<hbm>> -> memref<128x128xf32, #tpu.memory_space<hbm>>
      tpu.enqueue_dma source(%arg9 : memref<128x128xf32, #tpu.memory_space<vmem>>) target(%dma_start3A_52 : memref<128x128xf32, #tpu.memory_space<hbm>>) target_semaphore(%run_scoped3A : memref<!tpu.dma_semaphore, #tpu.memory_space<semaphore_mem>>)
      %dma_wait3A = arith.constant 0 : i32
      %dma_wait3A_53 = tpu.memref_slice %arg5[%arg0, %add3A_43, %dma_wait3A] : memref<2x10240x128xf32, #tpu.memory_space<hbm>> -> memref<1x128x128xf32, #tpu.memory_space<hbm>>
      %dma_wait3A_54 = tpu.memref_squeeze %dma_wait3A_53 : memref<1x128x128xf32, #tpu.memory_space<hbm>> -> memref<128x128xf32, #tpu.memory_space<hbm>>
      %dma_wait3A_55 = arith.constant 0 : i32
      %dma_wait3A_56 = tpu.memref_slice %arg5[%arg0, %add3A_43, %dma_wait3A_55] : memref<2x10240x128xf32, #tpu.memory_space<hbm>> -> memref<1x128x128xf32, #tpu.memory_space<hbm>>
      %dma_wait3A_57 = tpu.memref_squeeze %dma_wait3A_56 : memref<1x128x128xf32, #tpu.memory_space<hbm>> -> memref<128x128xf32, #tpu.memory_space<hbm>>
      tpu.wait_dma2 semaphore(%run_scoped3A : memref<!tpu.dma_semaphore, #tpu.memory_space<semaphore_mem>>) src(%arg9 : memref<128x128xf32, #tpu.memory_space<vmem>>) dst(%dma_wait3A_57 : memref<128x128xf32, #tpu.memory_space<hbm>>)
      tpu.yield
    }) : () -> ()
    %mul3A_44 = arith.constant 640 : i32
    %mul3A_45 = arith.muli %arg1, %mul3A_44 : i32
    %add3A_46 = arith.constant 512 : i32
    %add3A_47 = arith.addi %mul3A_45, %add3A_46 : i32
    "tpu.region"() ({
      %run_scoped3A = tpu.sem_alloc : memref<!tpu.dma_semaphore, #tpu.memory_space<semaphore_mem>>
      %dma_start3A = arith.constant 0 : i32
      %dma_start3A_48 = tpu.memref_slice %arg10[%add3A_47, %dma_start3A] : memref<10240x128xf32, #tpu.memory_space<vmem_shared>> -> memref<128x128xf32, #tpu.memory_space<vmem_shared>>
      %dma_start3A_49 = arith.constant 0 : i32
      %dma_start3A_50 = tpu.memref_slice %arg10[%add3A_47, %dma_start3A_49] : memref<10240x128xf32, #tpu.memory_space<vmem_shared>> -> memref<128x128xf32, #tpu.memory_space<vmem_shared>>
      tpu.enqueue_dma source(%dma_start3A_50 : memref<128x128xf32, #tpu.memory_space<vmem_shared>>) target(%arg9 : memref<128x128xf32, #tpu.memory_space<vmem>>) target_semaphore(%run_scoped3A : memref<!tpu.dma_semaphore, #tpu.memory_space<semaphore_mem>>)
      %dma_wait3A = arith.constant 0 : i32
      %dma_wait3A_51 = tpu.memref_slice %arg10[%add3A_47, %dma_wait3A] : memref<10240x128xf32, #tpu.memory_space<vmem_shared>> -> memref<128x128xf32, #tpu.memory_space<vmem_shared>>
      %dma_wait3A_52 = arith.constant 0 : i32
      %dma_wait3A_53 = tpu.memref_slice %arg10[%add3A_47, %dma_wait3A_52] : memref<10240x128xf32, #tpu.memory_space<vmem_shared>> -> memref<128x128xf32, #tpu.memory_space<vmem_shared>>
      tpu.wait_dma2 semaphore(%run_scoped3A : memref<!tpu.dma_semaphore, #tpu.memory_space<semaphore_mem>>) src(%dma_wait3A_53 : memref<128x128xf32, #tpu.memory_space<vmem_shared>>) dst(%arg9 : memref<128x128xf32, #tpu.memory_space<vmem>>)
      tpu.yield
    }) : () -> ()
    "tpu.region"() ({
      %run_scoped3A = tpu.sem_alloc : memref<!tpu.dma_semaphore, #tpu.memory_space<semaphore_mem>>
      %dma_start3A = arith.constant 0 : i32
      %dma_start3A_48 = tpu.memref_slice %arg5[%arg0, %add3A_47, %dma_start3A] : memref<2x10240x128xf32, #tpu.memory_space<hbm>> -> memref<1x128x128xf32, #tpu.memory_space<hbm>>
      %dma_start3A_49 = tpu.memref_squeeze %dma_start3A_48 : memref<1x128x128xf32, #tpu.memory_space<hbm>> -> memref<128x128xf32, #tpu.memory_space<hbm>>
      %dma_start3A_50 = arith.constant 0 : i32
      %dma_start3A_51 = tpu.memref_slice %arg5[%arg0, %add3A_47, %dma_start3A_50] : memref<2x10240x128xf32, #tpu.memory_space<hbm>> -> memref<1x128x128xf32, #tpu.memory_space<hbm>>
      %dma_start3A_52 = tpu.memref_squeeze %dma_start3A_51 : memref<1x128x128xf32, #tpu.memory_space<hbm>> -> memref<128x128xf32, #tpu.memory_space<hbm>>
      tpu.enqueue_dma source(%arg9 : memref<128x128xf32, #tpu.memory_space<vmem>>) target(%dma_start3A_52 : memref<128x128xf32, #tpu.memory_space<hbm>>) target_semaphore(%run_scoped3A : memref<!tpu.dma_semaphore, #tpu.memory_space<semaphore_mem>>)
      %dma_wait3A = arith.constant 0 : i32
      %dma_wait3A_53 = tpu.memref_slice %arg5[%arg0, %add3A_47, %dma_wait3A] : memref<2x10240x128xf32, #tpu.memory_space<hbm>> -> memref<1x128x128xf32, #tpu.memory_space<hbm>>
      %dma_wait3A_54 = tpu.memref_squeeze %dma_wait3A_53 : memref<1x128x128xf32, #tpu.memory_space<hbm>> -> memref<128x128xf32, #tpu.memory_space<hbm>>
      %dma_wait3A_55 = arith.constant 0 : i32
      %dma_wait3A_56 = tpu.memref_slice %arg5[%arg0, %add3A_47, %dma_wait3A_55] : memref<2x10240x128xf32, #tpu.memory_space<hbm>> -> memref<1x128x128xf32, #tpu.memory_space<hbm>>
      %dma_wait3A_57 = tpu.memref_squeeze %dma_wait3A_56 : memref<1x128x128xf32, #tpu.memory_space<hbm>> -> memref<128x128xf32, #tpu.memory_space<hbm>>
      tpu.wait_dma2 semaphore(%run_scoped3A : memref<!tpu.dma_semaphore, #tpu.memory_space<semaphore_mem>>) src(%arg9 : memref<128x128xf32, #tpu.memory_space<vmem>>) dst(%dma_wait3A_57 : memref<128x128xf32, #tpu.memory_space<hbm>>)
      tpu.yield
    }) : () -> ()
    return
  }
}

#map = affine_map<(d0, d1) -> (0, 0)>
module attributes {stable_mosaic.version = 14 : i64} {
  func.func @_dec_kernel(%arg0: i32, %arg1: i32, %arg2: memref<10240x256xf32, #tpu.memory_space<hbm>>, %arg3: memref<10240x256xf32, #tpu.memory_space<hbm>>, %arg4: memref<2560x128xi32, #tpu.memory_space<hbm>>, %arg5: memref<2560x128xi32, #tpu.memory_space<hbm>>, %arg6: memref<16x16xf32, #tpu.memory_space<hbm>>, %arg7: memref<327680x16xf32, #tpu.memory_space<hbm>>, %arg8: memref<80x128xi32, #tpu.memory_space<vmem>>, %arg9: memref<80x128xi32, #tpu.memory_space<vmem>>, %arg10: memref<64x256xf32, #tpu.memory_space<vmem>>, %arg11: memref<64x256xf32, #tpu.memory_space<vmem>>, %arg12: memref<64x256xf32, #tpu.memory_space<vmem>>, %arg13: memref<64x256xf32, #tpu.memory_space<vmem>>, %arg14: memref<16x16xf32, #tpu.memory_space<vmem>>, %arg15: memref<64x16xf32, #tpu.memory_space<vmem>>, %arg16: memref<64x16xf32, #tpu.memory_space<vmem>>, %arg17: memref<!tpu.dma_semaphore, #tpu.memory_space<semaphore_mem>>, %arg18: memref<!tpu.dma_semaphore, #tpu.memory_space<semaphore_mem>>, %arg19: memref<!tpu.dma_semaphore, #tpu.memory_space<semaphore_mem>>, %arg20: memref<!tpu.dma_semaphore, #tpu.memory_space<semaphore_mem>>, %arg21: memref<!tpu.dma_semaphore, #tpu.memory_space<semaphore_mem>>, %arg22: memref<!tpu.dma_semaphore, #tpu.memory_space<semaphore_mem>>) attributes {dimension_semantics = [#tpu.dimension_semantics<core_parallel>, #tpu.dimension_semantics<subcore_parallel>], iteration_bounds = array<i64: 2, 16>, scalar_prefetch = 0 : i64, scratch_operands = 15 : i64, tpu.core_type = #tpu.core_type<sc_vector_subcore>, window_params = [{transform_indices = #map}, {transform_indices = #map}, {transform_indices = #map}, {transform_indices = #map}, {transform_indices = #map}, {transform_indices = #map}]} {
    %mul3A = arith.constant 2 : i32
    %mul3A_0 = arith.muli %arg1, %mul3A : i32
    %add3A = arith.addi %mul3A_0, %arg0 : i32
    %mul3A_1 = arith.constant 80 : i32
    %mul3A_2 = arith.muli %add3A, %mul3A_1 : i32
    %mul3A_3 = arith.constant 10240 : i32
    %mul3A_4 = arith.muli %add3A, %mul3A_3 : i32
    "tpu.region"() ({
      %run_scoped3A = tpu.sem_alloc : memref<!tpu.dma_semaphore, #tpu.memory_space<semaphore_mem>>
      tpu.enqueue_dma source(%arg6 : memref<16x16xf32, #tpu.memory_space<hbm>>) target(%arg14 : memref<16x16xf32, #tpu.memory_space<vmem>>) target_semaphore(%run_scoped3A : memref<!tpu.dma_semaphore, #tpu.memory_space<semaphore_mem>>)
      tpu.wait_dma2 semaphore(%run_scoped3A : memref<!tpu.dma_semaphore, #tpu.memory_space<semaphore_mem>>) src(%arg6 : memref<16x16xf32, #tpu.memory_space<hbm>>) dst(%arg14 : memref<16x16xf32, #tpu.memory_space<vmem>>)
      tpu.yield
    }) : () -> ()
    %get3A = arith.constant 0 : i32
    %get3A_5 = arith.index_cast %get3A : i32 to index
    %get3A_6 = arith.constant 0 : index
    %get3A_7 = tpu.vector_load %arg14[%get3A_5, %get3A_6] {strides = array<i32>} : memref<16x16xf32, #tpu.memory_space<vmem>>, vector<1x16xf32>,
    %get3A_8 = vector.shape_cast %get3A_7 : vector<1x16xf32> to vector<16xf32>
    %get3A_9 = arith.constant 1 : i32
    %get3A_10 = arith.index_cast %get3A_9 : i32 to index
    %get3A_11 = arith.constant 0 : index
    %get3A_12 = tpu.vector_load %arg14[%get3A_10, %get3A_11] {strides = array<i32>} : memref<16x16xf32, #tpu.memory_space<vmem>>, vector<1x16xf32>,
    %get3A_13 = vector.shape_cast %get3A_12 : vector<1x16xf32> to vector<16xf32>
    %get3A_14 = arith.constant 2 : i32
    %get3A_15 = arith.index_cast %get3A_14 : i32 to index
    %get3A_16 = arith.constant 0 : index
    %get3A_17 = tpu.vector_load %arg14[%get3A_15, %get3A_16] {strides = array<i32>} : memref<16x16xf32, #tpu.memory_space<vmem>>, vector<1x16xf32>,
    %get3A_18 = vector.shape_cast %get3A_17 : vector<1x16xf32> to vector<16xf32>
    %get3A_19 = arith.constant 3 : i32
    %get3A_20 = arith.index_cast %get3A_19 : i32 to index
    %get3A_21 = arith.constant 0 : index
    %get3A_22 = tpu.vector_load %arg14[%get3A_20, %get3A_21] {strides = array<i32>} : memref<16x16xf32, #tpu.memory_space<vmem>>, vector<1x16xf32>,
    %get3A_23 = vector.shape_cast %get3A_22 : vector<1x16xf32> to vector<16xf32>
    %get3A_24 = arith.constant 4 : i32
    %get3A_25 = arith.index_cast %get3A_24 : i32 to index
    %get3A_26 = arith.constant 0 : index
    %get3A_27 = tpu.vector_load %arg14[%get3A_25, %get3A_26] {strides = array<i32>} : memref<16x16xf32, #tpu.memory_space<vmem>>, vector<1x16xf32>,
    %get3A_28 = vector.shape_cast %get3A_27 : vector<1x16xf32> to vector<16xf32>
    %get3A_29 = arith.constant 5 : i32
    %get3A_30 = arith.index_cast %get3A_29 : i32 to index
    %get3A_31 = arith.constant 0 : index
    %get3A_32 = tpu.vector_load %arg14[%get3A_30, %get3A_31] {strides = array<i32>} : memref<16x16xf32, #tpu.memory_space<vmem>>, vector<1x16xf32>,
    %get3A_33 = vector.shape_cast %get3A_32 : vector<1x16xf32> to vector<16xf32>
    %get3A_34 = arith.constant 6 : i32
    %get3A_35 = arith.index_cast %get3A_34 : i32 to index
    %get3A_36 = arith.constant 0 : index
    %get3A_37 = tpu.vector_load %arg14[%get3A_35, %get3A_36] {strides = array<i32>} : memref<16x16xf32, #tpu.memory_space<vmem>>, vector<1x16xf32>,
    %get3A_38 = vector.shape_cast %get3A_37 : vector<1x16xf32> to vector<16xf32>
    %get3A_39 = arith.constant 7 : i32
    %get3A_40 = arith.index_cast %get3A_39 : i32 to index
    %get3A_41 = arith.constant 0 : index
    %get3A_42 = tpu.vector_load %arg14[%get3A_40, %get3A_41] {strides = array<i32>} : memref<16x16xf32, #tpu.memory_space<vmem>>, vector<1x16xf32>,
    %get3A_43 = vector.shape_cast %get3A_42 : vector<1x16xf32> to vector<16xf32>
    %get3A_44 = arith.constant 8 : i32
    %get3A_45 = arith.index_cast %get3A_44 : i32 to index
    %get3A_46 = arith.constant 0 : index
    %get3A_47 = tpu.vector_load %arg14[%get3A_45, %get3A_46] {strides = array<i32>} : memref<16x16xf32, #tpu.memory_space<vmem>>, vector<1x16xf32>,
    %get3A_48 = vector.shape_cast %get3A_47 : vector<1x16xf32> to vector<16xf32>
    %get3A_49 = arith.constant 9 : i32
    %get3A_50 = arith.index_cast %get3A_49 : i32 to index
    %get3A_51 = arith.constant 0 : index
    %get3A_52 = tpu.vector_load %arg14[%get3A_50, %get3A_51] {strides = array<i32>} : memref<16x16xf32, #tpu.memory_space<vmem>>, vector<1x16xf32>,
    %get3A_53 = vector.shape_cast %get3A_52 : vector<1x16xf32> to vector<16xf32>
    %get3A_54 = arith.constant 10 : i32
    %get3A_55 = arith.index_cast %get3A_54 : i32 to index
    %get3A_56 = arith.constant 0 : index
    %get3A_57 = tpu.vector_load %arg14[%get3A_55, %get3A_56] {strides = array<i32>} : memref<16x16xf32, #tpu.memory_space<vmem>>, vector<1x16xf32>,
    %get3A_58 = vector.shape_cast %get3A_57 : vector<1x16xf32> to vector<16xf32>
    %get3A_59 = arith.constant 11 : i32
    %get3A_60 = arith.index_cast %get3A_59 : i32 to index
    %get3A_61 = arith.constant 0 : index
    %get3A_62 = tpu.vector_load %arg14[%get3A_60, %get3A_61] {strides = array<i32>} : memref<16x16xf32, #tpu.memory_space<vmem>>, vector<1x16xf32>,
    %get3A_63 = vector.shape_cast %get3A_62 : vector<1x16xf32> to vector<16xf32>
    %get3A_64 = arith.constant 12 : i32
    %get3A_65 = arith.index_cast %get3A_64 : i32 to index
    %get3A_66 = arith.constant 0 : index
    %get3A_67 = tpu.vector_load %arg14[%get3A_65, %get3A_66] {strides = array<i32>} : memref<16x16xf32, #tpu.memory_space<vmem>>, vector<1x16xf32>,
    %get3A_68 = vector.shape_cast %get3A_67 : vector<1x16xf32> to vector<16xf32>
    %get3A_69 = arith.constant 13 : i32
    %get3A_70 = arith.index_cast %get3A_69 : i32 to index
    %get3A_71 = arith.constant 0 : index
    %get3A_72 = tpu.vector_load %arg14[%get3A_70, %get3A_71] {strides = array<i32>} : memref<16x16xf32, #tpu.memory_space<vmem>>, vector<1x16xf32>,
    %get3A_73 = vector.shape_cast %get3A_72 : vector<1x16xf32> to vector<16xf32>
    %get3A_74 = arith.constant 14 : i32
    %get3A_75 = arith.index_cast %get3A_74 : i32 to index
    %get3A_76 = arith.constant 0 : index
    %get3A_77 = tpu.vector_load %arg14[%get3A_75, %get3A_76] {strides = array<i32>} : memref<16x16xf32, #tpu.memory_space<vmem>>, vector<1x16xf32>,
    %get3A_78 = vector.shape_cast %get3A_77 : vector<1x16xf32> to vector<16xf32>
    %get3A_79 = arith.constant 15 : i32
    %get3A_80 = arith.index_cast %get3A_79 : i32 to index
    %get3A_81 = arith.constant 0 : index
    %get3A_82 = tpu.vector_load %arg14[%get3A_80, %get3A_81] {strides = array<i32>} : memref<16x16xf32, #tpu.memory_space<vmem>>, vector<1x16xf32>,
    %get3A_83 = vector.shape_cast %get3A_82 : vector<1x16xf32> to vector<16xf32>
    %broadcast_in_dim3A = arith.constant 0.000000e+00 : f32
    %broadcast_in_dim3A_84 = vector.broadcast %broadcast_in_dim3A : f32 to vector<16xf32>
    "tpu.region"() ({
      %run_scoped3A = tpu.sem_alloc : memref<!tpu.dma_semaphore, #tpu.memory_space<semaphore_mem>>
      %dma_start3A_128 = arith.constant 0 : i32
      %dma_start3A_129 = tpu.memref_slice %arg4[%mul3A_2, %dma_start3A_128] : memref<2560x128xi32, #tpu.memory_space<hbm>> -> memref<80x128xi32, #tpu.memory_space<hbm>>
      %dma_start3A_130 = arith.constant 0 : i32
      %dma_start3A_131 = tpu.memref_slice %arg4[%mul3A_2, %dma_start3A_130] : memref<2560x128xi32, #tpu.memory_space<hbm>> -> memref<80x128xi32, #tpu.memory_space<hbm>>
      tpu.enqueue_dma source(%dma_start3A_131 : memref<80x128xi32, #tpu.memory_space<hbm>>) target(%arg8 : memref<80x128xi32, #tpu.memory_space<vmem>>) target_semaphore(%run_scoped3A : memref<!tpu.dma_semaphore, #tpu.memory_space<semaphore_mem>>)
      %dma_wait3A_132 = arith.constant 0 : i32
      %dma_wait3A_133 = tpu.memref_slice %arg4[%mul3A_2, %dma_wait3A_132] : memref<2560x128xi32, #tpu.memory_space<hbm>> -> memref<80x128xi32, #tpu.memory_space<hbm>>
      %dma_wait3A_134 = arith.constant 0 : i32
      %dma_wait3A_135 = tpu.memref_slice %arg4[%mul3A_2, %dma_wait3A_134] : memref<2560x128xi32, #tpu.memory_space<hbm>> -> memref<80x128xi32, #tpu.memory_space<hbm>>
      tpu.wait_dma2 semaphore(%run_scoped3A : memref<!tpu.dma_semaphore, #tpu.memory_space<semaphore_mem>>) src(%dma_wait3A_135 : memref<80x128xi32, #tpu.memory_space<hbm>>) dst(%arg8 : memref<80x128xi32, #tpu.memory_space<vmem>>)
      tpu.yield
    }) : () -> ()
    "tpu.region"() ({
      %run_scoped3A = tpu.sem_alloc : memref<!tpu.dma_semaphore, #tpu.memory_space<semaphore_mem>>
      %dma_start3A_128 = arith.constant 0 : i32
      %dma_start3A_129 = tpu.memref_slice %arg5[%mul3A_2, %dma_start3A_128] : memref<2560x128xi32, #tpu.memory_space<hbm>> -> memref<80x128xi32, #tpu.memory_space<hbm>>
      %dma_start3A_130 = arith.constant 0 : i32
      %dma_start3A_131 = tpu.memref_slice %arg5[%mul3A_2, %dma_start3A_130] : memref<2560x128xi32, #tpu.memory_space<hbm>> -> memref<80x128xi32, #tpu.memory_space<hbm>>
      tpu.enqueue_dma source(%dma_start3A_131 : memref<80x128xi32, #tpu.memory_space<hbm>>) target(%arg9 : memref<80x128xi32, #tpu.memory_space<vmem>>) target_semaphore(%run_scoped3A : memref<!tpu.dma_semaphore, #tpu.memory_space<semaphore_mem>>)
      %dma_wait3A_132 = arith.constant 0 : i32
      %dma_wait3A_133 = tpu.memref_slice %arg5[%mul3A_2, %dma_wait3A_132] : memref<2560x128xi32, #tpu.memory_space<hbm>> -> memref<80x128xi32, #tpu.memory_space<hbm>>
      %dma_wait3A_134 = arith.constant 0 : i32
      %dma_wait3A_135 = tpu.memref_slice %arg5[%mul3A_2, %dma_wait3A_134] : memref<2560x128xi32, #tpu.memory_space<hbm>> -> memref<80x128xi32, #tpu.memory_space<hbm>>
      tpu.wait_dma2 semaphore(%run_scoped3A : memref<!tpu.dma_semaphore, #tpu.memory_space<semaphore_mem>>) src(%dma_wait3A_135 : memref<80x128xi32, #tpu.memory_space<hbm>>) dst(%arg9 : memref<80x128xi32, #tpu.memory_space<vmem>>)
      tpu.yield
    }) : () -> ()
    %dma_start3A = arith.constant 0 : i32
    %dma_start3A_85 = arith.constant 0 : i32
    %dma_start3A_86 = tpu.memref_slice %arg8[%dma_start3A, %dma_start3A_85] : memref<80x128xi32, #tpu.memory_space<vmem>> -> memref<1x64xi32, #tpu.memory_space<vmem>>
    %dma_start3A_87 = tpu.memref_squeeze %dma_start3A_86 : memref<1x64xi32, #tpu.memory_space<vmem>> -> memref<64xi32, #tpu.memory_space<vmem>>
    %dma_start3A_88 = arith.constant 0 : i32
    %dma_start3A_89 = arith.constant 0 : i32
    %dma_start3A_90 = tpu.memref_slice %arg2[%dma_start3A_88, %dma_start3A_89] : memref<10240x256xf32, #tpu.memory_space<hbm>> -> memref<10240x256xf32, #tpu.memory_space<hbm>>
    tpu.enqueue_indirect_dma source(%dma_start3A_90 : memref<10240x256xf32, #tpu.memory_space<hbm>>) target(%arg10 : memref<64x256xf32, #tpu.memory_space<vmem>>) offsets(%dma_start3A_87 : memref<64xi32, #tpu.memory_space<vmem>>) semaphore(%arg17 : memref<!tpu.dma_semaphore, #tpu.memory_space<semaphore_mem>>)
    %dma_start3A_91 = arith.constant 0 : i32
    %dma_start3A_92 = arith.constant 0 : i32
    %dma_start3A_93 = tpu.memref_slice %arg9[%dma_start3A_91, %dma_start3A_92] : memref<80x128xi32, #tpu.memory_space<vmem>> -> memref<1x64xi32, #tpu.memory_space<vmem>>
    %dma_start3A_94 = tpu.memref_squeeze %dma_start3A_93 : memref<1x64xi32, #tpu.memory_space<vmem>> -> memref<64xi32, #tpu.memory_space<vmem>>
    %dma_start3A_95 = arith.constant 0 : i32
    %dma_start3A_96 = arith.constant 0 : i32
    %dma_start3A_97 = tpu.memref_slice %arg3[%dma_start3A_95, %dma_start3A_96] : memref<10240x256xf32, #tpu.memory_space<hbm>> -> memref<10240x256xf32, #tpu.memory_space<hbm>>
    tpu.enqueue_indirect_dma source(%dma_start3A_97 : memref<10240x256xf32, #tpu.memory_space<hbm>>) target(%arg12 : memref<64x256xf32, #tpu.memory_space<vmem>>) offsets(%dma_start3A_94 : memref<64xi32, #tpu.memory_space<vmem>>) semaphore(%arg19 : memref<!tpu.dma_semaphore, #tpu.memory_space<semaphore_mem>>)
    %dma_start3A_98 = arith.constant 0 : i32
    %dma_start3A_99 = arith.constant 64 : i32
    %dma_start3A_100 = tpu.memref_slice %arg8[%dma_start3A_98, %dma_start3A_99] : memref<80x128xi32, #tpu.memory_space<vmem>> -> memref<1x64xi32, #tpu.memory_space<vmem>>
    %dma_start3A_101 = tpu.memref_squeeze %dma_start3A_100 : memref<1x64xi32, #tpu.memory_space<vmem>> -> memref<64xi32, #tpu.memory_space<vmem>>
    %dma_start3A_102 = arith.constant 0 : i32
    %dma_start3A_103 = arith.constant 0 : i32
    %dma_start3A_104 = tpu.memref_slice %arg2[%dma_start3A_102, %dma_start3A_103] : memref<10240x256xf32, #tpu.memory_space<hbm>> -> memref<10240x256xf32, #tpu.memory_space<hbm>>
    tpu.enqueue_indirect_dma source(%dma_start3A_104 : memref<10240x256xf32, #tpu.memory_space<hbm>>) target(%arg11 : memref<64x256xf32, #tpu.memory_space<vmem>>) offsets(%dma_start3A_101 : memref<64xi32, #tpu.memory_space<vmem>>) semaphore(%arg18 : memref<!tpu.dma_semaphore, #tpu.memory_space<semaphore_mem>>)
    %dma_start3A_105 = arith.constant 0 : i32
    %dma_start3A_106 = arith.constant 64 : i32
    %dma_start3A_107 = tpu.memref_slice %arg9[%dma_start3A_105, %dma_start3A_106] : memref<80x128xi32, #tpu.memory_space<vmem>> -> memref<1x64xi32, #tpu.memory_space<vmem>>
    %dma_start3A_108 = tpu.memref_squeeze %dma_start3A_107 : memref<1x64xi32, #tpu.memory_space<vmem>> -> memref<64xi32, #tpu.memory_space<vmem>>
    %dma_start3A_109 = arith.constant 0 : i32
    %dma_start3A_110 = arith.constant 0 : i32
    %dma_start3A_111 = tpu.memref_slice %arg3[%dma_start3A_109, %dma_start3A_110] : memref<10240x256xf32, #tpu.memory_space<hbm>> -> memref<10240x256xf32, #tpu.memory_space<hbm>>
    tpu.enqueue_indirect_dma source(%dma_start3A_111 : memref<10240x256xf32, #tpu.memory_space<hbm>>) target(%arg13 : memref<64x256xf32, #tpu.memory_space<vmem>>) offsets(%dma_start3A_108 : memref<64xi32, #tpu.memory_space<vmem>>) semaphore(%arg20 : memref<!tpu.dma_semaphore, #tpu.memory_space<semaphore_mem>>)
    %scan3A = arith.constant 0 : i32
    %scan3A_112 = arith.constant 0 : i32
    %scan3A_113 = arith.constant 80 : i32
    %scan3A_114 = arith.addi %scan3A_112, %scan3A_113 : i32
    %scan3A_115 = arith.constant 1 : i32
    scf.for %scan3A_128 = %scan3A_112 to %scan3A_114 step %scan3A_115  : i32 {
      %mul3A_129 = arith.constant 2 : i32
      %mul3A_130 = arith.muli %scan3A_128, %mul3A_129 : i32
      %add3A_131 = arith.constant 0 : i32
      %add3A_132 = arith.addi %mul3A_130, %add3A_131 : i32
      %jit3A = arith.constant 2 : i32
      %div3A = arith.divsi %add3A_132, %jit3A : i32
      %sign3A = arith.constant 0 : i32
      %sign3A_133 = arith.cmpi sgt, %add3A_132, %sign3A : i32
      %sign3A_134 = arith.extui %sign3A_133 : i1 to i32
      %sign3A_135 = arith.constant 0 : i32
      %sign3A_136 = arith.cmpi slt, %add3A_132, %sign3A_135 : i32
      %sign3A_137 = arith.extui %sign3A_136 : i1 to i32
      %sign3A_138 = arith.subi %sign3A_134, %sign3A_137 : i32
      %sign3A_139 = arith.constant 0 : i32
      %sign3A_140 = arith.cmpi sgt, %jit3A, %sign3A_139 : i32
      %sign3A_141 = arith.extui %sign3A_140 : i1 to i32
      %sign3A_142 = arith.constant 0 : i32
      %sign3A_143 = arith.cmpi slt, %jit3A, %sign3A_142 : i32
      %sign3A_144 = arith.extui %sign3A_143 : i1 to i32
      %sign3A_145 = arith.subi %sign3A_141, %sign3A_144 : i32
      %ne3A = arith.cmpi ne, %sign3A_138, %sign3A_145 : i32
      %rem3A = arith.remsi %add3A_132, %jit3A : i32
      %ne3A_146 = arith.constant 0 : i32
      %ne3A_147 = arith.cmpi ne, %rem3A, %ne3A_146 : i32
      %and3A = arith.andi %ne3A, %ne3A_147 : i1
      %sub3A = arith.constant 1 : i32
      %sub3A_148 = arith.subi %div3A, %sub3A : i32
      %select_n3A = arith.select %and3A, %sub3A_148, %div3A : i32
      %jit3A_149 = arith.constant 2 : i32
      %eq3A = arith.constant 0 : i32
      %eq3A_150 = arith.cmpi eq, %jit3A_149, %eq3A : i32
      %jit3A_151 = arith.constant 1 : i32
      %select_n3A_152 = arith.select %eq3A_150, %jit3A_151, %jit3A_149 : i32
      %rem3A_153 = arith.remsi %add3A_132, %select_n3A_152 : i32
      %ne3A_154 = arith.constant 0 : i32
      %ne3A_155 = arith.cmpi ne, %rem3A_153, %ne3A_154 : i32
      %lt3A = arith.constant 0 : i32
      %lt3A_156 = arith.cmpi slt, %rem3A_153, %lt3A : i32
      %lt3A_157 = arith.constant 0 : i32
      %lt3A_158 = arith.cmpi slt, %select_n3A_152, %lt3A_157 : i32
      %ne3A_159 = arith.xori %lt3A_156, %lt3A_158 : i1
      %and3A_160 = arith.andi %ne3A_159, %ne3A_155 : i1
      %add3A_161 = arith.addi %rem3A_153, %select_n3A_152 : i32
      %select_n3A_162 = arith.select %and3A_160, %add3A_161, %rem3A_153 : i32
      %mul3A_163 = arith.constant 64 : i32
      %mul3A_164 = arith.muli %select_n3A_162, %mul3A_163 : i32
      %dma_wait3A_165 = tpu.memref_slice %arg8[%select_n3A, %mul3A_164] : memref<80x128xi32, #tpu.memory_space<vmem>> -> memref<1x64xi32, #tpu.memory_space<vmem>>
      %dma_wait3A_166 = tpu.memref_squeeze %dma_wait3A_165 : memref<1x64xi32, #tpu.memory_space<vmem>> -> memref<64xi32, #tpu.memory_space<vmem>>
      %dma_wait3A_167 = arith.constant 0 : i32
      %dma_wait3A_168 = arith.constant 0 : i32
      %dma_wait3A_169 = tpu.memref_slice %arg2[%dma_wait3A_167, %dma_wait3A_168] : memref<10240x256xf32, #tpu.memory_space<hbm>> -> memref<10240x256xf32, #tpu.memory_space<hbm>>
      tpu.wait_indirect_dma semaphore(%arg17 : memref<!tpu.dma_semaphore, #tpu.memory_space<semaphore_mem>>) src(%dma_wait3A_169 : memref<10240x256xf32, #tpu.memory_space<hbm>>) dst(%arg10 : memref<64x256xf32, #tpu.memory_space<vmem>>)
      %jit3A_170 = arith.constant 2 : i32
      %div3A_171 = arith.divsi %add3A_132, %jit3A_170 : i32
      %sign3A_172 = arith.constant 0 : i32
      %sign3A_173 = arith.cmpi sgt, %add3A_132, %sign3A_172 : i32
      %sign3A_174 = arith.extui %sign3A_173 : i1 to i32
      %sign3A_175 = arith.constant 0 : i32
      %sign3A_176 = arith.cmpi slt, %add3A_132, %sign3A_175 : i32
      %sign3A_177 = arith.extui %sign3A_176 : i1 to i32
      %sign3A_178 = arith.subi %sign3A_174, %sign3A_177 : i32
      %sign3A_179 = arith.constant 0 : i32
      %sign3A_180 = arith.cmpi sgt, %jit3A_170, %sign3A_179 : i32
      %sign3A_181 = arith.extui %sign3A_180 : i1 to i32
      %sign3A_182 = arith.constant 0 : i32
      %sign3A_183 = arith.cmpi slt, %jit3A_170, %sign3A_182 : i32
      %sign3A_184 = arith.extui %sign3A_183 : i1 to i32
      %sign3A_185 = arith.subi %sign3A_181, %sign3A_184 : i32
      %ne3A_186 = arith.cmpi ne, %sign3A_178, %sign3A_185 : i32
      %rem3A_187 = arith.remsi %add3A_132, %jit3A_170 : i32
      %ne3A_188 = arith.constant 0 : i32
      %ne3A_189 = arith.cmpi ne, %rem3A_187, %ne3A_188 : i32
      %and3A_190 = arith.andi %ne3A_186, %ne3A_189 : i1
      %sub3A_191 = arith.constant 1 : i32
      %sub3A_192 = arith.subi %div3A_171, %sub3A_191 : i32
      %select_n3A_193 = arith.select %and3A_190, %sub3A_192, %div3A_171 : i32
      %jit3A_194 = arith.constant 2 : i32
      %eq3A_195 = arith.constant 0 : i32
      %eq3A_196 = arith.cmpi eq, %jit3A_194, %eq3A_195 : i32
      %jit3A_197 = arith.constant 1 : i32
      %select_n3A_198 = arith.select %eq3A_196, %jit3A_197, %jit3A_194 : i32
      %rem3A_199 = arith.remsi %add3A_132, %select_n3A_198 : i32
      %ne3A_200 = arith.constant 0 : i32
      %ne3A_201 = arith.cmpi ne, %rem3A_199, %ne3A_200 : i32
      %lt3A_202 = arith.constant 0 : i32
      %lt3A_203 = arith.cmpi slt, %rem3A_199, %lt3A_202 : i32
      %lt3A_204 = arith.constant 0 : i32
      %lt3A_205 = arith.cmpi slt, %select_n3A_198, %lt3A_204 : i32
      %ne3A_206 = arith.xori %lt3A_203, %lt3A_205 : i1
      %and3A_207 = arith.andi %ne3A_206, %ne3A_201 : i1
      %add3A_208 = arith.addi %rem3A_199, %select_n3A_198 : i32
      %select_n3A_209 = arith.select %and3A_207, %add3A_208, %rem3A_199 : i32
      %mul3A_210 = arith.constant 64 : i32
      %mul3A_211 = arith.muli %select_n3A_209, %mul3A_210 : i32
      %dma_wait3A_212 = tpu.memref_slice %arg9[%select_n3A_193, %mul3A_211] : memref<80x128xi32, #tpu.memory_space<vmem>> -> memref<1x64xi32, #tpu.memory_space<vmem>>
      %dma_wait3A_213 = tpu.memref_squeeze %dma_wait3A_212 : memref<1x64xi32, #tpu.memory_space<vmem>> -> memref<64xi32, #tpu.memory_space<vmem>>
      %dma_wait3A_214 = arith.constant 0 : i32
      %dma_wait3A_215 = arith.constant 0 : i32
      %dma_wait3A_216 = tpu.memref_slice %arg3[%dma_wait3A_214, %dma_wait3A_215] : memref<10240x256xf32, #tpu.memory_space<hbm>> -> memref<10240x256xf32, #tpu.memory_space<hbm>>
      tpu.wait_indirect_dma semaphore(%arg19 : memref<!tpu.dma_semaphore, #tpu.memory_space<semaphore_mem>>) src(%dma_wait3A_216 : memref<10240x256xf32, #tpu.memory_space<hbm>>) dst(%arg12 : memref<64x256xf32, #tpu.memory_space<vmem>>)
      %ge3A = arith.constant 2 : i32
      %ge3A_217 = arith.cmpi sge, %add3A_132, %ge3A : i32
      %convert_element_type3A = arith.extui %ge3A_217 : i1 to i32
      %cond3A = arith.constant 0 : i32
      %cond3A_218 = arith.cmpi ne, %convert_element_type3A, %cond3A : i32
      scf.if %cond3A_218 {
        %mul3A_362 = arith.constant 64 : i32
        %mul3A_363 = arith.muli %add3A_132, %mul3A_362 : i32
        %add3A_364 = arith.addi %mul3A_4, %mul3A_363 : i32
        %dma_wait3A_365 = arith.constant 0 : i32
        %dma_wait3A_366 = tpu.memref_slice %arg7[%add3A_364, %dma_wait3A_365] : memref<327680x16xf32, #tpu.memory_space<hbm>> -> memref<64x16xf32, #tpu.memory_space<hbm>>
        %dma_wait3A_367 = arith.constant 0 : i32
        %dma_wait3A_368 = tpu.memref_slice %arg7[%add3A_364, %dma_wait3A_367] : memref<327680x16xf32, #tpu.memory_space<hbm>> -> memref<64x16xf32, #tpu.memory_space<hbm>>
        tpu.wait_dma2 semaphore(%arg21 : memref<!tpu.dma_semaphore, #tpu.memory_space<semaphore_mem>>) src(%arg15 : memref<64x16xf32, #tpu.memory_space<vmem>>) dst(%dma_wait3A_368 : memref<64x16xf32, #tpu.memory_space<hbm>>)
      } else {
      }
      %scan3A_219 = arith.constant 0 : i32
      %scan3A_220 = arith.constant 0 : i32
      %scan3A_221 = arith.constant 64 : i32
      %scan3A_222 = arith.addi %scan3A_220, %scan3A_221 : i32
      %scan3A_223 = arith.constant 1 : i32
      scf.for %scan3A_362 = %scan3A_220 to %scan3A_222 step %scan3A_223  : i32 {
        %get3A_363 = arith.index_cast %scan3A_362 : i32 to index
        %get3A_364 = arith.constant 0 : index
        %get3A_365 = tpu.vector_load %arg10[%get3A_363, %get3A_364] {strides = array<i32>} : memref<64x256xf32, #tpu.memory_space<vmem>>, vector<1x16xf32>,
        %get3A_366 = vector.shape_cast %get3A_365 : vector<1x16xf32> to vector<16xf32>
        %get3A_367 = arith.index_cast %scan3A_362 : i32 to index
        %get3A_368 = arith.constant 0 : index
        %get3A_369 = tpu.vector_load %arg12[%get3A_367, %get3A_368] {strides = array<i32>} : memref<64x256xf32, #tpu.memory_space<vmem>>, vector<1x16xf32>,
        %get3A_370 = vector.shape_cast %get3A_369 : vector<1x16xf32> to vector<16xf32>
        %add3A_371 = arith.addf %get3A_366, %get3A_370 : vector<16xf32>
        %max3A = arith.constant 0.000000e+00 : f32
        %max3A_372 = vector.broadcast %max3A : f32 to vector<16xf32>
        %max3A_373 = arith.maximumf %add3A_371, %max3A_372 : vector<16xf32>
        %mul3A_374 = arith.mulf %max3A_373, %get3A_8 : vector<16xf32>
        %add3A_375 = arith.addf %mul3A_374, %broadcast_in_dim3A_84 : vector<16xf32>
        %get3A_376 = arith.index_cast %scan3A_362 : i32 to index
        %get3A_377 = arith.constant 16 : index
        %get3A_378 = tpu.vector_load %arg10[%get3A_376, %get3A_377] {strides = array<i32>} : memref<64x256xf32, #tpu.memory_space<vmem>>, vector<1x16xf32>,
        %get3A_379 = vector.shape_cast %get3A_378 : vector<1x16xf32> to vector<16xf32>
        %get3A_380 = arith.index_cast %scan3A_362 : i32 to index
        %get3A_381 = arith.constant 16 : index
        %get3A_382 = tpu.vector_load %arg12[%get3A_380, %get3A_381] {strides = array<i32>} : memref<64x256xf32, #tpu.memory_space<vmem>>, vector<1x16xf32>,
        %get3A_383 = vector.shape_cast %get3A_382 : vector<1x16xf32> to vector<16xf32>
        %add3A_384 = arith.addf %get3A_379, %get3A_383 : vector<16xf32>
        %max3A_385 = arith.constant 0.000000e+00 : f32
        %max3A_386 = vector.broadcast %max3A_385 : f32 to vector<16xf32>
        %max3A_387 = arith.maximumf %add3A_384, %max3A_386 : vector<16xf32>
        %mul3A_388 = arith.mulf %max3A_387, %get3A_13 : vector<16xf32>
        %add3A_389 = arith.addf %mul3A_388, %broadcast_in_dim3A_84 : vector<16xf32>
        %get3A_390 = arith.index_cast %scan3A_362 : i32 to index
        %get3A_391 = arith.constant 32 : index
        %get3A_392 = tpu.vector_load %arg10[%get3A_390, %get3A_391] {strides = array<i32>} : memref<64x256xf32, #tpu.memory_space<vmem>>, vector<1x16xf32>,
        %get3A_393 = vector.shape_cast %get3A_392 : vector<1x16xf32> to vector<16xf32>
        %get3A_394 = arith.index_cast %scan3A_362 : i32 to index
        %get3A_395 = arith.constant 32 : index
        %get3A_396 = tpu.vector_load %arg12[%get3A_394, %get3A_395] {strides = array<i32>} : memref<64x256xf32, #tpu.memory_space<vmem>>, vector<1x16xf32>,
        %get3A_397 = vector.shape_cast %get3A_396 : vector<1x16xf32> to vector<16xf32>
        %add3A_398 = arith.addf %get3A_393, %get3A_397 : vector<16xf32>
        %max3A_399 = arith.constant 0.000000e+00 : f32
        %max3A_400 = vector.broadcast %max3A_399 : f32 to vector<16xf32>
        %max3A_401 = arith.maximumf %add3A_398, %max3A_400 : vector<16xf32>
        %mul3A_402 = arith.mulf %max3A_401, %get3A_18 : vector<16xf32>
        %add3A_403 = arith.addf %mul3A_402, %broadcast_in_dim3A_84 : vector<16xf32>
        %get3A_404 = arith.index_cast %scan3A_362 : i32 to index
        %get3A_405 = arith.constant 48 : index
        %get3A_406 = tpu.vector_load %arg10[%get3A_404, %get3A_405] {strides = array<i32>} : memref<64x256xf32, #tpu.memory_space<vmem>>, vector<1x16xf32>,
        %get3A_407 = vector.shape_cast %get3A_406 : vector<1x16xf32> to vector<16xf32>
        %get3A_408 = arith.index_cast %scan3A_362 : i32 to index
        %get3A_409 = arith.constant 48 : index
        %get3A_410 = tpu.vector_load %arg12[%get3A_408, %get3A_409] {strides = array<i32>} : memref<64x256xf32, #tpu.memory_space<vmem>>, vector<1x16xf32>,
        %get3A_411 = vector.shape_cast %get3A_410 : vector<1x16xf32> to vector<16xf32>
        %add3A_412 = arith.addf %get3A_407, %get3A_411 : vector<16xf32>
        %max3A_413 = arith.constant 0.000000e+00 : f32
        %max3A_414 = vector.broadcast %max3A_413 : f32 to vector<16xf32>
        %max3A_415 = arith.maximumf %add3A_412, %max3A_414 : vector<16xf32>
        %mul3A_416 = arith.mulf %max3A_415, %get3A_23 : vector<16xf32>
        %add3A_417 = arith.addf %mul3A_416, %broadcast_in_dim3A_84 : vector<16xf32>
        %get3A_418 = arith.index_cast %scan3A_362 : i32 to index
        %get3A_419 = arith.constant 64 : index
        %get3A_420 = tpu.vector_load %arg10[%get3A_418, %get3A_419] {strides = array<i32>} : memref<64x256xf32, #tpu.memory_space<vmem>>, vector<1x16xf32>,
        %get3A_421 = vector.shape_cast %get3A_420 : vector<1x16xf32> to vector<16xf32>
        %get3A_422 = arith.index_cast %scan3A_362 : i32 to index
        %get3A_423 = arith.constant 64 : index
        %get3A_424 = tpu.vector_load %arg12[%get3A_422, %get3A_423] {strides = array<i32>} : memref<64x256xf32, #tpu.memory_space<vmem>>, vector<1x16xf32>,
        %get3A_425 = vector.shape_cast %get3A_424 : vector<1x16xf32> to vector<16xf32>
        %add3A_426 = arith.addf %get3A_421, %get3A_425 : vector<16xf32>
        %max3A_427 = arith.constant 0.000000e+00 : f32
        %max3A_428 = vector.broadcast %max3A_427 : f32 to vector<16xf32>
        %max3A_429 = arith.maximumf %add3A_426, %max3A_428 : vector<16xf32>
        %mul3A_430 = arith.mulf %max3A_429, %get3A_28 : vector<16xf32>
        %add3A_431 = arith.addf %mul3A_430, %add3A_375 : vector<16xf32>
        %get3A_432 = arith.index_cast %scan3A_362 : i32 to index
        %get3A_433 = arith.constant 80 : index
        %get3A_434 = tpu.vector_load %arg10[%get3A_432, %get3A_433] {strides = array<i32>} : memref<64x256xf32, #tpu.memory_space<vmem>>, vector<1x16xf32>,
        %get3A_435 = vector.shape_cast %get3A_434 : vector<1x16xf32> to vector<16xf32>
        %get3A_436 = arith.index_cast %scan3A_362 : i32 to index
        %get3A_437 = arith.constant 80 : index
        %get3A_438 = tpu.vector_load %arg12[%get3A_436, %get3A_437] {strides = array<i32>} : memref<64x256xf32, #tpu.memory_space<vmem>>, vector<1x16xf32>,
        %get3A_439 = vector.shape_cast %get3A_438 : vector<1x16xf32> to vector<16xf32>
        %add3A_440 = arith.addf %get3A_435, %get3A_439 : vector<16xf32>
        %max3A_441 = arith.constant 0.000000e+00 : f32
        %max3A_442 = vector.broadcast %max3A_441 : f32 to vector<16xf32>
        %max3A_443 = arith.maximumf %add3A_440, %max3A_442 : vector<16xf32>
        %mul3A_444 = arith.mulf %max3A_443, %get3A_33 : vector<16xf32>
        %add3A_445 = arith.addf %mul3A_444, %add3A_389 : vector<16xf32>
        %get3A_446 = arith.index_cast %scan3A_362 : i32 to index
        %get3A_447 = arith.constant 96 : index
        %get3A_448 = tpu.vector_load %arg10[%get3A_446, %get3A_447] {strides = array<i32>} : memref<64x256xf32, #tpu.memory_space<vmem>>, vector<1x16xf32>,
        %get3A_449 = vector.shape_cast %get3A_448 : vector<1x16xf32> to vector<16xf32>
        %get3A_450 = arith.index_cast %scan3A_362 : i32 to index
        %get3A_451 = arith.constant 96 : index
        %get3A_452 = tpu.vector_load %arg12[%get3A_450, %get3A_451] {strides = array<i32>} : memref<64x256xf32, #tpu.memory_space<vmem>>, vector<1x16xf32>,
        %get3A_453 = vector.shape_cast %get3A_452 : vector<1x16xf32> to vector<16xf32>
        %add3A_454 = arith.addf %get3A_449, %get3A_453 : vector<16xf32>
        %max3A_455 = arith.constant 0.000000e+00 : f32
        %max3A_456 = vector.broadcast %max3A_455 : f32 to vector<16xf32>
        %max3A_457 = arith.maximumf %add3A_454, %max3A_456 : vector<16xf32>
        %mul3A_458 = arith.mulf %max3A_457, %get3A_38 : vector<16xf32>
        %add3A_459 = arith.addf %mul3A_458, %add3A_403 : vector<16xf32>
        %get3A_460 = arith.index_cast %scan3A_362 : i32 to index
        %get3A_461 = arith.constant 112 : index
        %get3A_462 = tpu.vector_load %arg10[%get3A_460, %get3A_461] {strides = array<i32>} : memref<64x256xf32, #tpu.memory_space<vmem>>, vector<1x16xf32>,
        %get3A_463 = vector.shape_cast %get3A_462 : vector<1x16xf32> to vector<16xf32>
        %get3A_464 = arith.index_cast %scan3A_362 : i32 to index
        %get3A_465 = arith.constant 112 : index
        %get3A_466 = tpu.vector_load %arg12[%get3A_464, %get3A_465] {strides = array<i32>} : memref<64x256xf32, #tpu.memory_space<vmem>>, vector<1x16xf32>,
        %get3A_467 = vector.shape_cast %get3A_466 : vector<1x16xf32> to vector<16xf32>
        %add3A_468 = arith.addf %get3A_463, %get3A_467 : vector<16xf32>
        %max3A_469 = arith.constant 0.000000e+00 : f32
        %max3A_470 = vector.broadcast %max3A_469 : f32 to vector<16xf32>
        %max3A_471 = arith.maximumf %add3A_468, %max3A_470 : vector<16xf32>
        %mul3A_472 = arith.mulf %max3A_471, %get3A_43 : vector<16xf32>
        %add3A_473 = arith.addf %mul3A_472, %add3A_417 : vector<16xf32>
        %get3A_474 = arith.index_cast %scan3A_362 : i32 to index
        %get3A_475 = arith.constant 128 : index
        %get3A_476 = tpu.vector_load %arg10[%get3A_474, %get3A_475] {strides = array<i32>} : memref<64x256xf32, #tpu.memory_space<vmem>>, vector<1x16xf32>,
        %get3A_477 = vector.shape_cast %get3A_476 : vector<1x16xf32> to vector<16xf32>
        %get3A_478 = arith.index_cast %scan3A_362 : i32 to index
        %get3A_479 = arith.constant 128 : index
        %get3A_480 = tpu.vector_load %arg12[%get3A_478, %get3A_479] {strides = array<i32>} : memref<64x256xf32, #tpu.memory_space<vmem>>, vector<1x16xf32>,
        %get3A_481 = vector.shape_cast %get3A_480 : vector<1x16xf32> to vector<16xf32>
        %add3A_482 = arith.addf %get3A_477, %get3A_481 : vector<16xf32>
        %max3A_483 = arith.constant 0.000000e+00 : f32
        %max3A_484 = vector.broadcast %max3A_483 : f32 to vector<16xf32>
        %max3A_485 = arith.maximumf %add3A_482, %max3A_484 : vector<16xf32>
        %mul3A_486 = arith.mulf %max3A_485, %get3A_48 : vector<16xf32>
        %add3A_487 = arith.addf %mul3A_486, %add3A_431 : vector<16xf32>
        %get3A_488 = arith.index_cast %scan3A_362 : i32 to index
        %get3A_489 = arith.constant 144 : index
        %get3A_490 = tpu.vector_load %arg10[%get3A_488, %get3A_489] {strides = array<i32>} : memref<64x256xf32, #tpu.memory_space<vmem>>, vector<1x16xf32>,
        %get3A_491 = vector.shape_cast %get3A_490 : vector<1x16xf32> to vector<16xf32>
        %get3A_492 = arith.index_cast %scan3A_362 : i32 to index
        %get3A_493 = arith.constant 144 : index
        %get3A_494 = tpu.vector_load %arg12[%get3A_492, %get3A_493] {strides = array<i32>} : memref<64x256xf32, #tpu.memory_space<vmem>>, vector<1x16xf32>,
        %get3A_495 = vector.shape_cast %get3A_494 : vector<1x16xf32> to vector<16xf32>
        %add3A_496 = arith.addf %get3A_491, %get3A_495 : vector<16xf32>
        %max3A_497 = arith.constant 0.000000e+00 : f32
        %max3A_498 = vector.broadcast %max3A_497 : f32 to vector<16xf32>
        %max3A_499 = arith.maximumf %add3A_496, %max3A_498 : vector<16xf32>
        %mul3A_500 = arith.mulf %max3A_499, %get3A_53 : vector<16xf32>
        %add3A_501 = arith.addf %mul3A_500, %add3A_445 : vector<16xf32>
        %get3A_502 = arith.index_cast %scan3A_362 : i32 to index
        %get3A_503 = arith.constant 160 : index
        %get3A_504 = tpu.vector_load %arg10[%get3A_502, %get3A_503] {strides = array<i32>} : memref<64x256xf32, #tpu.memory_space<vmem>>, vector<1x16xf32>,
        %get3A_505 = vector.shape_cast %get3A_504 : vector<1x16xf32> to vector<16xf32>
        %get3A_506 = arith.index_cast %scan3A_362 : i32 to index
        %get3A_507 = arith.constant 160 : index
        %get3A_508 = tpu.vector_load %arg12[%get3A_506, %get3A_507] {strides = array<i32>} : memref<64x256xf32, #tpu.memory_space<vmem>>, vector<1x16xf32>,
        %get3A_509 = vector.shape_cast %get3A_508 : vector<1x16xf32> to vector<16xf32>
        %add3A_510 = arith.addf %get3A_505, %get3A_509 : vector<16xf32>
        %max3A_511 = arith.constant 0.000000e+00 : f32
        %max3A_512 = vector.broadcast %max3A_511 : f32 to vector<16xf32>
        %max3A_513 = arith.maximumf %add3A_510, %max3A_512 : vector<16xf32>
        %mul3A_514 = arith.mulf %max3A_513, %get3A_58 : vector<16xf32>
        %add3A_515 = arith.addf %mul3A_514, %add3A_459 : vector<16xf32>
        %get3A_516 = arith.index_cast %scan3A_362 : i32 to index
        %get3A_517 = arith.constant 176 : index
        %get3A_518 = tpu.vector_load %arg10[%get3A_516, %get3A_517] {strides = array<i32>} : memref<64x256xf32, #tpu.memory_space<vmem>>, vector<1x16xf32>,
        %get3A_519 = vector.shape_cast %get3A_518 : vector<1x16xf32> to vector<16xf32>
        %get3A_520 = arith.index_cast %scan3A_362 : i32 to index
        %get3A_521 = arith.constant 176 : index
        %get3A_522 = tpu.vector_load %arg12[%get3A_520, %get3A_521] {strides = array<i32>} : memref<64x256xf32, #tpu.memory_space<vmem>>, vector<1x16xf32>,
        %get3A_523 = vector.shape_cast %get3A_522 : vector<1x16xf32> to vector<16xf32>
        %add3A_524 = arith.addf %get3A_519, %get3A_523 : vector<16xf32>
        %max3A_525 = arith.constant 0.000000e+00 : f32
        %max3A_526 = vector.broadcast %max3A_525 : f32 to vector<16xf32>
        %max3A_527 = arith.maximumf %add3A_524, %max3A_526 : vector<16xf32>
        %mul3A_528 = arith.mulf %max3A_527, %get3A_63 : vector<16xf32>
        %add3A_529 = arith.addf %mul3A_528, %add3A_473 : vector<16xf32>
        %get3A_530 = arith.index_cast %scan3A_362 : i32 to index
        %get3A_531 = arith.constant 192 : index
        %get3A_532 = tpu.vector_load %arg10[%get3A_530, %get3A_531] {strides = array<i32>} : memref<64x256xf32, #tpu.memory_space<vmem>>, vector<1x16xf32>,
        %get3A_533 = vector.shape_cast %get3A_532 : vector<1x16xf32> to vector<16xf32>
        %get3A_534 = arith.index_cast %scan3A_362 : i32 to index
        %get3A_535 = arith.constant 192 : index
        %get3A_536 = tpu.vector_load %arg12[%get3A_534, %get3A_535] {strides = array<i32>} : memref<64x256xf32, #tpu.memory_space<vmem>>, vector<1x16xf32>,
        %get3A_537 = vector.shape_cast %get3A_536 : vector<1x16xf32> to vector<16xf32>
        %add3A_538 = arith.addf %get3A_533, %get3A_537 : vector<16xf32>
        %max3A_539 = arith.constant 0.000000e+00 : f32
        %max3A_540 = vector.broadcast %max3A_539 : f32 to vector<16xf32>
        %max3A_541 = arith.maximumf %add3A_538, %max3A_540 : vector<16xf32>
        %mul3A_542 = arith.mulf %max3A_541, %get3A_68 : vector<16xf32>
        %add3A_543 = arith.addf %mul3A_542, %add3A_487 : vector<16xf32>
        %get3A_544 = arith.index_cast %scan3A_362 : i32 to index
        %get3A_545 = arith.constant 208 : index
        %get3A_546 = tpu.vector_load %arg10[%get3A_544, %get3A_545] {strides = array<i32>} : memref<64x256xf32, #tpu.memory_space<vmem>>, vector<1x16xf32>,
        %get3A_547 = vector.shape_cast %get3A_546 : vector<1x16xf32> to vector<16xf32>
        %get3A_548 = arith.index_cast %scan3A_362 : i32 to index
        %get3A_549 = arith.constant 208 : index
        %get3A_550 = tpu.vector_load %arg12[%get3A_548, %get3A_549] {strides = array<i32>} : memref<64x256xf32, #tpu.memory_space<vmem>>, vector<1x16xf32>,
        %get3A_551 = vector.shape_cast %get3A_550 : vector<1x16xf32> to vector<16xf32>
        %add3A_552 = arith.addf %get3A_547, %get3A_551 : vector<16xf32>
        %max3A_553 = arith.constant 0.000000e+00 : f32
        %max3A_554 = vector.broadcast %max3A_553 : f32 to vector<16xf32>
        %max3A_555 = arith.maximumf %add3A_552, %max3A_554 : vector<16xf32>
        %mul3A_556 = arith.mulf %max3A_555, %get3A_73 : vector<16xf32>
        %add3A_557 = arith.addf %mul3A_556, %add3A_501 : vector<16xf32>
        %get3A_558 = arith.index_cast %scan3A_362 : i32 to index
        %get3A_559 = arith.constant 224 : index
        %get3A_560 = tpu.vector_load %arg10[%get3A_558, %get3A_559] {strides = array<i32>} : memref<64x256xf32, #tpu.memory_space<vmem>>, vector<1x16xf32>,
        %get3A_561 = vector.shape_cast %get3A_560 : vector<1x16xf32> to vector<16xf32>
        %get3A_562 = arith.index_cast %scan3A_362 : i32 to index
        %get3A_563 = arith.constant 224 : index
        %get3A_564 = tpu.vector_load %arg12[%get3A_562, %get3A_563] {strides = array<i32>} : memref<64x256xf32, #tpu.memory_space<vmem>>, vector<1x16xf32>,
        %get3A_565 = vector.shape_cast %get3A_564 : vector<1x16xf32> to vector<16xf32>
        %add3A_566 = arith.addf %get3A_561, %get3A_565 : vector<16xf32>
        %max3A_567 = arith.constant 0.000000e+00 : f32
        %max3A_568 = vector.broadcast %max3A_567 : f32 to vector<16xf32>
        %max3A_569 = arith.maximumf %add3A_566, %max3A_568 : vector<16xf32>
        %mul3A_570 = arith.mulf %max3A_569, %get3A_78 : vector<16xf32>
        %add3A_571 = arith.addf %mul3A_570, %add3A_515 : vector<16xf32>
        %get3A_572 = arith.index_cast %scan3A_362 : i32 to index
        %get3A_573 = arith.constant 240 : index
        %get3A_574 = tpu.vector_load %arg10[%get3A_572, %get3A_573] {strides = array<i32>} : memref<64x256xf32, #tpu.memory_space<vmem>>, vector<1x16xf32>,
        %get3A_575 = vector.shape_cast %get3A_574 : vector<1x16xf32> to vector<16xf32>
        %get3A_576 = arith.index_cast %scan3A_362 : i32 to index
        %get3A_577 = arith.constant 240 : index
        %get3A_578 = tpu.vector_load %arg12[%get3A_576, %get3A_577] {strides = array<i32>} : memref<64x256xf32, #tpu.memory_space<vmem>>, vector<1x16xf32>,
        %get3A_579 = vector.shape_cast %get3A_578 : vector<1x16xf32> to vector<16xf32>
        %add3A_580 = arith.addf %get3A_575, %get3A_579 : vector<16xf32>
        %max3A_581 = arith.constant 0.000000e+00 : f32
        %max3A_582 = vector.broadcast %max3A_581 : f32 to vector<16xf32>
        %max3A_583 = arith.maximumf %add3A_580, %max3A_582 : vector<16xf32>
        %mul3A_584 = arith.mulf %max3A_583, %get3A_83 : vector<16xf32>
        %add3A_585 = arith.addf %mul3A_584, %add3A_529 : vector<16xf32>
        %add3A_586 = arith.addf %add3A_543, %add3A_557 : vector<16xf32>
        %add3A_587 = arith.addf %add3A_571, %add3A_585 : vector<16xf32>
        %add3A_588 = arith.addf %add3A_586, %add3A_587 : vector<16xf32>
        %swap3A = arith.index_cast %scan3A_362 : i32 to index
        %swap3A_589 = arith.constant 0 : index
        %swap3A_590 = tpu.vector_load %arg15[%swap3A, %swap3A_589] {strides = array<i32>} : memref<64x16xf32, #tpu.memory_space<vmem>>, vector<1x16xf32>,
        %swap3A_591 = vector.shape_cast %swap3A_590 : vector<1x16xf32> to vector<16xf32>
        %swap3A_592 = vector.shape_cast %add3A_588 : vector<16xf32> to vector<1x16xf32>
        tpu.vector_store %arg15[%swap3A, %swap3A_589], %swap3A_592 {strides = array<i32>} : memref<64x16xf32, #tpu.memory_space<vmem>>, vector<1x16xf32>,
      }
      %scan3A_224 = arith.constant 64 : i32
      %mul3A_225 = arith.constant 64 : i32
      %mul3A_226 = arith.muli %add3A_132, %mul3A_225 : i32
      %add3A_227 = arith.addi %mul3A_4, %mul3A_226 : i32
      %dma_start3A_228 = arith.constant 0 : i32
      %dma_start3A_229 = tpu.memref_slice %arg7[%add3A_227, %dma_start3A_228] : memref<327680x16xf32, #tpu.memory_space<hbm>> -> memref<64x16xf32, #tpu.memory_space<hbm>>
      %dma_start3A_230 = arith.constant 0 : i32
      %dma_start3A_231 = tpu.memref_slice %arg7[%add3A_227, %dma_start3A_230] : memref<327680x16xf32, #tpu.memory_space<hbm>> -> memref<64x16xf32, #tpu.memory_space<hbm>>
      tpu.enqueue_dma source(%arg15 : memref<64x16xf32, #tpu.memory_space<vmem>>) target(%dma_start3A_231 : memref<64x16xf32, #tpu.memory_space<hbm>>) target_semaphore(%arg21 : memref<!tpu.dma_semaphore, #tpu.memory_space<semaphore_mem>>)
      %add3A_232 = arith.constant 2 : i32
      %add3A_233 = arith.addi %add3A_132, %add3A_232 : i32
      %lt3A_234 = arith.constant 160 : i32
      %lt3A_235 = arith.cmpi slt, %add3A_233, %lt3A_234 : i32
      %convert_element_type3A_236 = arith.extui %lt3A_235 : i1 to i32
      %cond3A_237 = arith.constant 0 : i32
      %cond3A_238 = arith.cmpi ne, %convert_element_type3A_236, %cond3A_237 : i32
      scf.if %cond3A_238 {
        %jit3A_362 = arith.constant 2 : i32
        %div3A_363 = arith.divsi %add3A_233, %jit3A_362 : i32
        %sign3A_364 = arith.constant 0 : i32
        %sign3A_365 = arith.cmpi sgt, %add3A_233, %sign3A_364 : i32
        %sign3A_366 = arith.extui %sign3A_365 : i1 to i32
        %sign3A_367 = arith.constant 0 : i32
        %sign3A_368 = arith.cmpi slt, %add3A_233, %sign3A_367 : i32
        %sign3A_369 = arith.extui %sign3A_368 : i1 to i32
        %sign3A_370 = arith.subi %sign3A_366, %sign3A_369 : i32
        %sign3A_371 = arith.constant 0 : i32
        %sign3A_372 = arith.cmpi sgt, %jit3A_362, %sign3A_371 : i32
        %sign3A_373 = arith.extui %sign3A_372 : i1 to i32
        %sign3A_374 = arith.constant 0 : i32
        %sign3A_375 = arith.cmpi slt, %jit3A_362, %sign3A_374 : i32
        %sign3A_376 = arith.extui %sign3A_375 : i1 to i32
        %sign3A_377 = arith.subi %sign3A_373, %sign3A_376 : i32
        %ne3A_378 = arith.cmpi ne, %sign3A_370, %sign3A_377 : i32
        %rem3A_379 = arith.remsi %add3A_233, %jit3A_362 : i32
        %ne3A_380 = arith.constant 0 : i32
        %ne3A_381 = arith.cmpi ne, %rem3A_379, %ne3A_380 : i32
        %and3A_382 = arith.andi %ne3A_378, %ne3A_381 : i1
        %sub3A_383 = arith.constant 1 : i32
        %sub3A_384 = arith.subi %div3A_363, %sub3A_383 : i32
        %select_n3A_385 = arith.select %and3A_382, %sub3A_384, %div3A_363 : i32
        %jit3A_386 = arith.constant 2 : i32
        %eq3A_387 = arith.constant 0 : i32
        %eq3A_388 = arith.cmpi eq, %jit3A_386, %eq3A_387 : i32
        %jit3A_389 = arith.constant 1 : i32
        %select_n3A_390 = arith.select %eq3A_388, %jit3A_389, %jit3A_386 : i32
        %rem3A_391 = arith.remsi %add3A_233, %select_n3A_390 : i32
        %ne3A_392 = arith.constant 0 : i32
        %ne3A_393 = arith.cmpi ne, %rem3A_391, %ne3A_392 : i32
        %lt3A_394 = arith.constant 0 : i32
        %lt3A_395 = arith.cmpi slt, %rem3A_391, %lt3A_394 : i32
        %lt3A_396 = arith.constant 0 : i32
        %lt3A_397 = arith.cmpi slt, %select_n3A_390, %lt3A_396 : i32
        %ne3A_398 = arith.xori %lt3A_395, %lt3A_397 : i1
        %and3A_399 = arith.andi %ne3A_398, %ne3A_393 : i1
        %add3A_400 = arith.addi %rem3A_391, %select_n3A_390 : i32
        %select_n3A_401 = arith.select %and3A_399, %add3A_400, %rem3A_391 : i32
        %mul3A_402 = arith.constant 64 : i32
        %mul3A_403 = arith.muli %select_n3A_401, %mul3A_402 : i32
        %dma_start3A_404 = tpu.memref_slice %arg8[%select_n3A_385, %mul3A_403] : memref<80x128xi32, #tpu.memory_space<vmem>> -> memref<1x64xi32, #tpu.memory_space<vmem>>
        %dma_start3A_405 = tpu.memref_squeeze %dma_start3A_404 : memref<1x64xi32, #tpu.memory_space<vmem>> -> memref<64xi32, #tpu.memory_space<vmem>>
        %dma_start3A_406 = arith.constant 0 : i32
        %dma_start3A_407 = arith.constant 0 : i32
        %dma_start3A_408 = tpu.memref_slice %arg2[%dma_start3A_406, %dma_start3A_407] : memref<10240x256xf32, #tpu.memory_space<hbm>> -> memref<10240x256xf32, #tpu.memory_space<hbm>>
        tpu.enqueue_indirect_dma source(%dma_start3A_408 : memref<10240x256xf32, #tpu.memory_space<hbm>>) target(%arg10 : memref<64x256xf32, #tpu.memory_space<vmem>>) offsets(%dma_start3A_405 : memref<64xi32, #tpu.memory_space<vmem>>) semaphore(%arg17 : memref<!tpu.dma_semaphore, #tpu.memory_space<semaphore_mem>>)
        %jit3A_409 = arith.constant 2 : i32
        %div3A_410 = arith.divsi %add3A_233, %jit3A_409 : i32
        %sign3A_411 = arith.constant 0 : i32
        %sign3A_412 = arith.cmpi sgt, %add3A_233, %sign3A_411 : i32
        %sign3A_413 = arith.extui %sign3A_412 : i1 to i32
        %sign3A_414 = arith.constant 0 : i32
        %sign3A_415 = arith.cmpi slt, %add3A_233, %sign3A_414 : i32
        %sign3A_416 = arith.extui %sign3A_415 : i1 to i32
        %sign3A_417 = arith.subi %sign3A_413, %sign3A_416 : i32
        %sign3A_418 = arith.constant 0 : i32
        %sign3A_419 = arith.cmpi sgt, %jit3A_409, %sign3A_418 : i32
        %sign3A_420 = arith.extui %sign3A_419 : i1 to i32
        %sign3A_421 = arith.constant 0 : i32
        %sign3A_422 = arith.cmpi slt, %jit3A_409, %sign3A_421 : i32
        %sign3A_423 = arith.extui %sign3A_422 : i1 to i32
        %sign3A_424 = arith.subi %sign3A_420, %sign3A_423 : i32
        %ne3A_425 = arith.cmpi ne, %sign3A_417, %sign3A_424 : i32
        %rem3A_426 = arith.remsi %add3A_233, %jit3A_409 : i32
        %ne3A_427 = arith.constant 0 : i32
        %ne3A_428 = arith.cmpi ne, %rem3A_426, %ne3A_427 : i32
        %and3A_429 = arith.andi %ne3A_425, %ne3A_428 : i1
        %sub3A_430 = arith.constant 1 : i32
        %sub3A_431 = arith.subi %div3A_410, %sub3A_430 : i32
        %select_n3A_432 = arith.select %and3A_429, %sub3A_431, %div3A_410 : i32
        %jit3A_433 = arith.constant 2 : i32
        %eq3A_434 = arith.constant 0 : i32
        %eq3A_435 = arith.cmpi eq, %jit3A_433, %eq3A_434 : i32
        %jit3A_436 = arith.constant 1 : i32
        %select_n3A_437 = arith.select %eq3A_435, %jit3A_436, %jit3A_433 : i32
        %rem3A_438 = arith.remsi %add3A_233, %select_n3A_437 : i32
        %ne3A_439 = arith.constant 0 : i32
        %ne3A_440 = arith.cmpi ne, %rem3A_438, %ne3A_439 : i32
        %lt3A_441 = arith.constant 0 : i32
        %lt3A_442 = arith.cmpi slt, %rem3A_438, %lt3A_441 : i32
        %lt3A_443 = arith.constant 0 : i32
        %lt3A_444 = arith.cmpi slt, %select_n3A_437, %lt3A_443 : i32
        %ne3A_445 = arith.xori %lt3A_442, %lt3A_444 : i1
        %and3A_446 = arith.andi %ne3A_445, %ne3A_440 : i1
        %add3A_447 = arith.addi %rem3A_438, %select_n3A_437 : i32
        %select_n3A_448 = arith.select %and3A_446, %add3A_447, %rem3A_438 : i32
        %mul3A_449 = arith.constant 64 : i32
        %mul3A_450 = arith.muli %select_n3A_448, %mul3A_449 : i32
        %dma_start3A_451 = tpu.memref_slice %arg9[%select_n3A_432, %mul3A_450] : memref<80x128xi32, #tpu.memory_space<vmem>> -> memref<1x64xi32, #tpu.memory_space<vmem>>
        %dma_start3A_452 = tpu.memref_squeeze %dma_start3A_451 : memref<1x64xi32, #tpu.memory_space<vmem>> -> memref<64xi32, #tpu.memory_space<vmem>>
        %dma_start3A_453 = arith.constant 0 : i32
        %dma_start3A_454 = arith.constant 0 : i32
        %dma_start3A_455 = tpu.memref_slice %arg3[%dma_start3A_453, %dma_start3A_454] : memref<10240x256xf32, #tpu.memory_space<hbm>> -> memref<10240x256xf32, #tpu.memory_space<hbm>>
        tpu.enqueue_indirect_dma source(%dma_start3A_455 : memref<10240x256xf32, #tpu.memory_space<hbm>>) target(%arg12 : memref<64x256xf32, #tpu.memory_space<vmem>>) offsets(%dma_start3A_452 : memref<64xi32, #tpu.memory_space<vmem>>) semaphore(%arg19 : memref<!tpu.dma_semaphore, #tpu.memory_space<semaphore_mem>>)
      } else {
      }
      %mul3A_239 = arith.constant 2 : i32
      %mul3A_240 = arith.muli %scan3A_128, %mul3A_239 : i32
      %add3A_241 = arith.constant 1 : i32
      %add3A_242 = arith.addi %mul3A_240, %add3A_241 : i32
      %jit3A_243 = arith.constant 2 : i32
      %div3A_244 = arith.divsi %add3A_242, %jit3A_243 : i32
      %sign3A_245 = arith.constant 0 : i32
      %sign3A_246 = arith.cmpi sgt, %add3A_242, %sign3A_245 : i32
      %sign3A_247 = arith.extui %sign3A_246 : i1 to i32
      %sign3A_248 = arith.constant 0 : i32
      %sign3A_249 = arith.cmpi slt, %add3A_242, %sign3A_248 : i32
      %sign3A_250 = arith.extui %sign3A_249 : i1 to i32
      %sign3A_251 = arith.subi %sign3A_247, %sign3A_250 : i32
      %sign3A_252 = arith.constant 0 : i32
      %sign3A_253 = arith.cmpi sgt, %jit3A_243, %sign3A_252 : i32
      %sign3A_254 = arith.extui %sign3A_253 : i1 to i32
      %sign3A_255 = arith.constant 0 : i32
      %sign3A_256 = arith.cmpi slt, %jit3A_243, %sign3A_255 : i32
      %sign3A_257 = arith.extui %sign3A_256 : i1 to i32
      %sign3A_258 = arith.subi %sign3A_254, %sign3A_257 : i32
      %ne3A_259 = arith.cmpi ne, %sign3A_251, %sign3A_258 : i32
      %rem3A_260 = arith.remsi %add3A_242, %jit3A_243 : i32
      %ne3A_261 = arith.constant 0 : i32
      %ne3A_262 = arith.cmpi ne, %rem3A_260, %ne3A_261 : i32
      %and3A_263 = arith.andi %ne3A_259, %ne3A_262 : i1
      %sub3A_264 = arith.constant 1 : i32
      %sub3A_265 = arith.subi %div3A_244, %sub3A_264 : i32
      %select_n3A_266 = arith.select %and3A_263, %sub3A_265, %div3A_244 : i32
      %jit3A_267 = arith.constant 2 : i32
      %eq3A_268 = arith.constant 0 : i32
      %eq3A_269 = arith.cmpi eq, %jit3A_267, %eq3A_268 : i32
      %jit3A_270 = arith.constant 1 : i32
      %select_n3A_271 = arith.select %eq3A_269, %jit3A_270, %jit3A_267 : i32
      %rem3A_272 = arith.remsi %add3A_242, %select_n3A_271 : i32
      %ne3A_273 = arith.constant 0 : i32
      %ne3A_274 = arith.cmpi ne, %rem3A_272, %ne3A_273 : i32
      %lt3A_275 = arith.constant 0 : i32
      %lt3A_276 = arith.cmpi slt, %rem3A_272, %lt3A_275 : i32
      %lt3A_277 = arith.constant 0 : i32
      %lt3A_278 = arith.cmpi slt, %select_n3A_271, %lt3A_277 : i32
      %ne3A_279 = arith.xori %lt3A_276, %lt3A_278 : i1
      %and3A_280 = arith.andi %ne3A_279, %ne3A_274 : i1
      %add3A_281 = arith.addi %rem3A_272, %select_n3A_271 : i32
      %select_n3A_282 = arith.select %and3A_280, %add3A_281, %rem3A_272 : i32
      %mul3A_283 = arith.constant 64 : i32
      %mul3A_284 = arith.muli %select_n3A_282, %mul3A_283 : i32
      %dma_wait3A_285 = tpu.memref_slice %arg8[%select_n3A_266, %mul3A_284] : memref<80x128xi32, #tpu.memory_space<vmem>> -> memref<1x64xi32, #tpu.memory_space<vmem>>
      %dma_wait3A_286 = tpu.memref_squeeze %dma_wait3A_285 : memref<1x64xi32, #tpu.memory_space<vmem>> -> memref<64xi32, #tpu.memory_space<vmem>>
      %dma_wait3A_287 = arith.constant 0 : i32
      %dma_wait3A_288 = arith.constant 0 : i32
      %dma_wait3A_289 = tpu.memref_slice %arg2[%dma_wait3A_287, %dma_wait3A_288] : memref<10240x256xf32, #tpu.memory_space<hbm>> -> memref<10240x256xf32, #tpu.memory_space<hbm>>
      tpu.wait_indirect_dma semaphore(%arg18 : memref<!tpu.dma_semaphore, #tpu.memory_space<semaphore_mem>>) src(%dma_wait3A_289 : memref<10240x256xf32, #tpu.memory_space<hbm>>) dst(%arg11 : memref<64x256xf32, #tpu.memory_space<vmem>>)
      %jit3A_290 = arith.constant 2 : i32
      %div3A_291 = arith.divsi %add3A_242, %jit3A_290 : i32
      %sign3A_292 = arith.constant 0 : i32
      %sign3A_293 = arith.cmpi sgt, %add3A_242, %sign3A_292 : i32
      %sign3A_294 = arith.extui %sign3A_293 : i1 to i32
      %sign3A_295 = arith.constant 0 : i32
      %sign3A_296 = arith.cmpi slt, %add3A_242, %sign3A_295 : i32
      %sign3A_297 = arith.extui %sign3A_296 : i1 to i32
      %sign3A_298 = arith.subi %sign3A_294, %sign3A_297 : i32
      %sign3A_299 = arith.constant 0 : i32
      %sign3A_300 = arith.cmpi sgt, %jit3A_290, %sign3A_299 : i32
      %sign3A_301 = arith.extui %sign3A_300 : i1 to i32
      %sign3A_302 = arith.constant 0 : i32
      %sign3A_303 = arith.cmpi slt, %jit3A_290, %sign3A_302 : i32
      %sign3A_304 = arith.extui %sign3A_303 : i1 to i32
      %sign3A_305 = arith.subi %sign3A_301, %sign3A_304 : i32
      %ne3A_306 = arith.cmpi ne, %sign3A_298, %sign3A_305 : i32
      %rem3A_307 = arith.remsi %add3A_242, %jit3A_290 : i32
      %ne3A_308 = arith.constant 0 : i32
      %ne3A_309 = arith.cmpi ne, %rem3A_307, %ne3A_308 : i32
      %and3A_310 = arith.andi %ne3A_306, %ne3A_309 : i1
      %sub3A_311 = arith.constant 1 : i32
      %sub3A_312 = arith.subi %div3A_291, %sub3A_311 : i32
      %select_n3A_313 = arith.select %and3A_310, %sub3A_312, %div3A_291 : i32
      %jit3A_314 = arith.constant 2 : i32
      %eq3A_315 = arith.constant 0 : i32
      %eq3A_316 = arith.cmpi eq, %jit3A_314, %eq3A_315 : i32
      %jit3A_317 = arith.constant 1 : i32
      %select_n3A_318 = arith.select %eq3A_316, %jit3A_317, %jit3A_314 : i32
      %rem3A_319 = arith.remsi %add3A_242, %select_n3A_318 : i32
      %ne3A_320 = arith.constant 0 : i32
      %ne3A_321 = arith.cmpi ne, %rem3A_319, %ne3A_320 : i32
      %lt3A_322 = arith.constant 0 : i32
      %lt3A_323 = arith.cmpi slt, %rem3A_319, %lt3A_322 : i32
      %lt3A_324 = arith.constant 0 : i32
      %lt3A_325 = arith.cmpi slt, %select_n3A_318, %lt3A_324 : i32
      %ne3A_326 = arith.xori %lt3A_323, %lt3A_325 : i1
      %and3A_327 = arith.andi %ne3A_326, %ne3A_321 : i1
      %add3A_328 = arith.addi %rem3A_319, %select_n3A_318 : i32
      %select_n3A_329 = arith.select %and3A_327, %add3A_328, %rem3A_319 : i32
      %mul3A_330 = arith.constant 64 : i32
      %mul3A_331 = arith.muli %select_n3A_329, %mul3A_330 : i32
      %dma_wait3A_332 = tpu.memref_slice %arg9[%select_n3A_313, %mul3A_331] : memref<80x128xi32, #tpu.memory_space<vmem>> -> memref<1x64xi32, #tpu.memory_space<vmem>>
      %dma_wait3A_333 = tpu.memref_squeeze %dma_wait3A_332 : memref<1x64xi32, #tpu.memory_space<vmem>> -> memref<64xi32, #tpu.memory_space<vmem>>
      %dma_wait3A_334 = arith.constant 0 : i32
      %dma_wait3A_335 = arith.constant 0 : i32
      %dma_wait3A_336 = tpu.memref_slice %arg3[%dma_wait3A_334, %dma_wait3A_335] : memref<10240x256xf32, #tpu.memory_space<hbm>> -> memref<10240x256xf32, #tpu.memory_space<hbm>>
      tpu.wait_indirect_dma semaphore(%arg20 : memref<!tpu.dma_semaphore, #tpu.memory_space<semaphore_mem>>) src(%dma_wait3A_336 : memref<10240x256xf32, #tpu.memory_space<hbm>>) dst(%arg13 : memref<64x256xf32, #tpu.memory_space<vmem>>)
      %ge3A_337 = arith.constant 2 : i32
      %ge3A_338 = arith.cmpi sge, %add3A_242, %ge3A_337 : i32
      %convert_element_type3A_339 = arith.extui %ge3A_338 : i1 to i32
      %cond3A_340 = arith.constant 0 : i32
      %cond3A_341 = arith.cmpi ne, %convert_element_type3A_339, %cond3A_340 : i32
      scf.if %cond3A_341 {
        %mul3A_362 = arith.constant 64 : i32
        %mul3A_363 = arith.muli %add3A_242, %mul3A_362 : i32
        %add3A_364 = arith.addi %mul3A_4, %mul3A_363 : i32
        %dma_wait3A_365 = arith.constant 0 : i32
        %dma_wait3A_366 = tpu.memref_slice %arg7[%add3A_364, %dma_wait3A_365] : memref<327680x16xf32, #tpu.memory_space<hbm>> -> memref<64x16xf32, #tpu.memory_space<hbm>>
        %dma_wait3A_367 = arith.constant 0 : i32
        %dma_wait3A_368 = tpu.memref_slice %arg7[%add3A_364, %dma_wait3A_367] : memref<327680x16xf32, #tpu.memory_space<hbm>> -> memref<64x16xf32, #tpu.memory_space<hbm>>
        tpu.wait_dma2 semaphore(%arg22 : memref<!tpu.dma_semaphore, #tpu.memory_space<semaphore_mem>>) src(%arg16 : memref<64x16xf32, #tpu.memory_space<vmem>>) dst(%dma_wait3A_368 : memref<64x16xf32, #tpu.memory_space<hbm>>)
      } else {
      }
      %scan3A_342 = arith.constant 0 : i32
      %scan3A_343 = arith.constant 0 : i32
      %scan3A_344 = arith.constant 64 : i32
      %scan3A_345 = arith.addi %scan3A_343, %scan3A_344 : i32
      %scan3A_346 = arith.constant 1 : i32
      scf.for %scan3A_362 = %scan3A_343 to %scan3A_345 step %scan3A_346  : i32 {
        %get3A_363 = arith.index_cast %scan3A_362 : i32 to index
        %get3A_364 = arith.constant 0 : index
        %get3A_365 = tpu.vector_load %arg11[%get3A_363, %get3A_364] {strides = array<i32>} : memref<64x256xf32, #tpu.memory_space<vmem>>, vector<1x16xf32>,
        %get3A_366 = vector.shape_cast %get3A_365 : vector<1x16xf32> to vector<16xf32>
        %get3A_367 = arith.index_cast %scan3A_362 : i32 to index
        %get3A_368 = arith.constant 0 : index
        %get3A_369 = tpu.vector_load %arg13[%get3A_367, %get3A_368] {strides = array<i32>} : memref<64x256xf32, #tpu.memory_space<vmem>>, vector<1x16xf32>,
        %get3A_370 = vector.shape_cast %get3A_369 : vector<1x16xf32> to vector<16xf32>
        %add3A_371 = arith.addf %get3A_366, %get3A_370 : vector<16xf32>
        %max3A = arith.constant 0.000000e+00 : f32
        %max3A_372 = vector.broadcast %max3A : f32 to vector<16xf32>
        %max3A_373 = arith.maximumf %add3A_371, %max3A_372 : vector<16xf32>
        %mul3A_374 = arith.mulf %max3A_373, %get3A_8 : vector<16xf32>
        %add3A_375 = arith.addf %mul3A_374, %broadcast_in_dim3A_84 : vector<16xf32>
        %get3A_376 = arith.index_cast %scan3A_362 : i32 to index
        %get3A_377 = arith.constant 16 : index
        %get3A_378 = tpu.vector_load %arg11[%get3A_376, %get3A_377] {strides = array<i32>} : memref<64x256xf32, #tpu.memory_space<vmem>>, vector<1x16xf32>,
        %get3A_379 = vector.shape_cast %get3A_378 : vector<1x16xf32> to vector<16xf32>
        %get3A_380 = arith.index_cast %scan3A_362 : i32 to index
        %get3A_381 = arith.constant 16 : index
        %get3A_382 = tpu.vector_load %arg13[%get3A_380, %get3A_381] {strides = array<i32>} : memref<64x256xf32, #tpu.memory_space<vmem>>, vector<1x16xf32>,
        %get3A_383 = vector.shape_cast %get3A_382 : vector<1x16xf32> to vector<16xf32>
        %add3A_384 = arith.addf %get3A_379, %get3A_383 : vector<16xf32>
        %max3A_385 = arith.constant 0.000000e+00 : f32
        %max3A_386 = vector.broadcast %max3A_385 : f32 to vector<16xf32>
        %max3A_387 = arith.maximumf %add3A_384, %max3A_386 : vector<16xf32>
        %mul3A_388 = arith.mulf %max3A_387, %get3A_13 : vector<16xf32>
        %add3A_389 = arith.addf %mul3A_388, %broadcast_in_dim3A_84 : vector<16xf32>
        %get3A_390 = arith.index_cast %scan3A_362 : i32 to index
        %get3A_391 = arith.constant 32 : index
        %get3A_392 = tpu.vector_load %arg11[%get3A_390, %get3A_391] {strides = array<i32>} : memref<64x256xf32, #tpu.memory_space<vmem>>, vector<1x16xf32>,
        %get3A_393 = vector.shape_cast %get3A_392 : vector<1x16xf32> to vector<16xf32>
        %get3A_394 = arith.index_cast %scan3A_362 : i32 to index
        %get3A_395 = arith.constant 32 : index
        %get3A_396 = tpu.vector_load %arg13[%get3A_394, %get3A_395] {strides = array<i32>} : memref<64x256xf32, #tpu.memory_space<vmem>>, vector<1x16xf32>,
        %get3A_397 = vector.shape_cast %get3A_396 : vector<1x16xf32> to vector<16xf32>
        %add3A_398 = arith.addf %get3A_393, %get3A_397 : vector<16xf32>
        %max3A_399 = arith.constant 0.000000e+00 : f32
        %max3A_400 = vector.broadcast %max3A_399 : f32 to vector<16xf32>
        %max3A_401 = arith.maximumf %add3A_398, %max3A_400 : vector<16xf32>
        %mul3A_402 = arith.mulf %max3A_401, %get3A_18 : vector<16xf32>
        %add3A_403 = arith.addf %mul3A_402, %broadcast_in_dim3A_84 : vector<16xf32>
        %get3A_404 = arith.index_cast %scan3A_362 : i32 to index
        %get3A_405 = arith.constant 48 : index
        %get3A_406 = tpu.vector_load %arg11[%get3A_404, %get3A_405] {strides = array<i32>} : memref<64x256xf32, #tpu.memory_space<vmem>>, vector<1x16xf32>,
        %get3A_407 = vector.shape_cast %get3A_406 : vector<1x16xf32> to vector<16xf32>
        %get3A_408 = arith.index_cast %scan3A_362 : i32 to index
        %get3A_409 = arith.constant 48 : index
        %get3A_410 = tpu.vector_load %arg13[%get3A_408, %get3A_409] {strides = array<i32>} : memref<64x256xf32, #tpu.memory_space<vmem>>, vector<1x16xf32>,
        %get3A_411 = vector.shape_cast %get3A_410 : vector<1x16xf32> to vector<16xf32>
        %add3A_412 = arith.addf %get3A_407, %get3A_411 : vector<16xf32>
        %max3A_413 = arith.constant 0.000000e+00 : f32
        %max3A_414 = vector.broadcast %max3A_413 : f32 to vector<16xf32>
        %max3A_415 = arith.maximumf %add3A_412, %max3A_414 : vector<16xf32>
        %mul3A_416 = arith.mulf %max3A_415, %get3A_23 : vector<16xf32>
        %add3A_417 = arith.addf %mul3A_416, %broadcast_in_dim3A_84 : vector<16xf32>
        %get3A_418 = arith.index_cast %scan3A_362 : i32 to index
        %get3A_419 = arith.constant 64 : index
        %get3A_420 = tpu.vector_load %arg11[%get3A_418, %get3A_419] {strides = array<i32>} : memref<64x256xf32, #tpu.memory_space<vmem>>, vector<1x16xf32>,
        %get3A_421 = vector.shape_cast %get3A_420 : vector<1x16xf32> to vector<16xf32>
        %get3A_422 = arith.index_cast %scan3A_362 : i32 to index
        %get3A_423 = arith.constant 64 : index
        %get3A_424 = tpu.vector_load %arg13[%get3A_422, %get3A_423] {strides = array<i32>} : memref<64x256xf32, #tpu.memory_space<vmem>>, vector<1x16xf32>,
        %get3A_425 = vector.shape_cast %get3A_424 : vector<1x16xf32> to vector<16xf32>
        %add3A_426 = arith.addf %get3A_421, %get3A_425 : vector<16xf32>
        %max3A_427 = arith.constant 0.000000e+00 : f32
        %max3A_428 = vector.broadcast %max3A_427 : f32 to vector<16xf32>
        %max3A_429 = arith.maximumf %add3A_426, %max3A_428 : vector<16xf32>
        %mul3A_430 = arith.mulf %max3A_429, %get3A_28 : vector<16xf32>
        %add3A_431 = arith.addf %mul3A_430, %add3A_375 : vector<16xf32>
        %get3A_432 = arith.index_cast %scan3A_362 : i32 to index
        %get3A_433 = arith.constant 80 : index
        %get3A_434 = tpu.vector_load %arg11[%get3A_432, %get3A_433] {strides = array<i32>} : memref<64x256xf32, #tpu.memory_space<vmem>>, vector<1x16xf32>,
        %get3A_435 = vector.shape_cast %get3A_434 : vector<1x16xf32> to vector<16xf32>
        %get3A_436 = arith.index_cast %scan3A_362 : i32 to index
        %get3A_437 = arith.constant 80 : index
        %get3A_438 = tpu.vector_load %arg13[%get3A_436, %get3A_437] {strides = array<i32>} : memref<64x256xf32, #tpu.memory_space<vmem>>, vector<1x16xf32>,
        %get3A_439 = vector.shape_cast %get3A_438 : vector<1x16xf32> to vector<16xf32>
        %add3A_440 = arith.addf %get3A_435, %get3A_439 : vector<16xf32>
        %max3A_441 = arith.constant 0.000000e+00 : f32
        %max3A_442 = vector.broadcast %max3A_441 : f32 to vector<16xf32>
        %max3A_443 = arith.maximumf %add3A_440, %max3A_442 : vector<16xf32>
        %mul3A_444 = arith.mulf %max3A_443, %get3A_33 : vector<16xf32>
        %add3A_445 = arith.addf %mul3A_444, %add3A_389 : vector<16xf32>
        %get3A_446 = arith.index_cast %scan3A_362 : i32 to index
        %get3A_447 = arith.constant 96 : index
        %get3A_448 = tpu.vector_load %arg11[%get3A_446, %get3A_447] {strides = array<i32>} : memref<64x256xf32, #tpu.memory_space<vmem>>, vector<1x16xf32>,
        %get3A_449 = vector.shape_cast %get3A_448 : vector<1x16xf32> to vector<16xf32>
        %get3A_450 = arith.index_cast %scan3A_362 : i32 to index
        %get3A_451 = arith.constant 96 : index
        %get3A_452 = tpu.vector_load %arg13[%get3A_450, %get3A_451] {strides = array<i32>} : memref<64x256xf32, #tpu.memory_space<vmem>>, vector<1x16xf32>,
        %get3A_453 = vector.shape_cast %get3A_452 : vector<1x16xf32> to vector<16xf32>
        %add3A_454 = arith.addf %get3A_449, %get3A_453 : vector<16xf32>
        %max3A_455 = arith.constant 0.000000e+00 : f32
        %max3A_456 = vector.broadcast %max3A_455 : f32 to vector<16xf32>
        %max3A_457 = arith.maximumf %add3A_454, %max3A_456 : vector<16xf32>
        %mul3A_458 = arith.mulf %max3A_457, %get3A_38 : vector<16xf32>
        %add3A_459 = arith.addf %mul3A_458, %add3A_403 : vector<16xf32>
        %get3A_460 = arith.index_cast %scan3A_362 : i32 to index
        %get3A_461 = arith.constant 112 : index
        %get3A_462 = tpu.vector_load %arg11[%get3A_460, %get3A_461] {strides = array<i32>} : memref<64x256xf32, #tpu.memory_space<vmem>>, vector<1x16xf32>,
        %get3A_463 = vector.shape_cast %get3A_462 : vector<1x16xf32> to vector<16xf32>
        %get3A_464 = arith.index_cast %scan3A_362 : i32 to index
        %get3A_465 = arith.constant 112 : index
        %get3A_466 = tpu.vector_load %arg13[%get3A_464, %get3A_465] {strides = array<i32>} : memref<64x256xf32, #tpu.memory_space<vmem>>, vector<1x16xf32>,
        %get3A_467 = vector.shape_cast %get3A_466 : vector<1x16xf32> to vector<16xf32>
        %add3A_468 = arith.addf %get3A_463, %get3A_467 : vector<16xf32>
        %max3A_469 = arith.constant 0.000000e+00 : f32
        %max3A_470 = vector.broadcast %max3A_469 : f32 to vector<16xf32>
        %max3A_471 = arith.maximumf %add3A_468, %max3A_470 : vector<16xf32>
        %mul3A_472 = arith.mulf %max3A_471, %get3A_43 : vector<16xf32>
        %add3A_473 = arith.addf %mul3A_472, %add3A_417 : vector<16xf32>
        %get3A_474 = arith.index_cast %scan3A_362 : i32 to index
        %get3A_475 = arith.constant 128 : index
        %get3A_476 = tpu.vector_load %arg11[%get3A_474, %get3A_475] {strides = array<i32>} : memref<64x256xf32, #tpu.memory_space<vmem>>, vector<1x16xf32>,
        %get3A_477 = vector.shape_cast %get3A_476 : vector<1x16xf32> to vector<16xf32>
        %get3A_478 = arith.index_cast %scan3A_362 : i32 to index
        %get3A_479 = arith.constant 128 : index
        %get3A_480 = tpu.vector_load %arg13[%get3A_478, %get3A_479] {strides = array<i32>} : memref<64x256xf32, #tpu.memory_space<vmem>>, vector<1x16xf32>,
        %get3A_481 = vector.shape_cast %get3A_480 : vector<1x16xf32> to vector<16xf32>
        %add3A_482 = arith.addf %get3A_477, %get3A_481 : vector<16xf32>
        %max3A_483 = arith.constant 0.000000e+00 : f32
        %max3A_484 = vector.broadcast %max3A_483 : f32 to vector<16xf32>
        %max3A_485 = arith.maximumf %add3A_482, %max3A_484 : vector<16xf32>
        %mul3A_486 = arith.mulf %max3A_485, %get3A_48 : vector<16xf32>
        %add3A_487 = arith.addf %mul3A_486, %add3A_431 : vector<16xf32>
        %get3A_488 = arith.index_cast %scan3A_362 : i32 to index
        %get3A_489 = arith.constant 144 : index
        %get3A_490 = tpu.vector_load %arg11[%get3A_488, %get3A_489] {strides = array<i32>} : memref<64x256xf32, #tpu.memory_space<vmem>>, vector<1x16xf32>,
        %get3A_491 = vector.shape_cast %get3A_490 : vector<1x16xf32> to vector<16xf32>
        %get3A_492 = arith.index_cast %scan3A_362 : i32 to index
        %get3A_493 = arith.constant 144 : index
        %get3A_494 = tpu.vector_load %arg13[%get3A_492, %get3A_493] {strides = array<i32>} : memref<64x256xf32, #tpu.memory_space<vmem>>, vector<1x16xf32>,
        %get3A_495 = vector.shape_cast %get3A_494 : vector<1x16xf32> to vector<16xf32>
        %add3A_496 = arith.addf %get3A_491, %get3A_495 : vector<16xf32>
        %max3A_497 = arith.constant 0.000000e+00 : f32
        %max3A_498 = vector.broadcast %max3A_497 : f32 to vector<16xf32>
        %max3A_499 = arith.maximumf %add3A_496, %max3A_498 : vector<16xf32>
        %mul3A_500 = arith.mulf %max3A_499, %get3A_53 : vector<16xf32>
        %add3A_501 = arith.addf %mul3A_500, %add3A_445 : vector<16xf32>
        %get3A_502 = arith.index_cast %scan3A_362 : i32 to index
        %get3A_503 = arith.constant 160 : index
        %get3A_504 = tpu.vector_load %arg11[%get3A_502, %get3A_503] {strides = array<i32>} : memref<64x256xf32, #tpu.memory_space<vmem>>, vector<1x16xf32>,
        %get3A_505 = vector.shape_cast %get3A_504 : vector<1x16xf32> to vector<16xf32>
        %get3A_506 = arith.index_cast %scan3A_362 : i32 to index
        %get3A_507 = arith.constant 160 : index
        %get3A_508 = tpu.vector_load %arg13[%get3A_506, %get3A_507] {strides = array<i32>} : memref<64x256xf32, #tpu.memory_space<vmem>>, vector<1x16xf32>,
        %get3A_509 = vector.shape_cast %get3A_508 : vector<1x16xf32> to vector<16xf32>
        %add3A_510 = arith.addf %get3A_505, %get3A_509 : vector<16xf32>
        %max3A_511 = arith.constant 0.000000e+00 : f32
        %max3A_512 = vector.broadcast %max3A_511 : f32 to vector<16xf32>
        %max3A_513 = arith.maximumf %add3A_510, %max3A_512 : vector<16xf32>
        %mul3A_514 = arith.mulf %max3A_513, %get3A_58 : vector<16xf32>
        %add3A_515 = arith.addf %mul3A_514, %add3A_459 : vector<16xf32>
        %get3A_516 = arith.index_cast %scan3A_362 : i32 to index
        %get3A_517 = arith.constant 176 : index
        %get3A_518 = tpu.vector_load %arg11[%get3A_516, %get3A_517] {strides = array<i32>} : memref<64x256xf32, #tpu.memory_space<vmem>>, vector<1x16xf32>,
        %get3A_519 = vector.shape_cast %get3A_518 : vector<1x16xf32> to vector<16xf32>
        %get3A_520 = arith.index_cast %scan3A_362 : i32 to index
        %get3A_521 = arith.constant 176 : index
        %get3A_522 = tpu.vector_load %arg13[%get3A_520, %get3A_521] {strides = array<i32>} : memref<64x256xf32, #tpu.memory_space<vmem>>, vector<1x16xf32>,
        %get3A_523 = vector.shape_cast %get3A_522 : vector<1x16xf32> to vector<16xf32>
        %add3A_524 = arith.addf %get3A_519, %get3A_523 : vector<16xf32>
        %max3A_525 = arith.constant 0.000000e+00 : f32
        %max3A_526 = vector.broadcast %max3A_525 : f32 to vector<16xf32>
        %max3A_527 = arith.maximumf %add3A_524, %max3A_526 : vector<16xf32>
        %mul3A_528 = arith.mulf %max3A_527, %get3A_63 : vector<16xf32>
        %add3A_529 = arith.addf %mul3A_528, %add3A_473 : vector<16xf32>
        %get3A_530 = arith.index_cast %scan3A_362 : i32 to index
        %get3A_531 = arith.constant 192 : index
        %get3A_532 = tpu.vector_load %arg11[%get3A_530, %get3A_531] {strides = array<i32>} : memref<64x256xf32, #tpu.memory_space<vmem>>, vector<1x16xf32>,
        %get3A_533 = vector.shape_cast %get3A_532 : vector<1x16xf32> to vector<16xf32>
        %get3A_534 = arith.index_cast %scan3A_362 : i32 to index
        %get3A_535 = arith.constant 192 : index
        %get3A_536 = tpu.vector_load %arg13[%get3A_534, %get3A_535] {strides = array<i32>} : memref<64x256xf32, #tpu.memory_space<vmem>>, vector<1x16xf32>,
        %get3A_537 = vector.shape_cast %get3A_536 : vector<1x16xf32> to vector<16xf32>
        %add3A_538 = arith.addf %get3A_533, %get3A_537 : vector<16xf32>
        %max3A_539 = arith.constant 0.000000e+00 : f32
        %max3A_540 = vector.broadcast %max3A_539 : f32 to vector<16xf32>
        %max3A_541 = arith.maximumf %add3A_538, %max3A_540 : vector<16xf32>
        %mul3A_542 = arith.mulf %max3A_541, %get3A_68 : vector<16xf32>
        %add3A_543 = arith.addf %mul3A_542, %add3A_487 : vector<16xf32>
        %get3A_544 = arith.index_cast %scan3A_362 : i32 to index
        %get3A_545 = arith.constant 208 : index
        %get3A_546 = tpu.vector_load %arg11[%get3A_544, %get3A_545] {strides = array<i32>} : memref<64x256xf32, #tpu.memory_space<vmem>>, vector<1x16xf32>,
        %get3A_547 = vector.shape_cast %get3A_546 : vector<1x16xf32> to vector<16xf32>
        %get3A_548 = arith.index_cast %scan3A_362 : i32 to index
        %get3A_549 = arith.constant 208 : index
        %get3A_550 = tpu.vector_load %arg13[%get3A_548, %get3A_549] {strides = array<i32>} : memref<64x256xf32, #tpu.memory_space<vmem>>, vector<1x16xf32>,
        %get3A_551 = vector.shape_cast %get3A_550 : vector<1x16xf32> to vector<16xf32>
        %add3A_552 = arith.addf %get3A_547, %get3A_551 : vector<16xf32>
        %max3A_553 = arith.constant 0.000000e+00 : f32
        %max3A_554 = vector.broadcast %max3A_553 : f32 to vector<16xf32>
        %max3A_555 = arith.maximumf %add3A_552, %max3A_554 : vector<16xf32>
        %mul3A_556 = arith.mulf %max3A_555, %get3A_73 : vector<16xf32>
        %add3A_557 = arith.addf %mul3A_556, %add3A_501 : vector<16xf32>
        %get3A_558 = arith.index_cast %scan3A_362 : i32 to index
        %get3A_559 = arith.constant 224 : index
        %get3A_560 = tpu.vector_load %arg11[%get3A_558, %get3A_559] {strides = array<i32>} : memref<64x256xf32, #tpu.memory_space<vmem>>, vector<1x16xf32>,
        %get3A_561 = vector.shape_cast %get3A_560 : vector<1x16xf32> to vector<16xf32>
        %get3A_562 = arith.index_cast %scan3A_362 : i32 to index
        %get3A_563 = arith.constant 224 : index
        %get3A_564 = tpu.vector_load %arg13[%get3A_562, %get3A_563] {strides = array<i32>} : memref<64x256xf32, #tpu.memory_space<vmem>>, vector<1x16xf32>,
        %get3A_565 = vector.shape_cast %get3A_564 : vector<1x16xf32> to vector<16xf32>
        %add3A_566 = arith.addf %get3A_561, %get3A_565 : vector<16xf32>
        %max3A_567 = arith.constant 0.000000e+00 : f32
        %max3A_568 = vector.broadcast %max3A_567 : f32 to vector<16xf32>
        %max3A_569 = arith.maximumf %add3A_566, %max3A_568 : vector<16xf32>
        %mul3A_570 = arith.mulf %max3A_569, %get3A_78 : vector<16xf32>
        %add3A_571 = arith.addf %mul3A_570, %add3A_515 : vector<16xf32>
        %get3A_572 = arith.index_cast %scan3A_362 : i32 to index
        %get3A_573 = arith.constant 240 : index
        %get3A_574 = tpu.vector_load %arg11[%get3A_572, %get3A_573] {strides = array<i32>} : memref<64x256xf32, #tpu.memory_space<vmem>>, vector<1x16xf32>,
        %get3A_575 = vector.shape_cast %get3A_574 : vector<1x16xf32> to vector<16xf32>
        %get3A_576 = arith.index_cast %scan3A_362 : i32 to index
        %get3A_577 = arith.constant 240 : index
        %get3A_578 = tpu.vector_load %arg13[%get3A_576, %get3A_577] {strides = array<i32>} : memref<64x256xf32, #tpu.memory_space<vmem>>, vector<1x16xf32>,
        %get3A_579 = vector.shape_cast %get3A_578 : vector<1x16xf32> to vector<16xf32>
        %add3A_580 = arith.addf %get3A_575, %get3A_579 : vector<16xf32>
        %max3A_581 = arith.constant 0.000000e+00 : f32
        %max3A_582 = vector.broadcast %max3A_581 : f32 to vector<16xf32>
        %max3A_583 = arith.maximumf %add3A_580, %max3A_582 : vector<16xf32>
        %mul3A_584 = arith.mulf %max3A_583, %get3A_83 : vector<16xf32>
        %add3A_585 = arith.addf %mul3A_584, %add3A_529 : vector<16xf32>
        %add3A_586 = arith.addf %add3A_543, %add3A_557 : vector<16xf32>
        %add3A_587 = arith.addf %add3A_571, %add3A_585 : vector<16xf32>
        %add3A_588 = arith.addf %add3A_586, %add3A_587 : vector<16xf32>
        %swap3A = arith.index_cast %scan3A_362 : i32 to index
        %swap3A_589 = arith.constant 0 : index
        %swap3A_590 = tpu.vector_load %arg16[%swap3A, %swap3A_589] {strides = array<i32>} : memref<64x16xf32, #tpu.memory_space<vmem>>, vector<1x16xf32>,
        %swap3A_591 = vector.shape_cast %swap3A_590 : vector<1x16xf32> to vector<16xf32>
        %swap3A_592 = vector.shape_cast %add3A_588 : vector<16xf32> to vector<1x16xf32>
        tpu.vector_store %arg16[%swap3A, %swap3A_589], %swap3A_592 {strides = array<i32>} : memref<64x16xf32, #tpu.memory_space<vmem>>, vector<1x16xf32>,
      }
      %scan3A_347 = arith.constant 64 : i32
      %mul3A_348 = arith.constant 64 : i32
      %mul3A_349 = arith.muli %add3A_242, %mul3A_348 : i32
      %add3A_350 = arith.addi %mul3A_4, %mul3A_349 : i32
      %dma_start3A_351 = arith.constant 0 : i32
      %dma_start3A_352 = tpu.memref_slice %arg7[%add3A_350, %dma_start3A_351] : memref<327680x16xf32, #tpu.memory_space<hbm>> -> memref<64x16xf32, #tpu.memory_space<hbm>>
      %dma_start3A_353 = arith.constant 0 : i32
      %dma_start3A_354 = tpu.memref_slice %arg7[%add3A_350, %dma_start3A_353] : memref<327680x16xf32, #tpu.memory_space<hbm>> -> memref<64x16xf32, #tpu.memory_space<hbm>>
      tpu.enqueue_dma source(%arg16 : memref<64x16xf32, #tpu.memory_space<vmem>>) target(%dma_start3A_354 : memref<64x16xf32, #tpu.memory_space<hbm>>) target_semaphore(%arg22 : memref<!tpu.dma_semaphore, #tpu.memory_space<semaphore_mem>>)
      %add3A_355 = arith.constant 2 : i32
      %add3A_356 = arith.addi %add3A_242, %add3A_355 : i32
      %lt3A_357 = arith.constant 160 : i32
      %lt3A_358 = arith.cmpi slt, %add3A_356, %lt3A_357 : i32
      %convert_element_type3A_359 = arith.extui %lt3A_358 : i1 to i32
      %cond3A_360 = arith.constant 0 : i32
      %cond3A_361 = arith.cmpi ne, %convert_element_type3A_359, %cond3A_360 : i32
      scf.if %cond3A_361 {
        %jit3A_362 = arith.constant 2 : i32
        %div3A_363 = arith.divsi %add3A_356, %jit3A_362 : i32
        %sign3A_364 = arith.constant 0 : i32
        %sign3A_365 = arith.cmpi sgt, %add3A_356, %sign3A_364 : i32
        %sign3A_366 = arith.extui %sign3A_365 : i1 to i32
        %sign3A_367 = arith.constant 0 : i32
        %sign3A_368 = arith.cmpi slt, %add3A_356, %sign3A_367 : i32
        %sign3A_369 = arith.extui %sign3A_368 : i1 to i32
        %sign3A_370 = arith.subi %sign3A_366, %sign3A_369 : i32
        %sign3A_371 = arith.constant 0 : i32
        %sign3A_372 = arith.cmpi sgt, %jit3A_362, %sign3A_371 : i32
        %sign3A_373 = arith.extui %sign3A_372 : i1 to i32
        %sign3A_374 = arith.constant 0 : i32
        %sign3A_375 = arith.cmpi slt, %jit3A_362, %sign3A_374 : i32
        %sign3A_376 = arith.extui %sign3A_375 : i1 to i32
        %sign3A_377 = arith.subi %sign3A_373, %sign3A_376 : i32
        %ne3A_378 = arith.cmpi ne, %sign3A_370, %sign3A_377 : i32
        %rem3A_379 = arith.remsi %add3A_356, %jit3A_362 : i32
        %ne3A_380 = arith.constant 0 : i32
        %ne3A_381 = arith.cmpi ne, %rem3A_379, %ne3A_380 : i32
        %and3A_382 = arith.andi %ne3A_378, %ne3A_381 : i1
        %sub3A_383 = arith.constant 1 : i32
        %sub3A_384 = arith.subi %div3A_363, %sub3A_383 : i32
        %select_n3A_385 = arith.select %and3A_382, %sub3A_384, %div3A_363 : i32
        %jit3A_386 = arith.constant 2 : i32
        %eq3A_387 = arith.constant 0 : i32
        %eq3A_388 = arith.cmpi eq, %jit3A_386, %eq3A_387 : i32
        %jit3A_389 = arith.constant 1 : i32
        %select_n3A_390 = arith.select %eq3A_388, %jit3A_389, %jit3A_386 : i32
        %rem3A_391 = arith.remsi %add3A_356, %select_n3A_390 : i32
        %ne3A_392 = arith.constant 0 : i32
        %ne3A_393 = arith.cmpi ne, %rem3A_391, %ne3A_392 : i32
        %lt3A_394 = arith.constant 0 : i32
        %lt3A_395 = arith.cmpi slt, %rem3A_391, %lt3A_394 : i32
        %lt3A_396 = arith.constant 0 : i32
        %lt3A_397 = arith.cmpi slt, %select_n3A_390, %lt3A_396 : i32
        %ne3A_398 = arith.xori %lt3A_395, %lt3A_397 : i1
        %and3A_399 = arith.andi %ne3A_398, %ne3A_393 : i1
        %add3A_400 = arith.addi %rem3A_391, %select_n3A_390 : i32
        %select_n3A_401 = arith.select %and3A_399, %add3A_400, %rem3A_391 : i32
        %mul3A_402 = arith.constant 64 : i32
        %mul3A_403 = arith.muli %select_n3A_401, %mul3A_402 : i32
        %dma_start3A_404 = tpu.memref_slice %arg8[%select_n3A_385, %mul3A_403] : memref<80x128xi32, #tpu.memory_space<vmem>> -> memref<1x64xi32, #tpu.memory_space<vmem>>
        %dma_start3A_405 = tpu.memref_squeeze %dma_start3A_404 : memref<1x64xi32, #tpu.memory_space<vmem>> -> memref<64xi32, #tpu.memory_space<vmem>>
        %dma_start3A_406 = arith.constant 0 : i32
        %dma_start3A_407 = arith.constant 0 : i32
        %dma_start3A_408 = tpu.memref_slice %arg2[%dma_start3A_406, %dma_start3A_407] : memref<10240x256xf32, #tpu.memory_space<hbm>> -> memref<10240x256xf32, #tpu.memory_space<hbm>>
        tpu.enqueue_indirect_dma source(%dma_start3A_408 : memref<10240x256xf32, #tpu.memory_space<hbm>>) target(%arg11 : memref<64x256xf32, #tpu.memory_space<vmem>>) offsets(%dma_start3A_405 : memref<64xi32, #tpu.memory_space<vmem>>) semaphore(%arg18 : memref<!tpu.dma_semaphore, #tpu.memory_space<semaphore_mem>>)
        %jit3A_409 = arith.constant 2 : i32
        %div3A_410 = arith.divsi %add3A_356, %jit3A_409 : i32
        %sign3A_411 = arith.constant 0 : i32
        %sign3A_412 = arith.cmpi sgt, %add3A_356, %sign3A_411 : i32
        %sign3A_413 = arith.extui %sign3A_412 : i1 to i32
        %sign3A_414 = arith.constant 0 : i32
        %sign3A_415 = arith.cmpi slt, %add3A_356, %sign3A_414 : i32
        %sign3A_416 = arith.extui %sign3A_415 : i1 to i32
        %sign3A_417 = arith.subi %sign3A_413, %sign3A_416 : i32
        %sign3A_418 = arith.constant 0 : i32
        %sign3A_419 = arith.cmpi sgt, %jit3A_409, %sign3A_418 : i32
        %sign3A_420 = arith.extui %sign3A_419 : i1 to i32
        %sign3A_421 = arith.constant 0 : i32
        %sign3A_422 = arith.cmpi slt, %jit3A_409, %sign3A_421 : i32
        %sign3A_423 = arith.extui %sign3A_422 : i1 to i32
        %sign3A_424 = arith.subi %sign3A_420, %sign3A_423 : i32
        %ne3A_425 = arith.cmpi ne, %sign3A_417, %sign3A_424 : i32
        %rem3A_426 = arith.remsi %add3A_356, %jit3A_409 : i32
        %ne3A_427 = arith.constant 0 : i32
        %ne3A_428 = arith.cmpi ne, %rem3A_426, %ne3A_427 : i32
        %and3A_429 = arith.andi %ne3A_425, %ne3A_428 : i1
        %sub3A_430 = arith.constant 1 : i32
        %sub3A_431 = arith.subi %div3A_410, %sub3A_430 : i32
        %select_n3A_432 = arith.select %and3A_429, %sub3A_431, %div3A_410 : i32
        %jit3A_433 = arith.constant 2 : i32
        %eq3A_434 = arith.constant 0 : i32
        %eq3A_435 = arith.cmpi eq, %jit3A_433, %eq3A_434 : i32
        %jit3A_436 = arith.constant 1 : i32
        %select_n3A_437 = arith.select %eq3A_435, %jit3A_436, %jit3A_433 : i32
        %rem3A_438 = arith.remsi %add3A_356, %select_n3A_437 : i32
        %ne3A_439 = arith.constant 0 : i32
        %ne3A_440 = arith.cmpi ne, %rem3A_438, %ne3A_439 : i32
        %lt3A_441 = arith.constant 0 : i32
        %lt3A_442 = arith.cmpi slt, %rem3A_438, %lt3A_441 : i32
        %lt3A_443 = arith.constant 0 : i32
        %lt3A_444 = arith.cmpi slt, %select_n3A_437, %lt3A_443 : i32
        %ne3A_445 = arith.xori %lt3A_442, %lt3A_444 : i1
        %and3A_446 = arith.andi %ne3A_445, %ne3A_440 : i1
        %add3A_447 = arith.addi %rem3A_438, %select_n3A_437 : i32
        %select_n3A_448 = arith.select %and3A_446, %add3A_447, %rem3A_438 : i32
        %mul3A_449 = arith.constant 64 : i32
        %mul3A_450 = arith.muli %select_n3A_448, %mul3A_449 : i32
        %dma_start3A_451 = tpu.memref_slice %arg9[%select_n3A_432, %mul3A_450] : memref<80x128xi32, #tpu.memory_space<vmem>> -> memref<1x64xi32, #tpu.memory_space<vmem>>
        %dma_start3A_452 = tpu.memref_squeeze %dma_start3A_451 : memref<1x64xi32, #tpu.memory_space<vmem>> -> memref<64xi32, #tpu.memory_space<vmem>>
        %dma_start3A_453 = arith.constant 0 : i32
        %dma_start3A_454 = arith.constant 0 : i32
        %dma_start3A_455 = tpu.memref_slice %arg3[%dma_start3A_453, %dma_start3A_454] : memref<10240x256xf32, #tpu.memory_space<hbm>> -> memref<10240x256xf32, #tpu.memory_space<hbm>>
        tpu.enqueue_indirect_dma source(%dma_start3A_455 : memref<10240x256xf32, #tpu.memory_space<hbm>>) target(%arg13 : memref<64x256xf32, #tpu.memory_space<vmem>>) offsets(%dma_start3A_452 : memref<64xi32, #tpu.memory_space<vmem>>) semaphore(%arg20 : memref<!tpu.dma_semaphore, #tpu.memory_space<semaphore_mem>>)
      } else {
      }
    }
    %scan3A_116 = arith.constant 80 : i32
    %add3A_117 = arith.constant 10112 : i32
    %add3A_118 = arith.addi %mul3A_4, %add3A_117 : i32
    %dma_wait3A = arith.constant 0 : i32
    %dma_wait3A_119 = tpu.memref_slice %arg7[%add3A_118, %dma_wait3A] : memref<327680x16xf32, #tpu.memory_space<hbm>> -> memref<64x16xf32, #tpu.memory_space<hbm>>
    %dma_wait3A_120 = arith.constant 0 : i32
    %dma_wait3A_121 = tpu.memref_slice %arg7[%add3A_118, %dma_wait3A_120] : memref<327680x16xf32, #tpu.memory_space<hbm>> -> memref<64x16xf32, #tpu.memory_space<hbm>>
    tpu.wait_dma2 semaphore(%arg21 : memref<!tpu.dma_semaphore, #tpu.memory_space<semaphore_mem>>) src(%arg15 : memref<64x16xf32, #tpu.memory_space<vmem>>) dst(%dma_wait3A_121 : memref<64x16xf32, #tpu.memory_space<hbm>>)
    %add3A_122 = arith.constant 10176 : i32
    %add3A_123 = arith.addi %mul3A_4, %add3A_122 : i32
    %dma_wait3A_124 = arith.constant 0 : i32
    %dma_wait3A_125 = tpu.memref_slice %arg7[%add3A_123, %dma_wait3A_124] : memref<327680x16xf32, #tpu.memory_space<hbm>> -> memref<64x16xf32, #tpu.memory_space<hbm>>
    %dma_wait3A_126 = arith.constant 0 : i32
    %dma_wait3A_127 = tpu.memref_slice %arg7[%add3A_123, %dma_wait3A_126] : memref<327680x16xf32, #tpu.memory_space<hbm>> -> memref<64x16xf32, #tpu.memory_space<hbm>>
    tpu.wait_dma2 semaphore(%arg22 : memref<!tpu.dma_semaphore, #tpu.memory_space<semaphore_mem>>) src(%arg16 : memref<64x16xf32, #tpu.memory_space<vmem>>) dst(%dma_wait3A_127 : memref<64x16xf32, #tpu.memory_space<hbm>>)
    return
  }
}

module attributes {stable_mosaic.version = 14 : i64} {
  func.func @_deg_body(%arg0: i32, %arg1: memref<2000x1xi32, #tpu.memory_space<vmem>>, %arg2: memref<80x128xf32, #tpu.memory_space<vmem>>) attributes {dimension_semantics = [#tpu.dimension_semantics<arbitrary>], iteration_bounds = array<i64: 160>, scalar_prefetch = 0 : i64, scratch_operands = 0 : i64, tpu.core_type = #tpu.core_type<tc>, window_params = [{transform_indices = @transform_0, window_bounds = array<i64: 2000, 1>}, {pipeline_mode = #tpu.pipeline_mode<synchronous>, transform_indices = @transform_1, window_bounds = array<i64: 80, 128>}]} {
    %eq3A = arith.constant 0 : i32
    %eq3A_0 = arith.cmpi eq, %arg0, %eq3A : i32
    %convert_element_type3A = arith.extui %eq3A_0 : i1 to i32
    %cond3A = arith.constant 0 : i32
    %cond3A_1 = arith.cmpi ne, %convert_element_type3A, %cond3A : i32
    scf.if %cond3A_1 {
      %broadcast_in_dim3A = arith.constant 1.000000e+00 : f32
      %broadcast_in_dim3A_63 = vector.broadcast %broadcast_in_dim3A : f32 to vector<80x128xf32>
      %swap3A_64 = arith.constant 0 : index
      %swap3A_65 = arith.constant 0 : index
      %swap3A_66 = vector.load %arg2[%swap3A_64, %swap3A_65] : memref<80x128xf32, #tpu.memory_space<vmem>>, vector<80x128xf32>
      tpu.vector_store %arg2[%swap3A_64, %swap3A_65], %broadcast_in_dim3A_63 {strides = array<i32>} : memref<80x128xf32, #tpu.memory_space<vmem>>, vector<80x128xf32>,
    } else {
    }
    %get3A = arith.constant 0 : index
    %get3A_2 = arith.constant 0 : index
    %get3A_3 = vector.load %arg1[%get3A, %get3A_2] : memref<2000x1xi32, #tpu.memory_space<vmem>>, vector<2000x1xi32>
    %iota3A = tpu.iota {dimensions = array<i32: 1>} : vector<2000x80xi32>
    %iota3A_4 = tpu.iota {dimensions = array<i32: 1>} : vector<2000x128xi32>
    %jit3A = arith.constant 128 : i32
    %div3A = vector.broadcast %jit3A : i32 to vector<2000x1xi32>
    %div3A_5 = arith.divsi %get3A_3, %div3A : vector<2000x1xi32>
    %sign3A = arith.constant 0 : i32
    %sign3A_6 = vector.broadcast %sign3A : i32 to vector<2000x1xi32>
    %sign3A_7 = arith.cmpi sgt, %get3A_3, %sign3A_6 : vector<2000x1xi32>
    %sign3A_8 = arith.extui %sign3A_7 : vector<2000x1xi1> to vector<2000x1xi32>
    %sign3A_9 = arith.constant 0 : i32
    %sign3A_10 = vector.broadcast %sign3A_9 : i32 to vector<2000x1xi32>
    %sign3A_11 = arith.cmpi slt, %get3A_3, %sign3A_10 : vector<2000x1xi32>
    %sign3A_12 = arith.extui %sign3A_11 : vector<2000x1xi1> to vector<2000x1xi32>
    %sign3A_13 = arith.subi %sign3A_8, %sign3A_12 : vector<2000x1xi32>
    %sign3A_14 = arith.constant 0 : i32
    %sign3A_15 = arith.cmpi sgt, %jit3A, %sign3A_14 : i32
    %sign3A_16 = arith.extui %sign3A_15 : i1 to i32
    %sign3A_17 = arith.constant 0 : i32
    %sign3A_18 = arith.cmpi slt, %jit3A, %sign3A_17 : i32
    %sign3A_19 = arith.extui %sign3A_18 : i1 to i32
    %sign3A_20 = arith.subi %sign3A_16, %sign3A_19 : i32
    %ne3A = vector.broadcast %sign3A_20 : i32 to vector<2000x1xi32>
    %ne3A_21 = arith.cmpi ne, %sign3A_13, %ne3A : vector<2000x1xi32>
    %rem3A = vector.broadcast %jit3A : i32 to vector<2000x1xi32>
    %rem3A_22 = arith.remsi %get3A_3, %rem3A : vector<2000x1xi32>
    %ne3A_23 = arith.constant 0 : i32
    %ne3A_24 = vector.broadcast %ne3A_23 : i32 to vector<2000x1xi32>
    %ne3A_25 = arith.cmpi ne, %rem3A_22, %ne3A_24 : vector<2000x1xi32>
    %and3A = arith.andi %ne3A_21, %ne3A_25 : vector<2000x1xi1>
    %sub3A = arith.constant 1 : i32
    %sub3A_26 = vector.broadcast %sub3A : i32 to vector<2000x1xi32>
    %sub3A_27 = arith.subi %div3A_5, %sub3A_26 : vector<2000x1xi32>
    %select_n3A = arith.select %and3A, %sub3A_27, %div3A_5 : vector<2000x1xi1>, vector<2000x1xi32>
    %eq3A_28 = vector.broadcast %select_n3A : vector<2000x1xi32> to vector<2000x80xi32>
    %eq3A_29 = arith.cmpi eq, %eq3A_28, %iota3A : vector<2000x80xi32>
    %convert_element_type3A_30 = arith.extui %eq3A_29 : vector<2000x80xi1> to vector<2000x80xi32>
    %convert_element_type3A_31 = arith.sitofp %convert_element_type3A_30 : vector<2000x80xi32> to vector<2000x80xf32>
    %jit3A_32 = arith.constant 128 : i32
    %eq3A_33 = arith.constant 0 : i32
    %eq3A_34 = arith.cmpi eq, %jit3A_32, %eq3A_33 : i32
    %jit3A_35 = arith.constant 1 : i32
    %select_n3A_36 = arith.select %eq3A_34, %jit3A_35, %jit3A_32 : i32
    %rem3A_37 = vector.broadcast %select_n3A_36 : i32 to vector<2000x1xi32>
    %rem3A_38 = arith.remsi %get3A_3, %rem3A_37 : vector<2000x1xi32>
    %ne3A_39 = arith.constant 0 : i32
    %ne3A_40 = vector.broadcast %ne3A_39 : i32 to vector<2000x1xi32>
    %ne3A_41 = arith.cmpi ne, %rem3A_38, %ne3A_40 : vector<2000x1xi32>
    %lt3A = arith.constant 0 : i32
    %lt3A_42 = vector.broadcast %lt3A : i32 to vector<2000x1xi32>
    %lt3A_43 = arith.cmpi slt, %rem3A_38, %lt3A_42 : vector<2000x1xi32>
    %lt3A_44 = arith.constant 0 : i32
    %lt3A_45 = arith.cmpi slt, %select_n3A_36, %lt3A_44 : i32
    %ne3A_46 = vector.broadcast %lt3A_45 : i1 to vector<2000x1xi1>
    %ne3A_47 = vector.broadcast %ne3A_46 : vector<2000x1xi1> to vector<2000x1xi1>
    %ne3A_48 = arith.xori %lt3A_43, %ne3A_47 : vector<2000x1xi1>
    %and3A_49 = arith.andi %ne3A_48, %ne3A_41 : vector<2000x1xi1>
    %add3A = vector.broadcast %select_n3A_36 : i32 to vector<2000x1xi32>
    %add3A_50 = arith.addi %rem3A_38, %add3A : vector<2000x1xi32>
    %select_n3A_51 = arith.select %and3A_49, %add3A_50, %rem3A_38 : vector<2000x1xi1>, vector<2000x1xi32>
    %eq3A_52 = vector.broadcast %select_n3A_51 : vector<2000x1xi32> to vector<2000x128xi32>
    %eq3A_53 = arith.cmpi eq, %eq3A_52, %iota3A_4 : vector<2000x128xi32>
    %convert_element_type3A_54 = arith.extui %eq3A_53 : vector<2000x128xi1> to vector<2000x128xi32>
    %convert_element_type3A_55 = arith.sitofp %convert_element_type3A_54 : vector<2000x128xi32> to vector<2000x128xf32>
    %get3A_56 = arith.constant 0 : index
    %get3A_57 = arith.constant 0 : index
    %get3A_58 = vector.load %arg2[%get3A_56, %get3A_57] : memref<80x128xf32, #tpu.memory_space<vmem>>, vector<80x128xf32>
    %dot_general3A = arith.constant dense<0.000000e+00> : vector<80x128xf32>
    %dot_general3A_59 = tpu.matmul %convert_element_type3A_31, %convert_element_type3A_55, %dot_general3A {dimension_numbers = #tpu.dot_dimension_numbers<[0], [0], [1], [1], [0, 1, 1, 1], [], []>, transpose_lhs_hint = false} : vector<2000x80xf32>, vector<2000x128xf32>, vector<80x128xf32> -> vector<80x128xf32>
    %add3A_60 = arith.addf %get3A_58, %dot_general3A_59 : vector<80x128xf32>
    %swap3A = arith.constant 0 : index
    %swap3A_61 = arith.constant 0 : index
    %swap3A_62 = vector.load %arg2[%swap3A, %swap3A_61] : memref<80x128xf32, #tpu.memory_space<vmem>>, vector<80x128xf32>
    tpu.vector_store %arg2[%swap3A, %swap3A_61], %add3A_60 {strides = array<i32>} : memref<80x128xf32, #tpu.memory_space<vmem>>, vector<80x128xf32>,
    return
  }
  func.func @transform_0(%arg0: i32) -> (i32, i32) {
    %c0_i32 = arith.constant 0 : i32
    %c0_i32_0 = arith.constant 0 : i32
    return %arg0, %c0_i32 : i32, i32
  }
  func.func @transform_1(%arg0: i32) -> (i32, i32) {
    %c0_i32 = arith.constant 0 : i32
    %c0_i32_0 = arith.constant 0 : i32
    %c0_i32_1 = arith.constant 0 : i32
    return %c0_i32, %c0_i32_0 : i32, i32
  }
}

module attributes {stable_mosaic.version = 14 : i64} {
  func.func @_mm1_body(%arg0: i32, %arg1: memref<2048x128xf32, #tpu.memory_space<vmem>>, %arg2: memref<128x256xf32, #tpu.memory_space<vmem>>, %arg3: memref<2048x1xf32, #tpu.memory_space<vmem>>, %arg4: memref<2x2048x128xf32, #tpu.memory_space<vmem>>) attributes {dimension_semantics = [#tpu.dimension_semantics<arbitrary>], iteration_bounds = array<i64: 5>, scalar_prefetch = 0 : i64, scratch_operands = 0 : i64, tpu.core_type = #tpu.core_type<tc>, window_params = [{transform_indices = @transform_0, window_bounds = array<i64: 2048, 128>}, {pipeline_mode = #tpu.pipeline_mode<synchronous>, transform_indices = @transform_1, window_bounds = array<i64: 128, 256>}, {transform_indices = @transform_2, window_bounds = array<i64: 2048, 1>}, {transform_indices = @transform_3, window_bounds = array<i64: 2, 2048, 128>}]} {
    %get3A = arith.constant 0 : index
    %get3A_0 = arith.constant 0 : index
    %get3A_1 = vector.load %arg3[%get3A, %get3A_0] : memref<2048x1xf32, #tpu.memory_space<vmem>>, vector<2048x1xf32>
    %rsqrt3A = math.rsqrt %get3A_1 : vector<2048x1xf32>
    %get3A_2 = arith.constant 0 : index
    %get3A_3 = arith.constant 0 : index
    %get3A_4 = vector.load %arg1[%get3A_2, %get3A_3] : memref<2048x128xf32, #tpu.memory_space<vmem>>, vector<2048x128xf32>
    %get3A_5 = arith.constant 0 : index
    %get3A_6 = arith.constant 0 : index
    %get3A_7 = vector.load %arg2[%get3A_5, %get3A_6] : memref<128x256xf32, #tpu.memory_space<vmem>>, vector<128x256xf32>
    %dot_general3A = arith.constant dense<0.000000e+00> : vector<2048x256xf32>
    %dot_general3A_8 = tpu.matmul %get3A_4, %get3A_7, %dot_general3A {dimension_numbers = #tpu.dot_dimension_numbers<[1], [0], [0], [1], [0, 0, 1, 1], [], []>, transpose_lhs_hint = false} : vector<2048x128xf32>, vector<128x256xf32>, vector<2048x256xf32> -> vector<2048x256xf32>
    %slice3A = vector.extract_strided_slice %dot_general3A_8 {offsets = [0, 0], sizes = [2048, 128], strides = [1, 1]} : vector<2048x256xf32> to vector<2048x128xf32>
    %mul3A = vector.broadcast %rsqrt3A : vector<2048x1xf32> to vector<2048x128xf32>
    %mul3A_9 = arith.mulf %mul3A, %slice3A : vector<2048x128xf32>
    %swap3A = arith.constant 0 : index
    %swap3A_10 = arith.constant 0 : index
    %swap3A_11 = arith.constant 0 : index
    %swap3A_12 = vector.load %arg4[%swap3A, %swap3A_10, %swap3A_11] : memref<2x2048x128xf32, #tpu.memory_space<vmem>>, vector<1x2048x128xf32>
    %swap3A_13 = vector.shape_cast %swap3A_12 : vector<1x2048x128xf32> to vector<2048x128xf32>
    %swap3A_14 = vector.shape_cast %mul3A_9 : vector<2048x128xf32> to vector<1x2048x128xf32>
    tpu.vector_store %arg4[%swap3A, %swap3A_10, %swap3A_11], %swap3A_14 {strides = array<i32>} : memref<2x2048x128xf32, #tpu.memory_space<vmem>>, vector<1x2048x128xf32>,
    %slice3A_15 = vector.extract_strided_slice %dot_general3A_8 {offsets = [0, 128], sizes = [2048, 128], strides = [1, 1]} : vector<2048x256xf32> to vector<2048x128xf32>
    %mul3A_16 = vector.broadcast %rsqrt3A : vector<2048x1xf32> to vector<2048x128xf32>
    %mul3A_17 = arith.mulf %mul3A_16, %slice3A_15 : vector<2048x128xf32>
    %swap3A_18 = arith.constant 1 : index
    %swap3A_19 = arith.constant 0 : index
    %swap3A_20 = arith.constant 0 : index
    %swap3A_21 = vector.load %arg4[%swap3A_18, %swap3A_19, %swap3A_20] : memref<2x2048x128xf32, #tpu.memory_space<vmem>>, vector<1x2048x128xf32>
    %swap3A_22 = vector.shape_cast %swap3A_21 : vector<1x2048x128xf32> to vector<2048x128xf32>
    %swap3A_23 = vector.shape_cast %mul3A_17 : vector<2048x128xf32> to vector<1x2048x128xf32>
    tpu.vector_store %arg4[%swap3A_18, %swap3A_19, %swap3A_20], %swap3A_23 {strides = array<i32>} : memref<2x2048x128xf32, #tpu.memory_space<vmem>>, vector<1x2048x128xf32>,
    return
  }
  func.func @transform_0(%arg0: i32) -> (i32, i32) {
    %c0_i32 = arith.constant 0 : i32
    %c0_i32_0 = arith.constant 0 : i32
    return %arg0, %c0_i32 : i32, i32
  }
  func.func @transform_1(%arg0: i32) -> (i32, i32) {
    %c0_i32 = arith.constant 0 : i32
    %c0_i32_0 = arith.constant 0 : i32
    %c0_i32_1 = arith.constant 0 : i32
    return %c0_i32, %c0_i32_0 : i32, i32
  }
  func.func @transform_2(%arg0: i32) -> (i32, i32) {
    %c0_i32 = arith.constant 0 : i32
    %c0_i32_0 = arith.constant 0 : i32
    return %arg0, %c0_i32 : i32, i32
  }
  func.func @transform_3(%arg0: i32) -> (i32, i32, i32) {
    %c0_i32 = arith.constant 0 : i32
    %c0_i32_0 = arith.constant 0 : i32
    %c0_i32_1 = arith.constant 0 : i32
    return %c0_i32, %arg0, %c0_i32_0 : i32, i32, i32
  }
}

module attributes {stable_mosaic.version = 14 : i64} {
  func.func @_mm2_body(%arg0: i32, %arg1: memref<2x2048x128xf32, #tpu.memory_space<vmem>>, %arg2: memref<2048x1xf32, #tpu.memory_space<vmem>>, %arg3: memref<1x256xf32, #tpu.memory_space<vmem>>, %arg4: memref<256x128xf32, #tpu.memory_space<vmem>>, %arg5: memref<2x2048x128xf32, #tpu.memory_space<vmem>>) attributes {dimension_semantics = [#tpu.dimension_semantics<arbitrary>], iteration_bounds = array<i64: 5>, scalar_prefetch = 0 : i64, scratch_operands = 0 : i64, tpu.core_type = #tpu.core_type<tc>, window_params = [{transform_indices = @transform_0, window_bounds = array<i64: 2, 2048, 128>}, {transform_indices = @transform_1, window_bounds = array<i64: 2048, 1>}, {pipeline_mode = #tpu.pipeline_mode<synchronous>, transform_indices = @transform_2, window_bounds = array<i64: 1, 256>}, {pipeline_mode = #tpu.pipeline_mode<synchronous>, transform_indices = @transform_3, window_bounds = array<i64: 256, 128>}, {transform_indices = @transform_4, window_bounds = array<i64: 2, 2048, 128>}]} {
    %get3A = arith.constant 0 : index
    %get3A_0 = arith.constant 0 : index
    %get3A_1 = vector.load %arg2[%get3A, %get3A_0] : memref<2048x1xf32, #tpu.memory_space<vmem>>, vector<2048x1xf32>
    %rsqrt3A = math.rsqrt %get3A_1 : vector<2048x1xf32>
    %get3A_2 = arith.constant 0 : index
    %get3A_3 = arith.constant 0 : index
    %get3A_4 = vector.load %arg3[%get3A_2, %get3A_3] : memref<1x256xf32, #tpu.memory_space<vmem>>, vector<1x256xf32>
    %get3A_5 = arith.constant 0 : index
    %get3A_6 = arith.constant 0 : index
    %get3A_7 = vector.load %arg4[%get3A_5, %get3A_6] : memref<256x128xf32, #tpu.memory_space<vmem>>, vector<256x128xf32>
    %get3A_8 = arith.constant 0 : index
    %get3A_9 = arith.constant 0 : index
    %get3A_10 = arith.constant 0 : index
    %get3A_11 = vector.load %arg1[%get3A_8, %get3A_9, %get3A_10] : memref<2x2048x128xf32, #tpu.memory_space<vmem>>, vector<1x2048x128xf32>
    %get3A_12 = vector.shape_cast %get3A_11 : vector<1x2048x128xf32> to vector<2048x128xf32>
    %mul3A = vector.broadcast %rsqrt3A : vector<2048x1xf32> to vector<2048x128xf32>
    %mul3A_13 = arith.mulf %mul3A, %get3A_12 : vector<2048x128xf32>
    %slice3A = vector.extract_strided_slice %get3A_4 {offsets = [0, 0], sizes = [1, 128], strides = [1, 1]} : vector<1x256xf32> to vector<1x128xf32>
    %add3A = vector.broadcast %slice3A : vector<1x128xf32> to vector<2048x128xf32>
    %add3A_14 = arith.addf %mul3A_13, %add3A : vector<2048x128xf32>
    %max3A = arith.constant 0.000000e+00 : f32
    %max3A_15 = vector.broadcast %max3A : f32 to vector<2048x128xf32>
    %max3A_16 = arith.maximumf %add3A_14, %max3A_15 : vector<2048x128xf32>
    %get3A_17 = arith.constant 1 : index
    %get3A_18 = arith.constant 0 : index
    %get3A_19 = arith.constant 0 : index
    %get3A_20 = vector.load %arg1[%get3A_17, %get3A_18, %get3A_19] : memref<2x2048x128xf32, #tpu.memory_space<vmem>>, vector<1x2048x128xf32>
    %get3A_21 = vector.shape_cast %get3A_20 : vector<1x2048x128xf32> to vector<2048x128xf32>
    %mul3A_22 = vector.broadcast %rsqrt3A : vector<2048x1xf32> to vector<2048x128xf32>
    %mul3A_23 = arith.mulf %mul3A_22, %get3A_21 : vector<2048x128xf32>
    %slice3A_24 = vector.extract_strided_slice %get3A_4 {offsets = [0, 128], sizes = [1, 128], strides = [1, 1]} : vector<1x256xf32> to vector<1x128xf32>
    %add3A_25 = vector.broadcast %slice3A_24 : vector<1x128xf32> to vector<2048x128xf32>
    %add3A_26 = arith.addf %mul3A_23, %add3A_25 : vector<2048x128xf32>
    %max3A_27 = arith.constant 0.000000e+00 : f32
    %max3A_28 = vector.broadcast %max3A_27 : f32 to vector<2048x128xf32>
    %max3A_29 = arith.maximumf %add3A_26, %max3A_28 : vector<2048x128xf32>
    %slice3A_30 = vector.extract_strided_slice %get3A_7 {offsets = [0, 0], sizes = [128, 128], strides = [1, 1]} : vector<256x128xf32> to vector<128x128xf32>
    %dot_general3A = arith.constant dense<0.000000e+00> : vector<2048x128xf32>
    %dot_general3A_31 = tpu.matmul %max3A_16, %slice3A_30, %dot_general3A {dimension_numbers = #tpu.dot_dimension_numbers<[1], [0], [0], [1], [0, 0, 1, 1], [], []>, transpose_lhs_hint = false} : vector<2048x128xf32>, vector<128x128xf32>, vector<2048x128xf32> -> vector<2048x128xf32>
    %slice3A_32 = vector.extract_strided_slice %get3A_7 {offsets = [128, 0], sizes = [128, 128], strides = [1, 1]} : vector<256x128xf32> to vector<128x128xf32>
    %dot_general3A_33 = arith.constant dense<0.000000e+00> : vector<2048x128xf32>
    %dot_general3A_34 = tpu.matmul %max3A_29, %slice3A_32, %dot_general3A_33 {dimension_numbers = #tpu.dot_dimension_numbers<[1], [0], [0], [1], [0, 0, 1, 1], [], []>, transpose_lhs_hint = false} : vector<2048x128xf32>, vector<128x128xf32>, vector<2048x128xf32> -> vector<2048x128xf32>
    %add3A_35 = arith.addf %dot_general3A_31, %dot_general3A_34 : vector<2048x128xf32>
    %mul3A_36 = vector.broadcast %rsqrt3A : vector<2048x1xf32> to vector<2048x128xf32>
    %mul3A_37 = arith.mulf %mul3A_36, %add3A_35 : vector<2048x128xf32>
    %swap3A = arith.constant 0 : index
    %swap3A_38 = arith.constant 0 : index
    %swap3A_39 = arith.constant 0 : index
    %swap3A_40 = vector.load %arg5[%swap3A, %swap3A_38, %swap3A_39] : memref<2x2048x128xf32, #tpu.memory_space<vmem>>, vector<1x2048x128xf32>
    %swap3A_41 = vector.shape_cast %swap3A_40 : vector<1x2048x128xf32> to vector<2048x128xf32>
    %swap3A_42 = vector.shape_cast %mul3A_37 : vector<2048x128xf32> to vector<1x2048x128xf32>
    tpu.vector_store %arg5[%swap3A, %swap3A_38, %swap3A_39], %swap3A_42 {strides = array<i32>} : memref<2x2048x128xf32, #tpu.memory_space<vmem>>, vector<1x2048x128xf32>,
    %broadcast_in_dim3A = arith.constant 0.000000e+00 : f32
    %broadcast_in_dim3A_43 = vector.broadcast %broadcast_in_dim3A : f32 to vector<2048x128xf32>
    %swap3A_44 = arith.constant 1 : index
    %swap3A_45 = arith.constant 0 : index
    %swap3A_46 = arith.constant 0 : index
    %swap3A_47 = vector.load %arg5[%swap3A_44, %swap3A_45, %swap3A_46] : memref<2x2048x128xf32, #tpu.memory_space<vmem>>, vector<1x2048x128xf32>
    %swap3A_48 = vector.shape_cast %swap3A_47 : vector<1x2048x128xf32> to vector<2048x128xf32>
    %swap3A_49 = vector.shape_cast %broadcast_in_dim3A_43 : vector<2048x128xf32> to vector<1x2048x128xf32>
    tpu.vector_store %arg5[%swap3A_44, %swap3A_45, %swap3A_46], %swap3A_49 {strides = array<i32>} : memref<2x2048x128xf32, #tpu.memory_space<vmem>>, vector<1x2048x128xf32>,
    return
  }
  func.func @transform_0(%arg0: i32) -> (i32, i32, i32) {
    %c0_i32 = arith.constant 0 : i32
    %c0_i32_0 = arith.constant 0 : i32
    %c0_i32_1 = arith.constant 0 : i32
    return %c0_i32, %arg0, %c0_i32_0 : i32, i32, i32
  }
  func.func @transform_1(%arg0: i32) -> (i32, i32) {
    %c0_i32 = arith.constant 0 : i32
    %c0_i32_0 = arith.constant 0 : i32
    return %arg0, %c0_i32 : i32, i32
  }
  func.func @transform_2(%arg0: i32) -> (i32, i32) {
    %c0_i32 = arith.constant 0 : i32
    %c0_i32_0 = arith.constant 0 : i32
    %c0_i32_1 = arith.constant 0 : i32
    return %c0_i32, %c0_i32_0 : i32, i32
  }
  func.func @transform_3(%arg0: i32) -> (i32, i32) {
    %c0_i32 = arith.constant 0 : i32
    %c0_i32_0 = arith.constant 0 : i32
    %c0_i32_1 = arith.constant 0 : i32
    return %c0_i32, %c0_i32_0 : i32, i32
  }
  func.func @transform_4(%arg0: i32) -> (i32, i32, i32) {
    %c0_i32 = arith.constant 0 : i32
    %c0_i32_0 = arith.constant 0 : i32
    %c0_i32_1 = arith.constant 0 : i32
    return %c0_i32, %arg0, %c0_i32_0 : i32, i32, i32
  }
}

module attributes {stable_mosaic.version = 14 : i64} {
  func.func @_mm3_body(%arg0: i32, %arg1: memref<2x2048x128xf32, #tpu.memory_space<vmem>>, %arg2: memref<2048x1xf32, #tpu.memory_space<vmem>>, %arg3: memref<1x128xf32, #tpu.memory_space<vmem>>, %arg4: memref<128x512xf32, #tpu.memory_space<vmem>>, %arg5: memref<1x512xf32, #tpu.memory_space<vmem>>, %arg6: memref<2048x256xf32, #tpu.memory_space<vmem>>, %arg7: memref<2048x256xf32, #tpu.memory_space<vmem>>) attributes {dimension_semantics = [#tpu.dimension_semantics<arbitrary>], iteration_bounds = array<i64: 5>, scalar_prefetch = 0 : i64, scratch_operands = 0 : i64, tpu.core_type = #tpu.core_type<tc>, window_params = [{transform_indices = @transform_0, window_bounds = array<i64: 2, 2048, 128>}, {transform_indices = @transform_1, window_bounds = array<i64: 2048, 1>}, {pipeline_mode = #tpu.pipeline_mode<synchronous>, transform_indices = @transform_2, window_bounds = array<i64: 1, 128>}, {pipeline_mode = #tpu.pipeline_mode<synchronous>, transform_indices = @transform_3, window_bounds = array<i64: 128, 512>}, {pipeline_mode = #tpu.pipeline_mode<synchronous>, transform_indices = @transform_4, window_bounds = array<i64: 1, 512>}, {transform_indices = @transform_5, window_bounds = array<i64: 2048, 256>}, {transform_indices = @transform_6, window_bounds = array<i64: 2048, 256>}]} {
    %get3A = arith.constant 0 : index
    %get3A_0 = arith.constant 0 : index
    %get3A_1 = vector.load %arg2[%get3A, %get3A_0] : memref<2048x1xf32, #tpu.memory_space<vmem>>, vector<2048x1xf32>
    %rsqrt3A = math.rsqrt %get3A_1 : vector<2048x1xf32>
    %get3A_2 = arith.constant 0 : index
    %get3A_3 = arith.constant 0 : index
    %get3A_4 = arith.constant 0 : index
    %get3A_5 = vector.load %arg1[%get3A_2, %get3A_3, %get3A_4] : memref<2x2048x128xf32, #tpu.memory_space<vmem>>, vector<1x2048x128xf32>
    %get3A_6 = vector.shape_cast %get3A_5 : vector<1x2048x128xf32> to vector<2048x128xf32>
    %get3A_7 = arith.constant 1 : index
    %get3A_8 = arith.constant 0 : index
    %get3A_9 = arith.constant 0 : index
    %get3A_10 = vector.load %arg1[%get3A_7, %get3A_8, %get3A_9] : memref<2x2048x128xf32, #tpu.memory_space<vmem>>, vector<1x2048x128xf32>
    %get3A_11 = vector.shape_cast %get3A_10 : vector<1x2048x128xf32> to vector<2048x128xf32>
    %add3A = arith.addf %get3A_6, %get3A_11 : vector<2048x128xf32>
    %mul3A = vector.broadcast %rsqrt3A : vector<2048x1xf32> to vector<2048x128xf32>
    %mul3A_12 = arith.mulf %mul3A, %add3A : vector<2048x128xf32>
    %get3A_13 = arith.constant 0 : index
    %get3A_14 = arith.constant 0 : index
    %get3A_15 = vector.load %arg3[%get3A_13, %get3A_14] : memref<1x128xf32, #tpu.memory_space<vmem>>, vector<1x128xf32>
    %add3A_16 = vector.broadcast %get3A_15 : vector<1x128xf32> to vector<2048x128xf32>
    %add3A_17 = arith.addf %mul3A_12, %add3A_16 : vector<2048x128xf32>
    %get3A_18 = arith.constant 0 : index
    %get3A_19 = arith.constant 0 : index
    %get3A_20 = vector.load %arg4[%get3A_18, %get3A_19] : memref<128x512xf32, #tpu.memory_space<vmem>>, vector<128x512xf32>
    %dot_general3A = arith.constant dense<0.000000e+00> : vector<2048x512xf32>
    %dot_general3A_21 = tpu.matmul %add3A_17, %get3A_20, %dot_general3A {dimension_numbers = #tpu.dot_dimension_numbers<[1], [0], [0], [1], [0, 0, 1, 1], [], []>, transpose_lhs_hint = false} : vector<2048x128xf32>, vector<128x512xf32>, vector<2048x512xf32> -> vector<2048x512xf32>
    %get3A_22 = arith.constant 0 : index
    %get3A_23 = arith.constant 0 : index
    %get3A_24 = vector.load %arg5[%get3A_22, %get3A_23] : memref<1x512xf32, #tpu.memory_space<vmem>>, vector<1x512xf32>
    %add3A_25 = vector.broadcast %get3A_24 : vector<1x512xf32> to vector<2048x512xf32>
    %add3A_26 = arith.addf %dot_general3A_21, %add3A_25 : vector<2048x512xf32>
    %slice3A = vector.extract_strided_slice %add3A_26 {offsets = [0, 0], sizes = [2048, 256], strides = [1, 1]} : vector<2048x512xf32> to vector<2048x256xf32>
    %swap3A = arith.constant 0 : index
    %swap3A_27 = arith.constant 0 : index
    %swap3A_28 = vector.load %arg6[%swap3A, %swap3A_27] : memref<2048x256xf32, #tpu.memory_space<vmem>>, vector<2048x256xf32>
    tpu.vector_store %arg6[%swap3A, %swap3A_27], %slice3A {strides = array<i32>} : memref<2048x256xf32, #tpu.memory_space<vmem>>, vector<2048x256xf32>,
    %slice3A_29 = vector.extract_strided_slice %add3A_26 {offsets = [0, 256], sizes = [2048, 256], strides = [1, 1]} : vector<2048x512xf32> to vector<2048x256xf32>
    %swap3A_30 = arith.constant 0 : index
    %swap3A_31 = arith.constant 0 : index
    %swap3A_32 = vector.load %arg7[%swap3A_30, %swap3A_31] : memref<2048x256xf32, #tpu.memory_space<vmem>>, vector<2048x256xf32>
    tpu.vector_store %arg7[%swap3A_30, %swap3A_31], %slice3A_29 {strides = array<i32>} : memref<2048x256xf32, #tpu.memory_space<vmem>>, vector<2048x256xf32>,
    return
  }
  func.func @transform_0(%arg0: i32) -> (i32, i32, i32) {
    %c0_i32 = arith.constant 0 : i32
    %c0_i32_0 = arith.constant 0 : i32
    %c0_i32_1 = arith.constant 0 : i32
    return %c0_i32, %arg0, %c0_i32_0 : i32, i32, i32
  }
  func.func @transform_1(%arg0: i32) -> (i32, i32) {
    %c0_i32 = arith.constant 0 : i32
    %c0_i32_0 = arith.constant 0 : i32
    return %arg0, %c0_i32 : i32, i32
  }
  func.func @transform_2(%arg0: i32) -> (i32, i32) {
    %c0_i32 = arith.constant 0 : i32
    %c0_i32_0 = arith.constant 0 : i32
    %c0_i32_1 = arith.constant 0 : i32
    return %c0_i32, %c0_i32_0 : i32, i32
  }
  func.func @transform_3(%arg0: i32) -> (i32, i32) {
    %c0_i32 = arith.constant 0 : i32
    %c0_i32_0 = arith.constant 0 : i32
    %c0_i32_1 = arith.constant 0 : i32
    return %c0_i32, %c0_i32_0 : i32, i32
  }
  func.func @transform_4(%arg0: i32) -> (i32, i32) {
    %c0_i32 = arith.constant 0 : i32
    %c0_i32_0 = arith.constant 0 : i32
    %c0_i32_1 = arith.constant 0 : i32
    return %c0_i32, %c0_i32_0 : i32, i32
  }
  func.func @transform_5(%arg0: i32) -> (i32, i32) {
    %c0_i32 = arith.constant 0 : i32
    %c0_i32_0 = arith.constant 0 : i32
    return %arg0, %c0_i32 : i32, i32
  }
  func.func @transform_6(%arg0: i32) -> (i32, i32) {
    %c0_i32 = arith.constant 0 : i32
    %c0_i32_0 = arith.constant 0 : i32
    return %arg0, %c0_i32 : i32, i32
  }
}

module attributes {stable_mosaic.version = 14 : i64} {
  func.func @_red_body(%arg0: i32, %arg1: memref<3200x16xf32, #tpu.memory_space<vmem>>, %arg2: memref<1x1xf32, #tpu.memory_space<vmem>>, %arg3: memref<3200x1xf32, #tpu.memory_space<vmem>>) attributes {dimension_semantics = [#tpu.dimension_semantics<arbitrary>], iteration_bounds = array<i64: 100>, scalar_prefetch = 0 : i64, scratch_operands = 0 : i64, tpu.core_type = #tpu.core_type<tc>, window_params = [{transform_indices = @transform_0, window_bounds = array<i64: 3200, 16>}, {pipeline_mode = #tpu.pipeline_mode<synchronous>, transform_indices = @transform_1, window_bounds = array<i64: 1, 1>}, {transform_indices = @transform_2, window_bounds = array<i64: 3200, 1>}]} {
    %get3A = arith.constant 0 : index
    %get3A_0 = arith.constant 0 : index
    %get3A_1 = vector.load %arg1[%get3A, %get3A_0] : memref<3200x16xf32, #tpu.memory_space<vmem>>, vector<3200x16xf32>
    %reduce_sum3A = arith.constant dense<0.000000e+00> : vector<3200xf32>
    %reduce_sum3A_2 = vector.multi_reduction <add>, %get3A_1, %reduce_sum3A [1] : vector<3200x16xf32> to vector<3200xf32>
    %broadcast_in_dim3A = vector.shape_cast %reduce_sum3A_2 : vector<3200xf32> to vector<3200x1xf32>
    %get3A_3 = arith.constant 0 : index
    %get3A_4 = arith.constant 0 : index
    %get3A_5 = vector.load %arg2[%get3A_3, %get3A_4] : memref<1x1xf32, #tpu.memory_space<vmem>>, vector<1x1xf32>
    %add3A = vector.broadcast %get3A_5 : vector<1x1xf32> to vector<3200x1xf32>
    %add3A_6 = arith.addf %broadcast_in_dim3A, %add3A : vector<3200x1xf32>
    %swap3A = arith.constant 0 : index
    %swap3A_7 = arith.constant 0 : index
    %swap3A_8 = vector.load %arg3[%swap3A, %swap3A_7] : memref<3200x1xf32, #tpu.memory_space<vmem>>, vector<3200x1xf32>
    tpu.vector_store %arg3[%swap3A, %swap3A_7], %add3A_6 {strides = array<i32>} : memref<3200x1xf32, #tpu.memory_space<vmem>>, vector<3200x1xf32>,
    return
  }
  func.func @transform_0(%arg0: i32) -> (i32, i32) {
    %c0_i32 = arith.constant 0 : i32
    %c0_i32_0 = arith.constant 0 : i32
    return %arg0, %c0_i32 : i32, i32
  }
  func.func @transform_1(%arg0: i32) -> (i32, i32) {
    %c0_i32 = arith.constant 0 : i32
    %c0_i32_0 = arith.constant 0 : i32
    %c0_i32_1 = arith.constant 0 : i32
    return %c0_i32, %c0_i32_0 : i32, i32
  }
  func.func @transform_2(%arg0: i32) -> (i32, i32) {
    %c0_i32 = arith.constant 0 : i32
    %c0_i32_0 = arith.constant 0 : i32
    return %arg0, %c0_i32 : i32, i32
  }
}

</mosaic_0001>

<sc_bundles>
// kernel: kernel.10.cloned.1.call-start
scs
__scs_entry_jumppad:
0x0: {  	(pc) =	sbr.rel $0x88, $3  }
0x1: {  	(tag) =	ssettag $0x0;
	lr =	simm.s32 $0x1  }
0x2: {  	[smem:$0x3F97] =	sst lr;
	_ =	strace $0xD0000000  }
0x3: {  	_ = 	snop  }
0x4: {  	_ = 	snop  }
0x5: {  	_ = 	snop  }
0x6: {  	_ = 	snop  }
0x7: {  	_ = 	snop  }
__scs_overlays_trampoline_lowered:
0x8: {  	[smem:$0x3FA6] =	sst s0  }
0x9: {  	[smem:$0x3FA7] =	sst s1  }
0xa: {  	[smem:$0x3FA8] =	sst s2  }
0xb: {  	[smem:$0x3FA9] =	sst s3  }
0xc: {  	[smem:$0x3FAA] =	sst s4  }
0xd: {  	[smem:$0x3FAB] =	sst s5  }
0xe: {  	[smem:$0x3FAC] =	sst s6  }
0xf: {  	[smem:$0x3FAD] =	sst s7  }
0x10: {  	[smem:$0x3FAE] =	sst s8  }
0x11: {  	[smem:$0x3FAF] =	sst s9;
	s0 =	simm.s32 @!p0 $0x0  }
0x12: {  	s1 =	sld [smem:$0x3F95];
	s0 =	simm.s32 @p0 $0x1  }
0x13: {  	[smem:$0x3FB0] =	sst s0;
	s0 =	simm.s32 @!p1 $0x0  }
0x14: {  	s2 =	sld [smem:$0x3F94];
	s0 =	simm.s32 @p1 $0x1  }
0x15: {  	[smem:$0x3FB1] =	sst s0;
	s0 =	simm.s32 @!p2 $0x0  }
0x16: {  	s3 =	sld [smem:$0x3FDB];
	s0 =	simm.s32 @p2 $0x1  }
0x17: {  	s4 =	simm.s32 $0x1BF5;
	[smem:$0x3FB3] =	sst s0  }
0x18: {  	s0 =	sld [smem:$0x3F96];
	_ =	swait.ge [sflag:s4], $0x0  }
0x19: {  	s7 =	sld [smem:$0x3F97]  }
0x1a: {  	s8 =	sadd.s32 $0xFFFFE003, lr  }
0x1b: {  	s9 =	sadd.s32 $0xFFFFFEF7, lr;
	s5 =	simm.s32 $0xFFFFFFFF;
	p2 =	slt.u32 s8, $0xFFFFF086  }
0x1c: {  	p1 =	slt.u32 s9, $0xF7A;
	s5 =	simm.s32 @!p2 $0x0  }
0x1d: {  	s5 =	simm.s32 @p1 $0x1;
	p0 =	seq.s32 s7, s2  }
0x1e: {  	s7 =	smul.u32 @!p0 $0xF7A, s2;
	p2 =	seq.s32 @!p0 s5, $0x0  }
0x1f: {  	s9 =	smul.u32 $0xF7A, s1;
	s8 =	simm.s32 @!p0 $0x1BF5;
	p2 =	por !p2, p0  }
0x20: {  	[sflag:s8] =	ssyncset.s32 @!p0 $0xFFFFF086;
	s6 =	sadd.s32 @!p0 s3, s7;
	s7 =	simm.s32 @!p0 $0x108  }
0x21: {  	s3 =	sadd.s32 s3, s9;
	s6 =	sadd.s32 @!p0 $0x88, s6;
	s7 =	simm.s32 @p2 $0x1082  }
0x22: {  	[simem:s7], [sflag:s8] =	dma.local @!p0 [hbm:s6], $0xF7A  }
0x23: {  	s9 =	sor.u32 $0xD0000000, s2;
	s6 =	simm.s32 $0x108;
	_ =	swait.ge @!p0 [sflag:s8], $0x0  }
0x24: {  	s3 =	sadd.s32 $0x88, s3;
	s6 =	simm.s32 @!p1 $0x1082;
	[sflag:s4] =	ssyncset.s32 $0xFFFFF086  }
0x25: {  	[simem:s6], [sflag:s4] =	dma.local [hbm:s3], $0xF7A  }
0x26: {  	[smem:$0x3F97] =	sst s1;
	(tag) =	ssettag s2;
	_ =	strace s9  }
0x27: {  	s1 =	sld [smem:$0x3FA7]  }
0x28: {  	s2 =	sld [smem:$0x3FA8]  }
0x29: {  	s4 =	sld [smem:$0x3FAA]  }
0x2a: {  	p0 =	seq.s32 s5, $0x0;
	s5 =	sld [smem:$0x3FAB]  }
0x2b: {  	s6 =	sld [smem:$0x3FAC]  }
0x2c: {  	s7 =	sld [smem:$0x3FAD]  }
0x2d: {  	s3 =	simm.s32 $0x108;
	s8 =	sld [smem:$0x3FAE]  }
0x2e: {  	s3 =	simm.s32 @!p0 $0x1082;
	s9 =	sld [smem:$0x3FAF]  }
0x2f: {  	lr =	sadd.s32 s0, s3;
	s0 =	sld [smem:$0x3FA6]  }
0x30: {  	s3 =	sld [smem:$0x3FA9]  }
0x31: {  	[smem:$0x3FB2] =	sst s10  }
0x32: {  	s10 =	sld [smem:$0x3FB0];
	_ =	sdelay $0x3  }
0x33: {  	p0 =	seq.s32 s10, $0x1;
	s10 =	sld [smem:$0x3FB2];
	_ =	sdelay $0x3  }
0x34: {  	[smem:$0x3FB2] =	sst s10  }
0x35: {  	s10 =	sld [smem:$0x3FB1];
	_ =	sdelay $0x3  }
0x36: {  	p1 =	seq.s32 s10, $0x1;
	s10 =	sld [smem:$0x3FB2];
	_ =	sdelay $0x3  }
0x37: {  	[smem:$0x3FB2] =	sst s10  }
0x38: {  	s10 =	sld [smem:$0x3FB3]  }
0x39: {  	_ = 	snop;
	(pc) =	sbr.ind lr, $3  }
0x3a: {  	_ = 	snop  }
0x3b: {  	_ = 	snop  }
0x3c: {  	p2 =	seq.s32 s10, $0x1;
	s10 =	sld [smem:$0x3FB2]  }
0x3d: {  	_ =	shalt  }
0x3e: {  	_ =	shalt  }
0x3f: {  	_ =	shalt  }
0x40: {  	_ =	shalt  }
0x41: {  	_ =	shalt  }
0x42: {  	_ =	shalt  }
0x43: {  	_ =	shalt  }
0x44: {  	_ =	shalt  }
0x45: {  	_ =	shalt  }
0x46: {  	_ =	shalt  }
0x47: {  	_ =	shalt  }
0x48: {  	_ =	shalt  }
0x49: {  	_ =	shalt  }
0x4a: {  	_ =	shalt  }
0x4b: {  	_ =	shalt  }
0x4c: {  	_ =	shalt  }
0x4d: {  	_ =	shalt  }
0x4e: {  	_ =	shalt  }
0x4f: {  	_ =	shalt  }
0x50: {  	_ =	shalt  }
0x51: {  	_ =	shalt  }
0x52: {  	_ =	shalt  }
0x53: {  	_ =	shalt  }
0x54: {  	_ =	shalt  }
0x55: {  	_ =	shalt  }
0x56: {  	_ =	shalt  }
0x57: {  	_ =	shalt  }
0x58: {  	_ =	shalt  }
0x59: {  	_ =	shalt  }
0x5a: {  	_ =	shalt  }
0x5b: {  	_ =	shalt  }
0x5c: {  	_ =	shalt  }
0x5d: {  	_ =	shalt  }
0x5e: {  	_ =	shalt  }
0x5f: {  	_ =	shalt  }
0x60: {  	_ =	shalt  }
0x61: {  	_ =	shalt  }
0x62: {  	_ =	shalt  }
0x63: {  	_ =	shalt  }
0x64: {  	_ =	shalt  }
0x65: {  	_ =	shalt  }
0x66: {  	_ =	shalt  }
0x67: {  	_ =	shalt  }
0x68: {  	_ =	shalt  }
0x69: {  	_ =	shalt  }
0x6a: {  	_ =	shalt  }
0x6b: {  	_ =	shalt  }
0x6c: {  	_ =	shalt  }
0x6d: {  	_ =	shalt  }
0x6e: {  	_ =	shalt  }
0x6f: {  	_ =	shalt  }
0x70: {  	_ =	shalt  }
0x71: {  	_ =	shalt  }
0x72: {  	_ =	shalt  }
0x73: {  	_ =	shalt  }
0x74: {  	_ =	shalt  }
0x75: {  	_ =	shalt  }
0x76: {  	_ =	shalt  }
0x77: {  	_ =	shalt  }
0x78: {  	_ =	shalt  }
0x79: {  	_ =	shalt  }
0x7a: {  	_ =	shalt  }
0x7b: {  	_ =	shalt  }
0x7c: {  	_ =	shalt  }
0x7d: {  	_ =	shalt  }
0x7e: {  	_ =	shalt  }
0x7f: {  	_ =	shalt  }
0x80: {  	_ =	shalt  }
0x81: {  	_ =	shalt  }
0x82: {  	_ =	shalt  }
0x83: {  	_ =	shalt  }
0x84: {  	_ =	shalt  }
0x85: {  	_ =	shalt  }
0x86: {  	_ =	shalt  }
0x87: {  	_ =	shalt  }
.Lfunc_end0:
.L_simem_size_0:
called_computation_lowered:
.L_overlay_start_0:
0x88: {  	s2 =	sld [smem:$0x3FD9]  }
0x89: {  	s3 =	sld [smem:$0x3FFE];
	_ =	sdelay $0x1  }
0x8a: {  	s1 =	srdreg.scid  }
0x8b: {  	s0 =	sand.u32 $0x1, s1  }
0x8c: {  	s16 =	sshll.u32 s0, $0xA;
	s2 =	sadd.s32 s3, s2  }
0x8d: {  	s2 =	sadd.s32 s2, s16  }
0x8e: {  	[smem:$0x3FBE] =	sst s2  }
0x8f: {  	_ = 	snop  }
0x90: {  	(tm) =	ssettm $0x1  }
0x91: {  	s17 =	sld [smem:$0x3FFB];
	_ =	sdelay $0x3  }
0x92: {  	_ =	strace s17  }
0x93: {  	s2 =	sld [smem:$0x3FFC];
	_ =	sdelay $0x3  }
0x94: {  	_ =	strace s2  }
0x95: {  	s2 =	sld [smem:$0x3FFD];
	_ =	sdelay $0x3  }
0x96: {  	_ =	strace s2  }
0x97: {  	_ =	strace $0x8FFFFFFF  }
0x98: {  	s18 =	sld [smem:$0x3FDB];
	_ =	sdelay $0x1  }
0x99: {  	s19 =	simm.s32 $_scs_section_size  }
0x9a: {  	s4 =	simm.s32 $_size__tile_overlayer_lowered;
	s5 =	simm.s32 $_tile_overlayer_lowered  }
0x9b: {  	s22 =	simm.s32 $0x1BFF;
	s21 =	sshll.u32 s5, $0x1;
	s2 =	sadd.s32 s19, s18  }
0x9c: {  	s6 =	simm.s32 $0x0;
	s20 =	sshll.u32 s4, $0x1;
	s4 =	sadd.s32 s21, s2  }
0x9d: {  	[timem:s6], [sflag:s22] =	dma.local [hbm:s4], s20  }
0x9e: {  	_ =	swait.ge [sflag:s22], s20  }
0x9f: {  	s3 =	ssub.s32 $0x0, s20;
	[sflag:s22] =	ssyncset.done $0x0  }
0xa0: {  	[sflag:s22] =	ssyncadd.s32 s3;
	_ =	sdelay $0x1  }
0xa1: {  	s23 =	simm.s32 $0x1B8B  }
0xa2: {  	_ =	swait.ge [sflag:s23], $0x1  }
0xa3: {  	[sflag:s23] =	ssyncset.done $0x0  }
0xa4: {  	s25 =	simm.s32 $0x1B8E;
	s24 =	sld [smem:$0x3FFE];
	[sflag:s23] =	ssyncadd.s32 $0xFFFFFFFF  }
0xa5: {  	s26 =	simm.s32 $execute0_lowered;
	[smem:$0x3FD2] =	sst s25  }
0xa6: {  	s4 =	sshll.u32 s26, $0x1;
	_ =	strace $0x80000046;
	[dreg:$0x1] =	wrdreg $0xFFFFFFFF  }
0xa7: {  	s28 =	simm.s32 $_size_execute0_lowered;
	s2 =	sadd.s32 s2, s4;
	[dreg:$0x0] =	wrdreg $0x0  }
0xa8: {  	s4 =	sshll.u32 s28, $0x1;
	[dreg:$0x2] =	wrdreg s2  }
0xa9: {  	[dreg:$0x3] =	wrdreg s4  }
0xaa: {  	[dreg:$0x4] =	wrdreg $0xC0  }
0xab: {  	_ =	task [dreg:s6], $0x5FFFF  }
0xac: {  	[dreg:$0x1] =	wrdreg $0xFFFFFFFF  }
0xad: {  	[dreg:$0x0] =	wrdreg $0x60  }
0xae: {  	[dreg:$0x2] =	wrdreg s24  }
0xaf: {  	[dreg:$0x3] =	wrdreg $0x81000  }
0xb0: {  	[dreg:$0x4] =	wrdreg $0x9  }
0xb1: {  	_ =	task.clear_ibuf [dreg:s6], $0x5FFFF;
	_ =	strace $0x90000046  }
0xb2: {  	s29 =	simm.s32 $0x9;
	_ =	strace $0x80000048  }
0xb3: {  	_ =	swait.ge [sflag:s29], $0x1  }
0xb4: {  	[sflag:s29] =	ssyncadd.s32 $0xFFFFFFFF  }
0xb5: {  	_ =	strace $0x90000048  }
0xb6: {  	_ =	sfence  }
0xb7: {  	s30 =	sld [smem:$0x0];
	_ =	sdelay $0x2  }
0xb8: {  	s31 =	sshll.u32 s1, $0xD;
	s1 =	sshrl.u32 s1, $0x2  }
0xb9: {  	s3 =	sand.u32 $0x4000, s31;
	s1 =	sadd.s32 s1, s30  }
0xba: {  	s0 =	sor.u32 s3, s0;
	s1 =	sshll.u32 s1, $0x11  }
0xbb: {  	s0 =	sor.u32 s1, s0  }
0xbc: {  	s0 =	sadd.s32 $0x8F2B, s0  }
0xbd: {  	[sflag:s0] =	ssyncadd.remote.s32 $0x1  }
0xbe: {  	_ =	sfence.sel $0xFFFF  }
0xbf: {  	[dreg:$0x0] =	wrdreg $0xFFFFFFFF;
	(pc) =	sbr.abs _section_cstart, $3  }
0xc0: {  	[dreg:$0x1] =	wrdreg $0xFFFFFFFF  }
0xc1: {  	_ =	task.clear_ibuf [dreg:s6], $0x2FFFF;
	_ =	strace $0x9FFFFFFF  }
0xc2: {  	(tm) =	ssettm $0x7FFFFFFF  }
0xc3: {  	_ =	shalt  }
tec
execute0_lowered:
.L_overlay_start_1:
0x0: {  	(tag) =	ssettag $0x1  }
0x1: {  	s4 =	rddreg [dreg:$0x0]  }
0x2: {  	s2 =	rddreg [dreg:$0x1];
	s0 =	stileid.u32  }
0x3: {  	s5 =	srdreg.scid;
	s3 =	simm.s32 $0x0;
	s6 =	smul.u32 $0xA00, s0  }
0x4: {  	s28 =	simm.s32 $0x1;
	s29 =	simm.s32 $0x0;
	s9 =	smul.u32 $0x14000, s0  }
0x5: {  	s5 =	sand.u32 $0x1, s5;
	[smem:$0x7FF] =	sst s3;
	s25 =	smul.u32 $0x50000, s0  }
0x6: {  	s15 =	sadd.s32 $0x2A000, s4;
	s19 =	sadd.s32 $0x7A000, s4;
	s14 =	smul.u32 $0x140000, s5  }
0x7: {  	_ =	strace $0x80000047;
	s5 =	ssub.s32 $0x2, s5;
	s22 =	sadd.s32 s6, s4  }
0x8: {  	s23 =	sshrl.u32 s5, $0x1;
	s7 =	sadd.s32 $0x4000, s9;
	s6 =	sshrl.u32 s25, $0x2  }
0x9: {  	s10 =	sadd.s32 $0x8000, s9;
	s11 =	sadd.s32 $0xC000, s9;
	s13 =	sadd.s32 $0x10000, s9  }
0xa: {  	s25 =	simm.s32 $0x80;
	s24 =	sadd.s32 s9, s14;
	s20 =	ssub.s32 s5, s23  }
0xb: {  	s30 =	sadd.s32 s14, s7;
	s5 =	sadd.s32 s6, s2;
	s8 =	sadd.s32 s14, s10  }
0xc: {  	s7 =	sadd.s32 s7, s2;
	s12 =	sadd.s32 s14, s11;
	s9 =	sadd.s32 s10, s2  }
0xd: {  	s31 =	sadd.s32 s14, s13;
	s11 =	sadd.s32 s11, s2;
	s13 =	sadd.s32 s13, s2  }
0xe: {  	s14 =	sshrl.u32 s14, $0x3;
	s16 =	sshrl.u32 s24, $0x3;
	s17 =	sshrl.u32 s30, $0x3  }
0xf: {  	s18 =	sshrl.u32 s8, $0x3;
	s21 =	sshrl.u32 s12, $0x3;
	s23 =	sshrl.u32 s31, $0x3  }
0x10: {  	s14 =	sadd.s32 s15, s14;
	s20 =	smax.u32 s20, $0x1;
	s24 =	simm.s32 $0x2  }
0x11: {  	s26 =	sadd.s32 s15, s16;
	s6 =	sadd.s32 s15, s17;
	s8 =	sadd.s32 s15, s18  }
0x12: {  	s10 =	sadd.s32 s15, s21;
	s12 =	sadd.s32 s15, s23;
	s15 =	sadd.s32 s19, s16  }
0x13: {  	s16 =	sadd.s32 s19, s17;
	s17 =	sadd.s32 s19, s18;
	s18 =	sadd.s32 s19, s21  }
0x14: {  	s19 =	sadd.s32 s19, s23;
	s21 =	sadd.s32 $0x2000, s22;
	s22 =	sadd.s32 $0xC000, s22  }
0x15: {  	s23 =	simm.s32 $0x4100;
	[dreg:$0x3] =	wrdreg s26;
	s26 =	simm.s32 $0x100  }
.LBB2_1:
0x16: {  	s0 =	rddreg [dreg:$0x3]  }
0x17: {  	[tilespmem:s23], [sflag:$0x2] =	stream.linear.gather [hbm4b:s0+s3], $0x4000, $0x38;
	[tilespmem:$0x1C100] =	vst v63  }
0x18: {  	_ =	swait.ge [sflag:s24], $0x4000  }
0x19: {  	[sflag:s24] =	ssyncset.done $0x0  }
0x1a: {  	[sflag:s24] =	ssyncadd.s32 $0xFFFFC000  }
0x1b: {  	[spmem:s5] =	stream.linear.scatter [tilespmem:s23], [sflag:$0x2], $0x4000, $0x38;
	[tilespmem:$0x1C100] =	vst v63  }
0x1c: {  	_ =	swait.ge [sflag:s24], $0x4000  }
0x1d: {  	[sflag:s24] =	ssyncset.done $0x0  }
0x1e: {  	[sflag:s24] =	ssyncadd.s32 $0xFFFFC000  }
0x1f: {  	[tilespmem:s23], [sflag:$0x2] =	stream.linear.gather [hbm4b:s6+s3], $0x4000, $0x38;
	[tilespmem:$0x1C100] =	vst v63  }
0x20: {  	_ =	swait.ge [sflag:s24], $0x4000  }
0x21: {  	[sflag:s24] =	ssyncset.done $0x0  }
0x22: {  	[sflag:s24] =	ssyncadd.s32 $0xFFFFC000  }
0x23: {  	[spmem:s7] =	stream.linear.scatter [tilespmem:s23], [sflag:$0x2], $0x4000, $0x38;
	[tilespmem:$0x1C100] =	vst v63  }
0x24: {  	_ =	swait.ge [sflag:s24], $0x4000  }
0x25: {  	[sflag:s24] =	ssyncset.done $0x0  }
0x26: {  	[sflag:s24] =	ssyncadd.s32 $0xFFFFC000  }
0x27: {  	[tilespmem:s23], [sflag:$0x2] =	stream.linear.gather [hbm4b:s8+s3], $0x4000, $0x38;
	[tilespmem:$0x1C100] =	vst v63  }
0x28: {  	_ =	swait.ge [sflag:s24], $0x4000  }
0x29: {  	[sflag:s24] =	ssyncset.done $0x0  }
0x2a: {  	[sflag:s24] =	ssyncadd.s32 $0xFFFFC000  }
0x2b: {  	[spmem:s9] =	stream.linear.scatter [tilespmem:s23], [sflag:$0x2], $0x4000, $0x38;
	[tilespmem:$0x1C100] =	vst v63  }
0x2c: {  	_ =	swait.ge [sflag:s24], $0x4000  }
0x2d: {  	[sflag:s24] =	ssyncset.done $0x0  }
0x2e: {  	[sflag:s24] =	ssyncadd.s32 $0xFFFFC000  }
0x2f: {  	[tilespmem:s23], [sflag:$0x2] =	stream.linear.gather [hbm4b:s10+s3], $0x4000, $0x38;
	[tilespmem:$0x1C100] =	vst v63  }
0x30: {  	_ =	swait.ge [sflag:s24], $0x4000  }
0x31: {  	[sflag:s24] =	ssyncset.done $0x0  }
0x32: {  	[sflag:s24] =	ssyncadd.s32 $0xFFFFC000  }
0x33: {  	[spmem:s11] =	stream.linear.scatter [tilespmem:s23], [sflag:$0x2], $0x4000, $0x38;
	[tilespmem:$0x1C100] =	vst v63  }
0x34: {  	_ =	swait.ge [sflag:s24], $0x4000  }
0x35: {  	[sflag:s24] =	ssyncset.done $0x0  }
0x36: {  	[sflag:s24] =	ssyncadd.s32 $0xFFFFC000  }
0x37: {  	[tilespmem:s23], [sflag:$0x2] =	stream.linear.gather [hbm4b:s12+s3], $0x4000, $0x38;
	[tilespmem:$0x1C100] =	vst v63  }
0x38: {  	_ =	swait.ge [sflag:s24], $0x4000  }
0x39: {  	[sflag:s24] =	ssyncset.done $0x0  }
0x3a: {  	[sflag:s24] =	ssyncadd.s32 $0xFFFFC000  }
0x3b: {  	[spmem:s13] =	stream.linear.scatter [tilespmem:s23], [sflag:$0x2], $0x4000, $0x38;
	[tilespmem:$0x1C100] =	vst v63  }
0x3c: {  	_ =	swait.ge [sflag:s24], $0x4000  }
0x3d: {  	[sflag:s24] =	ssyncset.done $0x0  }
0x3e: {  	[sflag:s24] =	ssyncadd.s32 $0xFFFFC000  }
0x3f: {  	s30 =	sadd.s32 $0x0, s22;
	[bflag:$0x0] =	sbarrier.arrive $0xFFFF  }
0x40: {  	[tilespmem:s3], [sflag:$0x2] =	stream.linear.gather [hbm4b:s30+s3], $0x80, $0x38;
	[tilespmem:$0x1C100] =	vst v63  }
0x41: {  	_ =	swait.ge [sflag:s24], $0x80  }
0x42: {  	[sflag:s24] =	ssyncset.done $0x0  }
0x43: {  	s30 =	sadd.s32 $0x0, s21;
	[sflag:s24] =	ssyncadd.s32 $0xFFFFFF80  }
0x44: {  	[tilespmem:s25], [sflag:$0x2] =	stream.linear.gather [hbm4b:s30+s3], $0x80, $0x38;
	[tilespmem:$0x1C100] =	vst v63  }
0x45: {  	_ =	swait.ge [sflag:s24], $0x80  }
0x46: {  	[sflag:s24] =	ssyncset.done $0x0  }
0x47: {  	[sflag:s24] =	ssyncadd.s32 $0xFFFFFF80  }
0x48: {  	[tilespmem:s26], [sflag:$0x1] =	stream.indirect.gather [hbm4b:s14+s25], $0x80, s3, s25, $0xb8;
	[tilespmem:$0x1C100] =	vst v63  }
0x49: {  	_ =	swait.ge [sflag:s28], $0x4000  }
0x4a: {  	[sflag:s28] =	ssyncset.done $0x0  }
0x4b: {  	[sflag:s28] =	ssyncadd.s32 $0xFFFFC000  }
0x4c: {  	[spmem:s2] =	stream.indirect.scatter.add.f32 [tilespmem:s26], [sflag:$0x2], $0x80, s25, s25, $0xb8;
	[tilespmem:$0x1C100] =	vst v63  }
0x4d: {  	_ =	swait.ge [sflag:s24], $0x4000  }
0x4e: {  	s31 =	simm.s32 $0x20;
	s30 =	simm.s32 $0x10;
	[sflag:s24] =	ssyncset.done $0x0  }
.LBB2_2:
0x4f: {  	s0 =	sadd.s32 s30, s22  }
0x50: {  	[sflag:s24] =	ssyncadd.s32 $0xFFFFC000;
	s1 =	smov.u32 s31;
	s4 =	sadd.s32 $0x10, s31  }
0x51: {  	[tilespmem:s3], [sflag:$0x2] =	stream.linear.gather [hbm4b:s0+s3], $0x80, $0x38;
	[tilespmem:$0x1C100] =	vst v63  }
0x52: {  	p0 =	sne.s32 s31, $0x9F0;
	_ =	swait.ge [sflag:s24], $0x80  }
0x53: {  	[sflag:s24] =	ssyncset.done $0x0  }
0x54: {  	s0 =	sadd.s32 s30, s21;
	s30 =	smov.u32 s1;
	[sflag:s24] =	ssyncadd.s32 $0xFFFFFF80  }
0x55: {  	[tilespmem:s25], [sflag:$0x2] =	stream.linear.gather [hbm4b:s0+s3], $0x80, $0x38;
	[tilespmem:$0x1C100] =	vst v63  }
0x56: {  	_ =	swait.ge [sflag:s24], $0x80  }
0x57: {  	[sflag:s24] =	ssyncset.done $0x0  }
0x58: {  	[sflag:s24] =	ssyncadd.s32 $0xFFFFFF80  }
0x59: {  	[tilespmem:s26], [sflag:$0x1] =	stream.indirect.gather [hbm4b:s14+s25], $0x80, s3, s25, $0xb8;
	[tilespmem:$0x1C100] =	vst v63  }
0x5a: {  	_ =	swait.ge [sflag:s28], $0x4000  }
.Ltmp0:
0x5b: {  	[sflag:s28] =	ssyncset.done $0x0;
	(pc) =	sbr.rel @p0 .LBB2_2-.Ltmp0, $4  }
0x5c: {  	[sflag:s28] =	ssyncadd.s32 $0xFFFFC000  }
0x5d: {  	[spmem:s2] =	stream.indirect.scatter.add.f32 [tilespmem:s26], [sflag:$0x2], $0x80, s25, s25, $0xb8;
	[tilespmem:$0x1C100] =	vst v63  }
0x5e: {  	_ =	swait.ge [sflag:s24], $0x4000  }
0x5f: {  	s31 =	smov.u32 s4;
	[sflag:s24] =	ssyncset.done $0x0  }
0x60: {  	s0 =	sadd.s32 s30, s22;
	[sflag:s24] =	ssyncadd.s32 $0xFFFFC000  }
0x61: {  	[tilespmem:s3], [sflag:$0x2] =	stream.linear.gather [hbm4b:s0+s3], $0x80, $0x38;
	[tilespmem:$0x1C100] =	vst v63  }
0x62: {  	_ =	swait.ge [sflag:s24], $0x80  }
0x63: {  	[sflag:s24] =	ssyncset.done $0x0  }
0x64: {  	s31 =	sadd.s32 s30, s21;
	[sflag:s24] =	ssyncadd.s32 $0xFFFFFF80  }
0x65: {  	[tilespmem:s25], [sflag:$0x2] =	stream.linear.gather [hbm4b:s31+s3], $0x80, $0x38;
	[tilespmem:$0x1C100] =	vst v63  }
0x66: {  	_ =	swait.ge [sflag:s24], $0x80  }
0x67: {  	[sflag:s24] =	ssyncset.done $0x0  }
0x68: {  	[sflag:s24] =	ssyncadd.s32 $0xFFFFFF80  }
0x69: {  	[tilespmem:s26], [sflag:$0x1] =	stream.indirect.gather [hbm4b:s14+s25], $0x80, s3, s25, $0xb8;
	[tilespmem:$0x1C100] =	vst v63  }
0x6a: {  	_ =	swait.ge [sflag:s28], $0x4000  }
0x6b: {  	[sflag:s28] =	ssyncset.done $0x0  }
0x6c: {  	[sflag:s28] =	ssyncadd.s32 $0xFFFFC000  }
0x6d: {  	[spmem:s2] =	stream.indirect.scatter.add.f32 [tilespmem:s26], [sflag:$0x2], $0x80, s25, s25, $0xb8;
	[tilespmem:$0x1C100] =	vst v63  }
0x6e: {  	_ =	swait.ge [sflag:s24], $0x4000  }
0x6f: {  	[sflag:s24] =	ssyncset.done $0x0  }
0x70: {  	[sflag:s24] =	ssyncadd.s32 $0xFFFFC000  }
0x71: {  	[bflag:$0x0] =	sbarrier.arrive $0xFFFF  }
0x72: {  	[tilespmem:s23], [sflag:$0x2] =	stream.linear.gather [spmem:s5], $0x4000, $0x38;
	[tilespmem:$0x1C100] =	vst v63  }
0x73: {  	_ =	swait.ge [sflag:s24], $0x4000  }
0x74: {  	[sflag:s24] =	ssyncset.done $0x0  }
0x75: {  	[sflag:s24] =	ssyncadd.s32 $0xFFFFC000  }
0x76: {  	[hbm4b:s15+s3] =	stream.linear.scatter [tilespmem:s23], [sflag:$0x2], $0x4000, $0x38;
	[tilespmem:$0x1C100] =	vst v63  }
0x77: {  	_ =	swait.ge [sflag:s24], $0x4000  }
0x78: {  	[sflag:s24] =	ssyncset.done $0x0  }
0x79: {  	[sflag:s24] =	ssyncadd.s32 $0xFFFFC000  }
0x7a: {  	[tilespmem:s23], [sflag:$0x2] =	stream.linear.gather [spmem:s7], $0x4000, $0x38;
	[tilespmem:$0x1C100] =	vst v63  }
0x7b: {  	_ =	swait.ge [sflag:s24], $0x4000  }
0x7c: {  	[sflag:s24] =	ssyncset.done $0x0  }
0x7d: {  	[sflag:s24] =	ssyncadd.s32 $0xFFFFC000  }
0x7e: {  	[hbm4b:s16+s3] =	stream.linear.scatter [tilespmem:s23], [sflag:$0x2], $0x4000, $0x38;
	[tilespmem:$0x1C100] =	vst v63  }
0x7f: {  	_ =	swait.ge [sflag:s24], $0x4000  }
0x80: {  	[sflag:s24] =	ssyncset.done $0x0  }
0x81: {  	[sflag:s24] =	ssyncadd.s32 $0xFFFFC000  }
0x82: {  	[tilespmem:s23], [sflag:$0x2] =	stream.linear.gather [spmem:s9], $0x4000, $0x38;
	[tilespmem:$0x1C100] =	vst v63  }
0x83: {  	_ =	swait.ge [sflag:s24], $0x4000  }
0x84: {  	[sflag:s24] =	ssyncset.done $0x0  }
0x85: {  	[sflag:s24] =	ssyncadd.s32 $0xFFFFC000  }
0x86: {  	[hbm4b:s17+s3] =	stream.linear.scatter [tilespmem:s23], [sflag:$0x2], $0x4000, $0x38;
	[tilespmem:$0x1C100] =	vst v63  }
0x87: {  	_ =	swait.ge [sflag:s24], $0x4000  }
0x88: {  	[sflag:s24] =	ssyncset.done $0x0  }
0x89: {  	[sflag:s24] =	ssyncadd.s32 $0xFFFFC000  }
0x8a: {  	[tilespmem:s23], [sflag:$0x2] =	stream.linear.gather [spmem:s11], $0x4000, $0x38;
	[tilespmem:$0x1C100] =	vst v63  }
0x8b: {  	_ =	swait.ge [sflag:s24], $0x4000  }
0x8c: {  	[sflag:s24] =	ssyncset.done $0x0  }
0x8d: {  	[sflag:s24] =	ssyncadd.s32 $0xFFFFC000  }
0x8e: {  	[hbm4b:s18+s3] =	stream.linear.scatter [tilespmem:s23], [sflag:$0x2], $0x4000, $0x38;
	[tilespmem:$0x1C100] =	vst v63  }
0x8f: {  	_ =	swait.ge [sflag:s24], $0x4000  }
0x90: {  	[sflag:s24] =	ssyncset.done $0x0  }
0x91: {  	[sflag:s24] =	ssyncadd.s32 $0xFFFFC000  }
0x92: {  	[tilespmem:s23], [sflag:$0x2] =	stream.linear.gather [spmem:s13], $0x4000, $0x38;
	[tilespmem:$0x1C100] =	vst v63  }
0x93: {  	s29 =	sadd.s32 $0x1, s29;
	_ =	swait.ge [sflag:s24], $0x4000  }
0x94: {  	p0 =	sne.s32 s29, s20;
	[sflag:s24] =	ssyncset.done $0x0  }
.Ltmp1:
0x95: {  	[sflag:s24] =	ssyncadd.s32 $0xFFFFC000;
	(pc) =	sbr.rel @p0 .LBB2_1-.Ltmp1, $4  }
0x96: {  	[hbm4b:s19+s3] =	stream.linear.scatter [tilespmem:s23], [sflag:$0x2], $0x4000, $0x38;
	[tilespmem:$0x1C100] =	vst v63  }
0x97: {  	_ =	swait.ge [sflag:s24], $0x4000  }
0x98: {  	[sflag:s24] =	ssyncset.done $0x0  }
0x99: {  	[sflag:s24] =	ssyncadd.s32 $0xFFFFC000  }
0x9a: {  	_ =	sfence.sel $0x180000  }
0x9b: {  	[bflag:$0x0] =	sbarrier.arrive $0xFFFF  }
0x9c: {  	_ =	strace $0x90000047  }
0x9d: {  	s0 =	stileid.u32;
	[bflag:$0x2] =	sbarrier.arrive $0xFFFF  }
0x9e: {  	p0 =	sne.s32 s0, $0x0;
	s0 =	rddreg [dreg:$0x2]  }
0x9f: {  	s0 =	sadd.s32 @!p0 $0x100000, s0  }
0xa0: {  	[sflag:s0] =	ssyncadd.tile.s32 @!p0 $0x1;
	_ =	shalt  }
.Lfunc_end2:
_tile_overlayer_lowered:
.L_overlay_start_2:
0xa1: {  	(tag) =	ssettag $0x2  }
0xa2: {  	s0 =	rddreg [dreg:$0x0];
	s2 =	stileid.u32  }
0xa3: {  	s1 =	rddreg [dreg:$0x1];
	p0 =	sne.s32 s2, $0x0  }
0xa4: {  	s3 =	rddreg [dreg:$0x2];
	[bflag:$0x3] =	sbarrier.arrive $0xFFFF;
	s2 =	simm.s32 @!p0 $0x1C02  }
0xa5: {  	[timem:s3], [sflag:s2] =	dma.local @!p0 [hbm:s0], s1  }
0xa6: {  	s0 =	simm.s32 @!p0 $0x2  }
0xa7: {  	_ =	swait.ge @!p0 [sflag:s0], s1  }
0xa8: {  	s1 =	ssub.s32 @!p0 $0x0, s1;
	[sflag:s0] =	ssyncset.done @!p0 $0x0  }
0xa9: {  	[sflag:s0] =	ssyncadd.s32 @!p0 s1  }
0xaa: {  	[bflag:$0x3] =	sbarrier.arrive $0xFFFF  }
0xab: {  	_ =	shalt  }

// kernel: kernel.13.cloned.1.call-start
scs
__scs_entry_jumppad:
0x0: {  	(pc) =	sbr.rel $0x88, $3  }
0x1: {  	(tag) =	ssettag $0x0;
	lr =	simm.s32 $0x1  }
0x2: {  	[smem:$0x3F97] =	sst lr;
	_ =	strace $0xD0000000  }
0x3: {  	_ = 	snop  }
0x4: {  	_ = 	snop  }
0x5: {  	_ = 	snop  }
0x6: {  	_ = 	snop  }
0x7: {  	_ = 	snop  }
__scs_overlays_trampoline_lowered:
0x8: {  	[smem:$0x3FA6] =	sst s0  }
0x9: {  	[smem:$0x3FA7] =	sst s1  }
0xa: {  	[smem:$0x3FA8] =	sst s2  }
0xb: {  	[smem:$0x3FA9] =	sst s3  }
0xc: {  	[smem:$0x3FAA] =	sst s4  }
0xd: {  	[smem:$0x3FAB] =	sst s5  }
0xe: {  	[smem:$0x3FAC] =	sst s6  }
0xf: {  	[smem:$0x3FAD] =	sst s7  }
0x10: {  	[smem:$0x3FAE] =	sst s8  }
0x11: {  	[smem:$0x3FAF] =	sst s9;
	s0 =	simm.s32 @!p0 $0x0  }
0x12: {  	s1 =	sld [smem:$0x3F95];
	s0 =	simm.s32 @p0 $0x1  }
0x13: {  	[smem:$0x3FB0] =	sst s0;
	s0 =	simm.s32 @!p1 $0x0  }
0x14: {  	s2 =	sld [smem:$0x3F94];
	s0 =	simm.s32 @p1 $0x1  }
0x15: {  	[smem:$0x3FB1] =	sst s0;
	s0 =	simm.s32 @!p2 $0x0  }
0x16: {  	s3 =	sld [smem:$0x3FDB];
	s0 =	simm.s32 @p2 $0x1  }
0x17: {  	s4 =	simm.s32 $0x1BF5;
	[smem:$0x3FB3] =	sst s0  }
0x18: {  	s0 =	sld [smem:$0x3F96];
	_ =	swait.ge [sflag:s4], $0x0  }
0x19: {  	s7 =	sld [smem:$0x3F97]  }
0x1a: {  	s8 =	sadd.s32 $0xFFFFE003, lr  }
0x1b: {  	s9 =	sadd.s32 $0xFFFFFEF7, lr;
	s5 =	simm.s32 $0xFFFFFFFF;
	p2 =	slt.u32 s8, $0xFFFFF086  }
0x1c: {  	p1 =	slt.u32 s9, $0xF7A;
	s5 =	simm.s32 @!p2 $0x0  }
0x1d: {  	s5 =	simm.s32 @p1 $0x1;
	p0 =	seq.s32 s7, s2  }
0x1e: {  	s7 =	smul.u32 @!p0 $0xF7A, s2;
	p2 =	seq.s32 @!p0 s5, $0x0  }
0x1f: {  	s9 =	smul.u32 $0xF7A, s1;
	s8 =	simm.s32 @!p0 $0x1BF5;
	p2 =	por !p2, p0  }
0x20: {  	[sflag:s8] =	ssyncset.s32 @!p0 $0xFFFFF086;
	s6 =	sadd.s32 @!p0 s3, s7;
	s7 =	simm.s32 @!p0 $0x108  }
0x21: {  	s3 =	sadd.s32 s3, s9;
	s6 =	sadd.s32 @!p0 $0x88, s6;
	s7 =	simm.s32 @p2 $0x1082  }
0x22: {  	[simem:s7], [sflag:s8] =	dma.local @!p0 [hbm:s6], $0xF7A  }
0x23: {  	s9 =	sor.u32 $0xD0000000, s2;
	s6 =	simm.s32 $0x108;
	_ =	swait.ge @!p0 [sflag:s8], $0x0  }
0x24: {  	s3 =	sadd.s32 $0x88, s3;
	s6 =	simm.s32 @!p1 $0x1082;
	[sflag:s4] =	ssyncset.s32 $0xFFFFF086  }
0x25: {  	[simem:s6], [sflag:s4] =	dma.local [hbm:s3], $0xF7A  }
0x26: {  	[smem:$0x3F97] =	sst s1;
	(tag) =	ssettag s2;
	_ =	strace s9  }
0x27: {  	s1 =	sld [smem:$0x3FA7]  }
0x28: {  	s2 =	sld [smem:$0x3FA8]  }
0x29: {  	s4 =	sld [smem:$0x3FAA]  }
0x2a: {  	p0 =	seq.s32 s5, $0x0;
	s5 =	sld [smem:$0x3FAB]  }
0x2b: {  	s6 =	sld [smem:$0x3FAC]  }
0x2c: {  	s7 =	sld [smem:$0x3FAD]  }
0x2d: {  	s3 =	simm.s32 $0x108;
	s8 =	sld [smem:$0x3FAE]  }
0x2e: {  	s3 =	simm.s32 @!p0 $0x1082;
	s9 =	sld [smem:$0x3FAF]  }
0x2f: {  	lr =	sadd.s32 s0, s3;
	s0 =	sld [smem:$0x3FA6]  }
0x30: {  	s3 =	sld [smem:$0x3FA9]  }
0x31: {  	[smem:$0x3FB2] =	sst s10  }
0x32: {  	s10 =	sld [smem:$0x3FB0];
	_ =	sdelay $0x3  }
0x33: {  	p0 =	seq.s32 s10, $0x1;
	s10 =	sld [smem:$0x3FB2];
	_ =	sdelay $0x3  }
0x34: {  	[smem:$0x3FB2] =	sst s10  }
0x35: {  	s10 =	sld [smem:$0x3FB1];
	_ =	sdelay $0x3  }
0x36: {  	p1 =	seq.s32 s10, $0x1;
	s10 =	sld [smem:$0x3FB2];
	_ =	sdelay $0x3  }
0x37: {  	[smem:$0x3FB2] =	sst s10  }
0x38: {  	s10 =	sld [smem:$0x3FB3]  }
0x39: {  	_ = 	snop;
	(pc) =	sbr.ind lr, $3  }
0x3a: {  	_ = 	snop  }
0x3b: {  	_ = 	snop  }
0x3c: {  	p2 =	seq.s32 s10, $0x1;
	s10 =	sld [smem:$0x3FB2]  }
0x3d: {  	_ =	shalt  }
0x3e: {  	_ =	shalt  }
0x3f: {  	_ =	shalt  }
0x40: {  	_ =	shalt  }
0x41: {  	_ =	shalt  }
0x42: {  	_ =	shalt  }
0x43: {  	_ =	shalt  }
0x44: {  	_ =	shalt  }
0x45: {  	_ =	shalt  }
0x46: {  	_ =	shalt  }
0x47: {  	_ =	shalt  }
0x48: {  	_ =	shalt  }
0x49: {  	_ =	shalt  }
0x4a: {  	_ =	shalt  }
0x4b: {  	_ =	shalt  }
0x4c: {  	_ =	shalt  }
0x4d: {  	_ =	shalt  }
0x4e: {  	_ =	shalt  }
0x4f: {  	_ =	shalt  }
0x50: {  	_ =	shalt  }
0x51: {  	_ =	shalt  }
0x52: {  	_ =	shalt  }
0x53: {  	_ =	shalt  }
0x54: {  	_ =	shalt  }
0x55: {  	_ =	shalt  }
0x56: {  	_ =	shalt  }
0x57: {  	_ =	shalt  }
0x58: {  	_ =	shalt  }
0x59: {  	_ =	shalt  }
0x5a: {  	_ =	shalt  }
0x5b: {  	_ =	shalt  }
0x5c: {  	_ =	shalt  }
0x5d: {  	_ =	shalt  }
0x5e: {  	_ =	shalt  }
0x5f: {  	_ =	shalt  }
0x60: {  	_ =	shalt  }
0x61: {  	_ =	shalt  }
0x62: {  	_ =	shalt  }
0x63: {  	_ =	shalt  }
0x64: {  	_ =	shalt  }
0x65: {  	_ =	shalt  }
0x66: {  	_ =	shalt  }
0x67: {  	_ =	shalt  }
0x68: {  	_ =	shalt  }
0x69: {  	_ =	shalt  }
0x6a: {  	_ =	shalt  }
0x6b: {  	_ =	shalt  }
0x6c: {  	_ =	shalt  }
0x6d: {  	_ =	shalt  }
0x6e: {  	_ =	shalt  }
0x6f: {  	_ =	shalt  }
0x70: {  	_ =	shalt  }
0x71: {  	_ =	shalt  }
0x72: {  	_ =	shalt  }
0x73: {  	_ =	shalt  }
0x74: {  	_ =	shalt  }
0x75: {  	_ =	shalt  }
0x76: {  	_ =	shalt  }
0x77: {  	_ =	shalt  }
0x78: {  	_ =	shalt  }
0x79: {  	_ =	shalt  }
0x7a: {  	_ =	shalt  }
0x7b: {  	_ =	shalt  }
0x7c: {  	_ =	shalt  }
0x7d: {  	_ =	shalt  }
0x7e: {  	_ =	shalt  }
0x7f: {  	_ =	shalt  }
0x80: {  	_ =	shalt  }
0x81: {  	_ =	shalt  }
0x82: {  	_ =	shalt  }
0x83: {  	_ =	shalt  }
0x84: {  	_ =	shalt  }
0x85: {  	_ =	shalt  }
0x86: {  	_ =	shalt  }
0x87: {  	_ =	shalt  }
.Lfunc_end0:
.L_simem_size_0:
called_computation.1_lowered:
.L_overlay_start_0:
0x88: {  	s2 =	sld [smem:$0x3FD9]  }
0x89: {  	s3 =	sld [smem:$0x3FFE];
	_ =	sdelay $0x1  }
0x8a: {  	s1 =	srdreg.scid  }
0x8b: {  	s0 =	sand.u32 $0x1, s1  }
0x8c: {  	s16 =	sshll.u32 s0, $0xA;
	s2 =	sadd.s32 s3, s2  }
0x8d: {  	s2 =	sadd.s32 s2, s16  }
0x8e: {  	[smem:$0x3FBE] =	sst s2  }
0x8f: {  	_ = 	snop  }
0x90: {  	(tm) =	ssettm $0x1  }
0x91: {  	s17 =	sld [smem:$0x3FFB];
	_ =	sdelay $0x3  }
0x92: {  	_ =	strace s17  }
0x93: {  	s2 =	sld [smem:$0x3FFC];
	_ =	sdelay $0x3  }
0x94: {  	_ =	strace s2  }
0x95: {  	s2 =	sld [smem:$0x3FFD];
	_ =	sdelay $0x3  }
0x96: {  	_ =	strace s2  }
0x97: {  	_ =	strace $0x8FFFFFFF  }
0x98: {  	s18 =	sld [smem:$0x3FDB];
	_ =	sdelay $0x1  }
0x99: {  	s19 =	simm.s32 $_scs_section_size  }
0x9a: {  	s4 =	simm.s32 $_size__tile_overlayer_lowered;
	s5 =	simm.s32 $_tile_overlayer_lowered  }
0x9b: {  	s22 =	simm.s32 $0x1BFF;
	s21 =	sshll.u32 s5, $0x1;
	s2 =	sadd.s32 s19, s18  }
0x9c: {  	s6 =	simm.s32 $0x0;
	s20 =	sshll.u32 s4, $0x1;
	s4 =	sadd.s32 s21, s2  }
0x9d: {  	[timem:s6], [sflag:s22] =	dma.local [hbm:s4], s20  }
0x9e: {  	_ =	swait.ge [sflag:s22], s20  }
0x9f: {  	s3 =	ssub.s32 $0x0, s20;
	[sflag:s22] =	ssyncset.done $0x0  }
0xa0: {  	[sflag:s22] =	ssyncadd.s32 s3;
	_ =	sdelay $0x1  }
0xa1: {  	s23 =	simm.s32 $0x1B8B  }
0xa2: {  	_ =	swait.ge [sflag:s23], $0x1  }
0xa3: {  	[sflag:s23] =	ssyncset.done $0x0  }
0xa4: {  	s25 =	simm.s32 $0x1B8E;
	s24 =	sld [smem:$0x3FFE];
	[sflag:s23] =	ssyncadd.s32 $0xFFFFFFFF  }
0xa5: {  	s26 =	simm.s32 $execute0_lowered;
	[smem:$0x3FD2] =	sst s25  }
0xa6: {  	s4 =	sshll.u32 s26, $0x1;
	_ =	strace $0x80000049;
	[dreg:$0x1] =	wrdreg $0xFFFFFFFF  }
0xa7: {  	s28 =	simm.s32 $_size_execute0_lowered;
	s2 =	sadd.s32 s2, s4;
	[dreg:$0x0] =	wrdreg $0x0  }
0xa8: {  	s4 =	sshll.u32 s28, $0x1;
	[dreg:$0x2] =	wrdreg s2  }
0xa9: {  	[dreg:$0x3] =	wrdreg s4  }
0xaa: {  	[dreg:$0x4] =	wrdreg $0xC0  }
0xab: {  	_ =	task [dreg:s6], $0x5FFFF  }
0xac: {  	[dreg:$0x1] =	wrdreg $0xFFFFFFFF  }
0xad: {  	[dreg:$0x0] =	wrdreg $0x60  }
0xae: {  	[dreg:$0x2] =	wrdreg s24  }
0xaf: {  	[dreg:$0x3] =	wrdreg $0x81000  }
0xb0: {  	[dreg:$0x4] =	wrdreg $0x9  }
0xb1: {  	_ =	task.clear_ibuf [dreg:s6], $0x5FFFF;
	_ =	strace $0x90000049  }
0xb2: {  	s29 =	simm.s32 $0x9;
	_ =	strace $0x8000004B  }
0xb3: {  	_ =	swait.ge [sflag:s29], $0x1  }
0xb4: {  	[sflag:s29] =	ssyncadd.s32 $0xFFFFFFFF  }
0xb5: {  	_ =	strace $0x9000004B  }
0xb6: {  	_ =	sfence  }
0xb7: {  	s30 =	sld [smem:$0x0];
	_ =	sdelay $0x2  }
0xb8: {  	s31 =	sshll.u32 s1, $0xD;
	s1 =	sshrl.u32 s1, $0x2  }
0xb9: {  	s3 =	sand.u32 $0x4000, s31;
	s1 =	sadd.s32 s1, s30  }
0xba: {  	s0 =	sor.u32 s3, s0;
	s1 =	sshll.u32 s1, $0x11  }
0xbb: {  	s0 =	sor.u32 s1, s0  }
0xbc: {  	s0 =	sadd.s32 $0x8F2B, s0  }
0xbd: {  	[sflag:s0] =	ssyncadd.remote.s32 $0x1  }
0xbe: {  	_ =	sfence.sel $0xFFFF  }
0xbf: {  	[dreg:$0x0] =	wrdreg $0xFFFFFFFF;
	(pc) =	sbr.abs _section_cstart, $3  }
0xc0: {  	[dreg:$0x1] =	wrdreg $0xFFFFFFFF  }
0xc1: {  	_ =	task.clear_ibuf [dreg:s6], $0x2FFFF;
	_ =	strace $0x9FFFFFFF  }
0xc2: {  	(tm) =	ssettm $0x7FFFFFFF  }
0xc3: {  	_ =	shalt  }
tec
execute0_lowered:
.L_overlay_start_1:
0x0: {  	(tag) =	ssettag $0x1  }
0x1: {  	s5 =	rddreg [dreg:$0x0]  }
0x2: {  	s2 =	rddreg [dreg:$0x1];
	s0 =	stileid.u32  }
0x3: {  	s4 =	srdreg.scid;
	s3 =	simm.s32 $0x0;
	s6 =	smul.u32 $0xA00, s0  }
0x4: {  	s28 =	simm.s32 $0x1;
	s29 =	simm.s32 $0x0;
	s10 =	smul.u32 $0x14000, s0  }
0x5: {  	s15 =	sand.u32 $0x1, s4;
	[smem:$0x7FF] =	sst s3;
	s24 =	smul.u32 $0x50000, s0  }
0x6: {  	s4 =	sadd.s32 $0x2A000, s5;
	s19 =	sadd.s32 $0x7A000, s5;
	s11 =	smul.u32 $0x140000, s15  }
0x7: {  	_ =	strace $0x8000004A;
	s22 =	ssub.s32 $0x2, s15;
	s31 =	smul.u32 $0x500, s15  }
0x8: {  	s20 =	sadd.s32 s6, s5;
	s23 =	sshrl.u32 s22, $0x1;
	s8 =	sadd.s32 $0x4000, s10  }
0x9: {  	s12 =	sadd.s32 $0x8000, s10;
	s13 =	sadd.s32 $0xC000, s10;
	s7 =	sadd.s32 s10, s11  }
0xa: {  	s21 =	ssub.s32 s22, s23;
	s26 =	sadd.s32 s11, s8;
	s9 =	sadd.s32 s11, s12  }
0xb: {  	s8 =	sadd.s32 s8, s2;
	s14 =	sadd.s32 s11, s13;
	s22 =	sadd.s32 $0x10000, s10  }
0xc: {  	s10 =	sadd.s32 s12, s2;
	s12 =	sadd.s32 s13, s2;
	s16 =	sshrl.u32 s7, $0x3  }
0xd: {  	s7 =	sshrl.u32 s24, $0x2;
	s17 =	sshrl.u32 s26, $0x3;
	s18 =	sshrl.u32 s9, $0x3  }
0xe: {  	s23 =	sshrl.u32 s14, $0x3;
	s30 =	sadd.s32 s11, s22;
	s14 =	sadd.s32 s22, s2  }
0xf: {  	s22 =	sadd.s32 s31, s20;
	s20 =	smax.u32 s21, $0x1;
	s26 =	simm.s32 $0x100  }
0x10: {  	s25 =	sadd.s32 s4, s16;
	s6 =	sadd.s32 s7, s2;
	s7 =	sadd.s32 s4, s17  }
0x11: {  	s9 =	sadd.s32 s4, s18;
	s11 =	sadd.s32 s4, s23;
	s24 =	sshrl.u32 s30, $0x3  }
0x12: {  	s15 =	sadd.s32 s19, s16;
	s16 =	sadd.s32 s19, s17;
	s17 =	sadd.s32 s19, s18  }
0x13: {  	s18 =	sadd.s32 s19, s23;
	s21 =	sadd.s32 $0x2000, s22;
	s22 =	sadd.s32 $0xC000, s22  }
0x14: {  	s23 =	simm.s32 $0x4100;
	[dreg:$0x3] =	wrdreg s25;
	s13 =	sadd.s32 s4, s24  }
0x15: {  	s19 =	sadd.s32 s19, s24;
	s24 =	simm.s32 $0x2;
	s25 =	simm.s32 $0x80  }
.LBB2_1:
0x16: {  	s0 =	rddreg [dreg:$0x3]  }
0x17: {  	[tilespmem:s23], [sflag:$0x2] =	stream.linear.gather [hbm4b:s0+s3], $0x4000, $0x38;
	[tilespmem:$0x1C100] =	vst v63  }
0x18: {  	_ =	swait.ge [sflag:s24], $0x4000  }
0x19: {  	[sflag:s24] =	ssyncset.done $0x0  }
0x1a: {  	[sflag:s24] =	ssyncadd.s32 $0xFFFFC000  }
0x1b: {  	[spmem:s6] =	stream.linear.scatter [tilespmem:s23], [sflag:$0x2], $0x4000, $0x38;
	[tilespmem:$0x1C100] =	vst v63  }
0x1c: {  	_ =	swait.ge [sflag:s24], $0x4000  }
0x1d: {  	[sflag:s24] =	ssyncset.done $0x0  }
0x1e: {  	[sflag:s24] =	ssyncadd.s32 $0xFFFFC000  }
0x1f: {  	[tilespmem:s23], [sflag:$0x2] =	stream.linear.gather [hbm4b:s7+s3], $0x4000, $0x38;
	[tilespmem:$0x1C100] =	vst v63  }
0x20: {  	_ =	swait.ge [sflag:s24], $0x4000  }
0x21: {  	[sflag:s24] =	ssyncset.done $0x0  }
0x22: {  	[sflag:s24] =	ssyncadd.s32 $0xFFFFC000  }
0x23: {  	[spmem:s8] =	stream.linear.scatter [tilespmem:s23], [sflag:$0x2], $0x4000, $0x38;
	[tilespmem:$0x1C100] =	vst v63  }
0x24: {  	_ =	swait.ge [sflag:s24], $0x4000  }
0x25: {  	[sflag:s24] =	ssyncset.done $0x0  }
0x26: {  	[sflag:s24] =	ssyncadd.s32 $0xFFFFC000  }
0x27: {  	[tilespmem:s23], [sflag:$0x2] =	stream.linear.gather [hbm4b:s9+s3], $0x4000, $0x38;
	[tilespmem:$0x1C100] =	vst v63  }
0x28: {  	_ =	swait.ge [sflag:s24], $0x4000  }
0x29: {  	[sflag:s24] =	ssyncset.done $0x0  }
0x2a: {  	[sflag:s24] =	ssyncadd.s32 $0xFFFFC000  }
0x2b: {  	[spmem:s10] =	stream.linear.scatter [tilespmem:s23], [sflag:$0x2], $0x4000, $0x38;
	[tilespmem:$0x1C100] =	vst v63  }
0x2c: {  	_ =	swait.ge [sflag:s24], $0x4000  }
0x2d: {  	[sflag:s24] =	ssyncset.done $0x0  }
0x2e: {  	[sflag:s24] =	ssyncadd.s32 $0xFFFFC000  }
0x2f: {  	[tilespmem:s23], [sflag:$0x2] =	stream.linear.gather [hbm4b:s11+s3], $0x4000, $0x38;
	[tilespmem:$0x1C100] =	vst v63  }
0x30: {  	_ =	swait.ge [sflag:s24], $0x4000  }
0x31: {  	[sflag:s24] =	ssyncset.done $0x0  }
0x32: {  	[sflag:s24] =	ssyncadd.s32 $0xFFFFC000  }
0x33: {  	[spmem:s12] =	stream.linear.scatter [tilespmem:s23], [sflag:$0x2], $0x4000, $0x38;
	[tilespmem:$0x1C100] =	vst v63  }
0x34: {  	_ =	swait.ge [sflag:s24], $0x4000  }
0x35: {  	[sflag:s24] =	ssyncset.done $0x0  }
0x36: {  	[sflag:s24] =	ssyncadd.s32 $0xFFFFC000  }
0x37: {  	[tilespmem:s23], [sflag:$0x2] =	stream.linear.gather [hbm4b:s13+s3], $0x4000, $0x38;
	[tilespmem:$0x1C100] =	vst v63  }
0x38: {  	_ =	swait.ge [sflag:s24], $0x4000  }
0x39: {  	[sflag:s24] =	ssyncset.done $0x0  }
0x3a: {  	[sflag:s24] =	ssyncadd.s32 $0xFFFFC000  }
0x3b: {  	[spmem:s14] =	stream.linear.scatter [tilespmem:s23], [sflag:$0x2], $0x4000, $0x38;
	[tilespmem:$0x1C100] =	vst v63  }
0x3c: {  	_ =	swait.ge [sflag:s24], $0x4000  }
0x3d: {  	[sflag:s24] =	ssyncset.done $0x0  }
0x3e: {  	[sflag:s24] =	ssyncadd.s32 $0xFFFFC000  }
0x3f: {  	s30 =	sadd.s32 $0x0, s22;
	[bflag:$0x0] =	sbarrier.arrive $0xFFFF  }
0x40: {  	[tilespmem:s3], [sflag:$0x2] =	stream.linear.gather [hbm4b:s30+s3], $0x80, $0x38;
	[tilespmem:$0x1C100] =	vst v63  }
0x41: {  	_ =	swait.ge [sflag:s24], $0x80  }
0x42: {  	[sflag:s24] =	ssyncset.done $0x0  }
0x43: {  	s30 =	sadd.s32 $0x0, s21;
	[sflag:s24] =	ssyncadd.s32 $0xFFFFFF80  }
0x44: {  	[tilespmem:s25], [sflag:$0x2] =	stream.linear.gather [hbm4b:s30+s3], $0x80, $0x38;
	[tilespmem:$0x1C100] =	vst v63  }
0x45: {  	_ =	swait.ge [sflag:s24], $0x80  }
0x46: {  	[sflag:s24] =	ssyncset.done $0x0  }
0x47: {  	[sflag:s24] =	ssyncadd.s32 $0xFFFFFF80  }
0x48: {  	[tilespmem:s26], [sflag:$0x1] =	stream.indirect.gather [hbm4b:s4+s25], $0x80, s3, s25, $0xb8;
	[tilespmem:$0x1C100] =	vst v63  }
0x49: {  	_ =	swait.ge [sflag:s28], $0x4000  }
0x4a: {  	[sflag:s28] =	ssyncset.done $0x0  }
0x4b: {  	[sflag:s28] =	ssyncadd.s32 $0xFFFFC000  }
0x4c: {  	[spmem:s2] =	stream.indirect.scatter.add.f32 [tilespmem:s26], [sflag:$0x2], $0x80, s25, s25, $0xb8;
	[tilespmem:$0x1C100] =	vst v63  }
0x4d: {  	_ =	swait.ge [sflag:s24], $0x4000  }
0x4e: {  	s31 =	simm.s32 $0x20;
	s30 =	simm.s32 $0x10;
	[sflag:s24] =	ssyncset.done $0x0  }
.LBB2_2:
0x4f: {  	s0 =	sadd.s32 s30, s22  }
0x50: {  	[sflag:s24] =	ssyncadd.s32 $0xFFFFC000;
	s1 =	smov.u32 s31;
	s5 =	sadd.s32 $0x10, s31  }
0x51: {  	[tilespmem:s3], [sflag:$0x2] =	stream.linear.gather [hbm4b:s0+s3], $0x80, $0x38;
	[tilespmem:$0x1C100] =	vst v63  }
0x52: {  	p0 =	sne.s32 s31, $0x4F0;
	_ =	swait.ge [sflag:s24], $0x80  }
0x53: {  	[sflag:s24] =	ssyncset.done $0x0  }
0x54: {  	s0 =	sadd.s32 s30, s21;
	s30 =	smov.u32 s1;
	[sflag:s24] =	ssyncadd.s32 $0xFFFFFF80  }
0x55: {  	[tilespmem:s25], [sflag:$0x2] =	stream.linear.gather [hbm4b:s0+s3], $0x80, $0x38;
	[tilespmem:$0x1C100] =	vst v63  }
0x56: {  	_ =	swait.ge [sflag:s24], $0x80  }
0x57: {  	[sflag:s24] =	ssyncset.done $0x0  }
0x58: {  	[sflag:s24] =	ssyncadd.s32 $0xFFFFFF80  }
0x59: {  	[tilespmem:s26], [sflag:$0x1] =	stream.indirect.gather [hbm4b:s4+s25], $0x80, s3, s25, $0xb8;
	[tilespmem:$0x1C100] =	vst v63  }
0x5a: {  	_ =	swait.ge [sflag:s28], $0x4000  }
.Ltmp0:
0x5b: {  	[sflag:s28] =	ssyncset.done $0x0;
	(pc) =	sbr.rel @p0 .LBB2_2-.Ltmp0, $4  }
0x5c: {  	[sflag:s28] =	ssyncadd.s32 $0xFFFFC000  }
0x5d: {  	[spmem:s2] =	stream.indirect.scatter.add.f32 [tilespmem:s26], [sflag:$0x2], $0x80, s25, s25, $0xb8;
	[tilespmem:$0x1C100] =	vst v63  }
0x5e: {  	_ =	swait.ge [sflag:s24], $0x4000  }
0x5f: {  	s31 =	smov.u32 s5;
	[sflag:s24] =	ssyncset.done $0x0  }
0x60: {  	s0 =	sadd.s32 s30, s22;
	[sflag:s24] =	ssyncadd.s32 $0xFFFFC000  }
0x61: {  	[tilespmem:s3], [sflag:$0x2] =	stream.linear.gather [hbm4b:s0+s3], $0x80, $0x38;
	[tilespmem:$0x1C100] =	vst v63  }
0x62: {  	_ =	swait.ge [sflag:s24], $0x80  }
0x63: {  	[sflag:s24] =	ssyncset.done $0x0  }
0x64: {  	s31 =	sadd.s32 s30, s21;
	[sflag:s24] =	ssyncadd.s32 $0xFFFFFF80  }
0x65: {  	[tilespmem:s25], [sflag:$0x2] =	stream.linear.gather [hbm4b:s31+s3], $0x80, $0x38;
	[tilespmem:$0x1C100] =	vst v63  }
0x66: {  	_ =	swait.ge [sflag:s24], $0x80  }
0x67: {  	[sflag:s24] =	ssyncset.done $0x0  }
0x68: {  	[sflag:s24] =	ssyncadd.s32 $0xFFFFFF80  }
0x69: {  	[tilespmem:s26], [sflag:$0x1] =	stream.indirect.gather [hbm4b:s4+s25], $0x80, s3, s25, $0xb8;
	[tilespmem:$0x1C100] =	vst v63  }
0x6a: {  	_ =	swait.ge [sflag:s28], $0x4000  }
0x6b: {  	[sflag:s28] =	ssyncset.done $0x0  }
0x6c: {  	[sflag:s28] =	ssyncadd.s32 $0xFFFFC000  }
0x6d: {  	[spmem:s2] =	stream.indirect.scatter.add.f32 [tilespmem:s26], [sflag:$0x2], $0x80, s25, s25, $0xb8;
	[tilespmem:$0x1C100] =	vst v63  }
0x6e: {  	_ =	swait.ge [sflag:s24], $0x4000  }
0x6f: {  	[sflag:s24] =	ssyncset.done $0x0  }
0x70: {  	[sflag:s24] =	ssyncadd.s32 $0xFFFFC000  }
0x71: {  	[bflag:$0x0] =	sbarrier.arrive $0xFFFF  }
0x72: {  	[tilespmem:s23], [sflag:$0x2] =	stream.linear.gather [spmem:s6], $0x4000, $0x38;
	[tilespmem:$0x1C100] =	vst v63  }
0x73: {  	_ =	swait.ge [sflag:s24], $0x4000  }
0x74: {  	[sflag:s24] =	ssyncset.done $0x0  }
0x75: {  	[sflag:s24] =	ssyncadd.s32 $0xFFFFC000  }
0x76: {  	[hbm4b:s15+s3] =	stream.linear.scatter [tilespmem:s23], [sflag:$0x2], $0x4000, $0x38;
	[tilespmem:$0x1C100] =	vst v63  }
0x77: {  	_ =	swait.ge [sflag:s24], $0x4000  }
0x78: {  	[sflag:s24] =	ssyncset.done $0x0  }
0x79: {  	[sflag:s24] =	ssyncadd.s32 $0xFFFFC000  }
0x7a: {  	[tilespmem:s23], [sflag:$0x2] =	stream.linear.gather [spmem:s8], $0x4000, $0x38;
	[tilespmem:$0x1C100] =	vst v63  }
0x7b: {  	_ =	swait.ge [sflag:s24], $0x4000  }
0x7c: {  	[sflag:s24] =	ssyncset.done $0x0  }
0x7d: {  	[sflag:s24] =	ssyncadd.s32 $0xFFFFC000  }
0x7e: {  	[hbm4b:s16+s3] =	stream.linear.scatter [tilespmem:s23], [sflag:$0x2], $0x4000, $0x38;
	[tilespmem:$0x1C100] =	vst v63  }
0x7f: {  	_ =	swait.ge [sflag:s24], $0x4000  }
0x80: {  	[sflag:s24] =	ssyncset.done $0x0  }
0x81: {  	[sflag:s24] =	ssyncadd.s32 $0xFFFFC000  }
0x82: {  	[tilespmem:s23], [sflag:$0x2] =	stream.linear.gather [spmem:s10], $0x4000, $0x38;
	[tilespmem:$0x1C100] =	vst v63  }
0x83: {  	_ =	swait.ge [sflag:s24], $0x4000  }
0x84: {  	[sflag:s24] =	ssyncset.done $0x0  }
0x85: {  	[sflag:s24] =	ssyncadd.s32 $0xFFFFC000  }
0x86: {  	[hbm4b:s17+s3] =	stream.linear.scatter [tilespmem:s23], [sflag:$0x2], $0x4000, $0x38;
	[tilespmem:$0x1C100] =	vst v63  }
0x87: {  	_ =	swait.ge [sflag:s24], $0x4000  }
0x88: {  	[sflag:s24] =	ssyncset.done $0x0  }
0x89: {  	[sflag:s24] =	ssyncadd.s32 $0xFFFFC000  }
0x8a: {  	[tilespmem:s23], [sflag:$0x2] =	stream.linear.gather [spmem:s12], $0x4000, $0x38;
	[tilespmem:$0x1C100] =	vst v63  }
0x8b: {  	_ =	swait.ge [sflag:s24], $0x4000  }
0x8c: {  	[sflag:s24] =	ssyncset.done $0x0  }
0x8d: {  	[sflag:s24] =	ssyncadd.s32 $0xFFFFC000  }
0x8e: {  	[hbm4b:s18+s3] =	stream.linear.scatter [tilespmem:s23], [sflag:$0x2], $0x4000, $0x38;
	[tilespmem:$0x1C100] =	vst v63  }
0x8f: {  	_ =	swait.ge [sflag:s24], $0x4000  }
0x90: {  	[sflag:s24] =	ssyncset.done $0x0  }
0x91: {  	[sflag:s24] =	ssyncadd.s32 $0xFFFFC000  }
0x92: {  	[tilespmem:s23], [sflag:$0x2] =	stream.linear.gather [spmem:s14], $0x4000, $0x38;
	[tilespmem:$0x1C100] =	vst v63  }
0x93: {  	s29 =	sadd.s32 $0x1, s29;
	_ =	swait.ge [sflag:s24], $0x4000  }
0x94: {  	p0 =	sne.s32 s29, s20;
	[sflag:s24] =	ssyncset.done $0x0  }
.Ltmp1:
0x95: {  	[sflag:s24] =	ssyncadd.s32 $0xFFFFC000;
	(pc) =	sbr.rel @p0 .LBB2_1-.Ltmp1, $4  }
0x96: {  	[hbm4b:s19+s3] =	stream.linear.scatter [tilespmem:s23], [sflag:$0x2], $0x4000, $0x38;
	[tilespmem:$0x1C100] =	vst v63  }
0x97: {  	_ =	swait.ge [sflag:s24], $0x4000  }
0x98: {  	[sflag:s24] =	ssyncset.done $0x0  }
0x99: {  	[sflag:s24] =	ssyncadd.s32 $0xFFFFC000  }
0x9a: {  	_ =	sfence.sel $0x180000  }
0x9b: {  	[bflag:$0x0] =	sbarrier.arrive $0xFFFF  }
0x9c: {  	_ =	strace $0x9000004A  }
0x9d: {  	s0 =	stileid.u32;
	[bflag:$0x2] =	sbarrier.arrive $0xFFFF  }
0x9e: {  	p0 =	sne.s32 s0, $0x0;
	s0 =	rddreg [dreg:$0x2]  }
0x9f: {  	s0 =	sadd.s32 @!p0 $0x100000, s0  }
0xa0: {  	[sflag:s0] =	ssyncadd.tile.s32 @!p0 $0x1;
	_ =	shalt  }
.Lfunc_end2:
_tile_overlayer_lowered:
.L_overlay_start_2:
0xa1: {  	(tag) =	ssettag $0x2  }
0xa2: {  	s0 =	rddreg [dreg:$0x0];
	s2 =	stileid.u32  }
0xa3: {  	s1 =	rddreg [dreg:$0x1];
	p0 =	sne.s32 s2, $0x0  }
0xa4: {  	s3 =	rddreg [dreg:$0x2];
	[bflag:$0x3] =	sbarrier.arrive $0xFFFF;
	s2 =	simm.s32 @!p0 $0x1C02  }
0xa5: {  	[timem:s3], [sflag:s2] =	dma.local @!p0 [hbm:s0], s1  }
0xa6: {  	s0 =	simm.s32 @!p0 $0x2  }
0xa7: {  	_ =	swait.ge @!p0 [sflag:s0], s1  }
0xa8: {  	s1 =	ssub.s32 @!p0 $0x0, s1;
	[sflag:s0] =	ssyncset.done @!p0 $0x0  }
0xa9: {  	[sflag:s0] =	ssyncadd.s32 @!p0 s1  }
0xaa: {  	[bflag:$0x3] =	sbarrier.arrive $0xFFFF  }
0xab: {  	_ =	shalt  }

// kernel: kernel.16.cloned.1.call-start
scs
__scs_entry_jumppad:
0x0: {  	(pc) =	sbr.rel $0x88, $3  }
0x1: {  	(tag) =	ssettag $0x0;
	lr =	simm.s32 $0x1  }
0x2: {  	[smem:$0x3F97] =	sst lr;
	_ =	strace $0xD0000000  }
0x3: {  	_ = 	snop  }
0x4: {  	_ = 	snop  }
0x5: {  	_ = 	snop  }
0x6: {  	_ = 	snop  }
0x7: {  	_ = 	snop  }
__scs_overlays_trampoline_lowered:
0x8: {  	[smem:$0x3FA6] =	sst s0  }
0x9: {  	[smem:$0x3FA7] =	sst s1  }
0xa: {  	[smem:$0x3FA8] =	sst s2  }
0xb: {  	[smem:$0x3FA9] =	sst s3  }
0xc: {  	[smem:$0x3FAA] =	sst s4  }
0xd: {  	[smem:$0x3FAB] =	sst s5  }
0xe: {  	[smem:$0x3FAC] =	sst s6  }
0xf: {  	[smem:$0x3FAD] =	sst s7  }
0x10: {  	[smem:$0x3FAE] =	sst s8  }
0x11: {  	[smem:$0x3FAF] =	sst s9;
	s0 =	simm.s32 @!p0 $0x0  }
0x12: {  	s1 =	sld [smem:$0x3F95];
	s0 =	simm.s32 @p0 $0x1  }
0x13: {  	[smem:$0x3FB0] =	sst s0;
	s0 =	simm.s32 @!p1 $0x0  }
0x14: {  	s2 =	sld [smem:$0x3F94];
	s0 =	simm.s32 @p1 $0x1  }
0x15: {  	[smem:$0x3FB1] =	sst s0;
	s0 =	simm.s32 @!p2 $0x0  }
0x16: {  	s3 =	sld [smem:$0x3FDB];
	s0 =	simm.s32 @p2 $0x1  }
0x17: {  	s4 =	simm.s32 $0x1BF5;
	[smem:$0x3FB3] =	sst s0  }
0x18: {  	s0 =	sld [smem:$0x3F96];
	_ =	swait.ge [sflag:s4], $0x0  }
0x19: {  	s7 =	sld [smem:$0x3F97]  }
0x1a: {  	s8 =	sadd.s32 $0xFFFFE003, lr  }
0x1b: {  	s9 =	sadd.s32 $0xFFFFFEF7, lr;
	s5 =	simm.s32 $0xFFFFFFFF;
	p2 =	slt.u32 s8, $0xFFFFF086  }
0x1c: {  	p1 =	slt.u32 s9, $0xF7A;
	s5 =	simm.s32 @!p2 $0x0  }
0x1d: {  	s5 =	simm.s32 @p1 $0x1;
	p0 =	seq.s32 s7, s2  }
0x1e: {  	s7 =	smul.u32 @!p0 $0xF7A, s2;
	p2 =	seq.s32 @!p0 s5, $0x0  }
0x1f: {  	s9 =	smul.u32 $0xF7A, s1;
	s8 =	simm.s32 @!p0 $0x1BF5;
	p2 =	por !p2, p0  }
0x20: {  	[sflag:s8] =	ssyncset.s32 @!p0 $0xFFFFF086;
	s6 =	sadd.s32 @!p0 s3, s7;
	s7 =	simm.s32 @!p0 $0x108  }
0x21: {  	s3 =	sadd.s32 s3, s9;
	s6 =	sadd.s32 @!p0 $0x88, s6;
	s7 =	simm.s32 @p2 $0x1082  }
0x22: {  	[simem:s7], [sflag:s8] =	dma.local @!p0 [hbm:s6], $0xF7A  }
0x23: {  	s9 =	sor.u32 $0xD0000000, s2;
	s6 =	simm.s32 $0x108;
	_ =	swait.ge @!p0 [sflag:s8], $0x0  }
0x24: {  	s3 =	sadd.s32 $0x88, s3;
	s6 =	simm.s32 @!p1 $0x1082;
	[sflag:s4] =	ssyncset.s32 $0xFFFFF086  }
0x25: {  	[simem:s6], [sflag:s4] =	dma.local [hbm:s3], $0xF7A  }
0x26: {  	[smem:$0x3F97] =	sst s1;
	(tag) =	ssettag s2;
	_ =	strace s9  }
0x27: {  	s1 =	sld [smem:$0x3FA7]  }
0x28: {  	s2 =	sld [smem:$0x3FA8]  }
0x29: {  	s4 =	sld [smem:$0x3FAA]  }
0x2a: {  	p0 =	seq.s32 s5, $0x0;
	s5 =	sld [smem:$0x3FAB]  }
0x2b: {  	s6 =	sld [smem:$0x3FAC]  }
0x2c: {  	s7 =	sld [smem:$0x3FAD]  }
0x2d: {  	s3 =	simm.s32 $0x108;
	s8 =	sld [smem:$0x3FAE]  }
0x2e: {  	s3 =	simm.s32 @!p0 $0x1082;
	s9 =	sld [smem:$0x3FAF]  }
0x2f: {  	lr =	sadd.s32 s0, s3;
	s0 =	sld [smem:$0x3FA6]  }
0x30: {  	s3 =	sld [smem:$0x3FA9]  }
0x31: {  	[smem:$0x3FB2] =	sst s10  }
0x32: {  	s10 =	sld [smem:$0x3FB0];
	_ =	sdelay $0x3  }
0x33: {  	p0 =	seq.s32 s10, $0x1;
	s10 =	sld [smem:$0x3FB2];
	_ =	sdelay $0x3  }
0x34: {  	[smem:$0x3FB2] =	sst s10  }
0x35: {  	s10 =	sld [smem:$0x3FB1];
	_ =	sdelay $0x3  }
0x36: {  	p1 =	seq.s32 s10, $0x1;
	s10 =	sld [smem:$0x3FB2];
	_ =	sdelay $0x3  }
0x37: {  	[smem:$0x3FB2] =	sst s10  }
0x38: {  	s10 =	sld [smem:$0x3FB3]  }
0x39: {  	_ = 	snop;
	(pc) =	sbr.ind lr, $3  }
0x3a: {  	_ = 	snop  }
0x3b: {  	_ = 	snop  }
0x3c: {  	p2 =	seq.s32 s10, $0x1;
	s10 =	sld [smem:$0x3FB2]  }
0x3d: {  	_ =	shalt  }
0x3e: {  	_ =	shalt  }
0x3f: {  	_ =	shalt  }
0x40: {  	_ =	shalt  }
0x41: {  	_ =	shalt  }
0x42: {  	_ =	shalt  }
0x43: {  	_ =	shalt  }
0x44: {  	_ =	shalt  }
0x45: {  	_ =	shalt  }
0x46: {  	_ =	shalt  }
0x47: {  	_ =	shalt  }
0x48: {  	_ =	shalt  }
0x49: {  	_ =	shalt  }
0x4a: {  	_ =	shalt  }
0x4b: {  	_ =	shalt  }
0x4c: {  	_ =	shalt  }
0x4d: {  	_ =	shalt  }
0x4e: {  	_ =	shalt  }
0x4f: {  	_ =	shalt  }
0x50: {  	_ =	shalt  }
0x51: {  	_ =	shalt  }
0x52: {  	_ =	shalt  }
0x53: {  	_ =	shalt  }
0x54: {  	_ =	shalt  }
0x55: {  	_ =	shalt  }
0x56: {  	_ =	shalt  }
0x57: {  	_ =	shalt  }
0x58: {  	_ =	shalt  }
0x59: {  	_ =	shalt  }
0x5a: {  	_ =	shalt  }
0x5b: {  	_ =	shalt  }
0x5c: {  	_ =	shalt  }
0x5d: {  	_ =	shalt  }
0x5e: {  	_ =	shalt  }
0x5f: {  	_ =	shalt  }
0x60: {  	_ =	shalt  }
0x61: {  	_ =	shalt  }
0x62: {  	_ =	shalt  }
0x63: {  	_ =	shalt  }
0x64: {  	_ =	shalt  }
0x65: {  	_ =	shalt  }
0x66: {  	_ =	shalt  }
0x67: {  	_ =	shalt  }
0x68: {  	_ =	shalt  }
0x69: {  	_ =	shalt  }
0x6a: {  	_ =	shalt  }
0x6b: {  	_ =	shalt  }
0x6c: {  	_ =	shalt  }
0x6d: {  	_ =	shalt  }
0x6e: {  	_ =	shalt  }
0x6f: {  	_ =	shalt  }
0x70: {  	_ =	shalt  }
0x71: {  	_ =	shalt  }
0x72: {  	_ =	shalt  }
0x73: {  	_ =	shalt  }
0x74: {  	_ =	shalt  }
0x75: {  	_ =	shalt  }
0x76: {  	_ =	shalt  }
0x77: {  	_ =	shalt  }
0x78: {  	_ =	shalt  }
0x79: {  	_ =	shalt  }
0x7a: {  	_ =	shalt  }
0x7b: {  	_ =	shalt  }
0x7c: {  	_ =	shalt  }
0x7d: {  	_ =	shalt  }
0x7e: {  	_ =	shalt  }
0x7f: {  	_ =	shalt  }
0x80: {  	_ =	shalt  }
0x81: {  	_ =	shalt  }
0x82: {  	_ =	shalt  }
0x83: {  	_ =	shalt  }
0x84: {  	_ =	shalt  }
0x85: {  	_ =	shalt  }
0x86: {  	_ =	shalt  }
0x87: {  	_ =	shalt  }
.Lfunc_end0:
.L_simem_size_0:
called_computation.2_lowered:
.L_overlay_start_0:
0x88: {  	s2 =	sld [smem:$0x3FD9]  }
0x89: {  	s3 =	sld [smem:$0x3FFE];
	_ =	sdelay $0x1  }
0x8a: {  	s1 =	srdreg.scid  }
0x8b: {  	s0 =	sand.u32 $0x1, s1  }
0x8c: {  	s17 =	sshll.u32 s0, $0xA;
	s2 =	sadd.s32 s3, s2  }
0x8d: {  	s2 =	sadd.s32 s2, s17  }
0x8e: {  	[smem:$0x3FBE] =	sst s2  }
0x8f: {  	_ = 	snop  }
0x90: {  	s2 =	sld [smem:$0x3FD0];
	(tm) =	ssettm $0x1  }
0x91: {  	s18 =	sld [smem:$0x3FFB];
	_ =	sdelay $0x3  }
0x92: {  	_ =	strace s18  }
0x93: {  	s3 =	sld [smem:$0x3FFC];
	_ =	sdelay $0x3  }
0x94: {  	_ =	strace s3  }
0x95: {  	s3 =	sld [smem:$0x3FFD];
	_ =	sdelay $0x3  }
0x96: {  	_ =	strace s3  }
0x97: {  	_ =	strace $0x8FFFFFFF  }
0x98: {  	s19 =	sld [smem:$0x3FDB];
	_ =	sdelay $0x1  }
0x99: {  	s4 =	simm.s32 $_scs_section_size  }
0x9a: {  	s5 =	simm.s32 $_size__tile_overlayer_lowered;
	s6 =	simm.s32 $_tile_overlayer_lowered  }
0x9b: {  	s22 =	simm.s32 $0x1BFF;
	s21 =	sshll.u32 s6, $0x1;
	s3 =	sadd.s32 s4, s19  }
0x9c: {  	s7 =	simm.s32 $0x0;
	s20 =	sshll.u32 s5, $0x1;
	s5 =	sadd.s32 s21, s3  }
0x9d: {  	[timem:s7], [sflag:s22] =	dma.local [hbm:s5], s20  }
0x9e: {  	_ =	swait.ge [sflag:s22], s20  }
0x9f: {  	s4 =	ssub.s32 $0x0, s20;
	[sflag:s22] =	ssyncset.done $0x0  }
0xa0: {  	[sflag:s22] =	ssyncadd.s32 s4;
	_ =	sdelay $0x1  }
0xa1: {  	s23 =	simm.s32 $0x1B8B  }
0xa2: {  	_ =	swait.ge [sflag:s23], $0x1  }
0xa3: {  	[sflag:s23] =	ssyncset.done $0x0  }
0xa4: {  	s25 =	simm.s32 $0x1B8E;
	s24 =	sld [smem:$0x3FFE];
	[sflag:s23] =	ssyncadd.s32 $0xFFFFFFFF  }
0xa5: {  	s26 =	simm.s32 $execute0_lowered;
	[smem:$0x3FD2] =	sst s25  }
0xa6: {  	s5 =	sshll.u32 s26, $0x1;
	_ =	strace $0x8000004C;
	[dreg:$0x1] =	wrdreg $0xFFFFFFFF  }
0xa7: {  	s28 =	simm.s32 $_size_execute0_lowered;
	s3 =	sadd.s32 s3, s5;
	[dreg:$0x0] =	wrdreg $0x0  }
0xa8: {  	s5 =	sshll.u32 s28, $0x1;
	[dreg:$0x2] =	wrdreg s3  }
0xa9: {  	[dreg:$0x3] =	wrdreg s5  }
0xaa: {  	[dreg:$0x4] =	wrdreg $0xC0  }
0xab: {  	_ =	task [dreg:s7], $0x5FFFF  }
0xac: {  	[dreg:$0x1] =	wrdreg $0xFFFFFFFF  }
0xad: {  	[dreg:$0x0] =	wrdreg $0x60  }
0xae: {  	[dreg:$0x2] =	wrdreg s24  }
0xaf: {  	[dreg:$0x3] =	wrdreg s2  }
0xb0: {  	[dreg:$0x4] =	wrdreg $0x9  }
0xb1: {  	_ =	task.clear_ibuf [dreg:s7], $0x5FFFF;
	_ =	strace $0x9000004C  }
0xb2: {  	s29 =	simm.s32 $0x9;
	_ =	strace $0x8000004E  }
0xb3: {  	_ =	swait.ge [sflag:s29], $0x1  }
0xb4: {  	[sflag:s29] =	ssyncadd.s32 $0xFFFFFFFF  }
0xb5: {  	_ =	strace $0x9000004E  }
0xb6: {  	_ =	sfence  }
0xb7: {  	s30 =	sld [smem:$0x0];
	_ =	sdelay $0x2  }
0xb8: {  	s31 =	sshll.u32 s1, $0xD;
	s1 =	sshrl.u32 s1, $0x2  }
0xb9: {  	s3 =	sand.u32 $0x4000, s31;
	s1 =	sadd.s32 s1, s30  }
0xba: {  	s0 =	sor.u32 s3, s0;
	s1 =	sshll.u32 s1, $0x11  }
0xbb: {  	s0 =	sor.u32 s1, s0  }
0xbc: {  	s0 =	sadd.s32 $0x8F2B, s0  }
0xbd: {  	[sflag:s0] =	ssyncadd.remote.s32 $0x1  }
0xbe: {  	_ =	sfence.sel $0xFFFF  }
0xbf: {  	[dreg:$0x0] =	wrdreg $0xFFFFFFFF;
	(pc) =	sbr.abs _section_cstart, $3  }
0xc0: {  	[dreg:$0x1] =	wrdreg $0xFFFFFFFF  }
0xc1: {  	_ =	task.clear_ibuf [dreg:s7], $0x2FFFF;
	_ =	strace $0x9FFFFFFF  }
0xc2: {  	(tm) =	ssettm $0x7FFFFFFF  }
0xc3: {  	_ =	shalt  }
tec
execute0_lowered:
.L_overlay_start_1:
0x0: {  	(tag) =	ssettag $0x1  }
0x1: {  	s0 =	rddreg [dreg:$0x0]  }
0x2: {  	s1 =	srdreg.scid;
	s2 =	stileid.u32;
	s3 =	simm.s32 $0x0  }
0x3: {  	s14 =	simm.s32 $0xB000;
	s11 =	simm.s32 $0xC800;
	s13 =	simm.s32 $0x11000  }
0x4: {  	s15 =	simm.s32 $0x11800;
	s16 =	simm.s32 $0x12000;
	s17 =	simm.s32 $0x12800  }
0x5: {  	s18 =	simm.s32 $0x13000;
	s19 =	simm.s32 $0x13800;
	s20 =	simm.s32 $0x14000  }
0x6: {  	s21 =	simm.s32 $0x14800;
	s22 =	simm.s32 $0x1;
	s23 =	simm.s32 $0x3  }
0x7: {  	s24 =	simm.s32 $0x15800;
	s1 =	sand.u32 $0x1, s1;
	s2 =	sshll.u32 s2, $0x1  }
0x8: {  	s25 =	simm.s32 $0x2;
	s26 =	simm.s32 $0x4;
	s2 =	sor.u32 s1, s2  }
0x9: {  	s28 =	simm.s32 $0x17800;
	[smem:$0x7FF] =	sst s3;
	s6 =	smul.u32 $0x500, s2  }
0xa: {  	s4 =	sadd.s32 $0x7A000, s0;
	s1 =	ssub.s32 $0x2, s1;
	s10 =	smul.u32 $0x2800, s2  }
0xb: {  	s5 =	sadd.s32 $0x2A000, s0;
	s8 =	sshrl.u32 s1, $0x1;
	s9 =	smul.u32 $0x140000, s2  }
.Ltmp0:
0xc: {  	_ =	strace $0x8000004D;
	s29 =	ssub.s32 s1, s8;
	(pc) =	sbr.rel .LBB2_1-.Ltmp0, $4  }
0xd: {  	s7 =	sadd.s32 s6, s0;
	s6 =	sadd.s32 $0xCA000, s0;
	s0 =	smax.u32 s29, $0x1  }
0xe: {  	v2 =	vlaneseq.u32;
	s2 =	simm.s32 $0x0;
	s30 =	sadd.s32 $0x20000, s7;
	[dreg:$0x5] =	wrdreg s0  }
0xf: {  	vm0 =	vmmov $0xffff;
	v1 =	vshrl.u32 v2, $0x3;
	s8 =	simm.s32 $0xC000;
	s31 =	sadd.s32 $0x16000, s7;
	[dreg:$0x3] =	wrdreg s30  }
0x10: {  	v0 =	vand.u32 $0x7, v2;
	v2 =	vor.u32 $0x8, v2;
	v1 =	vmul.u32 $0x8, v1;
	s10 =	sor.u32 $0x40, s10;
	s7 =	simm.s32 $0xB800;
	[dreg:$0x4] =	wrdreg s31  }
.LBB2_10:
0x11: {  	s0 =	simm.s32 $0x5  }
0x12: {  	_ =	swait.ge [sflag:s0], $0x2000  }
0x13: {  	[sflag:s0] =	ssyncset.done $0x0  }
0x14: {  	s1 =	simm.s32 $0x6;
	[sflag:s0] =	ssyncadd.s32 $0xFFFFE000  }
0x15: {  	_ =	swait.ge [sflag:s1], $0x2000  }
0x16: {  	s2 =	rddreg [dreg:$0x6]  }
0x17: {  	s31 =	rddreg [dreg:$0x5];
	s2 =	sadd.s32 $0x1, s2  }
0x18: {  	p0 =	sne.s32 s2, s31  }
.Ltmp1:
0x19: {  	_ = 	snop;
	(pc) =	sbr.rel @!p0 .LBB2_11-.Ltmp1, $3  }
0x1a: {  	_ =	sdelay $0x1  }
0x1b: {  	[sflag:s1] =	ssyncset.done $0x0  }
0x1c: {  	[sflag:s1] =	ssyncadd.s32 $0xFFFFE000  }
.LBB2_1:
0x1d: {  	s0 =	rddreg [dreg:$0x1];
	s1 =	simm.s32 $0x15000  }
0x1e: {  	[tilespmem:s1], [sflag:$0x7] =	stream.linear.gather [hbm4b:s0+s3], $0x800, $0x38;
	[tilespmem:$0x19800] =	vst v63  }
0x1f: {  	[dreg:$0x6] =	wrdreg s2;
	s1 =	simm.s32 $0x7  }
0x20: {  	_ =	swait.ge [sflag:s1], $0x800  }
0x21: {  	[sflag:s1] =	ssyncset.done $0x0  }
0x22: {  	[sflag:s1] =	ssyncadd.s32 $0xFFFFF800  }
0x23: {  	v3 =	vld [tilespmem:$0x15000]  }
0x24: {  	v4 =	vld [tilespmem:$0x15080]  }
0x25: {  	v5 =	vld [tilespmem:$0x15100]  }
0x26: {  	v6 =	vld [tilespmem:$0x15180]  }
0x27: {  	v7 =	vld [tilespmem:$0x15200]  }
0x28: {  	v8 =	vld [tilespmem:$0x15280]  }
0x29: {  	v9 =	vld [tilespmem:$0x15300]  }
0x2a: {  	v10 =	vld [tilespmem:$0x15380]  }
0x2b: {  	v11 =	vld [tilespmem:$0x15400]  }
0x2c: {  	v12 =	vld [tilespmem:$0x15480]  }
0x2d: {  	v13 =	vld [tilespmem:$0x15500]  }
0x2e: {  	v14 =	vld [tilespmem:$0x15580]  }
0x2f: {  	v15 =	vld [tilespmem:$0x15600]  }
0x30: {  	v16 =	vld [tilespmem:$0x15680]  }
0x31: {  	s12 =	rddreg [dreg:$0x3];
	v17 =	vld [tilespmem:$0x15700]  }
0x32: {  	v18 =	vld [tilespmem:$0x15780];
	[tilespmem:s3], [sflag:$0x7] =	stream.linear.gather [hbm4b:s12+s3], $0x2800, $0x38  }
0x33: {  	_ =	swait.ge [sflag:s1], $0x2800  }
0x34: {  	[sflag:s1] =	ssyncset.done $0x0  }
0x35: {  	s31 =	simm.s32 $0x2800;
	s30 =	rddreg [dreg:$0x4];
	[sflag:s1] =	ssyncadd.s32 $0xFFFFD800  }
0x36: {  	[tilespmem:s31], [sflag:$0x7] =	stream.linear.gather [hbm4b:s30+s3], $0x2800, $0x38;
	[tilespmem:$0x19800] =	vst v63  }
0x37: {  	_ =	swait.ge [sflag:s1], $0x2800  }
0x38: {  	[sflag:s1] =	ssyncset.done $0x0  }
0x39: {  	[sflag:s1] =	ssyncadd.s32 $0xFFFFD800  }
0x3a: {  	v19 =	vld [tilespmem:$0x0];
	_ =	sdelay $0x4  }
0x3b: {  	v20 =	vshll.u32 v19, $0x1  }
0x3c: {  	v19 =	vand.u32 $0x7, v19;
	v20 =	vand.u32 $0xFFFFFFF0, v20  }
0x3d: {  	v19 =	vor.u32 v19, v20  }
0x3e: {  	v20 =	vperm.xlane v19, v0;
	_ =	sdelay $0x1  }
0x3f: {  	v19 =	vperm.xlane v19, v2;
	v20 =	vadd.s32 v1, v20;
	_ =	sdelay $0x1  }
0x40: {  	v19 =	vadd.s32 v1, v19;
	_ =	sdelay $0x1  }
0x41: {  	s1 =	simm.s32 $0x5000  }
0x42: {  	[tilespmem:s1], [sflag:$0x1] =	stream.indirect_vreg.gather [hbm4b:s4+s3], $0x80, v20, vm0, $0xb8;
	[tilespmem:$0x19800] =	vst v63  }
0x43: {  	s2 =	simm.s32 $0x5800  }
0x44: {  	[tilespmem:s2], [sflag:$0x1] =	stream.indirect_vreg.gather [hbm4b:s4+s3], $0x80, v19, vm0, $0xb8;
	[tilespmem:$0x19800] =	vst v63  }
0x45: {  	v19 =	vld [tilespmem:$0x10];
	_ =	sdelay $0x4  }
0x46: {  	v20 =	vshll.u32 v19, $0x1  }
0x47: {  	v19 =	vand.u32 $0x7, v19;
	v20 =	vand.u32 $0xFFFFFFF0, v20  }
0x48: {  	v19 =	vor.u32 v19, v20  }
0x49: {  	v20 =	vperm.xlane v19, v0;
	_ =	sdelay $0x1  }
0x4a: {  	v19 =	vperm.xlane v19, v2;
	v20 =	vadd.s32 v1, v20;
	_ =	sdelay $0x1  }
0x4b: {  	v19 =	vadd.s32 v1, v19;
	_ =	sdelay $0x1  }
0x4c: {  	s12 =	simm.s32 $0x6000  }
0x4d: {  	[tilespmem:s12], [sflag:$0x1] =	stream.indirect_vreg.gather [hbm4b:s4+s3], $0x80, v20, vm0, $0xb8;
	[tilespmem:$0x19800] =	vst v63  }
0x4e: {  	s30 =	simm.s32 $0x6800  }
0x4f: {  	[tilespmem:s30], [sflag:$0x1] =	stream.indirect_vreg.gather [hbm4b:s4+s3], $0x80, v19, vm0, $0xb8;
	[tilespmem:$0x19800] =	vst v63  }
0x50: {  	v19 =	vld [tilespmem:$0x20];
	_ =	sdelay $0x4  }
0x51: {  	v20 =	vshll.u32 v19, $0x1  }
0x52: {  	v19 =	vand.u32 $0x7, v19;
	v20 =	vand.u32 $0xFFFFFFF0, v20  }
0x53: {  	v19 =	vor.u32 v19, v20  }
0x54: {  	v20 =	vperm.xlane v19, v0;
	_ =	sdelay $0x1  }
0x55: {  	v19 =	vperm.xlane v19, v2;
	v20 =	vadd.s32 v1, v20;
	_ =	sdelay $0x1  }
0x56: {  	v19 =	vadd.s32 v1, v19;
	_ =	sdelay $0x1  }
0x57: {  	s31 =	simm.s32 $0x7000  }
0x58: {  	[tilespmem:s31], [sflag:$0x1] =	stream.indirect_vreg.gather [hbm4b:s4+s3], $0x80, v20, vm0, $0xb8;
	[tilespmem:$0x19800] =	vst v63  }
0x59: {  	s1 =	simm.s32 $0x7800  }
0x5a: {  	[tilespmem:s1], [sflag:$0x1] =	stream.indirect_vreg.gather [hbm4b:s4+s3], $0x80, v19, vm0, $0xb8;
	[tilespmem:$0x19800] =	vst v63  }
0x5b: {  	v19 =	vld [tilespmem:$0x30];
	_ =	sdelay $0x4  }
0x5c: {  	v20 =	vshll.u32 v19, $0x1  }
0x5d: {  	v19 =	vand.u32 $0x7, v19;
	v20 =	vand.u32 $0xFFFFFFF0, v20  }
0x5e: {  	v19 =	vor.u32 v19, v20  }
0x5f: {  	v20 =	vperm.xlane v19, v0;
	_ =	sdelay $0x1  }
0x60: {  	v19 =	vperm.xlane v19, v2;
	v20 =	vadd.s32 v1, v20;
	_ =	sdelay $0x1  }
0x61: {  	v19 =	vadd.s32 v1, v19;
	_ =	sdelay $0x1  }
0x62: {  	s2 =	simm.s32 $0x8000  }
0x63: {  	[tilespmem:s2], [sflag:$0x1] =	stream.indirect_vreg.gather [hbm4b:s4+s3], $0x80, v20, vm0, $0xb8;
	[tilespmem:$0x19800] =	vst v63  }
0x64: {  	s12 =	simm.s32 $0x8800  }
0x65: {  	[tilespmem:s12], [sflag:$0x1] =	stream.indirect_vreg.gather [hbm4b:s4+s3], $0x80, v19, vm0, $0xb8;
	[tilespmem:$0x19800] =	vst v63  }
0x66: {  	v19 =	vld [tilespmem:$0x2800];
	_ =	sdelay $0x4  }
0x67: {  	v20 =	vshll.u32 v19, $0x1  }
0x68: {  	v19 =	vand.u32 $0x7, v19;
	v20 =	vand.u32 $0xFFFFFFF0, v20  }
0x69: {  	v19 =	vor.u32 v19, v20  }
0x6a: {  	v20 =	vperm.xlane v19, v0;
	_ =	sdelay $0x1  }
0x6b: {  	v19 =	vperm.xlane v19, v2;
	v20 =	vadd.s32 v1, v20;
	_ =	sdelay $0x1  }
0x6c: {  	v19 =	vadd.s32 v1, v19;
	_ =	sdelay $0x1  }
0x6d: {  	s30 =	simm.s32 $0xD000  }
0x6e: {  	[tilespmem:s30], [sflag:$0x3] =	stream.indirect_vreg.gather [hbm4b:s5+s3], $0x80, v20, vm0, $0xb8;
	[tilespmem:$0x19800] =	vst v63  }
0x6f: {  	s31 =	simm.s32 $0xD800  }
0x70: {  	[tilespmem:s31], [sflag:$0x3] =	stream.indirect_vreg.gather [hbm4b:s5+s3], $0x80, v19, vm0, $0xb8;
	[tilespmem:$0x19800] =	vst v63  }
0x71: {  	v19 =	vld [tilespmem:$0x2810];
	_ =	sdelay $0x4  }
0x72: {  	v20 =	vshll.u32 v19, $0x1  }
0x73: {  	v19 =	vand.u32 $0x7, v19;
	v20 =	vand.u32 $0xFFFFFFF0, v20  }
0x74: {  	v19 =	vor.u32 v19, v20  }
0x75: {  	v20 =	vperm.xlane v19, v0;
	_ =	sdelay $0x1  }
0x76: {  	v19 =	vperm.xlane v19, v2;
	v20 =	vadd.s32 v1, v20;
	_ =	sdelay $0x1  }
0x77: {  	v19 =	vadd.s32 v1, v19;
	_ =	sdelay $0x1  }
0x78: {  	s1 =	simm.s32 $0xE000  }
0x79: {  	[tilespmem:s1], [sflag:$0x3] =	stream.indirect_vreg.gather [hbm4b:s5+s3], $0x80, v20, vm0, $0xb8;
	[tilespmem:$0x19800] =	vst v63  }
0x7a: {  	s2 =	simm.s32 $0xE800  }
0x7b: {  	[tilespmem:s2], [sflag:$0x3] =	stream.indirect_vreg.gather [hbm4b:s5+s3], $0x80, v19, vm0, $0xb8;
	[tilespmem:$0x19800] =	vst v63  }
0x7c: {  	v19 =	vld [tilespmem:$0x2820];
	_ =	sdelay $0x4  }
0x7d: {  	v20 =	vshll.u32 v19, $0x1  }
0x7e: {  	v19 =	vand.u32 $0x7, v19;
	v20 =	vand.u32 $0xFFFFFFF0, v20  }
0x7f: {  	v19 =	vor.u32 v19, v20  }
0x80: {  	v20 =	vperm.xlane v19, v0;
	_ =	sdelay $0x1  }
0x81: {  	v19 =	vperm.xlane v19, v2;
	v20 =	vadd.s32 v1, v20;
	_ =	sdelay $0x1  }
0x82: {  	v19 =	vadd.s32 v1, v19;
	_ =	sdelay $0x1  }
0x83: {  	s12 =	simm.s32 $0xF000  }
0x84: {  	[tilespmem:s12], [sflag:$0x3] =	stream.indirect_vreg.gather [hbm4b:s5+s3], $0x80, v20, vm0, $0xb8;
	[tilespmem:$0x19800] =	vst v63  }
0x85: {  	s30 =	simm.s32 $0xF800  }
0x86: {  	[tilespmem:s30], [sflag:$0x3] =	stream.indirect_vreg.gather [hbm4b:s5+s3], $0x80, v19, vm0, $0xb8;
	[tilespmem:$0x19800] =	vst v63  }
0x87: {  	v19 =	vld [tilespmem:$0x2830];
	_ =	sdelay $0x4  }
0x88: {  	v20 =	vshll.u32 v19, $0x1  }
0x89: {  	v19 =	vand.u32 $0x7, v19;
	v20 =	vand.u32 $0xFFFFFFF0, v20  }
0x8a: {  	v19 =	vor.u32 v19, v20  }
0x8b: {  	v20 =	vperm.xlane v19, v0;
	_ =	sdelay $0x1  }
0x8c: {  	v19 =	vperm.xlane v19, v2;
	v20 =	vadd.s32 v1, v20;
	_ =	sdelay $0x1  }
0x8d: {  	v19 =	vadd.s32 v1, v19;
	_ =	sdelay $0x1  }
0x8e: {  	s31 =	simm.s32 $0x10000  }
0x8f: {  	[tilespmem:s31], [sflag:$0x3] =	stream.indirect_vreg.gather [hbm4b:s5+s3], $0x80, v20, vm0, $0xb8;
	[tilespmem:$0x19800] =	vst v63  }
0x90: {  	s1 =	simm.s32 $0x10800  }
0x91: {  	[tilespmem:s1], [sflag:$0x3] =	stream.indirect_vreg.gather [hbm4b:s5+s3], $0x80, v19, vm0, $0xb8;
	[tilespmem:$0x19800] =	vst v63  }
0x92: {  	v19 =	vld [tilespmem:$0x40];
	_ =	sdelay $0x4  }
0x93: {  	v20 =	vshll.u32 v19, $0x1  }
0x94: {  	v19 =	vand.u32 $0x7, v19;
	v20 =	vand.u32 $0xFFFFFFF0, v20  }
0x95: {  	v19 =	vor.u32 v19, v20  }
0x96: {  	v20 =	vperm.xlane v19, v0;
	_ =	sdelay $0x1  }
0x97: {  	v19 =	vperm.xlane v19, v2;
	v20 =	vadd.s32 v1, v20;
	_ =	sdelay $0x1  }
0x98: {  	v19 =	vadd.s32 v1, v19;
	_ =	sdelay $0x1  }
0x99: {  	s2 =	simm.s32 $0x9000  }
0x9a: {  	[tilespmem:s2], [sflag:$0x2] =	stream.indirect_vreg.gather [hbm4b:s4+s3], $0x80, v20, vm0, $0xb8;
	[tilespmem:$0x19800] =	vst v63  }
0x9b: {  	s12 =	simm.s32 $0x9800  }
0x9c: {  	[tilespmem:s12], [sflag:$0x2] =	stream.indirect_vreg.gather [hbm4b:s4+s3], $0x80, v19, vm0, $0xb8;
	[tilespmem:$0x19800] =	vst v63  }
0x9d: {  	v19 =	vld [tilespmem:$0x50];
	_ =	sdelay $0x4  }
0x9e: {  	v20 =	vshll.u32 v19, $0x1  }
0x9f: {  	v19 =	vand.u32 $0x7, v19;
	v20 =	vand.u32 $0xFFFFFFF0, v20  }
0xa0: {  	v19 =	vor.u32 v19, v20  }
0xa1: {  	v20 =	vperm.xlane v19, v0;
	_ =	sdelay $0x1  }
0xa2: {  	v19 =	vperm.xlane v19, v2;
	v20 =	vadd.s32 v1, v20;
	_ =	sdelay $0x1  }
0xa3: {  	v19 =	vadd.s32 v1, v19;
	_ =	sdelay $0x1  }
0xa4: {  	s30 =	simm.s32 $0xA000  }
0xa5: {  	[tilespmem:s30], [sflag:$0x2] =	stream.indirect_vreg.gather [hbm4b:s4+s3], $0x80, v20, vm0, $0xb8;
	[tilespmem:$0x19800] =	vst v63  }
0xa6: {  	s31 =	simm.s32 $0xA800  }
0xa7: {  	[tilespmem:s31], [sflag:$0x2] =	stream.indirect_vreg.gather [hbm4b:s4+s3], $0x80, v19, vm0, $0xb8;
	[tilespmem:$0x19800] =	vst v63  }
0xa8: {  	v19 =	vld [tilespmem:$0x60];
	_ =	sdelay $0x4  }
0xa9: {  	v20 =	vshll.u32 v19, $0x1  }
0xaa: {  	v19 =	vand.u32 $0x7, v19;
	v20 =	vand.u32 $0xFFFFFFF0, v20  }
0xab: {  	v19 =	vor.u32 v19, v20  }
0xac: {  	v20 =	vperm.xlane v19, v0;
	_ =	sdelay $0x1  }
0xad: {  	v19 =	vperm.xlane v19, v2;
	v20 =	vadd.s32 v1, v20;
	_ =	sdelay $0x1  }
0xae: {  	v19 =	vadd.s32 v1, v19;
	_ =	sdelay $0x2  }
0xaf: {  	[tilespmem:s14], [sflag:$0x2] =	stream.indirect_vreg.gather [hbm4b:s4+s3], $0x80, v20, vm0, $0xb8;
	[tilespmem:$0x19800] =	vst v63  }
0xb0: {  	_ = 	snop  }
0xb1: {  	[tilespmem:s7], [sflag:$0x2] =	stream.indirect_vreg.gather [hbm4b:s4+s3], $0x80, v19, vm0, $0xb8;
	[tilespmem:$0x19800] =	vst v63  }
0xb2: {  	v19 =	vld [tilespmem:$0x70];
	_ =	sdelay $0x4  }
0xb3: {  	v20 =	vshll.u32 v19, $0x1  }
0xb4: {  	v19 =	vand.u32 $0x7, v19;
	v20 =	vand.u32 $0xFFFFFFF0, v20  }
0xb5: {  	v19 =	vor.u32 v19, v20  }
0xb6: {  	v20 =	vperm.xlane v19, v0;
	_ =	sdelay $0x1  }
0xb7: {  	v19 =	vperm.xlane v19, v2;
	v20 =	vadd.s32 v1, v20;
	_ =	sdelay $0x1  }
0xb8: {  	v19 =	vadd.s32 v1, v19;
	_ =	sdelay $0x2  }
0xb9: {  	[tilespmem:s8], [sflag:$0x2] =	stream.indirect_vreg.gather [hbm4b:s4+s3], $0x80, v20, vm0, $0xb8;
	[tilespmem:$0x19800] =	vst v63  }
0xba: {  	_ = 	snop  }
0xbb: {  	[tilespmem:s11], [sflag:$0x2] =	stream.indirect_vreg.gather [hbm4b:s4+s3], $0x80, v19, vm0, $0xb8;
	[tilespmem:$0x19800] =	vst v63  }
0xbc: {  	v19 =	vld [tilespmem:$0x2840];
	_ =	sdelay $0x4  }
0xbd: {  	v20 =	vshll.u32 v19, $0x1  }
0xbe: {  	v19 =	vand.u32 $0x7, v19;
	v20 =	vand.u32 $0xFFFFFFF0, v20  }
0xbf: {  	v19 =	vor.u32 v19, v20  }
0xc0: {  	v20 =	vperm.xlane v19, v0;
	_ =	sdelay $0x1  }
0xc1: {  	v19 =	vperm.xlane v19, v2;
	v20 =	vadd.s32 v1, v20;
	_ =	sdelay $0x1  }
0xc2: {  	v19 =	vadd.s32 v1, v19;
	_ =	sdelay $0x2  }
0xc3: {  	[tilespmem:s13], [sflag:$0x4] =	stream.indirect_vreg.gather [hbm4b:s5+s3], $0x80, v20, vm0, $0xb8;
	[tilespmem:$0x19800] =	vst v63  }
0xc4: {  	_ = 	snop  }
0xc5: {  	[tilespmem:s15], [sflag:$0x4] =	stream.indirect_vreg.gather [hbm4b:s5+s3], $0x80, v19, vm0, $0xb8;
	[tilespmem:$0x19800] =	vst v63  }
0xc6: {  	v19 =	vld [tilespmem:$0x2850];
	_ =	sdelay $0x4  }
0xc7: {  	v20 =	vshll.u32 v19, $0x1  }
0xc8: {  	v19 =	vand.u32 $0x7, v19;
	v20 =	vand.u32 $0xFFFFFFF0, v20  }
0xc9: {  	v19 =	vor.u32 v19, v20  }
0xca: {  	v20 =	vperm.xlane v19, v0;
	_ =	sdelay $0x1  }
0xcb: {  	v19 =	vperm.xlane v19, v2;
	v20 =	vadd.s32 v1, v20;
	_ =	sdelay $0x1  }
0xcc: {  	v19 =	vadd.s32 v1, v19;
	_ =	sdelay $0x2  }
0xcd: {  	[tilespmem:s16], [sflag:$0x4] =	stream.indirect_vreg.gather [hbm4b:s5+s3], $0x80, v20, vm0, $0xb8;
	[tilespmem:$0x19800] =	vst v63  }
0xce: {  	_ = 	snop  }
0xcf: {  	[tilespmem:s17], [sflag:$0x4] =	stream.indirect_vreg.gather [hbm4b:s5+s3], $0x80, v19, vm0, $0xb8;
	[tilespmem:$0x19800] =	vst v63  }
0xd0: {  	v19 =	vld [tilespmem:$0x2860];
	_ =	sdelay $0x4  }
0xd1: {  	v20 =	vshll.u32 v19, $0x1  }
0xd2: {  	v19 =	vand.u32 $0x7, v19;
	v20 =	vand.u32 $0xFFFFFFF0, v20  }
0xd3: {  	v19 =	vor.u32 v19, v20  }
0xd4: {  	v20 =	vperm.xlane v19, v0;
	_ =	sdelay $0x1  }
0xd5: {  	v19 =	vperm.xlane v19, v2;
	v20 =	vadd.s32 v1, v20;
	_ =	sdelay $0x1  }
0xd6: {  	v19 =	vadd.s32 v1, v19;
	_ =	sdelay $0x2  }
0xd7: {  	[tilespmem:s18], [sflag:$0x4] =	stream.indirect_vreg.gather [hbm4b:s5+s3], $0x80, v20, vm0, $0xb8;
	[tilespmem:$0x19800] =	vst v63  }
0xd8: {  	_ = 	snop  }
0xd9: {  	[tilespmem:s19], [sflag:$0x4] =	stream.indirect_vreg.gather [hbm4b:s5+s3], $0x80, v19, vm0, $0xb8;
	[tilespmem:$0x19800] =	vst v63  }
0xda: {  	v19 =	vld [tilespmem:$0x2870];
	_ =	sdelay $0x4  }
0xdb: {  	v20 =	vshll.u32 v19, $0x1  }
0xdc: {  	v19 =	vand.u32 $0x7, v19;
	v20 =	vand.u32 $0xFFFFFFF0, v20  }
0xdd: {  	v19 =	vor.u32 v19, v20  }
0xde: {  	v20 =	vperm.xlane v19, v0;
	_ =	sdelay $0x1  }
0xdf: {  	v19 =	vperm.xlane v19, v2;
	v20 =	vadd.s32 v1, v20;
	_ =	sdelay $0x1  }
0xe0: {  	v19 =	vadd.s32 v1, v19;
	_ =	sdelay $0x2  }
0xe1: {  	[tilespmem:s20], [sflag:$0x4] =	stream.indirect_vreg.gather [hbm4b:s5+s3], $0x80, v20, vm0, $0xb8;
	[tilespmem:$0x19800] =	vst v63  }
0xe2: {  	s29 =	simm.s32 $0x0  }
0xe3: {  	[tilespmem:s21], [sflag:$0x4] =	stream.indirect_vreg.gather [hbm4b:s5+s3], $0x80, v19, vm0, $0xb8;
	[tilespmem:$0x19800] =	vst v63  }
.LBB2_2:
0xe4: {  	_ =	swait.ge [sflag:s22], $0x4000  }
0xe5: {  	[sflag:s22] =	ssyncset.done $0x0  }
0xe6: {  	[sflag:s22] =	ssyncadd.s32 $0xFFFFC000  }
0xe7: {  	_ =	swait.ge [sflag:s23], $0x4000  }
0xe8: {  	p0 =	seq.s32 s29, $0x0;
	[sflag:s23] =	ssyncset.done $0x0  }
0xe9: {  	s0 =	simm.s32 @!p0 $0x5;
	[sflag:s23] =	ssyncadd.s32 $0xFFFFC000  }
0xea: {  	s31 =	simm.s32 $0x0;
	_ =	swait.ge @!p0 [sflag:s0], $0x2000  }
0xeb: {  	s1 =	sand.u32 $0x3800, s31;
	s2 =	sand.u32 $0x380, s31;
	[sflag:s0] =	ssyncset.done @!p0 $0x0  }
0xec: {  	[sflag:s0] =	ssyncadd.s32 @!p0 $0xFFFFE000;
	s0 =	sor.u32 s2, s1  }
0xed: {  	v21 =	vld [tilespmem:s0+$0x5410]  }
0xee: {  	v23 =	vld [tilespmem:s0+$0x5400]  }
0xef: {  	v24 =	vld [tilespmem:s0+$0xD400]  }
0xf0: {  	v22 =	vld [tilespmem:s0+$0xD410]  }
0xf1: {  	v26 =	vld [tilespmem:s0+$0x5060]  }
0xf2: {  	v19 =	vld [tilespmem:s0+$0x5040]  }
0xf3: {  	v29 =	vld [tilespmem:s0+$0xD060]  }
0xf4: {  	v30 =	vld [tilespmem:s0+$0xD040]  }
0xf5: {  	v28 =	vld [tilespmem:s0+$0xD050]  }
0xf6: {  	v31 =	vld [tilespmem:s0+$0xD070]  }
0xf7: {  	v32 =	vld [tilespmem:s0+$0x5050]  }
0xf8: {  	v27 =	vld [tilespmem:s0+$0xD020]  }
0xf9: {  	v33 =	vld [tilespmem:s0+$0x5070]  }
0xfa: {  	v34 =	vld [tilespmem:s0+$0xD030]  }
0xfb: {  	v25 =	vld [tilespmem:s0+$0x5000]  }
0xfc: {  	v35 =	vld [tilespmem:s0+$0x5030]  }
0xfd: {  	v20 =	vld [tilespmem:s0+$0x5010]  }
0xfe: {  	v32 =	vadd.f32 v28, v32;
	v28 =	vld [tilespmem:s0+$0xD000]  }
0xff: {  	v30 =	vadd.f32 v30, v19;
	v36 =	vadd.f32 v31, v33;
	v31 =	vld [tilespmem:s0+$0x5020]  }
0x100: {  	v33 =	vadd.f32 v29, v26;
	v29 =	vld [tilespmem:s0+$0xD450];
	v19 =	vmax.f32 v32, $0.0e+00  }
0x101: {  	s30 =	simm.s32 $0x15800;
	s1 =	simm.s32 $0x15800;
	s2 =	simm.s32 $0x100;
	v26 =	vmax.f32 v36, $0.0e+00;
	v32 =	vadd.f32 v34, v35;
	v34 =	vmax.f32 v30, $0.0e+00;
	v30 =	vld [tilespmem:s0+$0x5450]  }
.LBB2_3:
0x102: {  	p1 =	sne.s32 s2, $0x3F00;
	v33 =	vmax.f32 v33, $0.0e+00;
	v35 =	vld [tilespmem:s0+$0xD430];
	s1 =	sadd.s32 $0x80, s1;
	s31 =	sadd.s32 $0x80, s31  }
0x103: {  	v34 =	vmul.f32 v34, v7;
	v23 =	vadd.f32 v24, v23;
	s12 =	smov.u32 s2;
	s2 =	sadd.s32 $0x100, s2;
	v24 =	vld [tilespmem:s0+$0x5430]  }
0x104: {  	v21 =	vadd.f32 v22, v21;
	v27 =	vadd.f32 v27, v31;
	v31 =	vmul.f32 v33, v9;
	v22 =	vld [tilespmem:s0+$0xD440]  }
0x105: {  	v32 =	vmax.f32 v32, $0.0e+00;
	v23 =	vmax.f32 v23, $0.0e+00;
	v33 =	vld [tilespmem:s0+$0x5440]  }
0x106: {  	v25 =	vadd.f32 v28, v25;
	v23 =	vmul.f32 v23, v11;
	v28 =	vadd.f32 v29, v30;
	v29 =	vld [tilespmem:s0+$0xD460]  }
0x107: {  	v32 =	vmul.f32 v32, v6;
	v21 =	vmax.f32 v21, $0.0e+00;
	v30 =	vld [tilespmem:s0+$0xD010]  }
0x108: {  	v25 =	vmax.f32 v25, $0.0e+00;
	v21 =	vmul.f32 v21, v12;
	v27 =	vmax.f32 v27, $0.0e+00;
	v36 =	vld [tilespmem:s0+$0x5420]  }
0x109: {  	v26 =	vmul.f32 v26, v10;
	v27 =	vmul.f32 v27, v5;
	v24 =	vadd.f32 v35, v24;
	v37 =	vld [tilespmem:s0+$0xD420]  }
0x10a: {  	v25 =	vmul.f32 v25, v3;
	v32 =	vadd.f32 $0.0e+00, v32;
	v28 =	vmax.f32 v28, $0.0e+00;
	v35 =	vld [tilespmem:s0+$0x5460]  }
0x10b: {  	v27 =	vadd.f32 $0.0e+00, v27;
	v28 =	vmul.f32 v28, v16;
	v24 =	vmax.f32 v24, $0.0e+00  }
0x10c: {  	v25 =	vadd.f32 $0.0e+00, v25;
	v26 =	vadd.f32 v26, v32;
	v24 =	vmul.f32 v24, v14;
	v32 =	vld [tilespmem:s0+$0xD470]  }
0x10d: {  	v22 =	vadd.f32 v22, v33;
	v20 =	vadd.f32 v30, v20;
	v30 =	vld [tilespmem:s0+$0x5470]  }
0x10e: {  	v19 =	vmul.f32 v19, v8;
	v25 =	vadd.f32 v34, v25;
	v27 =	vadd.f32 v31, v27  }
0x10f: {  	v22 =	vmax.f32 v22, $0.0e+00;
	v20 =	vmax.f32 v20, $0.0e+00;
	v29 =	vadd.f32 v29, v35  }
0x110: {  	v24 =	vadd.f32 v24, v26;
	v22 =	vmul.f32 v22, v15;
	v20 =	vmul.f32 v20, v4  }
0x111: {  	v23 =	vadd.f32 v23, v25;
	v25 =	vadd.f32 v37, v36;
	v26 =	vmax.f32 v29, $0.0e+00  }
0x112: {  	v20 =	vadd.f32 $0.0e+00, v20;
	v26 =	vmul.f32 v26, v17;
	v29 =	vadd.f32 v32, v30  }
0x113: {  	v22 =	vadd.f32 v22, v23;
	v25 =	vmax.f32 v25, $0.0e+00  }
0x114: {  	v19 =	vadd.f32 v19, v20;
	v20 =	vmul.f32 v25, v13;
	v23 =	vmax.f32 v29, $0.0e+00  }
0x115: {  	v23 =	vmul.f32 v23, v18  }
0x116: {  	v19 =	vadd.f32 v21, v19;
	v20 =	vadd.f32 v20, v27  }
0x117: {  	v21 =	vadd.f32 v23, v24  }
0x118: {  	v19 =	vadd.f32 v28, v19;
	v20 =	vadd.f32 v26, v20;
	_ =	sdelay $0x1  }
0x119: {  	v19 =	vadd.f32 v19, v22;
	v20 =	vadd.f32 v21, v20;
	_ =	sdelay $0x1  }
0x11a: {  	s0 =	sand.u32 $0x3800, s12;
	s12 =	sand.u32 $0x380, s31;
	v19 =	vadd.f32 v20, v19  }
0x11b: {  	s0 =	sor.u32 s12, s0  }
0x11c: {  	[tilespmem:s30+$0x0] =	vst v19;
	s30 =	smov.u32 s1  }
0x11d: {  	v21 =	vld [tilespmem:s0+$0x5410]  }
0x11e: {  	v23 =	vld [tilespmem:s0+$0x5400]  }
0x11f: {  	v24 =	vld [tilespmem:s0+$0xD400]  }
0x120: {  	v22 =	vld [tilespmem:s0+$0xD410]  }
0x121: {  	v26 =	vld [tilespmem:s0+$0x5060]  }
0x122: {  	v19 =	vld [tilespmem:s0+$0x5040]  }
0x123: {  	v29 =	vld [tilespmem:s0+$0xD060]  }
0x124: {  	v30 =	vld [tilespmem:s0+$0xD040]  }
0x125: {  	v20 =	vld [tilespmem:s0+$0xD050]  }
0x126: {  	v31 =	vld [tilespmem:s0+$0xD070]  }
0x127: {  	v28 =	vld [tilespmem:s0+$0x5050]  }
0x128: {  	v27 =	vld [tilespmem:s0+$0xD020]  }
0x129: {  	v32 =	vld [tilespmem:s0+$0x5070]  }
0x12a: {  	v34 =	vld [tilespmem:s0+$0xD030]  }
0x12b: {  	v25 =	vld [tilespmem:s0+$0x5000]  }
0x12c: {  	v35 =	vld [tilespmem:s0+$0x5030];
	v33 =	vadd.f32 v20, v28  }
.Ltmp2:
0x12d: {  	v20 =	vld [tilespmem:s0+$0x5010];
	(pc) =	sbr.rel @p1 .LBB2_3-.Ltmp2, $4  }
0x12e: {  	v30 =	vadd.f32 v30, v19;
	v28 =	vld [tilespmem:s0+$0xD000];
	v19 =	vmax.f32 v33, $0.0e+00;
	v32 =	vadd.f32 v31, v32  }
0x12f: {  	v33 =	vadd.f32 v29, v26;
	v31 =	vld [tilespmem:s0+$0x5020]  }
0x130: {  	v26 =	vmax.f32 v32, $0.0e+00;
	v29 =	vld [tilespmem:s0+$0xD450]  }
0x131: {  	v32 =	vadd.f32 v34, v35;
	v34 =	vmax.f32 v30, $0.0e+00;
	v30 =	vld [tilespmem:s0+$0x5450]  }
0x132: {  	v35 =	vld [tilespmem:s0+$0xD430]  }
0x133: {  	v36 =	vld [tilespmem:s0+$0x5430]  }
0x134: {  	v37 =	vld [tilespmem:s0+$0xD440]  }
0x135: {  	v50 =	vld [tilespmem:s0+$0x5440]  }
0x136: {  	v53 =	vld [tilespmem:s0+$0xD460]  }
0x137: {  	v33 =	vmax.f32 v33, $0.0e+00;
	v54 =	vld [tilespmem:s0+$0xD010]  }
0x138: {  	v34 =	vmul.f32 v34, v7;
	v23 =	vadd.f32 v24, v23;
	v55 =	vld [tilespmem:s0+$0x5420];
	v26 =	vmul.f32 v26, v10  }
0x139: {  	v21 =	vadd.f32 v22, v21;
	v56 =	vld [tilespmem:s0+$0xD420];
	v19 =	vmul.f32 v19, v8;
	v51 =	vmul.f32 v33, v9  }
0x13a: {  	v57 =	vld [tilespmem:s0+$0x5460];
	v52 =	vmax.f32 v32, $0.0e+00;
	v25 =	vadd.f32 v28, v25;
	v49 =	vadd.f32 v27, v31  }
0x13b: {  	v58 =	vld [tilespmem:s0+$0xD470];
	v23 =	vmax.f32 v23, $0.0e+00;
	v22 =	vmul.f32 v52, v6;
	v21 =	vmax.f32 v21, $0.0e+00  }
0x13c: {  	v59 =	vld [tilespmem:s0+$0x5470];
	v23 =	vmul.f32 v23, v11;
	v25 =	vmax.f32 v25, $0.0e+00;
	v21 =	vmul.f32 v21, v12  }
0x13d: {  	v29 =	vadd.f32 v29, v30;
	v24 =	vmax.f32 v49, $0.0e+00;
	v22 =	vadd.f32 $0.0e+00, v22  }
0x13e: {  	v25 =	vmul.f32 v25, v3;
	v35 =	vadd.f32 v35, v36;
	v20 =	vadd.f32 v54, v20  }
0x13f: {  	v24 =	vmul.f32 v24, v5;
	v27 =	vadd.f32 v37, v50;
	v60 =	vadd.f32 v53, v57  }
0x140: {  	v30 =	vadd.f32 v56, v55;
	v22 =	vadd.f32 v26, v22;
	v29 =	vmax.f32 v29, $0.0e+00  }
0x141: {  	v25 =	vadd.f32 $0.0e+00, v25;
	v26 =	vadd.f32 v58, v59;
	v20 =	vmax.f32 v20, $0.0e+00  }
0x142: {  	v24 =	vadd.f32 $0.0e+00, v24;
	v35 =	vmax.f32 v35, $0.0e+00;
	v20 =	vmul.f32 v20, v4  }
0x143: {  	v29 =	vmul.f32 v29, v16;
	v27 =	vmax.f32 v27, $0.0e+00;
	v61 =	vmax.f32 v30, $0.0e+00  }
0x144: {  	v62 =	vmax.f32 v60, $0.0e+00;
	v35 =	vmul.f32 v35, v14;
	v20 =	vadd.f32 $0.0e+00, v20  }
0x145: {  	v25 =	vadd.f32 v34, v25;
	v27 =	vmul.f32 v27, v15;
	v26 =	vmax.f32 v26, $0.0e+00  }
0x146: {  	v24 =	vadd.f32 v51, v24;
	v19 =	vadd.f32 v19, v20;
	v20 =	vmul.f32 v61, v13  }
0x147: {  	v26 =	vmul.f32 v26, v18;
	v22 =	vadd.f32 v35, v22;
	v23 =	vadd.f32 v23, v25  }
0x148: {  	v25 =	vmul.f32 v62, v17;
	v19 =	vadd.f32 v21, v19;
	v20 =	vadd.f32 v20, v24  }
0x149: {  	v63 =	vadd.f32 v27, v23;
	v22 =	vadd.f32 v26, v22  }
0x14a: {  	v19 =	vadd.f32 v29, v19;
	v20 =	vadd.f32 v25, v20;
	_ =	sdelay $0x1  }
0x14b: {  	p1 =	seq.s32 s29, $0x4F;
	v19 =	vadd.f32 v19, v63;
	v20 =	vadd.f32 v22, v20  }
.Ltmp3:
0x14c: {  	s31 =	sshll.u32 s29, $0xE;
	(pc) =	sbr.rel @p1 .LBB2_6-.Ltmp3, $4  }
0x14d: {  	s0 =	sadd.s32 s9, s31;
	v19 =	vadd.f32 v20, v19  }
0x14e: {  	s0 =	sshrl.u32 s0, $0x3  }
0x14f: {  	s0 =	sadd.s32 s6, s0;
	[tilespmem:s30+$0x0] =	vst v19  }
0x150: {  	[hbm4b:s0+s3] =	stream.linear.scatter [tilespmem:s24], [sflag:$0x5], $0x2000, $0x38;
	[tilespmem:$0x19800] =	vst v63  }
0x151: {  	s0 =	sshll.u32 s29, $0x7  }
0x152: {  	v19 =	vld [tilespmem:s0+$0x80];
	_ =	sdelay $0x4  }
0x153: {  	v20 =	vshll.u32 v19, $0x1  }
0x154: {  	v19 =	vand.u32 $0x7, v19;
	v20 =	vand.u32 $0xFFFFFFF0, v20  }
0x155: {  	v19 =	vor.u32 v19, v20  }
0x156: {  	v20 =	vperm.xlane v19, v0;
	_ =	sdelay $0x1  }
0x157: {  	v19 =	vperm.xlane v19, v2;
	v20 =	vadd.s32 v1, v20;
	_ =	sdelay $0x1  }
0x158: {  	v19 =	vadd.s32 v1, v19;
	_ =	sdelay $0x1  }
0x159: {  	s1 =	simm.s32 $0x5000  }
0x15a: {  	[tilespmem:s1], [sflag:$0x1] =	stream.indirect_vreg.gather [hbm4b:s4+s3], $0x80, v20, vm0, $0xb8;
	[tilespmem:$0x19800] =	vst v63  }
0x15b: {  	s12 =	simm.s32 $0x5800  }
0x15c: {  	[tilespmem:s12], [sflag:$0x1] =	stream.indirect_vreg.gather [hbm4b:s4+s3], $0x80, v19, vm0, $0xb8;
	[tilespmem:$0x19800] =	vst v63  }
0x15d: {  	v19 =	vld [tilespmem:s0+$0x90];
	_ =	sdelay $0x4  }
0x15e: {  	v20 =	vshll.u32 v19, $0x1  }
0x15f: {  	v19 =	vand.u32 $0x7, v19;
	v20 =	vand.u32 $0xFFFFFFF0, v20  }
0x160: {  	v19 =	vor.u32 v19, v20  }
0x161: {  	v20 =	vperm.xlane v19, v0;
	_ =	sdelay $0x1  }
0x162: {  	v19 =	vperm.xlane v19, v2;
	v20 =	vadd.s32 v1, v20;
	_ =	sdelay $0x1  }
0x163: {  	v19 =	vadd.s32 v1, v19;
	_ =	sdelay $0x1  }
0x164: {  	s30 =	simm.s32 $0x6000  }
0x165: {  	[tilespmem:s30], [sflag:$0x1] =	stream.indirect_vreg.gather [hbm4b:s4+s3], $0x80, v20, vm0, $0xb8;
	[tilespmem:$0x19800] =	vst v63  }
0x166: {  	s31 =	simm.s32 $0x6800  }
0x167: {  	[tilespmem:s31], [sflag:$0x1] =	stream.indirect_vreg.gather [hbm4b:s4+s3], $0x80, v19, vm0, $0xb8;
	[tilespmem:$0x19800] =	vst v63  }
0x168: {  	v19 =	vld [tilespmem:s0+$0xA0];
	_ =	sdelay $0x4  }
0x169: {  	v20 =	vshll.u32 v19, $0x1  }
0x16a: {  	v19 =	vand.u32 $0x7, v19;
	v20 =	vand.u32 $0xFFFFFFF0, v20  }
0x16b: {  	v19 =	vor.u32 v19, v20  }
0x16c: {  	v20 =	vperm.xlane v19, v0;
	_ =	sdelay $0x1  }
0x16d: {  	v19 =	vperm.xlane v19, v2;
	v20 =	vadd.s32 v1, v20;
	_ =	sdelay $0x1  }
0x16e: {  	v19 =	vadd.s32 v1, v19;
	_ =	sdelay $0x1  }
0x16f: {  	s2 =	simm.s32 $0x7000  }
0x170: {  	[tilespmem:s2], [sflag:$0x1] =	stream.indirect_vreg.gather [hbm4b:s4+s3], $0x80, v20, vm0, $0xb8;
	[tilespmem:$0x19800] =	vst v63  }
0x171: {  	s12 =	simm.s32 $0x7800  }
0x172: {  	[tilespmem:s12], [sflag:$0x1] =	stream.indirect_vreg.gather [hbm4b:s4+s3], $0x80, v19, vm0, $0xb8;
	[tilespmem:$0x19800] =	vst v63  }
0x173: {  	v19 =	vld [tilespmem:s0+$0xB0];
	_ =	sdelay $0x4  }
0x174: {  	v20 =	vshll.u32 v19, $0x1  }
0x175: {  	v19 =	vand.u32 $0x7, v19;
	v20 =	vand.u32 $0xFFFFFFF0, v20  }
0x176: {  	v19 =	vor.u32 v19, v20  }
0x177: {  	v20 =	vperm.xlane v19, v0;
	_ =	sdelay $0x1  }
0x178: {  	v19 =	vperm.xlane v19, v2;
	v20 =	vadd.s32 v1, v20;
	_ =	sdelay $0x1  }
0x179: {  	v19 =	vadd.s32 v1, v19;
	_ =	sdelay $0x1  }
0x17a: {  	s30 =	simm.s32 $0x8000  }
0x17b: {  	[tilespmem:s30], [sflag:$0x1] =	stream.indirect_vreg.gather [hbm4b:s4+s3], $0x80, v20, vm0, $0xb8;
	[tilespmem:$0x19800] =	vst v63  }
0x17c: {  	s31 =	simm.s32 $0x8800  }
0x17d: {  	[tilespmem:s31], [sflag:$0x1] =	stream.indirect_vreg.gather [hbm4b:s4+s3], $0x80, v19, vm0, $0xb8;
	[tilespmem:$0x19800] =	vst v63  }
0x17e: {  	v19 =	vld [tilespmem:s0+$0x2880];
	_ =	sdelay $0x4  }
0x17f: {  	v20 =	vshll.u32 v19, $0x1  }
0x180: {  	v19 =	vand.u32 $0x7, v19;
	v20 =	vand.u32 $0xFFFFFFF0, v20  }
0x181: {  	v19 =	vor.u32 v19, v20  }
0x182: {  	v20 =	vperm.xlane v19, v0;
	_ =	sdelay $0x1  }
0x183: {  	v19 =	vperm.xlane v19, v2;
	v20 =	vadd.s32 v1, v20;
	_ =	sdelay $0x1  }
0x184: {  	v19 =	vadd.s32 v1, v19;
	_ =	sdelay $0x1  }
0x185: {  	s2 =	simm.s32 $0xD000  }
0x186: {  	[tilespmem:s2], [sflag:$0x3] =	stream.indirect_vreg.gather [hbm4b:s5+s3], $0x80, v20, vm0, $0xb8;
	[tilespmem:$0x19800] =	vst v63  }
0x187: {  	s12 =	simm.s32 $0xD800  }
0x188: {  	[tilespmem:s12], [sflag:$0x3] =	stream.indirect_vreg.gather [hbm4b:s5+s3], $0x80, v19, vm0, $0xb8;
	[tilespmem:$0x19800] =	vst v63  }
0x189: {  	v19 =	vld [tilespmem:s0+$0x2890];
	_ =	sdelay $0x4  }
0x18a: {  	v20 =	vshll.u32 v19, $0x1  }
0x18b: {  	v19 =	vand.u32 $0x7, v19;
	v20 =	vand.u32 $0xFFFFFFF0, v20  }
0x18c: {  	v19 =	vor.u32 v19, v20  }
0x18d: {  	v20 =	vperm.xlane v19, v0;
	_ =	sdelay $0x1  }
0x18e: {  	v19 =	vperm.xlane v19, v2;
	v20 =	vadd.s32 v1, v20;
	_ =	sdelay $0x1  }
0x18f: {  	v19 =	vadd.s32 v1, v19;
	_ =	sdelay $0x1  }
0x190: {  	s30 =	simm.s32 $0xE000  }
0x191: {  	[tilespmem:s30], [sflag:$0x3] =	stream.indirect_vreg.gather [hbm4b:s5+s3], $0x80, v20, vm0, $0xb8;
	[tilespmem:$0x19800] =	vst v63  }
0x192: {  	s31 =	simm.s32 $0xE800  }
0x193: {  	[tilespmem:s31], [sflag:$0x3] =	stream.indirect_vreg.gather [hbm4b:s5+s3], $0x80, v19, vm0, $0xb8;
	[tilespmem:$0x19800] =	vst v63  }
0x194: {  	v19 =	vld [tilespmem:s0+$0x28A0];
	_ =	sdelay $0x4  }
0x195: {  	v20 =	vshll.u32 v19, $0x1  }
0x196: {  	v19 =	vand.u32 $0x7, v19;
	v20 =	vand.u32 $0xFFFFFFF0, v20  }
0x197: {  	v19 =	vor.u32 v19, v20  }
0x198: {  	v20 =	vperm.xlane v19, v0;
	_ =	sdelay $0x1  }
0x199: {  	v19 =	vperm.xlane v19, v2;
	v20 =	vadd.s32 v1, v20;
	_ =	sdelay $0x1  }
0x19a: {  	v19 =	vadd.s32 v1, v19;
	_ =	sdelay $0x1  }
0x19b: {  	s2 =	simm.s32 $0xF000  }
0x19c: {  	[tilespmem:s2], [sflag:$0x3] =	stream.indirect_vreg.gather [hbm4b:s5+s3], $0x80, v20, vm0, $0xb8;
	[tilespmem:$0x19800] =	vst v63  }
0x19d: {  	s12 =	simm.s32 $0xF800  }
0x19e: {  	[tilespmem:s12], [sflag:$0x3] =	stream.indirect_vreg.gather [hbm4b:s5+s3], $0x80, v19, vm0, $0xb8;
	[tilespmem:$0x19800] =	vst v63  }
0x19f: {  	v19 =	vld [tilespmem:s0+$0x28B0];
	_ =	sdelay $0x4  }
0x1a0: {  	v20 =	vshll.u32 v19, $0x1  }
0x1a1: {  	v19 =	vand.u32 $0x7, v19;
	v20 =	vand.u32 $0xFFFFFFF0, v20  }
0x1a2: {  	v19 =	vor.u32 v19, v20  }
0x1a3: {  	v20 =	vperm.xlane v19, v0;
	_ =	sdelay $0x1  }
0x1a4: {  	v19 =	vperm.xlane v19, v2;
	v20 =	vadd.s32 v1, v20;
	_ =	sdelay $0x1  }
0x1a5: {  	v19 =	vadd.s32 v1, v19;
	_ =	sdelay $0x1  }
0x1a6: {  	s30 =	simm.s32 $0x10000  }
0x1a7: {  	[tilespmem:s30], [sflag:$0x3] =	stream.indirect_vreg.gather [hbm4b:s5+s3], $0x80, v20, vm0, $0xb8;
	[tilespmem:$0x19800] =	vst v63  }
0x1a8: {  	s31 =	simm.s32 $0x10800  }
0x1a9: {  	[tilespmem:s31], [sflag:$0x3] =	stream.indirect_vreg.gather [hbm4b:s5+s3], $0x80, v19, vm0, $0xb8;
	[tilespmem:$0x19800] =	vst v63  }
.LBB2_6:
0x1aa: {  	_ =	swait.ge [sflag:s25], $0x4000  }
0x1ab: {  	[sflag:s25] =	ssyncset.done $0x0  }
0x1ac: {  	[sflag:s25] =	ssyncadd.s32 $0xFFFFC000  }
0x1ad: {  	_ =	swait.ge [sflag:s26], $0x4000  }
0x1ae: {  	[sflag:s26] =	ssyncset.done $0x0  }
0x1af: {  	s0 =	simm.s32 @!p0 $0x6;
	[sflag:s26] =	ssyncadd.s32 $0xFFFFC000  }
0x1b0: {  	s31 =	simm.s32 $0x0;
	_ =	swait.ge @!p0 [sflag:s0], $0x2000  }
0x1b1: {  	s1 =	sand.u32 $0x3800, s31;
	s2 =	sand.u32 $0x380, s31;
	[sflag:s0] =	ssyncset.done @!p0 $0x0  }
0x1b2: {  	[sflag:s0] =	ssyncadd.s32 @!p0 $0xFFFFE000;
	s0 =	sor.u32 s2, s1  }
0x1b3: {  	v21 =	vld [tilespmem:s0+$0x9410]  }
0x1b4: {  	v23 =	vld [tilespmem:s0+$0x9400]  }
0x1b5: {  	v24 =	vld [tilespmem:s0+$0x11400]  }
0x1b6: {  	v22 =	vld [tilespmem:s0+$0x11410]  }
0x1b7: {  	v26 =	vld [tilespmem:s0+$0x9060]  }
0x1b8: {  	v19 =	vld [tilespmem:s0+$0x9040]  }
0x1b9: {  	v29 =	vld [tilespmem:s0+$0x11060]  }
0x1ba: {  	v30 =	vld [tilespmem:s0+$0x11040]  }
0x1bb: {  	v28 =	vld [tilespmem:s0+$0x11050]  }
0x1bc: {  	v31 =	vld [tilespmem:s0+$0x11070]  }
0x1bd: {  	v32 =	vld [tilespmem:s0+$0x9050]  }
0x1be: {  	v27 =	vld [tilespmem:s0+$0x11020]  }
0x1bf: {  	v33 =	vld [tilespmem:s0+$0x9070]  }
0x1c0: {  	v34 =	vld [tilespmem:s0+$0x11030]  }
0x1c1: {  	v25 =	vld [tilespmem:s0+$0x9000]  }
0x1c2: {  	v35 =	vld [tilespmem:s0+$0x9030]  }
0x1c3: {  	v20 =	vld [tilespmem:s0+$0x9010]  }
0x1c4: {  	v32 =	vadd.f32 v28, v32;
	v28 =	vld [tilespmem:s0+$0x11000]  }
0x1c5: {  	v30 =	vadd.f32 v30, v19;
	v36 =	vadd.f32 v31, v33;
	v31 =	vld [tilespmem:s0+$0x9020]  }
0x1c6: {  	v33 =	vadd.f32 v29, v26;
	v29 =	vld [tilespmem:s0+$0x11450];
	v19 =	vmax.f32 v32, $0.0e+00  }
0x1c7: {  	s30 =	simm.s32 $0x17800;
	s1 =	simm.s32 $0x17800;
	s2 =	simm.s32 $0x100;
	v26 =	vmax.f32 v36, $0.0e+00;
	v32 =	vadd.f32 v34, v35;
	v34 =	vmax.f32 v30, $0.0e+00;
	v30 =	vld [tilespmem:s0+$0x9450]  }
.LBB2_7:
0x1c8: {  	p0 =	sne.s32 s2, $0x3F00;
	v33 =	vmax.f32 v33, $0.0e+00;
	v35 =	vld [tilespmem:s0+$0x11430];
	s1 =	sadd.s32 $0x80, s1;
	s31 =	sadd.s32 $0x80, s31  }
0x1c9: {  	v34 =	vmul.f32 v34, v7;
	v23 =	vadd.f32 v24, v23;
	s12 =	smov.u32 s2;
	s2 =	sadd.s32 $0x100, s2;
	v24 =	vld [tilespmem:s0+$0x9430]  }
0x1ca: {  	v21 =	vadd.f32 v22, v21;
	v27 =	vadd.f32 v27, v31;
	v31 =	vmul.f32 v33, v9;
	v22 =	vld [tilespmem:s0+$0x11440]  }
0x1cb: {  	v32 =	vmax.f32 v32, $0.0e+00;
	v23 =	vmax.f32 v23, $0.0e+00;
	v33 =	vld [tilespmem:s0+$0x9440]  }
0x1cc: {  	v25 =	vadd.f32 v28, v25;
	v23 =	vmul.f32 v23, v11;
	v28 =	vadd.f32 v29, v30;
	v29 =	vld [tilespmem:s0+$0x11460]  }
0x1cd: {  	v32 =	vmul.f32 v32, v6;
	v21 =	vmax.f32 v21, $0.0e+00;
	v30 =	vld [tilespmem:s0+$0x11010]  }
0x1ce: {  	v25 =	vmax.f32 v25, $0.0e+00;
	v21 =	vmul.f32 v21, v12;
	v27 =	vmax.f32 v27, $0.0e+00;
	v36 =	vld [tilespmem:s0+$0x9420]  }
0x1cf: {  	v26 =	vmul.f32 v26, v10;
	v27 =	vmul.f32 v27, v5;
	v24 =	vadd.f32 v35, v24;
	v37 =	vld [tilespmem:s0+$0x11420]  }
0x1d0: {  	v25 =	vmul.f32 v25, v3;
	v32 =	vadd.f32 $0.0e+00, v32;
	v28 =	vmax.f32 v28, $0.0e+00;
	v35 =	vld [tilespmem:s0+$0x9460]  }
0x1d1: {  	v27 =	vadd.f32 $0.0e+00, v27;
	v28 =	vmul.f32 v28, v16;
	v24 =	vmax.f32 v24, $0.0e+00  }
0x1d2: {  	v25 =	vadd.f32 $0.0e+00, v25;
	v26 =	vadd.f32 v26, v32;
	v24 =	vmul.f32 v24, v14;
	v32 =	vld [tilespmem:s0+$0x11470]  }
0x1d3: {  	v22 =	vadd.f32 v22, v33;
	v20 =	vadd.f32 v30, v20;
	v30 =	vld [tilespmem:s0+$0x9470]  }
0x1d4: {  	v19 =	vmul.f32 v19, v8;
	v25 =	vadd.f32 v34, v25;
	v27 =	vadd.f32 v31, v27  }
0x1d5: {  	v22 =	vmax.f32 v22, $0.0e+00;
	v20 =	vmax.f32 v20, $0.0e+00;
	v29 =	vadd.f32 v29, v35  }
0x1d6: {  	v24 =	vadd.f32 v24, v26;
	v22 =	vmul.f32 v22, v15;
	v20 =	vmul.f32 v20, v4  }
0x1d7: {  	v23 =	vadd.f32 v23, v25;
	v25 =	vadd.f32 v37, v36;
	v26 =	vmax.f32 v29, $0.0e+00  }
0x1d8: {  	v20 =	vadd.f32 $0.0e+00, v20;
	v26 =	vmul.f32 v26, v17;
	v29 =	vadd.f32 v32, v30  }
0x1d9: {  	v22 =	vadd.f32 v22, v23;
	v25 =	vmax.f32 v25, $0.0e+00  }
0x1da: {  	v19 =	vadd.f32 v19, v20;
	v20 =	vmul.f32 v25, v13;
	v23 =	vmax.f32 v29, $0.0e+00  }
0x1db: {  	v23 =	vmul.f32 v23, v18  }
0x1dc: {  	v19 =	vadd.f32 v21, v19;
	v20 =	vadd.f32 v20, v27  }
0x1dd: {  	v21 =	vadd.f32 v23, v24  }
0x1de: {  	v19 =	vadd.f32 v28, v19;
	v20 =	vadd.f32 v26, v20;
	_ =	sdelay $0x1  }
0x1df: {  	v19 =	vadd.f32 v19, v22;
	v20 =	vadd.f32 v21, v20;
	_ =	sdelay $0x1  }
0x1e0: {  	s0 =	sand.u32 $0x3800, s12;
	s12 =	sand.u32 $0x380, s31;
	v19 =	vadd.f32 v20, v19  }
0x1e1: {  	s0 =	sor.u32 s12, s0  }
0x1e2: {  	[tilespmem:s30+$0x0] =	vst v19;
	s30 =	smov.u32 s1  }
0x1e3: {  	v21 =	vld [tilespmem:s0+$0x9410]  }
0x1e4: {  	v23 =	vld [tilespmem:s0+$0x9400]  }
0x1e5: {  	v24 =	vld [tilespmem:s0+$0x11400]  }
0x1e6: {  	v22 =	vld [tilespmem:s0+$0x11410]  }
0x1e7: {  	v26 =	vld [tilespmem:s0+$0x9060]  }
0x1e8: {  	v19 =	vld [tilespmem:s0+$0x9040]  }
0x1e9: {  	v29 =	vld [tilespmem:s0+$0x11060]  }
0x1ea: {  	v30 =	vld [tilespmem:s0+$0x11040]  }
0x1eb: {  	v20 =	vld [tilespmem:s0+$0x11050]  }
0x1ec: {  	v31 =	vld [tilespmem:s0+$0x11070]  }
0x1ed: {  	v28 =	vld [tilespmem:s0+$0x9050]  }
0x1ee: {  	v27 =	vld [tilespmem:s0+$0x11020]  }
0x1ef: {  	v32 =	vld [tilespmem:s0+$0x9070]  }
0x1f0: {  	v34 =	vld [tilespmem:s0+$0x11030]  }
0x1f1: {  	v25 =	vld [tilespmem:s0+$0x9000]  }
0x1f2: {  	v35 =	vld [tilespmem:s0+$0x9030];
	v33 =	vadd.f32 v20, v28  }
.Ltmp4:
0x1f3: {  	v20 =	vld [tilespmem:s0+$0x9010];
	(pc) =	sbr.rel @p0 .LBB2_7-.Ltmp4, $4  }
0x1f4: {  	v30 =	vadd.f32 v30, v19;
	v28 =	vld [tilespmem:s0+$0x11000];
	v19 =	vmax.f32 v33, $0.0e+00;
	v32 =	vadd.f32 v31, v32  }
0x1f5: {  	v33 =	vadd.f32 v29, v26;
	v31 =	vld [tilespmem:s0+$0x9020]  }
0x1f6: {  	v26 =	vmax.f32 v32, $0.0e+00;
	v29 =	vld [tilespmem:s0+$0x11450]  }
0x1f7: {  	v32 =	vadd.f32 v34, v35;
	v34 =	vmax.f32 v30, $0.0e+00;
	v30 =	vld [tilespmem:s0+$0x9450]  }
0x1f8: {  	v35 =	vld [tilespmem:s0+$0x11430]  }
0x1f9: {  	v36 =	vld [tilespmem:s0+$0x9430]  }
0x1fa: {  	v37 =	vld [tilespmem:s0+$0x11440]  }
0x1fb: {  	v50 =	vld [tilespmem:s0+$0x9440]  }
0x1fc: {  	v53 =	vld [tilespmem:s0+$0x11460]  }
0x1fd: {  	v33 =	vmax.f32 v33, $0.0e+00;
	v54 =	vld [tilespmem:s0+$0x11010]  }
0x1fe: {  	v34 =	vmul.f32 v34, v7;
	v23 =	vadd.f32 v24, v23;
	v55 =	vld [tilespmem:s0+$0x9420];
	v26 =	vmul.f32 v26, v10  }
0x1ff: {  	v21 =	vadd.f32 v22, v21;
	v56 =	vld [tilespmem:s0+$0x11420];
	v19 =	vmul.f32 v19, v8;
	v51 =	vmul.f32 v33, v9  }
0x200: {  	v57 =	vld [tilespmem:s0+$0x9460];
	v52 =	vmax.f32 v32, $0.0e+00;
	v25 =	vadd.f32 v28, v25;
	v49 =	vadd.f32 v27, v31  }
0x201: {  	v58 =	vld [tilespmem:s0+$0x11470];
	v23 =	vmax.f32 v23, $0.0e+00;
	v22 =	vmul.f32 v52, v6;
	v21 =	vmax.f32 v21, $0.0e+00  }
0x202: {  	v59 =	vld [tilespmem:s0+$0x9470];
	v23 =	vmul.f32 v23, v11;
	v25 =	vmax.f32 v25, $0.0e+00;
	v21 =	vmul.f32 v21, v12  }
0x203: {  	v29 =	vadd.f32 v29, v30;
	v24 =	vmax.f32 v49, $0.0e+00;
	v22 =	vadd.f32 $0.0e+00, v22  }
0x204: {  	v25 =	vmul.f32 v25, v3;
	v35 =	vadd.f32 v35, v36;
	v20 =	vadd.f32 v54, v20  }
0x205: {  	v24 =	vmul.f32 v24, v5;
	v27 =	vadd.f32 v37, v50;
	v60 =	vadd.f32 v53, v57  }
0x206: {  	v30 =	vadd.f32 v56, v55;
	v22 =	vadd.f32 v26, v22;
	v29 =	vmax.f32 v29, $0.0e+00  }
0x207: {  	v25 =	vadd.f32 $0.0e+00, v25;
	v26 =	vadd.f32 v58, v59;
	v20 =	vmax.f32 v20, $0.0e+00  }
0x208: {  	v24 =	vadd.f32 $0.0e+00, v24;
	v35 =	vmax.f32 v35, $0.0e+00;
	v20 =	vmul.f32 v20, v4  }
0x209: {  	v29 =	vmul.f32 v29, v16;
	v27 =	vmax.f32 v27, $0.0e+00;
	v61 =	vmax.f32 v30, $0.0e+00  }
0x20a: {  	v62 =	vmax.f32 v60, $0.0e+00;
	v35 =	vmul.f32 v35, v14;
	v20 =	vadd.f32 $0.0e+00, v20  }
0x20b: {  	v25 =	vadd.f32 v34, v25;
	v27 =	vmul.f32 v27, v15;
	v26 =	vmax.f32 v26, $0.0e+00  }
0x20c: {  	v24 =	vadd.f32 v51, v24;
	v19 =	vadd.f32 v19, v20;
	v20 =	vmul.f32 v61, v13  }
0x20d: {  	v26 =	vmul.f32 v26, v18;
	v22 =	vadd.f32 v35, v22;
	v23 =	vadd.f32 v23, v25  }
0x20e: {  	v25 =	vmul.f32 v62, v17;
	v19 =	vadd.f32 v21, v19;
	v20 =	vadd.f32 v20, v24  }
0x20f: {  	v63 =	vadd.f32 v27, v23;
	v22 =	vadd.f32 v26, v22  }
0x210: {  	v19 =	vadd.f32 v29, v19;
	v20 =	vadd.f32 v25, v20;
	_ =	sdelay $0x1  }
0x211: {  	v19 =	vadd.f32 v19, v63;
	v20 =	vadd.f32 v22, v20  }
.Ltmp5:
0x212: {  	s0 =	sshll.u32 s29, $0x7;
	(pc) =	sbr.rel @p1 .LBB2_10-.Ltmp5, $4  }
0x213: {  	s1 =	sadd.s32 s0, s10;
	v19 =	vadd.f32 v20, v19  }
0x214: {  	s1 =	sshll.u32 s1, $0x4  }
0x215: {  	s1 =	sadd.s32 s6, s1;
	[tilespmem:s30+$0x0] =	vst v19  }
0x216: {  	[hbm4b:s1+s3] =	stream.linear.scatter [tilespmem:s28], [sflag:$0x6], $0x2000, $0x38;
	[tilespmem:$0x19800] =	vst v63  }
0x217: {  	v19 =	vld [tilespmem:s0+$0xC0];
	_ =	sdelay $0x4  }
0x218: {  	v20 =	vshll.u32 v19, $0x1  }
0x219: {  	v19 =	vand.u32 $0x7, v19;
	v20 =	vand.u32 $0xFFFFFFF0, v20  }
0x21a: {  	v19 =	vor.u32 v19, v20  }
0x21b: {  	v20 =	vperm.xlane v19, v0;
	_ =	sdelay $0x1  }
0x21c: {  	v19 =	vperm.xlane v19, v2;
	v20 =	vadd.s32 v1, v20;
	_ =	sdelay $0x1  }
0x21d: {  	v19 =	vadd.s32 v1, v19;
	_ =	sdelay $0x1  }
0x21e: {  	s1 =	simm.s32 $0x9000  }
0x21f: {  	[tilespmem:s1], [sflag:$0x2] =	stream.indirect_vreg.gather [hbm4b:s4+s3], $0x80, v20, vm0, $0xb8;
	[tilespmem:$0x19800] =	vst v63  }
0x220: {  	s12 =	simm.s32 $0x9800  }
0x221: {  	[tilespmem:s12], [sflag:$0x2] =	stream.indirect_vreg.gather [hbm4b:s4+s3], $0x80, v19, vm0, $0xb8;
	[tilespmem:$0x19800] =	vst v63  }
0x222: {  	v19 =	vld [tilespmem:s0+$0xD0];
	_ =	sdelay $0x4  }
0x223: {  	v20 =	vshll.u32 v19, $0x1  }
0x224: {  	v19 =	vand.u32 $0x7, v19;
	v20 =	vand.u32 $0xFFFFFFF0, v20  }
0x225: {  	v19 =	vor.u32 v19, v20  }
0x226: {  	v20 =	vperm.xlane v19, v0;
	_ =	sdelay $0x1  }
0x227: {  	v19 =	vperm.xlane v19, v2;
	v20 =	vadd.s32 v1, v20;
	_ =	sdelay $0x1  }
0x228: {  	v19 =	vadd.s32 v1, v19;
	_ =	sdelay $0x1  }
0x229: {  	s30 =	simm.s32 $0xA000  }
0x22a: {  	[tilespmem:s30], [sflag:$0x2] =	stream.indirect_vreg.gather [hbm4b:s4+s3], $0x80, v20, vm0, $0xb8;
	[tilespmem:$0x19800] =	vst v63  }
0x22b: {  	s31 =	simm.s32 $0xA800  }
0x22c: {  	[tilespmem:s31], [sflag:$0x2] =	stream.indirect_vreg.gather [hbm4b:s4+s3], $0x80, v19, vm0, $0xb8;
	[tilespmem:$0x19800] =	vst v63  }
0x22d: {  	v19 =	vld [tilespmem:s0+$0xE0];
	_ =	sdelay $0x4  }
0x22e: {  	v20 =	vshll.u32 v19, $0x1  }
0x22f: {  	v19 =	vand.u32 $0x7, v19;
	v20 =	vand.u32 $0xFFFFFFF0, v20  }
0x230: {  	v19 =	vor.u32 v19, v20  }
0x231: {  	v20 =	vperm.xlane v19, v0;
	_ =	sdelay $0x1  }
0x232: {  	v19 =	vperm.xlane v19, v2;
	v20 =	vadd.s32 v1, v20;
	_ =	sdelay $0x1  }
0x233: {  	v19 =	vadd.s32 v1, v19;
	_ =	sdelay $0x2  }
0x234: {  	[tilespmem:s14], [sflag:$0x2] =	stream.indirect_vreg.gather [hbm4b:s4+s3], $0x80, v20, vm0, $0xb8;
	[tilespmem:$0x19800] =	vst v63  }
0x235: {  	_ = 	snop  }
0x236: {  	[tilespmem:s7], [sflag:$0x2] =	stream.indirect_vreg.gather [hbm4b:s4+s3], $0x80, v19, vm0, $0xb8;
	[tilespmem:$0x19800] =	vst v63  }
0x237: {  	v19 =	vld [tilespmem:s0+$0xF0];
	_ =	sdelay $0x4  }
0x238: {  	v20 =	vshll.u32 v19, $0x1  }
0x239: {  	v19 =	vand.u32 $0x7, v19;
	v20 =	vand.u32 $0xFFFFFFF0, v20  }
0x23a: {  	v19 =	vor.u32 v19, v20  }
0x23b: {  	v20 =	vperm.xlane v19, v0;
	_ =	sdelay $0x1  }
0x23c: {  	v19 =	vperm.xlane v19, v2;
	v20 =	vadd.s32 v1, v20;
	_ =	sdelay $0x1  }
0x23d: {  	v19 =	vadd.s32 v1, v19;
	_ =	sdelay $0x2  }
0x23e: {  	[tilespmem:s8], [sflag:$0x2] =	stream.indirect_vreg.gather [hbm4b:s4+s3], $0x80, v20, vm0, $0xb8;
	[tilespmem:$0x19800] =	vst v63  }
0x23f: {  	_ = 	snop  }
0x240: {  	[tilespmem:s11], [sflag:$0x2] =	stream.indirect_vreg.gather [hbm4b:s4+s3], $0x80, v19, vm0, $0xb8;
	[tilespmem:$0x19800] =	vst v63  }
0x241: {  	v19 =	vld [tilespmem:s0+$0x28C0];
	_ =	sdelay $0x4  }
0x242: {  	v20 =	vshll.u32 v19, $0x1  }
0x243: {  	v19 =	vand.u32 $0x7, v19;
	v20 =	vand.u32 $0xFFFFFFF0, v20  }
0x244: {  	v19 =	vor.u32 v19, v20  }
0x245: {  	v20 =	vperm.xlane v19, v0;
	_ =	sdelay $0x1  }
0x246: {  	v19 =	vperm.xlane v19, v2;
	v20 =	vadd.s32 v1, v20;
	_ =	sdelay $0x1  }
0x247: {  	v19 =	vadd.s32 v1, v19;
	_ =	sdelay $0x2  }
0x248: {  	[tilespmem:s13], [sflag:$0x4] =	stream.indirect_vreg.gather [hbm4b:s5+s3], $0x80, v20, vm0, $0xb8;
	[tilespmem:$0x19800] =	vst v63  }
0x249: {  	_ = 	snop  }
0x24a: {  	[tilespmem:s15], [sflag:$0x4] =	stream.indirect_vreg.gather [hbm4b:s5+s3], $0x80, v19, vm0, $0xb8;
	[tilespmem:$0x19800] =	vst v63  }
0x24b: {  	v19 =	vld [tilespmem:s0+$0x28D0];
	_ =	sdelay $0x4  }
0x24c: {  	v20 =	vshll.u32 v19, $0x1  }
0x24d: {  	v19 =	vand.u32 $0x7, v19;
	v20 =	vand.u32 $0xFFFFFFF0, v20  }
0x24e: {  	v19 =	vor.u32 v19, v20  }
0x24f: {  	v20 =	vperm.xlane v19, v0;
	_ =	sdelay $0x1  }
0x250: {  	v19 =	vperm.xlane v19, v2;
	v20 =	vadd.s32 v1, v20;
	_ =	sdelay $0x1  }
0x251: {  	v19 =	vadd.s32 v1, v19;
	_ =	sdelay $0x2  }
0x252: {  	[tilespmem:s16], [sflag:$0x4] =	stream.indirect_vreg.gather [hbm4b:s5+s3], $0x80, v20, vm0, $0xb8;
	[tilespmem:$0x19800] =	vst v63  }
0x253: {  	_ = 	snop  }
0x254: {  	[tilespmem:s17], [sflag:$0x4] =	stream.indirect_vreg.gather [hbm4b:s5+s3], $0x80, v19, vm0, $0xb8;
	[tilespmem:$0x19800] =	vst v63  }
0x255: {  	v19 =	vld [tilespmem:s0+$0x28E0];
	_ =	sdelay $0x4  }
0x256: {  	v20 =	vshll.u32 v19, $0x1  }
0x257: {  	v19 =	vand.u32 $0x7, v19;
	v20 =	vand.u32 $0xFFFFFFF0, v20  }
0x258: {  	v19 =	vor.u32 v19, v20  }
0x259: {  	v20 =	vperm.xlane v19, v0;
	_ =	sdelay $0x1  }
0x25a: {  	v19 =	vperm.xlane v19, v2;
	v20 =	vadd.s32 v1, v20;
	_ =	sdelay $0x1  }
0x25b: {  	v19 =	vadd.s32 v1, v19;
	_ =	sdelay $0x2  }
0x25c: {  	[tilespmem:s18], [sflag:$0x4] =	stream.indirect_vreg.gather [hbm4b:s5+s3], $0x80, v20, vm0, $0xb8;
	[tilespmem:$0x19800] =	vst v63  }
0x25d: {  	_ = 	snop  }
0x25e: {  	[tilespmem:s19], [sflag:$0x4] =	stream.indirect_vreg.gather [hbm4b:s5+s3], $0x80, v19, vm0, $0xb8;
	[tilespmem:$0x19800] =	vst v63  }
0x25f: {  	v19 =	vld [tilespmem:s0+$0x28F0];
	_ =	sdelay $0x4  }
0x260: {  	v20 =	vshll.u32 v19, $0x1  }
0x261: {  	v19 =	vand.u32 $0x7, v19;
	v20 =	vand.u32 $0xFFFFFFF0, v20  }
0x262: {  	v19 =	vor.u32 v19, v20  }
0x263: {  	v20 =	vperm.xlane v19, v0;
	_ =	sdelay $0x1  }
0x264: {  	v19 =	vperm.xlane v19, v2;
	v20 =	vadd.s32 v1, v20;
	_ =	sdelay $0x1  }
0x265: {  	v19 =	vadd.s32 v1, v19  }
.Ltmp6:
0x266: {  	_ = 	snop;
	(pc) =	sbr.rel .LBB2_2-.Ltmp6, $4  }
0x267: {  	_ = 	snop  }
0x268: {  	[tilespmem:s20], [sflag:$0x4] =	stream.indirect_vreg.gather [hbm4b:s5+s3], $0x80, v20, vm0, $0xb8;
	[tilespmem:$0x19800] =	vst v63  }
0x269: {  	s29 =	sadd.s32 $0x1, s29  }
0x26a: {  	[tilespmem:s21], [sflag:$0x4] =	stream.indirect_vreg.gather [hbm4b:s5+s3], $0x80, v19, vm0, $0xb8;
	[tilespmem:$0x19800] =	vst v63  }
.LBB2_11:
0x26b: {  	_ =	sfence.sel $0x180000  }
0x26c: {  	[bflag:$0x0] =	sbarrier.arrive $0xFFFF  }
0x26d: {  	_ =	strace $0x9000004D  }
0x26e: {  	s0 =	stileid.u32;
	[bflag:$0x2] =	sbarrier.arrive $0xFFFF  }
0x26f: {  	p0 =	sne.s32 s0, $0x0;
	s0 =	rddreg [dreg:$0x2]  }
0x270: {  	s0 =	sadd.s32 @!p0 $0x100000, s0  }
0x271: {  	[sflag:s0] =	ssyncadd.tile.s32 @!p0 $0x1;
	_ =	shalt  }
.Lfunc_end2:
_tile_overlayer_lowered:
.L_overlay_start_2:
0x272: {  	(tag) =	ssettag $0x2  }
0x273: {  	s0 =	rddreg [dreg:$0x0];
	s2 =	stileid.u32  }
0x274: {  	s1 =	rddreg [dreg:$0x1];
	p0 =	sne.s32 s2, $0x0  }
0x275: {  	s3 =	rddreg [dreg:$0x2];
	[bflag:$0x3] =	sbarrier.arrive $0xFFFF;
	s2 =	simm.s32 @!p0 $0x1C07  }
0x276: {  	[timem:s3], [sflag:s2] =	dma.local @!p0 [hbm:s0], s1  }
0x277: {  	s0 =	simm.s32 @!p0 $0x7  }
0x278: {  	_ =	swait.ge @!p0 [sflag:s0], s1  }
0x279: {  	s1 =	ssub.s32 @!p0 $0x0, s1;
	[sflag:s0] =	ssyncset.done @!p0 $0x0  }
0x27a: {  	[sflag:s0] =	ssyncadd.s32 @!p0 s1  }
0x27b: {  	[bflag:$0x3] =	sbarrier.arrive $0xFFFF  }
0x27c: {  	_ =	shalt  }

</sc_bundles>
